<compile_context>
chip_gen: v7x
topology: tpu7x:2x2x1
jax: 0.10.2.dev20260603
libtpu: 0.0.44.dev20260713+nightly
codegen_flags: <defaults>
</compile_context>

<pallas_src>
import functools

import jax
import jax.numpy as jnp
from jax import lax
from jax.experimental import pallas as pl
from jax.experimental.pallas import tpu as pltpu
from jax.experimental.pallas import tpu_sc as plsc

_NC = 2
_NS = 16
_NW = _NC * _NS

_DIM = 128
_CTX = 7
_PAIRS = _CTX - 1

_W_CHUNK = 32
_ROWS_CHUNK = _W_CHUNK * _CTX
_NBUF = 3

_LOG1P_Q = (
    0.999999518605956,
    -0.49996356582566853,
    0.332652558440823,
    -0.24453388970156367,
    0.17659864767022154,
    -0.10679931279902478,
    0.04365928884096363,
    -0.008466410403222956,
)


def _sc_loss_partials(emb, pos_idx, neg_idx, pos_b, neg_b):
    pos_w_per_tile = pos_b // _NW
    neg_w_per_tile = neg_b // _NW
    pos_scale = 1.0 / float(pos_b * _PAIRS)
    neg_scale = 1.0 / float(neg_b * _PAIRS)
    mesh = plsc.VectorSubcoreMesh(core_axis_name="c", subcore_axis_name="s")

    idx_per_tile = (pos_w_per_tile + neg_w_per_tile) * _CTX

    @functools.partial(
        pl.kernel,
        mesh=mesh,
        out_type=jax.ShapeDtypeStruct((_NW * 8, _DIM), jnp.float32),
        scratch_types=[
            pltpu.VMEM((idx_per_tile,), jnp.int32),
            pltpu.VMEM((_NBUF * _ROWS_CHUNK, _DIM), jnp.float32),
            pltpu.VMEM((8, _DIM), jnp.float32),
        ] + [pltpu.SemaphoreType.DMA] * _NBUF,
    )
    def kern(emb_h, pos_h, neg_h, out_h, idx_all, rows_v, acc_v, *gsems):
        wid = lax.axis_index("s") * _NC + lax.axis_index("c")
        zeros = jnp.zeros((16,), jnp.float32)

        row_iota = lax.iota(jnp.int32, 16)
        dnums = lax.GatherDimensionNumbers(
            offset_dims=(), collapsed_slice_dims=(0,), start_index_map=(0,)
        )
        perms = [
            (row_iota ^ m)[:, None] for m in (8, 4, 2, 1)
        ]
        sel_masks = [(row_iota & bit) != 0 for bit in (1, 2, 4, 8)]

        def hsum(x):
            for perm in perms:
                x = x + lax.gather(
                    x, perm, dnums, (1,),
                    mode=lax.GatherScatterMode.PROMISE_IN_BOUNDS,
                )
            return x

        def issue_gather(ci, b):
            off = pl.multiple_of(ci * _ROWS_CHUNK, 8)
            base = b * _ROWS_CHUNK
            pltpu.async_copy(
                emb_h.at[idx_all.at[pl.ds(off, 128)]],
                rows_v.at[pl.ds(base, 128)],
                gsems[b],
            )
            pltpu.async_copy(
                emb_h.at[idx_all.at[pl.ds(off + 128, 96)]],
                rows_v.at[pl.ds(base + 128, 96)],
                gsems[b],
            )

        def wait_gather(b):
            base = b * _ROWS_CHUNK
            pltpu.make_async_copy(
                emb_h.at[idx_all.at[pl.ds(0, 128)]],
                rows_v.at[pl.ds(base, 128)],
                gsems[b],
            ).wait()
            pltpu.make_async_copy(
                emb_h.at[idx_all.at[pl.ds(0, 96)]],
                rows_v.at[pl.ds(base + 128, 96)],
                gsems[b],
            ).wait()

        def flush_group(group, sign_vec, scale_vec):
            cur = group
            for mask in sel_masks:
                cur = [
                    jnp.where(mask, cur[2 * j + 1], cur[2 * j])
                    for j in range(len(cur) // 2)
                ]
            x = cur[0]
            u = jnp.exp(-jnp.abs(x))
            c = [jnp.float32(v) for v in _LOG1P_Q]
            u2 = u * u
            u4 = u2 * u2
            q = (c[0] + c[1] * u + u2 * (c[2] + c[3] * u)) + u4 * (
                (c[4] + c[5] * u) + u2 * (c[6] + c[7] * u)
            )
            l1p = u * q
            contrib = l1p + jnp.maximum(x * sign_vec, 0.0)
            acc_v[0, pl.ds(0, 16)] = (
                acc_v[0, pl.ds(0, 16)] + contrib * scale_vec
            )

        n_pos_chunks = pos_w_per_tile // _W_CHUNK
        n_chunks = n_pos_chunks + neg_w_per_tile // _W_CHUNK
        pos_n_idx = pos_w_per_tile * _CTX
        neg_n_idx = neg_w_per_tile * _CTX
        acc_v[0, pl.ds(0, 16)] = zeros
        pltpu.sync_copy(
            pos_h.at[pl.ds(pl.multiple_of(wid * pos_n_idx, 8), pos_n_idx)],
            idx_all.at[pl.ds(0, pos_n_idx)],
        )
        pltpu.sync_copy(
            neg_h.at[pl.ds(pl.multiple_of(wid * neg_n_idx, 8), neg_n_idx)],
            idx_all.at[pl.ds(pos_n_idx, neg_n_idx)],
        )
        for b in range(_NBUF - 1):
            issue_gather(b, b)

        @pl.loop(0, n_chunks)
        def chunk_loop(cur):
            par = lax.rem(cur, _NBUF)

            @pl.when(cur + _NBUF - 1 < n_chunks)
            def _prefetch():
                nxt = cur + _NBUF - 1
                npar = lax.rem(nxt, _NBUF)
                for b in range(_NBUF):
                    @pl.when(npar == b)
                    def _issue(b=b):
                        issue_gather(nxt, b)

            for b in range(_NBUF):
                @pl.when(par == b)
                def _wait(b=b):
                    wait_gather(b)

            is_pos = cur < n_pos_chunks
            sign_s = jnp.where(is_pos, jnp.float32(-1.0), jnp.float32(1.0))
            scale_s = jnp.where(
                is_pos, jnp.float32(pos_scale), jnp.float32(neg_scale)
            )
            sign_vec = jnp.broadcast_to(sign_s, (16,))
            scale_vec = jnp.broadcast_to(scale_s, (16,))
            buf_base = par * _ROWS_CHUNK

            @pl.loop(0, _W_CHUNK // 8)
            def blk_loop(blk):
                group = []
                for dw in range(8):
                    row = buf_base + (blk * 8 + dw) * _CTX
                    s = [
                        rows_v[row, pl.ds(k * 16, 16)]
                        for k in range(8)
                    ]
                    for c in range(_PAIRS):
                        prods = [
                            s[k] * rows_v[row + 1 + c, pl.ds(k * 16, 16)]
                            for k in range(8)
                        ]
                        for stride in (4, 2, 1):
                            prods = [
                                prods[i] + prods[i + stride]
                                for i in range(stride)
                            ]
                        group.append(hsum(prods[0]))
                        if len(group) == 16:
                            flush_group(group, sign_vec, scale_vec)
                            group = []

        out_off = pl.multiple_of(wid * 8, 8)
        pltpu.sync_copy(acc_v, out_h.at[pl.ds(out_off, 8)])

    return kern(emb, pos_idx, neg_idx)


@jax.jit
def kernel(emb, pos_rw, neg_rw):
    pos_b, ctx = pos_rw.shape
    neg_b, _ = neg_rw.shape
    assert ctx == _CTX and emb.shape[1] == _DIM
    parts = _sc_loss_partials(
        emb, pos_rw.reshape(-1), neg_rw.reshape(-1), pos_b, neg_b
    )
    parts = parts.reshape(_NW, 8, _DIM)
    return jnp.sum(parts[:, 0, :16])

# --- scband reference (transcript-rebuilt; emitter-appended) ---
"""Pipeline reference for scband-vul-meta-path2-vec-38998303048191 (READ-ONLY COPY).

The authoritative reference and input builder live on the scoring server;
editing this copy changes nothing except your own understanding.
"""

import jax, jax.numpy as jnp
import numpy as np

NUM_NODES = 1000000
EMBED_DIM = 128
CONTEXT = 7
POS_B = 16384
NEG_B = 81920


def setup_inputs(seed: int = 0) -> dict:
    key = jax.random.key(seed)
    k1, k2, k3 = jax.random.split(key, 3)
    emb = jax.random.normal(k1, (NUM_NODES, EMBED_DIM), dtype=jnp.float32) * 0.1
    pos_rw = jax.random.randint(k2, (POS_B, CONTEXT), 0, NUM_NODES, dtype=jnp.int32)
    neg_rw = jax.random.randint(k3, (NEG_B, CONTEXT), 0, NUM_NODES, dtype=jnp.int32)
    return {"emb": emb, "pos_rw": pos_rw, "neg_rw": neg_rw}


def reference(emb, pos_rw, neg_rw):
    # MetaPath2Vec skip-gram loss (PyG semantics):
    # first column of each random walk is the center node; the remaining
    # context_size-1 columns are context nodes. Positive pairs maximize
    # log_sigmoid(h_center . h_ctx); negative pairs maximize
    # log_sigmoid(-h_center . h_ctx).
    dim = emb.shape[1]

    def skipgram_loss(rw, sign):
        start = rw[:, 0]
        rest = rw[:, 1:]
        h_start = jnp.take(emb, start, axis=0)[:, None, :]          # [B, 1, d]
        h_rest = jnp.take(emb, rest.reshape(-1), axis=0)
        h_rest = h_rest.reshape(rw.shape[0], rw.shape[1] - 1, dim)   # [B, C-1, d]
        out = (h_start * h_rest).sum(axis=-1).reshape(-1)            # [B*(C-1)]
        return -jax.nn.log_sigmoid(sign * out).mean()

    pos_loss = skipgram_loss(pos_rw, 1.0)
    neg_loss = skipgram_loss(neg_rw, -1.0)
    return pos_loss + neg_loss

if __name__ == "__main__":
    import jax
    _d = setup_inputs()
    print(jax.jit(kernel)(*tuple(_d.values())))

</pallas_src>

<mosaic_0001>
#map = affine_map<(d0, d1) -> (0, 0)>
#map1 = affine_map<(d0, d1) -> (0)>
module attributes {stable_mosaic.version = 14 : i64} {
  func.func @kern(%arg0: i32, %arg1: i32, %arg2: memref<1000000x128xf32, #tpu.memory_space<hbm>>, %arg3: memref<114688xi32, #tpu.memory_space<hbm>>, %arg4: memref<573440xi32, #tpu.memory_space<hbm>>, %arg5: memref<256x128xf32, #tpu.memory_space<hbm>>, %arg6: memref<21504xi32, #tpu.memory_space<vmem>>, %arg7: memref<672x128xf32, #tpu.memory_space<vmem>>, %arg8: memref<8x128xf32, #tpu.memory_space<vmem>>, %arg9: memref<!tpu.dma_semaphore, #tpu.memory_space<semaphore_mem>>, %arg10: memref<!tpu.dma_semaphore, #tpu.memory_space<semaphore_mem>>, %arg11: memref<!tpu.dma_semaphore, #tpu.memory_space<semaphore_mem>>) attributes {dimension_semantics = [#tpu.dimension_semantics<core_parallel>, #tpu.dimension_semantics<subcore_parallel>], iteration_bounds = array<i64: 2, 16>, scalar_prefetch = 0 : i64, scratch_operands = 6 : i64, tpu.core_type = #tpu.core_type<sc_vector_subcore>, window_params = [{transform_indices = #map}, {transform_indices = #map1}, {transform_indices = #map1}, {transform_indices = #map}]} {
    %mul3A = arith.constant 2 : i32
    %mul3A_0 = arith.muli %arg1, %mul3A : i32
    %add3A = arith.addi %mul3A_0, %arg0 : i32
    %broadcast_in_dim3A = arith.constant 0.000000e+00 : f32
    %broadcast_in_dim3A_1 = vector.broadcast %broadcast_in_dim3A : f32 to vector<16xf32>
    %iota3A = tpu.iota {dimensions = array<i32: 0>} : vector<16xi32>
    %xor3A = arith.constant 8 : i32
    %xor3A_2 = vector.broadcast %xor3A : i32 to vector<16xi32>
    %xor3A_3 = arith.xori %iota3A, %xor3A_2 : vector<16xi32>
    %broadcast_in_dim3A_4 = vector.shape_cast %xor3A_3 : vector<16xi32> to vector<16x1xi32>
    %xor3A_5 = arith.constant 4 : i32
    %xor3A_6 = vector.broadcast %xor3A_5 : i32 to vector<16xi32>
    %xor3A_7 = arith.xori %iota3A, %xor3A_6 : vector<16xi32>
    %broadcast_in_dim3A_8 = vector.shape_cast %xor3A_7 : vector<16xi32> to vector<16x1xi32>
    %xor3A_9 = arith.constant 2 : i32
    %xor3A_10 = vector.broadcast %xor3A_9 : i32 to vector<16xi32>
    %xor3A_11 = arith.xori %iota3A, %xor3A_10 : vector<16xi32>
    %broadcast_in_dim3A_12 = vector.shape_cast %xor3A_11 : vector<16xi32> to vector<16x1xi32>
    %xor3A_13 = arith.constant 1 : i32
    %xor3A_14 = vector.broadcast %xor3A_13 : i32 to vector<16xi32>
    %xor3A_15 = arith.xori %iota3A, %xor3A_14 : vector<16xi32>
    %broadcast_in_dim3A_16 = vector.shape_cast %xor3A_15 : vector<16xi32> to vector<16x1xi32>
    %and3A = arith.constant 1 : i32
    %and3A_17 = vector.broadcast %and3A : i32 to vector<16xi32>
    %and3A_18 = arith.andi %iota3A, %and3A_17 : vector<16xi32>
    %ne3A = arith.constant 0 : i32
    %ne3A_19 = vector.broadcast %ne3A : i32 to vector<16xi32>
    %ne3A_20 = arith.cmpi ne, %and3A_18, %ne3A_19 : vector<16xi32>
    %and3A_21 = arith.constant 2 : i32
    %and3A_22 = vector.broadcast %and3A_21 : i32 to vector<16xi32>
    %and3A_23 = arith.andi %iota3A, %and3A_22 : vector<16xi32>
    %ne3A_24 = arith.constant 0 : i32
    %ne3A_25 = vector.broadcast %ne3A_24 : i32 to vector<16xi32>
    %ne3A_26 = arith.cmpi ne, %and3A_23, %ne3A_25 : vector<16xi32>
    %and3A_27 = arith.constant 4 : i32
    %and3A_28 = vector.broadcast %and3A_27 : i32 to vector<16xi32>
    %and3A_29 = arith.andi %iota3A, %and3A_28 : vector<16xi32>
    %ne3A_30 = arith.constant 0 : i32
    %ne3A_31 = vector.broadcast %ne3A_30 : i32 to vector<16xi32>
    %ne3A_32 = arith.cmpi ne, %and3A_29, %ne3A_31 : vector<16xi32>
    %and3A_33 = arith.constant 8 : i32
    %and3A_34 = vector.broadcast %and3A_33 : i32 to vector<16xi32>
    %and3A_35 = arith.andi %iota3A, %and3A_34 : vector<16xi32>
    %ne3A_36 = arith.constant 0 : i32
    %ne3A_37 = vector.broadcast %ne3A_36 : i32 to vector<16xi32>
    %ne3A_38 = arith.cmpi ne, %and3A_35, %ne3A_37 : vector<16xi32>
    %swap3A = arith.constant 0 : i32
    %swap3A_39 = arith.index_cast %swap3A : i32 to index
    %swap3A_40 = arith.constant 0 : index
    %swap3A_41 = tpu.vector_load %arg8[%swap3A_39, %swap3A_40] {strides = array<i32>} : memref<8x128xf32, #tpu.memory_space<vmem>>, vector<1x16xf32>,
    %swap3A_42 = vector.shape_cast %swap3A_41 : vector<1x16xf32> to vector<16xf32>
    %swap3A_43 = vector.shape_cast %broadcast_in_dim3A_1 : vector<16xf32> to vector<1x16xf32>
    tpu.vector_store %arg8[%swap3A_39, %swap3A_40], %swap3A_43 {strides = array<i32>} : memref<8x128xf32, #tpu.memory_space<vmem>>, vector<1x16xf32>,
    %mul3A_44 = arith.constant 3584 : i32
    %mul3A_45 = arith.muli %add3A, %mul3A_44 : i32
    %multiple_of3A = tpu.assume_multiple %mul3A_45, 8 : i32
    "tpu.region"() ({
      %run_scoped3A = tpu.sem_alloc : memref<!tpu.dma_semaphore, #tpu.memory_space<semaphore_mem>>
      %dma_start3A_91 = arith.constant 0 : i32
      %dma_start3A_92 = tpu.memref_slice %arg6[%dma_start3A_91] : memref<21504xi32, #tpu.memory_space<vmem>> -> memref<3584xi32, #tpu.memory_space<vmem>>
      %dma_start3A_93 = tpu.memref_slice %arg3[%multiple_of3A] : memref<114688xi32, #tpu.memory_space<hbm>> -> memref<3584xi32, #tpu.memory_space<hbm>>
      %dma_start3A_94 = arith.constant 0 : i32
      %dma_start3A_95 = tpu.memref_slice %arg6[%dma_start3A_94] : memref<21504xi32, #tpu.memory_space<vmem>> -> memref<3584xi32, #tpu.memory_space<vmem>>
      %dma_start3A_96 = tpu.memref_slice %arg3[%multiple_of3A] : memref<114688xi32, #tpu.memory_space<hbm>> -> memref<3584xi32, #tpu.memory_space<hbm>>
      tpu.enqueue_dma source(%dma_start3A_96 : memref<3584xi32, #tpu.memory_space<hbm>>) target(%dma_start3A_95 : memref<3584xi32, #tpu.memory_space<vmem>>) target_semaphore(%run_scoped3A : memref<!tpu.dma_semaphore, #tpu.memory_space<semaphore_mem>>)
      %dma_wait3A = arith.constant 0 : i32
      %dma_wait3A_97 = tpu.memref_slice %arg6[%dma_wait3A] : memref<21504xi32, #tpu.memory_space<vmem>> -> memref<3584xi32, #tpu.memory_space<vmem>>
      %dma_wait3A_98 = tpu.memref_slice %arg3[%multiple_of3A] : memref<114688xi32, #tpu.memory_space<hbm>> -> memref<3584xi32, #tpu.memory_space<hbm>>
      %dma_wait3A_99 = arith.constant 0 : i32
      %dma_wait3A_100 = tpu.memref_slice %arg6[%dma_wait3A_99] : memref<21504xi32, #tpu.memory_space<vmem>> -> memref<3584xi32, #tpu.memory_space<vmem>>
      %dma_wait3A_101 = tpu.memref_slice %arg3[%multiple_of3A] : memref<114688xi32, #tpu.memory_space<hbm>> -> memref<3584xi32, #tpu.memory_space<hbm>>
      tpu.wait_dma2 semaphore(%run_scoped3A : memref<!tpu.dma_semaphore, #tpu.memory_space<semaphore_mem>>) src(%dma_wait3A_101 : memref<3584xi32, #tpu.memory_space<hbm>>) dst(%dma_wait3A_100 : memref<3584xi32, #tpu.memory_space<vmem>>)
      tpu.yield
    }) : () -> ()
    %mul3A_46 = arith.constant 17920 : i32
    %mul3A_47 = arith.muli %add3A, %mul3A_46 : i32
    %multiple_of3A_48 = tpu.assume_multiple %mul3A_47, 8 : i32
    "tpu.region"() ({
      %run_scoped3A = tpu.sem_alloc : memref<!tpu.dma_semaphore, #tpu.memory_space<semaphore_mem>>
      %dma_start3A_91 = arith.constant 3584 : i32
      %dma_start3A_92 = tpu.memref_slice %arg6[%dma_start3A_91] : memref<21504xi32, #tpu.memory_space<vmem>> -> memref<17920xi32, #tpu.memory_space<vmem>>
      %dma_start3A_93 = tpu.memref_slice %arg4[%multiple_of3A_48] : memref<573440xi32, #tpu.memory_space<hbm>> -> memref<17920xi32, #tpu.memory_space<hbm>>
      %dma_start3A_94 = arith.constant 3584 : i32
      %dma_start3A_95 = tpu.memref_slice %arg6[%dma_start3A_94] : memref<21504xi32, #tpu.memory_space<vmem>> -> memref<17920xi32, #tpu.memory_space<vmem>>
      %dma_start3A_96 = tpu.memref_slice %arg4[%multiple_of3A_48] : memref<573440xi32, #tpu.memory_space<hbm>> -> memref<17920xi32, #tpu.memory_space<hbm>>
      tpu.enqueue_dma source(%dma_start3A_96 : memref<17920xi32, #tpu.memory_space<hbm>>) target(%dma_start3A_95 : memref<17920xi32, #tpu.memory_space<vmem>>) target_semaphore(%run_scoped3A : memref<!tpu.dma_semaphore, #tpu.memory_space<semaphore_mem>>)
      %dma_wait3A = arith.constant 3584 : i32
      %dma_wait3A_97 = tpu.memref_slice %arg6[%dma_wait3A] : memref<21504xi32, #tpu.memory_space<vmem>> -> memref<17920xi32, #tpu.memory_space<vmem>>
      %dma_wait3A_98 = tpu.memref_slice %arg4[%multiple_of3A_48] : memref<573440xi32, #tpu.memory_space<hbm>> -> memref<17920xi32, #tpu.memory_space<hbm>>
      %dma_wait3A_99 = arith.constant 3584 : i32
      %dma_wait3A_100 = tpu.memref_slice %arg6[%dma_wait3A_99] : memref<21504xi32, #tpu.memory_space<vmem>> -> memref<17920xi32, #tpu.memory_space<vmem>>
      %dma_wait3A_101 = tpu.memref_slice %arg4[%multiple_of3A_48] : memref<573440xi32, #tpu.memory_space<hbm>> -> memref<17920xi32, #tpu.memory_space<hbm>>
      tpu.wait_dma2 semaphore(%run_scoped3A : memref<!tpu.dma_semaphore, #tpu.memory_space<semaphore_mem>>) src(%dma_wait3A_101 : memref<17920xi32, #tpu.memory_space<hbm>>) dst(%dma_wait3A_100 : memref<17920xi32, #tpu.memory_space<vmem>>)
      tpu.yield
    }) : () -> ()
    %multiple_of3A_49 = arith.constant 0 : i32
    %multiple_of3A_50 = tpu.assume_multiple %multiple_of3A_49, 8 : i32
    %dma_start3A = arith.constant 0 : i32
    %dma_start3A_51 = arith.constant 0 : i32
    %dma_start3A_52 = tpu.memref_slice %arg7[%dma_start3A, %dma_start3A_51] : memref<672x128xf32, #tpu.memory_space<vmem>> -> memref<128x128xf32, #tpu.memory_space<vmem>>
    %dma_start3A_53 = tpu.memref_slice %arg6[%multiple_of3A_50] : memref<21504xi32, #tpu.memory_space<vmem>> -> memref<128xi32, #tpu.memory_space<vmem>>
    %dma_start3A_54 = arith.constant 0 : i32
    %dma_start3A_55 = arith.constant 0 : i32
    %dma_start3A_56 = tpu.memref_slice %arg2[%dma_start3A_54, %dma_start3A_55] : memref<1000000x128xf32, #tpu.memory_space<hbm>> -> memref<1000000x128xf32, #tpu.memory_space<hbm>>
    tpu.enqueue_indirect_dma source(%dma_start3A_56 : memref<1000000x128xf32, #tpu.memory_space<hbm>>) target(%dma_start3A_52 : memref<128x128xf32, #tpu.memory_space<vmem>>) offsets(%dma_start3A_53 : memref<128xi32, #tpu.memory_space<vmem>>) semaphore(%arg9 : memref<!tpu.dma_semaphore, #tpu.memory_space<semaphore_mem>>)
    %add3A_57 = arith.constant 128 : i32
    %add3A_58 = arith.addi %multiple_of3A_50, %add3A_57 : i32
    %dma_start3A_59 = arith.constant 128 : i32
    %dma_start3A_60 = arith.constant 0 : i32
    %dma_start3A_61 = tpu.memref_slice %arg7[%dma_start3A_59, %dma_start3A_60] : memref<672x128xf32, #tpu.memory_space<vmem>> -> memref<96x128xf32, #tpu.memory_space<vmem>>
    %dma_start3A_62 = tpu.memref_slice %arg6[%add3A_58] : memref<21504xi32, #tpu.memory_space<vmem>> -> memref<96xi32, #tpu.memory_space<vmem>>
    %dma_start3A_63 = arith.constant 0 : i32
    %dma_start3A_64 = arith.constant 0 : i32
    %dma_start3A_65 = tpu.memref_slice %arg2[%dma_start3A_63, %dma_start3A_64] : memref<1000000x128xf32, #tpu.memory_space<hbm>> -> memref<1000000x128xf32, #tpu.memory_space<hbm>>
    tpu.enqueue_indirect_dma source(%dma_start3A_65 : memref<1000000x128xf32, #tpu.memory_space<hbm>>) target(%dma_start3A_61 : memref<96x128xf32, #tpu.memory_space<vmem>>) offsets(%dma_start3A_62 : memref<96xi32, #tpu.memory_space<vmem>>) semaphore(%arg9 : memref<!tpu.dma_semaphore, #tpu.memory_space<semaphore_mem>>)
    %multiple_of3A_66 = arith.constant 224 : i32
    %multiple_of3A_67 = tpu.assume_multiple %multiple_of3A_66, 8 : i32
    %dma_start3A_68 = arith.constant 224 : i32
    %dma_start3A_69 = arith.constant 0 : i32
    %dma_start3A_70 = tpu.memref_slice %arg7[%dma_start3A_68, %dma_start3A_69] : memref<672x128xf32, #tpu.memory_space<vmem>> -> memref<128x128xf32, #tpu.memory_space<vmem>>
    %dma_start3A_71 = tpu.memref_slice %arg6[%multiple_of3A_67] : memref<21504xi32, #tpu.memory_space<vmem>> -> memref<128xi32, #tpu.memory_space<vmem>>
    %dma_start3A_72 = arith.constant 0 : i32
    %dma_start3A_73 = arith.constant 0 : i32
    %dma_start3A_74 = tpu.memref_slice %arg2[%dma_start3A_72, %dma_start3A_73] : memref<1000000x128xf32, #tpu.memory_space<hbm>> -> memref<1000000x128xf32, #tpu.memory_space<hbm>>
    tpu.enqueue_indirect_dma source(%dma_start3A_74 : memref<1000000x128xf32, #tpu.memory_space<hbm>>) target(%dma_start3A_70 : memref<128x128xf32, #tpu.memory_space<vmem>>) offsets(%dma_start3A_71 : memref<128xi32, #tpu.memory_space<vmem>>) semaphore(%arg10 : memref<!tpu.dma_semaphore, #tpu.memory_space<semaphore_mem>>)
    %add3A_75 = arith.constant 128 : i32
    %add3A_76 = arith.addi %multiple_of3A_67, %add3A_75 : i32
    %dma_start3A_77 = arith.constant 352 : i32
    %dma_start3A_78 = arith.constant 0 : i32
    %dma_start3A_79 = tpu.memref_slice %arg7[%dma_start3A_77, %dma_start3A_78] : memref<672x128xf32, #tpu.memory_space<vmem>> -> memref<96x128xf32, #tpu.memory_space<vmem>>
    %dma_start3A_80 = tpu.memref_slice %arg6[%add3A_76] : memref<21504xi32, #tpu.memory_space<vmem>> -> memref<96xi32, #tpu.memory_space<vmem>>
    %dma_start3A_81 = arith.constant 0 : i32
    %dma_start3A_82 = arith.constant 0 : i32
    %dma_start3A_83 = tpu.memref_slice %arg2[%dma_start3A_81, %dma_start3A_82] : memref<1000000x128xf32, #tpu.memory_space<hbm>> -> memref<1000000x128xf32, #tpu.memory_space<hbm>>
    tpu.enqueue_indirect_dma source(%dma_start3A_83 : memref<1000000x128xf32, #tpu.memory_space<hbm>>) target(%dma_start3A_79 : memref<96x128xf32, #tpu.memory_space<vmem>>) offsets(%dma_start3A_80 : memref<96xi32, #tpu.memory_space<vmem>>) semaphore(%arg10 : memref<!tpu.dma_semaphore, #tpu.memory_space<semaphore_mem>>)
    %scan3A = arith.constant 0 : i32
    %scan3A_84 = arith.constant 96 : i32
    %scan3A_85 = arith.addi %scan3A, %scan3A_84 : i32
    %scan3A_86 = arith.constant 1 : i32
    scf.for %scan3A_91 = %scan3A to %scan3A_85 step %scan3A_86  : i32 {
      %mul3A_92 = arith.constant 1 : i32
      %mul3A_93 = arith.muli %scan3A_91, %mul3A_92 : i32
      %add3A_94 = arith.constant 0 : i32
      %add3A_95 = arith.addi %add3A_94, %mul3A_93 : i32
      %rem3A = arith.constant 3 : i32
      %rem3A_96 = arith.remsi %add3A_95, %rem3A : i32
      %add3A_97 = arith.constant 3 : i32
      %add3A_98 = arith.addi %add3A_95, %add3A_97 : i32
      %sub3A = arith.constant 1 : i32
      %sub3A_99 = arith.subi %add3A_98, %sub3A : i32
      %lt3A = arith.constant 96 : i32
      %lt3A_100 = arith.cmpi slt, %sub3A_99, %lt3A : i32
      %convert_element_type3A = arith.extui %lt3A_100 : i1 to i32
      %cond3A = arith.constant 0 : i32
      %cond3A_101 = arith.cmpi ne, %convert_element_type3A, %cond3A : i32
      scf.if %cond3A_101 {
        %add3A_131 = arith.constant 3 : i32
        %add3A_132 = arith.addi %add3A_95, %add3A_131 : i32
        %sub3A_133 = arith.constant 1 : i32
        %sub3A_134 = arith.subi %add3A_132, %sub3A_133 : i32
        %rem3A_135 = arith.constant 3 : i32
        %rem3A_136 = arith.remsi %sub3A_134, %rem3A_135 : i32
        %eq3A_137 = arith.constant 0 : i32
        %eq3A_138 = arith.cmpi eq, %rem3A_136, %eq3A_137 : i32
        %convert_element_type3A_139 = arith.extui %eq3A_138 : i1 to i32
        %cond3A_140 = arith.constant 0 : i32
        %cond3A_141 = arith.cmpi ne, %convert_element_type3A_139, %cond3A_140 : i32
        scf.if %cond3A_141 {
          %mul3A_152 = arith.constant 224 : i32
          %mul3A_153 = arith.muli %sub3A_134, %mul3A_152 : i32
          %multiple_of3A_154 = tpu.assume_multiple %mul3A_153, 8 : i32
          %dma_start3A_155 = arith.constant 0 : i32
          %dma_start3A_156 = arith.constant 0 : i32
          %dma_start3A_157 = tpu.memref_slice %arg7[%dma_start3A_155, %dma_start3A_156] : memref<672x128xf32, #tpu.memory_space<vmem>> -> memref<128x128xf32, #tpu.memory_space<vmem>>
          %dma_start3A_158 = tpu.memref_slice %arg6[%multiple_of3A_154] : memref<21504xi32, #tpu.memory_space<vmem>> -> memref<128xi32, #tpu.memory_space<vmem>>
          %dma_start3A_159 = arith.constant 0 : i32
          %dma_start3A_160 = arith.constant 0 : i32
          %dma_start3A_161 = tpu.memref_slice %arg2[%dma_start3A_159, %dma_start3A_160] : memref<1000000x128xf32, #tpu.memory_space<hbm>> -> memref<1000000x128xf32, #tpu.memory_space<hbm>>
          tpu.enqueue_indirect_dma source(%dma_start3A_161 : memref<1000000x128xf32, #tpu.memory_space<hbm>>) target(%dma_start3A_157 : memref<128x128xf32, #tpu.memory_space<vmem>>) offsets(%dma_start3A_158 : memref<128xi32, #tpu.memory_space<vmem>>) semaphore(%arg9 : memref<!tpu.dma_semaphore, #tpu.memory_space<semaphore_mem>>)
          %add3A_162 = arith.constant 128 : i32
          %add3A_163 = arith.addi %multiple_of3A_154, %add3A_162 : i32
          %dma_start3A_164 = arith.constant 128 : i32
          %dma_start3A_165 = arith.constant 0 : i32
          %dma_start3A_166 = tpu.memref_slice %arg7[%dma_start3A_164, %dma_start3A_165] : memref<672x128xf32, #tpu.memory_space<vmem>> -> memref<96x128xf32, #tpu.memory_space<vmem>>
          %dma_start3A_167 = tpu.memref_slice %arg6[%add3A_163] : memref<21504xi32, #tpu.memory_space<vmem>> -> memref<96xi32, #tpu.memory_space<vmem>>
          %dma_start3A_168 = arith.constant 0 : i32
          %dma_start3A_169 = arith.constant 0 : i32
          %dma_start3A_170 = tpu.memref_slice %arg2[%dma_start3A_168, %dma_start3A_169] : memref<1000000x128xf32, #tpu.memory_space<hbm>> -> memref<1000000x128xf32, #tpu.memory_space<hbm>>
          tpu.enqueue_indirect_dma source(%dma_start3A_170 : memref<1000000x128xf32, #tpu.memory_space<hbm>>) target(%dma_start3A_166 : memref<96x128xf32, #tpu.memory_space<vmem>>) offsets(%dma_start3A_167 : memref<96xi32, #tpu.memory_space<vmem>>) semaphore(%arg9 : memref<!tpu.dma_semaphore, #tpu.memory_space<semaphore_mem>>)
        } else {
        }
        %eq3A_142 = arith.constant 1 : i32
        %eq3A_143 = arith.cmpi eq, %rem3A_136, %eq3A_142 : i32
        %convert_element_type3A_144 = arith.extui %eq3A_143 : i1 to i32
        %cond3A_145 = arith.constant 0 : i32
        %cond3A_146 = arith.cmpi ne, %convert_element_type3A_144, %cond3A_145 : i32
        scf.if %cond3A_146 {
          %mul3A_152 = arith.constant 224 : i32
          %mul3A_153 = arith.muli %sub3A_134, %mul3A_152 : i32
          %multiple_of3A_154 = tpu.assume_multiple %mul3A_153, 8 : i32
          %dma_start3A_155 = arith.constant 224 : i32
          %dma_start3A_156 = arith.constant 0 : i32
          %dma_start3A_157 = tpu.memref_slice %arg7[%dma_start3A_155, %dma_start3A_156] : memref<672x128xf32, #tpu.memory_space<vmem>> -> memref<128x128xf32, #tpu.memory_space<vmem>>
          %dma_start3A_158 = tpu.memref_slice %arg6[%multiple_of3A_154] : memref<21504xi32, #tpu.memory_space<vmem>> -> memref<128xi32, #tpu.memory_space<vmem>>
          %dma_start3A_159 = arith.constant 0 : i32
          %dma_start3A_160 = arith.constant 0 : i32
          %dma_start3A_161 = tpu.memref_slice %arg2[%dma_start3A_159, %dma_start3A_160] : memref<1000000x128xf32, #tpu.memory_space<hbm>> -> memref<1000000x128xf32, #tpu.memory_space<hbm>>
          tpu.enqueue_indirect_dma source(%dma_start3A_161 : memref<1000000x128xf32, #tpu.memory_space<hbm>>) target(%dma_start3A_157 : memref<128x128xf32, #tpu.memory_space<vmem>>) offsets(%dma_start3A_158 : memref<128xi32, #tpu.memory_space<vmem>>) semaphore(%arg10 : memref<!tpu.dma_semaphore, #tpu.memory_space<semaphore_mem>>)
          %add3A_162 = arith.constant 128 : i32
          %add3A_163 = arith.addi %multiple_of3A_154, %add3A_162 : i32
          %dma_start3A_164 = arith.constant 352 : i32
          %dma_start3A_165 = arith.constant 0 : i32
          %dma_start3A_166 = tpu.memref_slice %arg7[%dma_start3A_164, %dma_start3A_165] : memref<672x128xf32, #tpu.memory_space<vmem>> -> memref<96x128xf32, #tpu.memory_space<vmem>>
          %dma_start3A_167 = tpu.memref_slice %arg6[%add3A_163] : memref<21504xi32, #tpu.memory_space<vmem>> -> memref<96xi32, #tpu.memory_space<vmem>>
          %dma_start3A_168 = arith.constant 0 : i32
          %dma_start3A_169 = arith.constant 0 : i32
          %dma_start3A_170 = tpu.memref_slice %arg2[%dma_start3A_168, %dma_start3A_169] : memref<1000000x128xf32, #tpu.memory_space<hbm>> -> memref<1000000x128xf32, #tpu.memory_space<hbm>>
          tpu.enqueue_indirect_dma source(%dma_start3A_170 : memref<1000000x128xf32, #tpu.memory_space<hbm>>) target(%dma_start3A_166 : memref<96x128xf32, #tpu.memory_space<vmem>>) offsets(%dma_start3A_167 : memref<96xi32, #tpu.memory_space<vmem>>) semaphore(%arg10 : memref<!tpu.dma_semaphore, #tpu.memory_space<semaphore_mem>>)
        } else {
        }
        %eq3A_147 = arith.constant 2 : i32
        %eq3A_148 = arith.cmpi eq, %rem3A_136, %eq3A_147 : i32
        %convert_element_type3A_149 = arith.extui %eq3A_148 : i1 to i32
        %cond3A_150 = arith.constant 0 : i32
        %cond3A_151 = arith.cmpi ne, %convert_element_type3A_149, %cond3A_150 : i32
        scf.if %cond3A_151 {
          %mul3A_152 = arith.constant 224 : i32
          %mul3A_153 = arith.muli %sub3A_134, %mul3A_152 : i32
          %multiple_of3A_154 = tpu.assume_multiple %mul3A_153, 8 : i32
          %dma_start3A_155 = arith.constant 448 : i32
          %dma_start3A_156 = arith.constant 0 : i32
          %dma_start3A_157 = tpu.memref_slice %arg7[%dma_start3A_155, %dma_start3A_156] : memref<672x128xf32, #tpu.memory_space<vmem>> -> memref<128x128xf32, #tpu.memory_space<vmem>>
          %dma_start3A_158 = tpu.memref_slice %arg6[%multiple_of3A_154] : memref<21504xi32, #tpu.memory_space<vmem>> -> memref<128xi32, #tpu.memory_space<vmem>>
          %dma_start3A_159 = arith.constant 0 : i32
          %dma_start3A_160 = arith.constant 0 : i32
          %dma_start3A_161 = tpu.memref_slice %arg2[%dma_start3A_159, %dma_start3A_160] : memref<1000000x128xf32, #tpu.memory_space<hbm>> -> memref<1000000x128xf32, #tpu.memory_space<hbm>>
          tpu.enqueue_indirect_dma source(%dma_start3A_161 : memref<1000000x128xf32, #tpu.memory_space<hbm>>) target(%dma_start3A_157 : memref<128x128xf32, #tpu.memory_space<vmem>>) offsets(%dma_start3A_158 : memref<128xi32, #tpu.memory_space<vmem>>) semaphore(%arg11 : memref<!tpu.dma_semaphore, #tpu.memory_space<semaphore_mem>>)
          %add3A_162 = arith.constant 128 : i32
          %add3A_163 = arith.addi %multiple_of3A_154, %add3A_162 : i32
          %dma_start3A_164 = arith.constant 576 : i32
          %dma_start3A_165 = arith.constant 0 : i32
          %dma_start3A_166 = tpu.memref_slice %arg7[%dma_start3A_164, %dma_start3A_165] : memref<672x128xf32, #tpu.memory_space<vmem>> -> memref<96x128xf32, #tpu.memory_space<vmem>>
          %dma_start3A_167 = tpu.memref_slice %arg6[%add3A_163] : memref<21504xi32, #tpu.memory_space<vmem>> -> memref<96xi32, #tpu.memory_space<vmem>>
          %dma_start3A_168 = arith.constant 0 : i32
          %dma_start3A_169 = arith.constant 0 : i32
          %dma_start3A_170 = tpu.memref_slice %arg2[%dma_start3A_168, %dma_start3A_169] : memref<1000000x128xf32, #tpu.memory_space<hbm>> -> memref<1000000x128xf32, #tpu.memory_space<hbm>>
          tpu.enqueue_indirect_dma source(%dma_start3A_170 : memref<1000000x128xf32, #tpu.memory_space<hbm>>) target(%dma_start3A_166 : memref<96x128xf32, #tpu.memory_space<vmem>>) offsets(%dma_start3A_167 : memref<96xi32, #tpu.memory_space<vmem>>) semaphore(%arg11 : memref<!tpu.dma_semaphore, #tpu.memory_space<semaphore_mem>>)
        } else {
        }
      } else {
      }
      %eq3A = arith.constant 0 : i32
      %eq3A_102 = arith.cmpi eq, %rem3A_96, %eq3A : i32
      %convert_element_type3A_103 = arith.extui %eq3A_102 : i1 to i32
      %cond3A_104 = arith.constant 0 : i32
      %cond3A_105 = arith.cmpi ne, %convert_element_type3A_103, %cond3A_104 : i32
      scf.if %cond3A_105 {
        %dma_wait3A = arith.constant 0 : i32
        %dma_wait3A_131 = arith.constant 0 : i32
        %dma_wait3A_132 = tpu.memref_slice %arg7[%dma_wait3A, %dma_wait3A_131] : memref<672x128xf32, #tpu.memory_space<vmem>> -> memref<128x128xf32, #tpu.memory_space<vmem>>
        %dma_wait3A_133 = arith.constant 0 : i32
        %dma_wait3A_134 = tpu.memref_slice %arg6[%dma_wait3A_133] : memref<21504xi32, #tpu.memory_space<vmem>> -> memref<128xi32, #tpu.memory_space<vmem>>
        %dma_wait3A_135 = arith.constant 0 : i32
        %dma_wait3A_136 = arith.constant 0 : i32
        %dma_wait3A_137 = tpu.memref_slice %arg2[%dma_wait3A_135, %dma_wait3A_136] : memref<1000000x128xf32, #tpu.memory_space<hbm>> -> memref<1000000x128xf32, #tpu.memory_space<hbm>>
        tpu.wait_indirect_dma semaphore(%arg9 : memref<!tpu.dma_semaphore, #tpu.memory_space<semaphore_mem>>) src(%dma_wait3A_137 : memref<1000000x128xf32, #tpu.memory_space<hbm>>) dst(%dma_wait3A_132 : memref<128x128xf32, #tpu.memory_space<vmem>>)
        %dma_wait3A_138 = arith.constant 128 : i32
        %dma_wait3A_139 = arith.constant 0 : i32
        %dma_wait3A_140 = tpu.memref_slice %arg7[%dma_wait3A_138, %dma_wait3A_139] : memref<672x128xf32, #tpu.memory_space<vmem>> -> memref<96x128xf32, #tpu.memory_space<vmem>>
        %dma_wait3A_141 = arith.constant 0 : i32
        %dma_wait3A_142 = tpu.memref_slice %arg6[%dma_wait3A_141] : memref<21504xi32, #tpu.memory_space<vmem>> -> memref<96xi32, #tpu.memory_space<vmem>>
        %dma_wait3A_143 = arith.constant 0 : i32
        %dma_wait3A_144 = arith.constant 0 : i32
        %dma_wait3A_145 = tpu.memref_slice %arg2[%dma_wait3A_143, %dma_wait3A_144] : memref<1000000x128xf32, #tpu.memory_space<hbm>> -> memref<1000000x128xf32, #tpu.memory_space<hbm>>
        tpu.wait_indirect_dma semaphore(%arg9 : memref<!tpu.dma_semaphore, #tpu.memory_space<semaphore_mem>>) src(%dma_wait3A_145 : memref<1000000x128xf32, #tpu.memory_space<hbm>>) dst(%dma_wait3A_140 : memref<96x128xf32, #tpu.memory_space<vmem>>)
      } else {
      }
      %eq3A_106 = arith.constant 1 : i32
      %eq3A_107 = arith.cmpi eq, %rem3A_96, %eq3A_106 : i32
      %convert_element_type3A_108 = arith.extui %eq3A_107 : i1 to i32
      %cond3A_109 = arith.constant 0 : i32
      %cond3A_110 = arith.cmpi ne, %convert_element_type3A_108, %cond3A_109 : i32
      scf.if %cond3A_110 {
        %dma_wait3A = arith.constant 224 : i32
        %dma_wait3A_131 = arith.constant 0 : i32
        %dma_wait3A_132 = tpu.memref_slice %arg7[%dma_wait3A, %dma_wait3A_131] : memref<672x128xf32, #tpu.memory_space<vmem>> -> memref<128x128xf32, #tpu.memory_space<vmem>>
        %dma_wait3A_133 = arith.constant 0 : i32
        %dma_wait3A_134 = tpu.memref_slice %arg6[%dma_wait3A_133] : memref<21504xi32, #tpu.memory_space<vmem>> -> memref<128xi32, #tpu.memory_space<vmem>>
        %dma_wait3A_135 = arith.constant 0 : i32
        %dma_wait3A_136 = arith.constant 0 : i32
        %dma_wait3A_137 = tpu.memref_slice %arg2[%dma_wait3A_135, %dma_wait3A_136] : memref<1000000x128xf32, #tpu.memory_space<hbm>> -> memref<1000000x128xf32, #tpu.memory_space<hbm>>
        tpu.wait_indirect_dma semaphore(%arg10 : memref<!tpu.dma_semaphore, #tpu.memory_space<semaphore_mem>>) src(%dma_wait3A_137 : memref<1000000x128xf32, #tpu.memory_space<hbm>>) dst(%dma_wait3A_132 : memref<128x128xf32, #tpu.memory_space<vmem>>)
        %dma_wait3A_138 = arith.constant 352 : i32
        %dma_wait3A_139 = arith.constant 0 : i32
        %dma_wait3A_140 = tpu.memref_slice %arg7[%dma_wait3A_138, %dma_wait3A_139] : memref<672x128xf32, #tpu.memory_space<vmem>> -> memref<96x128xf32, #tpu.memory_space<vmem>>
        %dma_wait3A_141 = arith.constant 0 : i32
        %dma_wait3A_142 = tpu.memref_slice %arg6[%dma_wait3A_141] : memref<21504xi32, #tpu.memory_space<vmem>> -> memref<96xi32, #tpu.memory_space<vmem>>
        %dma_wait3A_143 = arith.constant 0 : i32
        %dma_wait3A_144 = arith.constant 0 : i32
        %dma_wait3A_145 = tpu.memref_slice %arg2[%dma_wait3A_143, %dma_wait3A_144] : memref<1000000x128xf32, #tpu.memory_space<hbm>> -> memref<1000000x128xf32, #tpu.memory_space<hbm>>
        tpu.wait_indirect_dma semaphore(%arg10 : memref<!tpu.dma_semaphore, #tpu.memory_space<semaphore_mem>>) src(%dma_wait3A_145 : memref<1000000x128xf32, #tpu.memory_space<hbm>>) dst(%dma_wait3A_140 : memref<96x128xf32, #tpu.memory_space<vmem>>)
      } else {
      }
      %eq3A_111 = arith.constant 2 : i32
      %eq3A_112 = arith.cmpi eq, %rem3A_96, %eq3A_111 : i32
      %convert_element_type3A_113 = arith.extui %eq3A_112 : i1 to i32
      %cond3A_114 = arith.constant 0 : i32
      %cond3A_115 = arith.cmpi ne, %convert_element_type3A_113, %cond3A_114 : i32
      scf.if %cond3A_115 {
        %dma_wait3A = arith.constant 448 : i32
        %dma_wait3A_131 = arith.constant 0 : i32
        %dma_wait3A_132 = tpu.memref_slice %arg7[%dma_wait3A, %dma_wait3A_131] : memref<672x128xf32, #tpu.memory_space<vmem>> -> memref<128x128xf32, #tpu.memory_space<vmem>>
        %dma_wait3A_133 = arith.constant 0 : i32
        %dma_wait3A_134 = tpu.memref_slice %arg6[%dma_wait3A_133] : memref<21504xi32, #tpu.memory_space<vmem>> -> memref<128xi32, #tpu.memory_space<vmem>>
        %dma_wait3A_135 = arith.constant 0 : i32
        %dma_wait3A_136 = arith.constant 0 : i32
        %dma_wait3A_137 = tpu.memref_slice %arg2[%dma_wait3A_135, %dma_wait3A_136] : memref<1000000x128xf32, #tpu.memory_space<hbm>> -> memref<1000000x128xf32, #tpu.memory_space<hbm>>
        tpu.wait_indirect_dma semaphore(%arg11 : memref<!tpu.dma_semaphore, #tpu.memory_space<semaphore_mem>>) src(%dma_wait3A_137 : memref<1000000x128xf32, #tpu.memory_space<hbm>>) dst(%dma_wait3A_132 : memref<128x128xf32, #tpu.memory_space<vmem>>)
        %dma_wait3A_138 = arith.constant 576 : i32
        %dma_wait3A_139 = arith.constant 0 : i32
        %dma_wait3A_140 = tpu.memref_slice %arg7[%dma_wait3A_138, %dma_wait3A_139] : memref<672x128xf32, #tpu.memory_space<vmem>> -> memref<96x128xf32, #tpu.memory_space<vmem>>
        %dma_wait3A_141 = arith.constant 0 : i32
        %dma_wait3A_142 = tpu.memref_slice %arg6[%dma_wait3A_141] : memref<21504xi32, #tpu.memory_space<vmem>> -> memref<96xi32, #tpu.memory_space<vmem>>
        %dma_wait3A_143 = arith.constant 0 : i32
        %dma_wait3A_144 = arith.constant 0 : i32
        %dma_wait3A_145 = tpu.memref_slice %arg2[%dma_wait3A_143, %dma_wait3A_144] : memref<1000000x128xf32, #tpu.memory_space<hbm>> -> memref<1000000x128xf32, #tpu.memory_space<hbm>>
        tpu.wait_indirect_dma semaphore(%arg11 : memref<!tpu.dma_semaphore, #tpu.memory_space<semaphore_mem>>) src(%dma_wait3A_145 : memref<1000000x128xf32, #tpu.memory_space<hbm>>) dst(%dma_wait3A_140 : memref<96x128xf32, #tpu.memory_space<vmem>>)
      } else {
      }
      %lt3A_116 = arith.constant 16 : i32
      %lt3A_117 = arith.cmpi slt, %add3A_95, %lt3A_116 : i32
      %jit3A = arith.constant -1.000000e+00 : f32
      %jit3A_118 = arith.constant 1.000000e+00 : f32
      %select_n3A = arith.select %lt3A_117, %jit3A, %jit3A_118 : f32
      %jit3A_119 = arith.constant 1.01725263E-5 : f32
      %jit3A_120 = arith.constant 2.03450531E-6 : f32
      %select_n3A_121 = arith.select %lt3A_117, %jit3A_119, %jit3A_120 : f32
      %broadcast_in_dim3A_122 = vector.broadcast %select_n3A : f32 to vector<16xf32>
      %broadcast_in_dim3A_123 = vector.broadcast %select_n3A_121 : f32 to vector<16xf32>
      %mul3A_124 = arith.constant 224 : i32
      %mul3A_125 = arith.muli %rem3A_96, %mul3A_124 : i32
      %scan3A_126 = arith.constant 0 : i32
      %scan3A_127 = arith.constant 4 : i32
      %scan3A_128 = arith.addi %scan3A_126, %scan3A_127 : i32
      %scan3A_129 = arith.constant 1 : i32
      scf.for %scan3A_131 = %scan3A_126 to %scan3A_128 step %scan3A_129  : i32 {
        %mul3A_132 = arith.constant 1 : i32
        %mul3A_133 = arith.muli %scan3A_131, %mul3A_132 : i32
        %add3A_134 = arith.constant 0 : i32
        %add3A_135 = arith.addi %add3A_134, %mul3A_133 : i32
        %mul3A_136 = arith.constant 8 : i32
        %mul3A_137 = arith.muli %add3A_135, %mul3A_136 : i32
        %add3A_138 = arith.constant 0 : i32
        %add3A_139 = arith.addi %mul3A_137, %add3A_138 : i32
        %mul3A_140 = arith.constant 7 : i32
        %mul3A_141 = arith.muli %add3A_139, %mul3A_140 : i32
        %add3A_142 = arith.addi %mul3A_125, %mul3A_141 : i32
        %get3A = arith.index_cast %add3A_142 : i32 to index
        %get3A_143 = arith.constant 0 : index
        %get3A_144 = tpu.vector_load %arg7[%get3A, %get3A_143] {strides = array<i32>} : memref<672x128xf32, #tpu.memory_space<vmem>>, vector<1x16xf32>,
        %get3A_145 = vector.shape_cast %get3A_144 : vector<1x16xf32> to vector<16xf32>
        %get3A_146 = arith.index_cast %add3A_142 : i32 to index
        %get3A_147 = arith.constant 16 : index
        %get3A_148 = tpu.vector_load %arg7[%get3A_146, %get3A_147] {strides = array<i32>} : memref<672x128xf32, #tpu.memory_space<vmem>>, vector<1x16xf32>,
        %get3A_149 = vector.shape_cast %get3A_148 : vector<1x16xf32> to vector<16xf32>
        %get3A_150 = arith.index_cast %add3A_142 : i32 to index
        %get3A_151 = arith.constant 32 : index
        %get3A_152 = tpu.vector_load %arg7[%get3A_150, %get3A_151] {strides = array<i32>} : memref<672x128xf32, #tpu.memory_space<vmem>>, vector<1x16xf32>,
        %get3A_153 = vector.shape_cast %get3A_152 : vector<1x16xf32> to vector<16xf32>
        %get3A_154 = arith.index_cast %add3A_142 : i32 to index
        %get3A_155 = arith.constant 48 : index
        %get3A_156 = tpu.vector_load %arg7[%get3A_154, %get3A_155] {strides = array<i32>} : memref<672x128xf32, #tpu.memory_space<vmem>>, vector<1x16xf32>,
        %get3A_157 = vector.shape_cast %get3A_156 : vector<1x16xf32> to vector<16xf32>
        %get3A_158 = arith.index_cast %add3A_142 : i32 to index
        %get3A_159 = arith.constant 64 : index
        %get3A_160 = tpu.vector_load %arg7[%get3A_158, %get3A_159] {strides = array<i32>} : memref<672x128xf32, #tpu.memory_space<vmem>>, vector<1x16xf32>,
        %get3A_161 = vector.shape_cast %get3A_160 : vector<1x16xf32> to vector<16xf32>
        %get3A_162 = arith.index_cast %add3A_142 : i32 to index
        %get3A_163 = arith.constant 80 : index
        %get3A_164 = tpu.vector_load %arg7[%get3A_162, %get3A_163] {strides = array<i32>} : memref<672x128xf32, #tpu.memory_space<vmem>>, vector<1x16xf32>,
        %get3A_165 = vector.shape_cast %get3A_164 : vector<1x16xf32> to vector<16xf32>
        %get3A_166 = arith.index_cast %add3A_142 : i32 to index
        %get3A_167 = arith.constant 96 : index
        %get3A_168 = tpu.vector_load %arg7[%get3A_166, %get3A_167] {strides = array<i32>} : memref<672x128xf32, #tpu.memory_space<vmem>>, vector<1x16xf32>,
        %get3A_169 = vector.shape_cast %get3A_168 : vector<1x16xf32> to vector<16xf32>
        %get3A_170 = arith.index_cast %add3A_142 : i32 to index
        %get3A_171 = arith.constant 112 : index
        %get3A_172 = tpu.vector_load %arg7[%get3A_170, %get3A_171] {strides = array<i32>} : memref<672x128xf32, #tpu.memory_space<vmem>>, vector<1x16xf32>,
        %get3A_173 = vector.shape_cast %get3A_172 : vector<1x16xf32> to vector<16xf32>
        %add3A_174 = arith.constant 1 : i32
        %add3A_175 = arith.addi %add3A_142, %add3A_174 : i32
        %add3A_176 = arith.constant 0 : i32
        %add3A_177 = arith.addi %add3A_175, %add3A_176 : i32
        %get3A_178 = arith.index_cast %add3A_177 : i32 to index
        %get3A_179 = arith.constant 0 : index
        %get3A_180 = tpu.vector_load %arg7[%get3A_178, %get3A_179] {strides = array<i32>} : memref<672x128xf32, #tpu.memory_space<vmem>>, vector<1x16xf32>,
        %get3A_181 = vector.shape_cast %get3A_180 : vector<1x16xf32> to vector<16xf32>
        %mul3A_182 = arith.mulf %get3A_145, %get3A_181 : vector<16xf32>
        %add3A_183 = arith.constant 1 : i32
        %add3A_184 = arith.addi %add3A_142, %add3A_183 : i32
        %add3A_185 = arith.constant 0 : i32
        %add3A_186 = arith.addi %add3A_184, %add3A_185 : i32
        %get3A_187 = arith.index_cast %add3A_186 : i32 to index
        %get3A_188 = arith.constant 16 : index
        %get3A_189 = tpu.vector_load %arg7[%get3A_187, %get3A_188] {strides = array<i32>} : memref<672x128xf32, #tpu.memory_space<vmem>>, vector<1x16xf32>,
        %get3A_190 = vector.shape_cast %get3A_189 : vector<1x16xf32> to vector<16xf32>
        %mul3A_191 = arith.mulf %get3A_149, %get3A_190 : vector<16xf32>
        %add3A_192 = arith.constant 1 : i32
        %add3A_193 = arith.addi %add3A_142, %add3A_192 : i32
        %add3A_194 = arith.constant 0 : i32
        %add3A_195 = arith.addi %add3A_193, %add3A_194 : i32
        %get3A_196 = arith.index_cast %add3A_195 : i32 to index
        %get3A_197 = arith.constant 32 : index
        %get3A_198 = tpu.vector_load %arg7[%get3A_196, %get3A_197] {strides = array<i32>} : memref<672x128xf32, #tpu.memory_space<vmem>>, vector<1x16xf32>,
        %get3A_199 = vector.shape_cast %get3A_198 : vector<1x16xf32> to vector<16xf32>
        %mul3A_200 = arith.mulf %get3A_153, %get3A_199 : vector<16xf32>
        %add3A_201 = arith.constant 1 : i32
        %add3A_202 = arith.addi %add3A_142, %add3A_201 : i32
        %add3A_203 = arith.constant 0 : i32
        %add3A_204 = arith.addi %add3A_202, %add3A_203 : i32
        %get3A_205 = arith.index_cast %add3A_204 : i32 to index
        %get3A_206 = arith.constant 48 : index
        %get3A_207 = tpu.vector_load %arg7[%get3A_205, %get3A_206] {strides = array<i32>} : memref<672x128xf32, #tpu.memory_space<vmem>>, vector<1x16xf32>,
        %get3A_208 = vector.shape_cast %get3A_207 : vector<1x16xf32> to vector<16xf32>
        %mul3A_209 = arith.mulf %get3A_157, %get3A_208 : vector<16xf32>
        %add3A_210 = arith.constant 1 : i32
        %add3A_211 = arith.addi %add3A_142, %add3A_210 : i32
        %add3A_212 = arith.constant 0 : i32
        %add3A_213 = arith.addi %add3A_211, %add3A_212 : i32
        %get3A_214 = arith.index_cast %add3A_213 : i32 to index
        %get3A_215 = arith.constant 64 : index
        %get3A_216 = tpu.vector_load %arg7[%get3A_214, %get3A_215] {strides = array<i32>} : memref<672x128xf32, #tpu.memory_space<vmem>>, vector<1x16xf32>,
        %get3A_217 = vector.shape_cast %get3A_216 : vector<1x16xf32> to vector<16xf32>
        %mul3A_218 = arith.mulf %get3A_161, %get3A_217 : vector<16xf32>
        %add3A_219 = arith.constant 1 : i32
        %add3A_220 = arith.addi %add3A_142, %add3A_219 : i32
        %add3A_221 = arith.constant 0 : i32
        %add3A_222 = arith.addi %add3A_220, %add3A_221 : i32
        %get3A_223 = arith.index_cast %add3A_222 : i32 to index
        %get3A_224 = arith.constant 80 : index
        %get3A_225 = tpu.vector_load %arg7[%get3A_223, %get3A_224] {strides = array<i32>} : memref<672x128xf32, #tpu.memory_space<vmem>>, vector<1x16xf32>,
        %get3A_226 = vector.shape_cast %get3A_225 : vector<1x16xf32> to vector<16xf32>
        %mul3A_227 = arith.mulf %get3A_165, %get3A_226 : vector<16xf32>
        %add3A_228 = arith.constant 1 : i32
        %add3A_229 = arith.addi %add3A_142, %add3A_228 : i32
        %add3A_230 = arith.constant 0 : i32
        %add3A_231 = arith.addi %add3A_229, %add3A_230 : i32
        %get3A_232 = arith.index_cast %add3A_231 : i32 to index
        %get3A_233 = arith.constant 96 : index
        %get3A_234 = tpu.vector_load %arg7[%get3A_232, %get3A_233] {strides = array<i32>} : memref<672x128xf32, #tpu.memory_space<vmem>>, vector<1x16xf32>,
        %get3A_235 = vector.shape_cast %get3A_234 : vector<1x16xf32> to vector<16xf32>
        %mul3A_236 = arith.mulf %get3A_169, %get3A_235 : vector<16xf32>
        %add3A_237 = arith.constant 1 : i32
        %add3A_238 = arith.addi %add3A_142, %add3A_237 : i32
        %add3A_239 = arith.constant 0 : i32
        %add3A_240 = arith.addi %add3A_238, %add3A_239 : i32
        %get3A_241 = arith.index_cast %add3A_240 : i32 to index
        %get3A_242 = arith.constant 112 : index
        %get3A_243 = tpu.vector_load %arg7[%get3A_241, %get3A_242] {strides = array<i32>} : memref<672x128xf32, #tpu.memory_space<vmem>>, vector<1x16xf32>,
        %get3A_244 = vector.shape_cast %get3A_243 : vector<1x16xf32> to vector<16xf32>
        %mul3A_245 = arith.mulf %get3A_173, %get3A_244 : vector<16xf32>
        %add3A_246 = arith.addf %mul3A_182, %mul3A_218 : vector<16xf32>
        %add3A_247 = arith.addf %mul3A_191, %mul3A_227 : vector<16xf32>
        %add3A_248 = arith.addf %mul3A_200, %mul3A_236 : vector<16xf32>
        %add3A_249 = arith.addf %mul3A_209, %mul3A_245 : vector<16xf32>
        %add3A_250 = arith.addf %add3A_246, %add3A_248 : vector<16xf32>
        %add3A_251 = arith.addf %add3A_247, %add3A_249 : vector<16xf32>
        %add3A_252 = arith.addf %add3A_250, %add3A_251 : vector<16xf32>
        %gather3A = vector.shape_cast %broadcast_in_dim3A_4 : vector<16x1xi32> to vector<16xi32>
        %gather3A_253 = tpu.dynamic_gather %add3A_252[%gather3A] in [0] : vector<16xf32>, vector<16xi32> -> vector<16xf32>
        %add3A_254 = arith.addf %add3A_252, %gather3A_253 : vector<16xf32>
        %gather3A_255 = vector.shape_cast %broadcast_in_dim3A_8 : vector<16x1xi32> to vector<16xi32>
        %gather3A_256 = tpu.dynamic_gather %add3A_254[%gather3A_255] in [0] : vector<16xf32>, vector<16xi32> -> vector<16xf32>
        %add3A_257 = arith.addf %add3A_254, %gather3A_256 : vector<16xf32>
        %gather3A_258 = vector.shape_cast %broadcast_in_dim3A_12 : vector<16x1xi32> to vector<16xi32>
        %gather3A_259 = tpu.dynamic_gather %add3A_257[%gather3A_258] in [0] : vector<16xf32>, vector<16xi32> -> vector<16xf32>
        %add3A_260 = arith.addf %add3A_257, %gather3A_259 : vector<16xf32>
        %gather3A_261 = vector.shape_cast %broadcast_in_dim3A_16 : vector<16x1xi32> to vector<16xi32>
        %gather3A_262 = tpu.dynamic_gather %add3A_260[%gather3A_261] in [0] : vector<16xf32>, vector<16xi32> -> vector<16xf32>
        %add3A_263 = arith.addf %add3A_260, %gather3A_262 : vector<16xf32>
        %add3A_264 = arith.constant 1 : i32
        %add3A_265 = arith.addi %add3A_142, %add3A_264 : i32
        %add3A_266 = arith.constant 1 : i32
        %add3A_267 = arith.addi %add3A_265, %add3A_266 : i32
        %get3A_268 = arith.index_cast %add3A_267 : i32 to index
        %get3A_269 = arith.constant 0 : index
        %get3A_270 = tpu.vector_load %arg7[%get3A_268, %get3A_269] {strides = array<i32>} : memref<672x128xf32, #tpu.memory_space<vmem>>, vector<1x16xf32>,
        %get3A_271 = vector.shape_cast %get3A_270 : vector<1x16xf32> to vector<16xf32>
        %mul3A_272 = arith.mulf %get3A_145, %get3A_271 : vector<16xf32>
        %add3A_273 = arith.constant 1 : i32
        %add3A_274 = arith.addi %add3A_142, %add3A_273 : i32
        %add3A_275 = arith.constant 1 : i32
        %add3A_276 = arith.addi %add3A_274, %add3A_275 : i32
        %get3A_277 = arith.index_cast %add3A_276 : i32 to index
        %get3A_278 = arith.constant 16 : index
        %get3A_279 = tpu.vector_load %arg7[%get3A_277, %get3A_278] {strides = array<i32>} : memref<672x128xf32, #tpu.memory_space<vmem>>, vector<1x16xf32>,
        %get3A_280 = vector.shape_cast %get3A_279 : vector<1x16xf32> to vector<16xf32>
        %mul3A_281 = arith.mulf %get3A_149, %get3A_280 : vector<16xf32>
        %add3A_282 = arith.constant 1 : i32
        %add3A_283 = arith.addi %add3A_142, %add3A_282 : i32
        %add3A_284 = arith.constant 1 : i32
        %add3A_285 = arith.addi %add3A_283, %add3A_284 : i32
        %get3A_286 = arith.index_cast %add3A_285 : i32 to index
        %get3A_287 = arith.constant 32 : index
        %get3A_288 = tpu.vector_load %arg7[%get3A_286, %get3A_287] {strides = array<i32>} : memref<672x128xf32, #tpu.memory_space<vmem>>, vector<1x16xf32>,
        %get3A_289 = vector.shape_cast %get3A_288 : vector<1x16xf32> to vector<16xf32>
        %mul3A_290 = arith.mulf %get3A_153, %get3A_289 : vector<16xf32>
        %add3A_291 = arith.constant 1 : i32
        %add3A_292 = arith.addi %add3A_142, %add3A_291 : i32
        %add3A_293 = arith.constant 1 : i32
        %add3A_294 = arith.addi %add3A_292, %add3A_293 : i32
        %get3A_295 = arith.index_cast %add3A_294 : i32 to index
        %get3A_296 = arith.constant 48 : index
        %get3A_297 = tpu.vector_load %arg7[%get3A_295, %get3A_296] {strides = array<i32>} : memref<672x128xf32, #tpu.memory_space<vmem>>, vector<1x16xf32>,
        %get3A_298 = vector.shape_cast %get3A_297 : vector<1x16xf32> to vector<16xf32>
        %mul3A_299 = arith.mulf %get3A_157, %get3A_298 : vector<16xf32>
        %add3A_300 = arith.constant 1 : i32
        %add3A_301 = arith.addi %add3A_142, %add3A_300 : i32
        %add3A_302 = arith.constant 1 : i32
        %add3A_303 = arith.addi %add3A_301, %add3A_302 : i32
        %get3A_304 = arith.index_cast %add3A_303 : i32 to index
        %get3A_305 = arith.constant 64 : index
        %get3A_306 = tpu.vector_load %arg7[%get3A_304, %get3A_305] {strides = array<i32>} : memref<672x128xf32, #tpu.memory_space<vmem>>, vector<1x16xf32>,
        %get3A_307 = vector.shape_cast %get3A_306 : vector<1x16xf32> to vector<16xf32>
        %mul3A_308 = arith.mulf %get3A_161, %get3A_307 : vector<16xf32>
        %add3A_309 = arith.constant 1 : i32
        %add3A_310 = arith.addi %add3A_142, %add3A_309 : i32
        %add3A_311 = arith.constant 1 : i32
        %add3A_312 = arith.addi %add3A_310, %add3A_311 : i32
        %get3A_313 = arith.index_cast %add3A_312 : i32 to index
        %get3A_314 = arith.constant 80 : index
        %get3A_315 = tpu.vector_load %arg7[%get3A_313, %get3A_314] {strides = array<i32>} : memref<672x128xf32, #tpu.memory_space<vmem>>, vector<1x16xf32>,
        %get3A_316 = vector.shape_cast %get3A_315 : vector<1x16xf32> to vector<16xf32>
        %mul3A_317 = arith.mulf %get3A_165, %get3A_316 : vector<16xf32>
        %add3A_318 = arith.constant 1 : i32
        %add3A_319 = arith.addi %add3A_142, %add3A_318 : i32
        %add3A_320 = arith.constant 1 : i32
        %add3A_321 = arith.addi %add3A_319, %add3A_320 : i32
        %get3A_322 = arith.index_cast %add3A_321 : i32 to index
        %get3A_323 = arith.constant 96 : index
        %get3A_324 = tpu.vector_load %arg7[%get3A_322, %get3A_323] {strides = array<i32>} : memref<672x128xf32, #tpu.memory_space<vmem>>, vector<1x16xf32>,
        %get3A_325 = vector.shape_cast %get3A_324 : vector<1x16xf32> to vector<16xf32>
        %mul3A_326 = arith.mulf %get3A_169, %get3A_325 : vector<16xf32>
        %add3A_327 = arith.constant 1 : i32
        %add3A_328 = arith.addi %add3A_142, %add3A_327 : i32
        %add3A_329 = arith.constant 1 : i32
        %add3A_330 = arith.addi %add3A_328, %add3A_329 : i32
        %get3A_331 = arith.index_cast %add3A_330 : i32 to index
        %get3A_332 = arith.constant 112 : index
        %get3A_333 = tpu.vector_load %arg7[%get3A_331, %get3A_332] {strides = array<i32>} : memref<672x128xf32, #tpu.memory_space<vmem>>, vector<1x16xf32>,
        %get3A_334 = vector.shape_cast %get3A_333 : vector<1x16xf32> to vector<16xf32>
        %mul3A_335 = arith.mulf %get3A_173, %get3A_334 : vector<16xf32>
        %add3A_336 = arith.addf %mul3A_272, %mul3A_308 : vector<16xf32>
        %add3A_337 = arith.addf %mul3A_281, %mul3A_317 : vector<16xf32>
        %add3A_338 = arith.addf %mul3A_290, %mul3A_326 : vector<16xf32>
        %add3A_339 = arith.addf %mul3A_299, %mul3A_335 : vector<16xf32>
        %add3A_340 = arith.addf %add3A_336, %add3A_338 : vector<16xf32>
        %add3A_341 = arith.addf %add3A_337, %add3A_339 : vector<16xf32>
        %add3A_342 = arith.addf %add3A_340, %add3A_341 : vector<16xf32>
        %gather3A_343 = vector.shape_cast %broadcast_in_dim3A_4 : vector<16x1xi32> to vector<16xi32>
        %gather3A_344 = tpu.dynamic_gather %add3A_342[%gather3A_343] in [0] : vector<16xf32>, vector<16xi32> -> vector<16xf32>
        %add3A_345 = arith.addf %add3A_342, %gather3A_344 : vector<16xf32>
        %gather3A_346 = vector.shape_cast %broadcast_in_dim3A_8 : vector<16x1xi32> to vector<16xi32>
        %gather3A_347 = tpu.dynamic_gather %add3A_345[%gather3A_346] in [0] : vector<16xf32>, vector<16xi32> -> vector<16xf32>
        %add3A_348 = arith.addf %add3A_345, %gather3A_347 : vector<16xf32>
        %gather3A_349 = vector.shape_cast %broadcast_in_dim3A_12 : vector<16x1xi32> to vector<16xi32>
        %gather3A_350 = tpu.dynamic_gather %add3A_348[%gather3A_349] in [0] : vector<16xf32>, vector<16xi32> -> vector<16xf32>
        %add3A_351 = arith.addf %add3A_348, %gather3A_350 : vector<16xf32>
        %gather3A_352 = vector.shape_cast %broadcast_in_dim3A_16 : vector<16x1xi32> to vector<16xi32>
        %gather3A_353 = tpu.dynamic_gather %add3A_351[%gather3A_352] in [0] : vector<16xf32>, vector<16xi32> -> vector<16xf32>
        %add3A_354 = arith.addf %add3A_351, %gather3A_353 : vector<16xf32>
        %add3A_355 = arith.constant 1 : i32
        %add3A_356 = arith.addi %add3A_142, %add3A_355 : i32
        %add3A_357 = arith.constant 2 : i32
        %add3A_358 = arith.addi %add3A_356, %add3A_357 : i32
        %get3A_359 = arith.index_cast %add3A_358 : i32 to index
        %get3A_360 = arith.constant 0 : index
        %get3A_361 = tpu.vector_load %arg7[%get3A_359, %get3A_360] {strides = array<i32>} : memref<672x128xf32, #tpu.memory_space<vmem>>, vector<1x16xf32>,
        %get3A_362 = vector.shape_cast %get3A_361 : vector<1x16xf32> to vector<16xf32>
        %mul3A_363 = arith.mulf %get3A_145, %get3A_362 : vector<16xf32>
        %add3A_364 = arith.constant 1 : i32
        %add3A_365 = arith.addi %add3A_142, %add3A_364 : i32
        %add3A_366 = arith.constant 2 : i32
        %add3A_367 = arith.addi %add3A_365, %add3A_366 : i32
        %get3A_368 = arith.index_cast %add3A_367 : i32 to index
        %get3A_369 = arith.constant 16 : index
        %get3A_370 = tpu.vector_load %arg7[%get3A_368, %get3A_369] {strides = array<i32>} : memref<672x128xf32, #tpu.memory_space<vmem>>, vector<1x16xf32>,
        %get3A_371 = vector.shape_cast %get3A_370 : vector<1x16xf32> to vector<16xf32>
        %mul3A_372 = arith.mulf %get3A_149, %get3A_371 : vector<16xf32>
        %add3A_373 = arith.constant 1 : i32
        %add3A_374 = arith.addi %add3A_142, %add3A_373 : i32
        %add3A_375 = arith.constant 2 : i32
        %add3A_376 = arith.addi %add3A_374, %add3A_375 : i32
        %get3A_377 = arith.index_cast %add3A_376 : i32 to index
        %get3A_378 = arith.constant 32 : index
        %get3A_379 = tpu.vector_load %arg7[%get3A_377, %get3A_378] {strides = array<i32>} : memref<672x128xf32, #tpu.memory_space<vmem>>, vector<1x16xf32>,
        %get3A_380 = vector.shape_cast %get3A_379 : vector<1x16xf32> to vector<16xf32>
        %mul3A_381 = arith.mulf %get3A_153, %get3A_380 : vector<16xf32>
        %add3A_382 = arith.constant 1 : i32
        %add3A_383 = arith.addi %add3A_142, %add3A_382 : i32
        %add3A_384 = arith.constant 2 : i32
        %add3A_385 = arith.addi %add3A_383, %add3A_384 : i32
        %get3A_386 = arith.index_cast %add3A_385 : i32 to index
        %get3A_387 = arith.constant 48 : index
        %get3A_388 = tpu.vector_load %arg7[%get3A_386, %get3A_387] {strides = array<i32>} : memref<672x128xf32, #tpu.memory_space<vmem>>, vector<1x16xf32>,
        %get3A_389 = vector.shape_cast %get3A_388 : vector<1x16xf32> to vector<16xf32>
        %mul3A_390 = arith.mulf %get3A_157, %get3A_389 : vector<16xf32>
        %add3A_391 = arith.constant 1 : i32
        %add3A_392 = arith.addi %add3A_142, %add3A_391 : i32
        %add3A_393 = arith.constant 2 : i32
        %add3A_394 = arith.addi %add3A_392, %add3A_393 : i32
        %get3A_395 = arith.index_cast %add3A_394 : i32 to index
        %get3A_396 = arith.constant 64 : index
        %get3A_397 = tpu.vector_load %arg7[%get3A_395, %get3A_396] {strides = array<i32>} : memref<672x128xf32, #tpu.memory_space<vmem>>, vector<1x16xf32>,
        %get3A_398 = vector.shape_cast %get3A_397 : vector<1x16xf32> to vector<16xf32>
        %mul3A_399 = arith.mulf %get3A_161, %get3A_398 : vector<16xf32>
        %add3A_400 = arith.constant 1 : i32
        %add3A_401 = arith.addi %add3A_142, %add3A_400 : i32
        %add3A_402 = arith.constant 2 : i32
        %add3A_403 = arith.addi %add3A_401, %add3A_402 : i32
        %get3A_404 = arith.index_cast %add3A_403 : i32 to index
        %get3A_405 = arith.constant 80 : index
        %get3A_406 = tpu.vector_load %arg7[%get3A_404, %get3A_405] {strides = array<i32>} : memref<672x128xf32, #tpu.memory_space<vmem>>, vector<1x16xf32>,
        %get3A_407 = vector.shape_cast %get3A_406 : vector<1x16xf32> to vector<16xf32>
        %mul3A_408 = arith.mulf %get3A_165, %get3A_407 : vector<16xf32>
        %add3A_409 = arith.constant 1 : i32
        %add3A_410 = arith.addi %add3A_142, %add3A_409 : i32
        %add3A_411 = arith.constant 2 : i32
        %add3A_412 = arith.addi %add3A_410, %add3A_411 : i32
        %get3A_413 = arith.index_cast %add3A_412 : i32 to index
        %get3A_414 = arith.constant 96 : index
        %get3A_415 = tpu.vector_load %arg7[%get3A_413, %get3A_414] {strides = array<i32>} : memref<672x128xf32, #tpu.memory_space<vmem>>, vector<1x16xf32>,
        %get3A_416 = vector.shape_cast %get3A_415 : vector<1x16xf32> to vector<16xf32>
        %mul3A_417 = arith.mulf %get3A_169, %get3A_416 : vector<16xf32>
        %add3A_418 = arith.constant 1 : i32
        %add3A_419 = arith.addi %add3A_142, %add3A_418 : i32
        %add3A_420 = arith.constant 2 : i32
        %add3A_421 = arith.addi %add3A_419, %add3A_420 : i32
        %get3A_422 = arith.index_cast %add3A_421 : i32 to index
        %get3A_423 = arith.constant 112 : index
        %get3A_424 = tpu.vector_load %arg7[%get3A_422, %get3A_423] {strides = array<i32>} : memref<672x128xf32, #tpu.memory_space<vmem>>, vector<1x16xf32>,
        %get3A_425 = vector.shape_cast %get3A_424 : vector<1x16xf32> to vector<16xf32>
        %mul3A_426 = arith.mulf %get3A_173, %get3A_425 : vector<16xf32>
        %add3A_427 = arith.addf %mul3A_363, %mul3A_399 : vector<16xf32>
        %add3A_428 = arith.addf %mul3A_372, %mul3A_408 : vector<16xf32>
        %add3A_429 = arith.addf %mul3A_381, %mul3A_417 : vector<16xf32>
        %add3A_430 = arith.addf %mul3A_390, %mul3A_426 : vector<16xf32>
        %add3A_431 = arith.addf %add3A_427, %add3A_429 : vector<16xf32>
        %add3A_432 = arith.addf %add3A_428, %add3A_430 : vector<16xf32>
        %add3A_433 = arith.addf %add3A_431, %add3A_432 : vector<16xf32>
        %gather3A_434 = vector.shape_cast %broadcast_in_dim3A_4 : vector<16x1xi32> to vector<16xi32>
        %gather3A_435 = tpu.dynamic_gather %add3A_433[%gather3A_434] in [0] : vector<16xf32>, vector<16xi32> -> vector<16xf32>
        %add3A_436 = arith.addf %add3A_433, %gather3A_435 : vector<16xf32>
        %gather3A_437 = vector.shape_cast %broadcast_in_dim3A_8 : vector<16x1xi32> to vector<16xi32>
        %gather3A_438 = tpu.dynamic_gather %add3A_436[%gather3A_437] in [0] : vector<16xf32>, vector<16xi32> -> vector<16xf32>
        %add3A_439 = arith.addf %add3A_436, %gather3A_438 : vector<16xf32>
        %gather3A_440 = vector.shape_cast %broadcast_in_dim3A_12 : vector<16x1xi32> to vector<16xi32>
        %gather3A_441 = tpu.dynamic_gather %add3A_439[%gather3A_440] in [0] : vector<16xf32>, vector<16xi32> -> vector<16xf32>
        %add3A_442 = arith.addf %add3A_439, %gather3A_441 : vector<16xf32>
        %gather3A_443 = vector.shape_cast %broadcast_in_dim3A_16 : vector<16x1xi32> to vector<16xi32>
        %gather3A_444 = tpu.dynamic_gather %add3A_442[%gather3A_443] in [0] : vector<16xf32>, vector<16xi32> -> vector<16xf32>
        %add3A_445 = arith.addf %add3A_442, %gather3A_444 : vector<16xf32>
        %add3A_446 = arith.constant 1 : i32
        %add3A_447 = arith.addi %add3A_142, %add3A_446 : i32
        %add3A_448 = arith.constant 3 : i32
        %add3A_449 = arith.addi %add3A_447, %add3A_448 : i32
        %get3A_450 = arith.index_cast %add3A_449 : i32 to index
        %get3A_451 = arith.constant 0 : index
        %get3A_452 = tpu.vector_load %arg7[%get3A_450, %get3A_451] {strides = array<i32>} : memref<672x128xf32, #tpu.memory_space<vmem>>, vector<1x16xf32>,
        %get3A_453 = vector.shape_cast %get3A_452 : vector<1x16xf32> to vector<16xf32>
        %mul3A_454 = arith.mulf %get3A_145, %get3A_453 : vector<16xf32>
        %add3A_455 = arith.constant 1 : i32
        %add3A_456 = arith.addi %add3A_142, %add3A_455 : i32
        %add3A_457 = arith.constant 3 : i32
        %add3A_458 = arith.addi %add3A_456, %add3A_457 : i32
        %get3A_459 = arith.index_cast %add3A_458 : i32 to index
        %get3A_460 = arith.constant 16 : index
        %get3A_461 = tpu.vector_load %arg7[%get3A_459, %get3A_460] {strides = array<i32>} : memref<672x128xf32, #tpu.memory_space<vmem>>, vector<1x16xf32>,
        %get3A_462 = vector.shape_cast %get3A_461 : vector<1x16xf32> to vector<16xf32>
        %mul3A_463 = arith.mulf %get3A_149, %get3A_462 : vector<16xf32>
        %add3A_464 = arith.constant 1 : i32
        %add3A_465 = arith.addi %add3A_142, %add3A_464 : i32
        %add3A_466 = arith.constant 3 : i32
        %add3A_467 = arith.addi %add3A_465, %add3A_466 : i32
        %get3A_468 = arith.index_cast %add3A_467 : i32 to index
        %get3A_469 = arith.constant 32 : index
        %get3A_470 = tpu.vector_load %arg7[%get3A_468, %get3A_469] {strides = array<i32>} : memref<672x128xf32, #tpu.memory_space<vmem>>, vector<1x16xf32>,
        %get3A_471 = vector.shape_cast %get3A_470 : vector<1x16xf32> to vector<16xf32>
        %mul3A_472 = arith.mulf %get3A_153, %get3A_471 : vector<16xf32>
        %add3A_473 = arith.constant 1 : i32
        %add3A_474 = arith.addi %add3A_142, %add3A_473 : i32
        %add3A_475 = arith.constant 3 : i32
        %add3A_476 = arith.addi %add3A_474, %add3A_475 : i32
        %get3A_477 = arith.index_cast %add3A_476 : i32 to index
        %get3A_478 = arith.constant 48 : index
        %get3A_479 = tpu.vector_load %arg7[%get3A_477, %get3A_478] {strides = array<i32>} : memref<672x128xf32, #tpu.memory_space<vmem>>, vector<1x16xf32>,
        %get3A_480 = vector.shape_cast %get3A_479 : vector<1x16xf32> to vector<16xf32>
        %mul3A_481 = arith.mulf %get3A_157, %get3A_480 : vector<16xf32>
        %add3A_482 = arith.constant 1 : i32
        %add3A_483 = arith.addi %add3A_142, %add3A_482 : i32
        %add3A_484 = arith.constant 3 : i32
        %add3A_485 = arith.addi %add3A_483, %add3A_484 : i32
        %get3A_486 = arith.index_cast %add3A_485 : i32 to index
        %get3A_487 = arith.constant 64 : index
        %get3A_488 = tpu.vector_load %arg7[%get3A_486, %get3A_487] {strides = array<i32>} : memref<672x128xf32, #tpu.memory_space<vmem>>, vector<1x16xf32>,
        %get3A_489 = vector.shape_cast %get3A_488 : vector<1x16xf32> to vector<16xf32>
        %mul3A_490 = arith.mulf %get3A_161, %get3A_489 : vector<16xf32>
        %add3A_491 = arith.constant 1 : i32
        %add3A_492 = arith.addi %add3A_142, %add3A_491 : i32
        %add3A_493 = arith.constant 3 : i32
        %add3A_494 = arith.addi %add3A_492, %add3A_493 : i32
        %get3A_495 = arith.index_cast %add3A_494 : i32 to index
        %get3A_496 = arith.constant 80 : index
        %get3A_497 = tpu.vector_load %arg7[%get3A_495, %get3A_496] {strides = array<i32>} : memref<672x128xf32, #tpu.memory_space<vmem>>, vector<1x16xf32>,
        %get3A_498 = vector.shape_cast %get3A_497 : vector<1x16xf32> to vector<16xf32>
        %mul3A_499 = arith.mulf %get3A_165, %get3A_498 : vector<16xf32>
        %add3A_500 = arith.constant 1 : i32
        %add3A_501 = arith.addi %add3A_142, %add3A_500 : i32
        %add3A_502 = arith.constant 3 : i32
        %add3A_503 = arith.addi %add3A_501, %add3A_502 : i32
        %get3A_504 = arith.index_cast %add3A_503 : i32 to index
        %get3A_505 = arith.constant 96 : index
        %get3A_506 = tpu.vector_load %arg7[%get3A_504, %get3A_505] {strides = array<i32>} : memref<672x128xf32, #tpu.memory_space<vmem>>, vector<1x16xf32>,
        %get3A_507 = vector.shape_cast %get3A_506 : vector<1x16xf32> to vector<16xf32>
        %mul3A_508 = arith.mulf %get3A_169, %get3A_507 : vector<16xf32>
        %add3A_509 = arith.constant 1 : i32
        %add3A_510 = arith.addi %add3A_142, %add3A_509 : i32
        %add3A_511 = arith.constant 3 : i32
        %add3A_512 = arith.addi %add3A_510, %add3A_511 : i32
        %get3A_513 = arith.index_cast %add3A_512 : i32 to index
        %get3A_514 = arith.constant 112 : index
        %get3A_515 = tpu.vector_load %arg7[%get3A_513, %get3A_514] {strides = array<i32>} : memref<672x128xf32, #tpu.memory_space<vmem>>, vector<1x16xf32>,
        %get3A_516 = vector.shape_cast %get3A_515 : vector<1x16xf32> to vector<16xf32>
        %mul3A_517 = arith.mulf %get3A_173, %get3A_516 : vector<16xf32>
        %add3A_518 = arith.addf %mul3A_454, %mul3A_490 : vector<16xf32>
        %add3A_519 = arith.addf %mul3A_463, %mul3A_499 : vector<16xf32>
        %add3A_520 = arith.addf %mul3A_472, %mul3A_508 : vector<16xf32>
        %add3A_521 = arith.addf %mul3A_481, %mul3A_517 : vector<16xf32>
        %add3A_522 = arith.addf %add3A_518, %add3A_520 : vector<16xf32>
        %add3A_523 = arith.addf %add3A_519, %add3A_521 : vector<16xf32>
        %add3A_524 = arith.addf %add3A_522, %add3A_523 : vector<16xf32>
        %gather3A_525 = vector.shape_cast %broadcast_in_dim3A_4 : vector<16x1xi32> to vector<16xi32>
        %gather3A_526 = tpu.dynamic_gather %add3A_524[%gather3A_525] in [0] : vector<16xf32>, vector<16xi32> -> vector<16xf32>
        %add3A_527 = arith.addf %add3A_524, %gather3A_526 : vector<16xf32>
        %gather3A_528 = vector.shape_cast %broadcast_in_dim3A_8 : vector<16x1xi32> to vector<16xi32>
        %gather3A_529 = tpu.dynamic_gather %add3A_527[%gather3A_528] in [0] : vector<16xf32>, vector<16xi32> -> vector<16xf32>
        %add3A_530 = arith.addf %add3A_527, %gather3A_529 : vector<16xf32>
        %gather3A_531 = vector.shape_cast %broadcast_in_dim3A_12 : vector<16x1xi32> to vector<16xi32>
        %gather3A_532 = tpu.dynamic_gather %add3A_530[%gather3A_531] in [0] : vector<16xf32>, vector<16xi32> -> vector<16xf32>
        %add3A_533 = arith.addf %add3A_530, %gather3A_532 : vector<16xf32>
        %gather3A_534 = vector.shape_cast %broadcast_in_dim3A_16 : vector<16x1xi32> to vector<16xi32>
        %gather3A_535 = tpu.dynamic_gather %add3A_533[%gather3A_534] in [0] : vector<16xf32>, vector<16xi32> -> vector<16xf32>
        %add3A_536 = arith.addf %add3A_533, %gather3A_535 : vector<16xf32>
        %add3A_537 = arith.constant 1 : i32
        %add3A_538 = arith.addi %add3A_142, %add3A_537 : i32
        %add3A_539 = arith.constant 4 : i32
        %add3A_540 = arith.addi %add3A_538, %add3A_539 : i32
        %get3A_541 = arith.index_cast %add3A_540 : i32 to index
        %get3A_542 = arith.constant 0 : index
        %get3A_543 = tpu.vector_load %arg7[%get3A_541, %get3A_542] {strides = array<i32>} : memref<672x128xf32, #tpu.memory_space<vmem>>, vector<1x16xf32>,
        %get3A_544 = vector.shape_cast %get3A_543 : vector<1x16xf32> to vector<16xf32>
        %mul3A_545 = arith.mulf %get3A_145, %get3A_544 : vector<16xf32>
        %add3A_546 = arith.constant 1 : i32
        %add3A_547 = arith.addi %add3A_142, %add3A_546 : i32
        %add3A_548 = arith.constant 4 : i32
        %add3A_549 = arith.addi %add3A_547, %add3A_548 : i32
        %get3A_550 = arith.index_cast %add3A_549 : i32 to index
        %get3A_551 = arith.constant 16 : index
        %get3A_552 = tpu.vector_load %arg7[%get3A_550, %get3A_551] {strides = array<i32>} : memref<672x128xf32, #tpu.memory_space<vmem>>, vector<1x16xf32>,
        %get3A_553 = vector.shape_cast %get3A_552 : vector<1x16xf32> to vector<16xf32>
        %mul3A_554 = arith.mulf %get3A_149, %get3A_553 : vector<16xf32>
        %add3A_555 = arith.constant 1 : i32
        %add3A_556 = arith.addi %add3A_142, %add3A_555 : i32
        %add3A_557 = arith.constant 4 : i32
        %add3A_558 = arith.addi %add3A_556, %add3A_557 : i32
        %get3A_559 = arith.index_cast %add3A_558 : i32 to index
        %get3A_560 = arith.constant 32 : index
        %get3A_561 = tpu.vector_load %arg7[%get3A_559, %get3A_560] {strides = array<i32>} : memref<672x128xf32, #tpu.memory_space<vmem>>, vector<1x16xf32>,
        %get3A_562 = vector.shape_cast %get3A_561 : vector<1x16xf32> to vector<16xf32>
        %mul3A_563 = arith.mulf %get3A_153, %get3A_562 : vector<16xf32>
        %add3A_564 = arith.constant 1 : i32
        %add3A_565 = arith.addi %add3A_142, %add3A_564 : i32
        %add3A_566 = arith.constant 4 : i32
        %add3A_567 = arith.addi %add3A_565, %add3A_566 : i32
        %get3A_568 = arith.index_cast %add3A_567 : i32 to index
        %get3A_569 = arith.constant 48 : index
        %get3A_570 = tpu.vector_load %arg7[%get3A_568, %get3A_569] {strides = array<i32>} : memref<672x128xf32, #tpu.memory_space<vmem>>, vector<1x16xf32>,
        %get3A_571 = vector.shape_cast %get3A_570 : vector<1x16xf32> to vector<16xf32>
        %mul3A_572 = arith.mulf %get3A_157, %get3A_571 : vector<16xf32>
        %add3A_573 = arith.constant 1 : i32
        %add3A_574 = arith.addi %add3A_142, %add3A_573 : i32
        %add3A_575 = arith.constant 4 : i32
        %add3A_576 = arith.addi %add3A_574, %add3A_575 : i32
        %get3A_577 = arith.index_cast %add3A_576 : i32 to index
        %get3A_578 = arith.constant 64 : index
        %get3A_579 = tpu.vector_load %arg7[%get3A_577, %get3A_578] {strides = array<i32>} : memref<672x128xf32, #tpu.memory_space<vmem>>, vector<1x16xf32>,
        %get3A_580 = vector.shape_cast %get3A_579 : vector<1x16xf32> to vector<16xf32>
        %mul3A_581 = arith.mulf %get3A_161, %get3A_580 : vector<16xf32>
        %add3A_582 = arith.constant 1 : i32
        %add3A_583 = arith.addi %add3A_142, %add3A_582 : i32
        %add3A_584 = arith.constant 4 : i32
        %add3A_585 = arith.addi %add3A_583, %add3A_584 : i32
        %get3A_586 = arith.index_cast %add3A_585 : i32 to index
        %get3A_587 = arith.constant 80 : index
        %get3A_588 = tpu.vector_load %arg7[%get3A_586, %get3A_587] {strides = array<i32>} : memref<672x128xf32, #tpu.memory_space<vmem>>, vector<1x16xf32>,
        %get3A_589 = vector.shape_cast %get3A_588 : vector<1x16xf32> to vector<16xf32>
        %mul3A_590 = arith.mulf %get3A_165, %get3A_589 : vector<16xf32>
        %add3A_591 = arith.constant 1 : i32
        %add3A_592 = arith.addi %add3A_142, %add3A_591 : i32
        %add3A_593 = arith.constant 4 : i32
        %add3A_594 = arith.addi %add3A_592, %add3A_593 : i32
        %get3A_595 = arith.index_cast %add3A_594 : i32 to index
        %get3A_596 = arith.constant 96 : index
        %get3A_597 = tpu.vector_load %arg7[%get3A_595, %get3A_596] {strides = array<i32>} : memref<672x128xf32, #tpu.memory_space<vmem>>, vector<1x16xf32>,
        %get3A_598 = vector.shape_cast %get3A_597 : vector<1x16xf32> to vector<16xf32>
        %mul3A_599 = arith.mulf %get3A_169, %get3A_598 : vector<16xf32>
        %add3A_600 = arith.constant 1 : i32
        %add3A_601 = arith.addi %add3A_142, %add3A_600 : i32
        %add3A_602 = arith.constant 4 : i32
        %add3A_603 = arith.addi %add3A_601, %add3A_602 : i32
        %get3A_604 = arith.index_cast %add3A_603 : i32 to index
        %get3A_605 = arith.constant 112 : index
        %get3A_606 = tpu.vector_load %arg7[%get3A_604, %get3A_605] {strides = array<i32>} : memref<672x128xf32, #tpu.memory_space<vmem>>, vector<1x16xf32>,
        %get3A_607 = vector.shape_cast %get3A_606 : vector<1x16xf32> to vector<16xf32>
        %mul3A_608 = arith.mulf %get3A_173, %get3A_607 : vector<16xf32>
        %add3A_609 = arith.addf %mul3A_545, %mul3A_581 : vector<16xf32>
        %add3A_610 = arith.addf %mul3A_554, %mul3A_590 : vector<16xf32>
        %add3A_611 = arith.addf %mul3A_563, %mul3A_599 : vector<16xf32>
        %add3A_612 = arith.addf %mul3A_572, %mul3A_608 : vector<16xf32>
        %add3A_613 = arith.addf %add3A_609, %add3A_611 : vector<16xf32>
        %add3A_614 = arith.addf %add3A_610, %add3A_612 : vector<16xf32>
        %add3A_615 = arith.addf %add3A_613, %add3A_614 : vector<16xf32>
        %gather3A_616 = vector.shape_cast %broadcast_in_dim3A_4 : vector<16x1xi32> to vector<16xi32>
        %gather3A_617 = tpu.dynamic_gather %add3A_615[%gather3A_616] in [0] : vector<16xf32>, vector<16xi32> -> vector<16xf32>
        %add3A_618 = arith.addf %add3A_615, %gather3A_617 : vector<16xf32>
        %gather3A_619 = vector.shape_cast %broadcast_in_dim3A_8 : vector<16x1xi32> to vector<16xi32>
        %gather3A_620 = tpu.dynamic_gather %add3A_618[%gather3A_619] in [0] : vector<16xf32>, vector<16xi32> -> vector<16xf32>
        %add3A_621 = arith.addf %add3A_618, %gather3A_620 : vector<16xf32>
        %gather3A_622 = vector.shape_cast %broadcast_in_dim3A_12 : vector<16x1xi32> to vector<16xi32>
        %gather3A_623 = tpu.dynamic_gather %add3A_621[%gather3A_622] in [0] : vector<16xf32>, vector<16xi32> -> vector<16xf32>
        %add3A_624 = arith.addf %add3A_621, %gather3A_623 : vector<16xf32>
        %gather3A_625 = vector.shape_cast %broadcast_in_dim3A_16 : vector<16x1xi32> to vector<16xi32>
        %gather3A_626 = tpu.dynamic_gather %add3A_624[%gather3A_625] in [0] : vector<16xf32>, vector<16xi32> -> vector<16xf32>
        %add3A_627 = arith.addf %add3A_624, %gather3A_626 : vector<16xf32>
        %add3A_628 = arith.constant 1 : i32
        %add3A_629 = arith.addi %add3A_142, %add3A_628 : i32
        %add3A_630 = arith.constant 5 : i32
        %add3A_631 = arith.addi %add3A_629, %add3A_630 : i32
        %get3A_632 = arith.index_cast %add3A_631 : i32 to index
        %get3A_633 = arith.constant 0 : index
        %get3A_634 = tpu.vector_load %arg7[%get3A_632, %get3A_633] {strides = array<i32>} : memref<672x128xf32, #tpu.memory_space<vmem>>, vector<1x16xf32>,
        %get3A_635 = vector.shape_cast %get3A_634 : vector<1x16xf32> to vector<16xf32>
        %mul3A_636 = arith.mulf %get3A_145, %get3A_635 : vector<16xf32>
        %add3A_637 = arith.constant 1 : i32
        %add3A_638 = arith.addi %add3A_142, %add3A_637 : i32
        %add3A_639 = arith.constant 5 : i32
        %add3A_640 = arith.addi %add3A_638, %add3A_639 : i32
        %get3A_641 = arith.index_cast %add3A_640 : i32 to index
        %get3A_642 = arith.constant 16 : index
        %get3A_643 = tpu.vector_load %arg7[%get3A_641, %get3A_642] {strides = array<i32>} : memref<672x128xf32, #tpu.memory_space<vmem>>, vector<1x16xf32>,
        %get3A_644 = vector.shape_cast %get3A_643 : vector<1x16xf32> to vector<16xf32>
        %mul3A_645 = arith.mulf %get3A_149, %get3A_644 : vector<16xf32>
        %add3A_646 = arith.constant 1 : i32
        %add3A_647 = arith.addi %add3A_142, %add3A_646 : i32
        %add3A_648 = arith.constant 5 : i32
        %add3A_649 = arith.addi %add3A_647, %add3A_648 : i32
        %get3A_650 = arith.index_cast %add3A_649 : i32 to index
        %get3A_651 = arith.constant 32 : index
        %get3A_652 = tpu.vector_load %arg7[%get3A_650, %get3A_651] {strides = array<i32>} : memref<672x128xf32, #tpu.memory_space<vmem>>, vector<1x16xf32>,
        %get3A_653 = vector.shape_cast %get3A_652 : vector<1x16xf32> to vector<16xf32>
        %mul3A_654 = arith.mulf %get3A_153, %get3A_653 : vector<16xf32>
        %add3A_655 = arith.constant 1 : i32
        %add3A_656 = arith.addi %add3A_142, %add3A_655 : i32
        %add3A_657 = arith.constant 5 : i32
        %add3A_658 = arith.addi %add3A_656, %add3A_657 : i32
        %get3A_659 = arith.index_cast %add3A_658 : i32 to index
        %get3A_660 = arith.constant 48 : index
        %get3A_661 = tpu.vector_load %arg7[%get3A_659, %get3A_660] {strides = array<i32>} : memref<672x128xf32, #tpu.memory_space<vmem>>, vector<1x16xf32>,
        %get3A_662 = vector.shape_cast %get3A_661 : vector<1x16xf32> to vector<16xf32>
        %mul3A_663 = arith.mulf %get3A_157, %get3A_662 : vector<16xf32>
        %add3A_664 = arith.constant 1 : i32
        %add3A_665 = arith.addi %add3A_142, %add3A_664 : i32
        %add3A_666 = arith.constant 5 : i32
        %add3A_667 = arith.addi %add3A_665, %add3A_666 : i32
        %get3A_668 = arith.index_cast %add3A_667 : i32 to index
        %get3A_669 = arith.constant 64 : index
        %get3A_670 = tpu.vector_load %arg7[%get3A_668, %get3A_669] {strides = array<i32>} : memref<672x128xf32, #tpu.memory_space<vmem>>, vector<1x16xf32>,
        %get3A_671 = vector.shape_cast %get3A_670 : vector<1x16xf32> to vector<16xf32>
        %mul3A_672 = arith.mulf %get3A_161, %get3A_671 : vector<16xf32>
        %add3A_673 = arith.constant 1 : i32
        %add3A_674 = arith.addi %add3A_142, %add3A_673 : i32
        %add3A_675 = arith.constant 5 : i32
        %add3A_676 = arith.addi %add3A_674, %add3A_675 : i32
        %get3A_677 = arith.index_cast %add3A_676 : i32 to index
        %get3A_678 = arith.constant 80 : index
        %get3A_679 = tpu.vector_load %arg7[%get3A_677, %get3A_678] {strides = array<i32>} : memref<672x128xf32, #tpu.memory_space<vmem>>, vector<1x16xf32>,
        %get3A_680 = vector.shape_cast %get3A_679 : vector<1x16xf32> to vector<16xf32>
        %mul3A_681 = arith.mulf %get3A_165, %get3A_680 : vector<16xf32>
        %add3A_682 = arith.constant 1 : i32
        %add3A_683 = arith.addi %add3A_142, %add3A_682 : i32
        %add3A_684 = arith.constant 5 : i32
        %add3A_685 = arith.addi %add3A_683, %add3A_684 : i32
        %get3A_686 = arith.index_cast %add3A_685 : i32 to index
        %get3A_687 = arith.constant 96 : index
        %get3A_688 = tpu.vector_load %arg7[%get3A_686, %get3A_687] {strides = array<i32>} : memref<672x128xf32, #tpu.memory_space<vmem>>, vector<1x16xf32>,
        %get3A_689 = vector.shape_cast %get3A_688 : vector<1x16xf32> to vector<16xf32>
        %mul3A_690 = arith.mulf %get3A_169, %get3A_689 : vector<16xf32>
        %add3A_691 = arith.constant 1 : i32
        %add3A_692 = arith.addi %add3A_142, %add3A_691 : i32
        %add3A_693 = arith.constant 5 : i32
        %add3A_694 = arith.addi %add3A_692, %add3A_693 : i32
        %get3A_695 = arith.index_cast %add3A_694 : i32 to index
        %get3A_696 = arith.constant 112 : index
        %get3A_697 = tpu.vector_load %arg7[%get3A_695, %get3A_696] {strides = array<i32>} : memref<672x128xf32, #tpu.memory_space<vmem>>, vector<1x16xf32>,
        %get3A_698 = vector.shape_cast %get3A_697 : vector<1x16xf32> to vector<16xf32>
        %mul3A_699 = arith.mulf %get3A_173, %get3A_698 : vector<16xf32>
        %add3A_700 = arith.addf %mul3A_636, %mul3A_672 : vector<16xf32>
        %add3A_701 = arith.addf %mul3A_645, %mul3A_681 : vector<16xf32>
        %add3A_702 = arith.addf %mul3A_654, %mul3A_690 : vector<16xf32>
        %add3A_703 = arith.addf %mul3A_663, %mul3A_699 : vector<16xf32>
        %add3A_704 = arith.addf %add3A_700, %add3A_702 : vector<16xf32>
        %add3A_705 = arith.addf %add3A_701, %add3A_703 : vector<16xf32>
        %add3A_706 = arith.addf %add3A_704, %add3A_705 : vector<16xf32>
        %gather3A_707 = vector.shape_cast %broadcast_in_dim3A_4 : vector<16x1xi32> to vector<16xi32>
        %gather3A_708 = tpu.dynamic_gather %add3A_706[%gather3A_707] in [0] : vector<16xf32>, vector<16xi32> -> vector<16xf32>
        %add3A_709 = arith.addf %add3A_706, %gather3A_708 : vector<16xf32>
        %gather3A_710 = vector.shape_cast %broadcast_in_dim3A_8 : vector<16x1xi32> to vector<16xi32>
        %gather3A_711 = tpu.dynamic_gather %add3A_709[%gather3A_710] in [0] : vector<16xf32>, vector<16xi32> -> vector<16xf32>
        %add3A_712 = arith.addf %add3A_709, %gather3A_711 : vector<16xf32>
        %gather3A_713 = vector.shape_cast %broadcast_in_dim3A_12 : vector<16x1xi32> to vector<16xi32>
        %gather3A_714 = tpu.dynamic_gather %add3A_712[%gather3A_713] in [0] : vector<16xf32>, vector<16xi32> -> vector<16xf32>
        %add3A_715 = arith.addf %add3A_712, %gather3A_714 : vector<16xf32>
        %gather3A_716 = vector.shape_cast %broadcast_in_dim3A_16 : vector<16x1xi32> to vector<16xi32>
        %gather3A_717 = tpu.dynamic_gather %add3A_715[%gather3A_716] in [0] : vector<16xf32>, vector<16xi32> -> vector<16xf32>
        %add3A_718 = arith.addf %add3A_715, %gather3A_717 : vector<16xf32>
        %mul3A_719 = arith.constant 8 : i32
        %mul3A_720 = arith.muli %add3A_135, %mul3A_719 : i32
        %add3A_721 = arith.constant 1 : i32
        %add3A_722 = arith.addi %mul3A_720, %add3A_721 : i32
        %mul3A_723 = arith.constant 7 : i32
        %mul3A_724 = arith.muli %add3A_722, %mul3A_723 : i32
        %add3A_725 = arith.addi %mul3A_125, %mul3A_724 : i32
        %get3A_726 = arith.index_cast %add3A_725 : i32 to index
        %get3A_727 = arith.constant 0 : index
        %get3A_728 = tpu.vector_load %arg7[%get3A_726, %get3A_727] {strides = array<i32>} : memref<672x128xf32, #tpu.memory_space<vmem>>, vector<1x16xf32>,
        %get3A_729 = vector.shape_cast %get3A_728 : vector<1x16xf32> to vector<16xf32>
        %get3A_730 = arith.index_cast %add3A_725 : i32 to index
        %get3A_731 = arith.constant 16 : index
        %get3A_732 = tpu.vector_load %arg7[%get3A_730, %get3A_731] {strides = array<i32>} : memref<672x128xf32, #tpu.memory_space<vmem>>, vector<1x16xf32>,
        %get3A_733 = vector.shape_cast %get3A_732 : vector<1x16xf32> to vector<16xf32>
        %get3A_734 = arith.index_cast %add3A_725 : i32 to index
        %get3A_735 = arith.constant 32 : index
        %get3A_736 = tpu.vector_load %arg7[%get3A_734, %get3A_735] {strides = array<i32>} : memref<672x128xf32, #tpu.memory_space<vmem>>, vector<1x16xf32>,
        %get3A_737 = vector.shape_cast %get3A_736 : vector<1x16xf32> to vector<16xf32>
        %get3A_738 = arith.index_cast %add3A_725 : i32 to index
        %get3A_739 = arith.constant 48 : index
        %get3A_740 = tpu.vector_load %arg7[%get3A_738, %get3A_739] {strides = array<i32>} : memref<672x128xf32, #tpu.memory_space<vmem>>, vector<1x16xf32>,
        %get3A_741 = vector.shape_cast %get3A_740 : vector<1x16xf32> to vector<16xf32>
        %get3A_742 = arith.index_cast %add3A_725 : i32 to index
        %get3A_743 = arith.constant 64 : index
        %get3A_744 = tpu.vector_load %arg7[%get3A_742, %get3A_743] {strides = array<i32>} : memref<672x128xf32, #tpu.memory_space<vmem>>, vector<1x16xf32>,
        %get3A_745 = vector.shape_cast %get3A_744 : vector<1x16xf32> to vector<16xf32>
        %get3A_746 = arith.index_cast %add3A_725 : i32 to index
        %get3A_747 = arith.constant 80 : index
        %get3A_748 = tpu.vector_load %arg7[%get3A_746, %get3A_747] {strides = array<i32>} : memref<672x128xf32, #tpu.memory_space<vmem>>, vector<1x16xf32>,
        %get3A_749 = vector.shape_cast %get3A_748 : vector<1x16xf32> to vector<16xf32>
        %get3A_750 = arith.index_cast %add3A_725 : i32 to index
        %get3A_751 = arith.constant 96 : index
        %get3A_752 = tpu.vector_load %arg7[%get3A_750, %get3A_751] {strides = array<i32>} : memref<672x128xf32, #tpu.memory_space<vmem>>, vector<1x16xf32>,
        %get3A_753 = vector.shape_cast %get3A_752 : vector<1x16xf32> to vector<16xf32>
        %get3A_754 = arith.index_cast %add3A_725 : i32 to index
        %get3A_755 = arith.constant 112 : index
        %get3A_756 = tpu.vector_load %arg7[%get3A_754, %get3A_755] {strides = array<i32>} : memref<672x128xf32, #tpu.memory_space<vmem>>, vector<1x16xf32>,
        %get3A_757 = vector.shape_cast %get3A_756 : vector<1x16xf32> to vector<16xf32>
        %add3A_758 = arith.constant 1 : i32
        %add3A_759 = arith.addi %add3A_725, %add3A_758 : i32
        %add3A_760 = arith.constant 0 : i32
        %add3A_761 = arith.addi %add3A_759, %add3A_760 : i32
        %get3A_762 = arith.index_cast %add3A_761 : i32 to index
        %get3A_763 = arith.constant 0 : index
        %get3A_764 = tpu.vector_load %arg7[%get3A_762, %get3A_763] {strides = array<i32>} : memref<672x128xf32, #tpu.memory_space<vmem>>, vector<1x16xf32>,
        %get3A_765 = vector.shape_cast %get3A_764 : vector<1x16xf32> to vector<16xf32>
        %mul3A_766 = arith.mulf %get3A_729, %get3A_765 : vector<16xf32>
        %add3A_767 = arith.constant 1 : i32
        %add3A_768 = arith.addi %add3A_725, %add3A_767 : i32
        %add3A_769 = arith.constant 0 : i32
        %add3A_770 = arith.addi %add3A_768, %add3A_769 : i32
        %get3A_771 = arith.index_cast %add3A_770 : i32 to index
        %get3A_772 = arith.constant 16 : index
        %get3A_773 = tpu.vector_load %arg7[%get3A_771, %get3A_772] {strides = array<i32>} : memref<672x128xf32, #tpu.memory_space<vmem>>, vector<1x16xf32>,
        %get3A_774 = vector.shape_cast %get3A_773 : vector<1x16xf32> to vector<16xf32>
        %mul3A_775 = arith.mulf %get3A_733, %get3A_774 : vector<16xf32>
        %add3A_776 = arith.constant 1 : i32
        %add3A_777 = arith.addi %add3A_725, %add3A_776 : i32
        %add3A_778 = arith.constant 0 : i32
        %add3A_779 = arith.addi %add3A_777, %add3A_778 : i32
        %get3A_780 = arith.index_cast %add3A_779 : i32 to index
        %get3A_781 = arith.constant 32 : index
        %get3A_782 = tpu.vector_load %arg7[%get3A_780, %get3A_781] {strides = array<i32>} : memref<672x128xf32, #tpu.memory_space<vmem>>, vector<1x16xf32>,
        %get3A_783 = vector.shape_cast %get3A_782 : vector<1x16xf32> to vector<16xf32>
        %mul3A_784 = arith.mulf %get3A_737, %get3A_783 : vector<16xf32>
        %add3A_785 = arith.constant 1 : i32
        %add3A_786 = arith.addi %add3A_725, %add3A_785 : i32
        %add3A_787 = arith.constant 0 : i32
        %add3A_788 = arith.addi %add3A_786, %add3A_787 : i32
        %get3A_789 = arith.index_cast %add3A_788 : i32 to index
        %get3A_790 = arith.constant 48 : index
        %get3A_791 = tpu.vector_load %arg7[%get3A_789, %get3A_790] {strides = array<i32>} : memref<672x128xf32, #tpu.memory_space<vmem>>, vector<1x16xf32>,
        %get3A_792 = vector.shape_cast %get3A_791 : vector<1x16xf32> to vector<16xf32>
        %mul3A_793 = arith.mulf %get3A_741, %get3A_792 : vector<16xf32>
        %add3A_794 = arith.constant 1 : i32
        %add3A_795 = arith.addi %add3A_725, %add3A_794 : i32
        %add3A_796 = arith.constant 0 : i32
        %add3A_797 = arith.addi %add3A_795, %add3A_796 : i32
        %get3A_798 = arith.index_cast %add3A_797 : i32 to index
        %get3A_799 = arith.constant 64 : index
        %get3A_800 = tpu.vector_load %arg7[%get3A_798, %get3A_799] {strides = array<i32>} : memref<672x128xf32, #tpu.memory_space<vmem>>, vector<1x16xf32>,
        %get3A_801 = vector.shape_cast %get3A_800 : vector<1x16xf32> to vector<16xf32>
        %mul3A_802 = arith.mulf %get3A_745, %get3A_801 : vector<16xf32>
        %add3A_803 = arith.constant 1 : i32
        %add3A_804 = arith.addi %add3A_725, %add3A_803 : i32
        %add3A_805 = arith.constant 0 : i32
        %add3A_806 = arith.addi %add3A_804, %add3A_805 : i32
        %get3A_807 = arith.index_cast %add3A_806 : i32 to index
        %get3A_808 = arith.constant 80 : index
        %get3A_809 = tpu.vector_load %arg7[%get3A_807, %get3A_808] {strides = array<i32>} : memref<672x128xf32, #tpu.memory_space<vmem>>, vector<1x16xf32>,
        %get3A_810 = vector.shape_cast %get3A_809 : vector<1x16xf32> to vector<16xf32>
        %mul3A_811 = arith.mulf %get3A_749, %get3A_810 : vector<16xf32>
        %add3A_812 = arith.constant 1 : i32
        %add3A_813 = arith.addi %add3A_725, %add3A_812 : i32
        %add3A_814 = arith.constant 0 : i32
        %add3A_815 = arith.addi %add3A_813, %add3A_814 : i32
        %get3A_816 = arith.index_cast %add3A_815 : i32 to index
        %get3A_817 = arith.constant 96 : index
        %get3A_818 = tpu.vector_load %arg7[%get3A_816, %get3A_817] {strides = array<i32>} : memref<672x128xf32, #tpu.memory_space<vmem>>, vector<1x16xf32>,
        %get3A_819 = vector.shape_cast %get3A_818 : vector<1x16xf32> to vector<16xf32>
        %mul3A_820 = arith.mulf %get3A_753, %get3A_819 : vector<16xf32>
        %add3A_821 = arith.constant 1 : i32
        %add3A_822 = arith.addi %add3A_725, %add3A_821 : i32
        %add3A_823 = arith.constant 0 : i32
        %add3A_824 = arith.addi %add3A_822, %add3A_823 : i32
        %get3A_825 = arith.index_cast %add3A_824 : i32 to index
        %get3A_826 = arith.constant 112 : index
        %get3A_827 = tpu.vector_load %arg7[%get3A_825, %get3A_826] {strides = array<i32>} : memref<672x128xf32, #tpu.memory_space<vmem>>, vector<1x16xf32>,
        %get3A_828 = vector.shape_cast %get3A_827 : vector<1x16xf32> to vector<16xf32>
        %mul3A_829 = arith.mulf %get3A_757, %get3A_828 : vector<16xf32>
        %add3A_830 = arith.addf %mul3A_766, %mul3A_802 : vector<16xf32>
        %add3A_831 = arith.addf %mul3A_775, %mul3A_811 : vector<16xf32>
        %add3A_832 = arith.addf %mul3A_784, %mul3A_820 : vector<16xf32>
        %add3A_833 = arith.addf %mul3A_793, %mul3A_829 : vector<16xf32>
        %add3A_834 = arith.addf %add3A_830, %add3A_832 : vector<16xf32>
        %add3A_835 = arith.addf %add3A_831, %add3A_833 : vector<16xf32>
        %add3A_836 = arith.addf %add3A_834, %add3A_835 : vector<16xf32>
        %gather3A_837 = vector.shape_cast %broadcast_in_dim3A_4 : vector<16x1xi32> to vector<16xi32>
        %gather3A_838 = tpu.dynamic_gather %add3A_836[%gather3A_837] in [0] : vector<16xf32>, vector<16xi32> -> vector<16xf32>
        %add3A_839 = arith.addf %add3A_836, %gather3A_838 : vector<16xf32>
        %gather3A_840 = vector.shape_cast %broadcast_in_dim3A_8 : vector<16x1xi32> to vector<16xi32>
        %gather3A_841 = tpu.dynamic_gather %add3A_839[%gather3A_840] in [0] : vector<16xf32>, vector<16xi32> -> vector<16xf32>
        %add3A_842 = arith.addf %add3A_839, %gather3A_841 : vector<16xf32>
        %gather3A_843 = vector.shape_cast %broadcast_in_dim3A_12 : vector<16x1xi32> to vector<16xi32>
        %gather3A_844 = tpu.dynamic_gather %add3A_842[%gather3A_843] in [0] : vector<16xf32>, vector<16xi32> -> vector<16xf32>
        %add3A_845 = arith.addf %add3A_842, %gather3A_844 : vector<16xf32>
        %gather3A_846 = vector.shape_cast %broadcast_in_dim3A_16 : vector<16x1xi32> to vector<16xi32>
        %gather3A_847 = tpu.dynamic_gather %add3A_845[%gather3A_846] in [0] : vector<16xf32>, vector<16xi32> -> vector<16xf32>
        %add3A_848 = arith.addf %add3A_845, %gather3A_847 : vector<16xf32>
        %add3A_849 = arith.constant 1 : i32
        %add3A_850 = arith.addi %add3A_725, %add3A_849 : i32
        %add3A_851 = arith.constant 1 : i32
        %add3A_852 = arith.addi %add3A_850, %add3A_851 : i32
        %get3A_853 = arith.index_cast %add3A_852 : i32 to index
        %get3A_854 = arith.constant 0 : index
        %get3A_855 = tpu.vector_load %arg7[%get3A_853, %get3A_854] {strides = array<i32>} : memref<672x128xf32, #tpu.memory_space<vmem>>, vector<1x16xf32>,
        %get3A_856 = vector.shape_cast %get3A_855 : vector<1x16xf32> to vector<16xf32>
        %mul3A_857 = arith.mulf %get3A_729, %get3A_856 : vector<16xf32>
        %add3A_858 = arith.constant 1 : i32
        %add3A_859 = arith.addi %add3A_725, %add3A_858 : i32
        %add3A_860 = arith.constant 1 : i32
        %add3A_861 = arith.addi %add3A_859, %add3A_860 : i32
        %get3A_862 = arith.index_cast %add3A_861 : i32 to index
        %get3A_863 = arith.constant 16 : index
        %get3A_864 = tpu.vector_load %arg7[%get3A_862, %get3A_863] {strides = array<i32>} : memref<672x128xf32, #tpu.memory_space<vmem>>, vector<1x16xf32>,
        %get3A_865 = vector.shape_cast %get3A_864 : vector<1x16xf32> to vector<16xf32>
        %mul3A_866 = arith.mulf %get3A_733, %get3A_865 : vector<16xf32>
        %add3A_867 = arith.constant 1 : i32
        %add3A_868 = arith.addi %add3A_725, %add3A_867 : i32
        %add3A_869 = arith.constant 1 : i32
        %add3A_870 = arith.addi %add3A_868, %add3A_869 : i32
        %get3A_871 = arith.index_cast %add3A_870 : i32 to index
        %get3A_872 = arith.constant 32 : index
        %get3A_873 = tpu.vector_load %arg7[%get3A_871, %get3A_872] {strides = array<i32>} : memref<672x128xf32, #tpu.memory_space<vmem>>, vector<1x16xf32>,
        %get3A_874 = vector.shape_cast %get3A_873 : vector<1x16xf32> to vector<16xf32>
        %mul3A_875 = arith.mulf %get3A_737, %get3A_874 : vector<16xf32>
        %add3A_876 = arith.constant 1 : i32
        %add3A_877 = arith.addi %add3A_725, %add3A_876 : i32
        %add3A_878 = arith.constant 1 : i32
        %add3A_879 = arith.addi %add3A_877, %add3A_878 : i32
        %get3A_880 = arith.index_cast %add3A_879 : i32 to index
        %get3A_881 = arith.constant 48 : index
        %get3A_882 = tpu.vector_load %arg7[%get3A_880, %get3A_881] {strides = array<i32>} : memref<672x128xf32, #tpu.memory_space<vmem>>, vector<1x16xf32>,
        %get3A_883 = vector.shape_cast %get3A_882 : vector<1x16xf32> to vector<16xf32>
        %mul3A_884 = arith.mulf %get3A_741, %get3A_883 : vector<16xf32>
        %add3A_885 = arith.constant 1 : i32
        %add3A_886 = arith.addi %add3A_725, %add3A_885 : i32
        %add3A_887 = arith.constant 1 : i32
        %add3A_888 = arith.addi %add3A_886, %add3A_887 : i32
        %get3A_889 = arith.index_cast %add3A_888 : i32 to index
        %get3A_890 = arith.constant 64 : index
        %get3A_891 = tpu.vector_load %arg7[%get3A_889, %get3A_890] {strides = array<i32>} : memref<672x128xf32, #tpu.memory_space<vmem>>, vector<1x16xf32>,
        %get3A_892 = vector.shape_cast %get3A_891 : vector<1x16xf32> to vector<16xf32>
        %mul3A_893 = arith.mulf %get3A_745, %get3A_892 : vector<16xf32>
        %add3A_894 = arith.constant 1 : i32
        %add3A_895 = arith.addi %add3A_725, %add3A_894 : i32
        %add3A_896 = arith.constant 1 : i32
        %add3A_897 = arith.addi %add3A_895, %add3A_896 : i32
        %get3A_898 = arith.index_cast %add3A_897 : i32 to index
        %get3A_899 = arith.constant 80 : index
        %get3A_900 = tpu.vector_load %arg7[%get3A_898, %get3A_899] {strides = array<i32>} : memref<672x128xf32, #tpu.memory_space<vmem>>, vector<1x16xf32>,
        %get3A_901 = vector.shape_cast %get3A_900 : vector<1x16xf32> to vector<16xf32>
        %mul3A_902 = arith.mulf %get3A_749, %get3A_901 : vector<16xf32>
        %add3A_903 = arith.constant 1 : i32
        %add3A_904 = arith.addi %add3A_725, %add3A_903 : i32
        %add3A_905 = arith.constant 1 : i32
        %add3A_906 = arith.addi %add3A_904, %add3A_905 : i32
        %get3A_907 = arith.index_cast %add3A_906 : i32 to index
        %get3A_908 = arith.constant 96 : index
        %get3A_909 = tpu.vector_load %arg7[%get3A_907, %get3A_908] {strides = array<i32>} : memref<672x128xf32, #tpu.memory_space<vmem>>, vector<1x16xf32>,
        %get3A_910 = vector.shape_cast %get3A_909 : vector<1x16xf32> to vector<16xf32>
        %mul3A_911 = arith.mulf %get3A_753, %get3A_910 : vector<16xf32>
        %add3A_912 = arith.constant 1 : i32
        %add3A_913 = arith.addi %add3A_725, %add3A_912 : i32
        %add3A_914 = arith.constant 1 : i32
        %add3A_915 = arith.addi %add3A_913, %add3A_914 : i32
        %get3A_916 = arith.index_cast %add3A_915 : i32 to index
        %get3A_917 = arith.constant 112 : index
        %get3A_918 = tpu.vector_load %arg7[%get3A_916, %get3A_917] {strides = array<i32>} : memref<672x128xf32, #tpu.memory_space<vmem>>, vector<1x16xf32>,
        %get3A_919 = vector.shape_cast %get3A_918 : vector<1x16xf32> to vector<16xf32>
        %mul3A_920 = arith.mulf %get3A_757, %get3A_919 : vector<16xf32>
        %add3A_921 = arith.addf %mul3A_857, %mul3A_893 : vector<16xf32>
        %add3A_922 = arith.addf %mul3A_866, %mul3A_902 : vector<16xf32>
        %add3A_923 = arith.addf %mul3A_875, %mul3A_911 : vector<16xf32>
        %add3A_924 = arith.addf %mul3A_884, %mul3A_920 : vector<16xf32>
        %add3A_925 = arith.addf %add3A_921, %add3A_923 : vector<16xf32>
        %add3A_926 = arith.addf %add3A_922, %add3A_924 : vector<16xf32>
        %add3A_927 = arith.addf %add3A_925, %add3A_926 : vector<16xf32>
        %gather3A_928 = vector.shape_cast %broadcast_in_dim3A_4 : vector<16x1xi32> to vector<16xi32>
        %gather3A_929 = tpu.dynamic_gather %add3A_927[%gather3A_928] in [0] : vector<16xf32>, vector<16xi32> -> vector<16xf32>
        %add3A_930 = arith.addf %add3A_927, %gather3A_929 : vector<16xf32>
        %gather3A_931 = vector.shape_cast %broadcast_in_dim3A_8 : vector<16x1xi32> to vector<16xi32>
        %gather3A_932 = tpu.dynamic_gather %add3A_930[%gather3A_931] in [0] : vector<16xf32>, vector<16xi32> -> vector<16xf32>
        %add3A_933 = arith.addf %add3A_930, %gather3A_932 : vector<16xf32>
        %gather3A_934 = vector.shape_cast %broadcast_in_dim3A_12 : vector<16x1xi32> to vector<16xi32>
        %gather3A_935 = tpu.dynamic_gather %add3A_933[%gather3A_934] in [0] : vector<16xf32>, vector<16xi32> -> vector<16xf32>
        %add3A_936 = arith.addf %add3A_933, %gather3A_935 : vector<16xf32>
        %gather3A_937 = vector.shape_cast %broadcast_in_dim3A_16 : vector<16x1xi32> to vector<16xi32>
        %gather3A_938 = tpu.dynamic_gather %add3A_936[%gather3A_937] in [0] : vector<16xf32>, vector<16xi32> -> vector<16xf32>
        %add3A_939 = arith.addf %add3A_936, %gather3A_938 : vector<16xf32>
        %add3A_940 = arith.constant 1 : i32
        %add3A_941 = arith.addi %add3A_725, %add3A_940 : i32
        %add3A_942 = arith.constant 2 : i32
        %add3A_943 = arith.addi %add3A_941, %add3A_942 : i32
        %get3A_944 = arith.index_cast %add3A_943 : i32 to index
        %get3A_945 = arith.constant 0 : index
        %get3A_946 = tpu.vector_load %arg7[%get3A_944, %get3A_945] {strides = array<i32>} : memref<672x128xf32, #tpu.memory_space<vmem>>, vector<1x16xf32>,
        %get3A_947 = vector.shape_cast %get3A_946 : vector<1x16xf32> to vector<16xf32>
        %mul3A_948 = arith.mulf %get3A_729, %get3A_947 : vector<16xf32>
        %add3A_949 = arith.constant 1 : i32
        %add3A_950 = arith.addi %add3A_725, %add3A_949 : i32
        %add3A_951 = arith.constant 2 : i32
        %add3A_952 = arith.addi %add3A_950, %add3A_951 : i32
        %get3A_953 = arith.index_cast %add3A_952 : i32 to index
        %get3A_954 = arith.constant 16 : index
        %get3A_955 = tpu.vector_load %arg7[%get3A_953, %get3A_954] {strides = array<i32>} : memref<672x128xf32, #tpu.memory_space<vmem>>, vector<1x16xf32>,
        %get3A_956 = vector.shape_cast %get3A_955 : vector<1x16xf32> to vector<16xf32>
        %mul3A_957 = arith.mulf %get3A_733, %get3A_956 : vector<16xf32>
        %add3A_958 = arith.constant 1 : i32
        %add3A_959 = arith.addi %add3A_725, %add3A_958 : i32
        %add3A_960 = arith.constant 2 : i32
        %add3A_961 = arith.addi %add3A_959, %add3A_960 : i32
        %get3A_962 = arith.index_cast %add3A_961 : i32 to index
        %get3A_963 = arith.constant 32 : index
        %get3A_964 = tpu.vector_load %arg7[%get3A_962, %get3A_963] {strides = array<i32>} : memref<672x128xf32, #tpu.memory_space<vmem>>, vector<1x16xf32>,
        %get3A_965 = vector.shape_cast %get3A_964 : vector<1x16xf32> to vector<16xf32>
        %mul3A_966 = arith.mulf %get3A_737, %get3A_965 : vector<16xf32>
        %add3A_967 = arith.constant 1 : i32
        %add3A_968 = arith.addi %add3A_725, %add3A_967 : i32
        %add3A_969 = arith.constant 2 : i32
        %add3A_970 = arith.addi %add3A_968, %add3A_969 : i32
        %get3A_971 = arith.index_cast %add3A_970 : i32 to index
        %get3A_972 = arith.constant 48 : index
        %get3A_973 = tpu.vector_load %arg7[%get3A_971, %get3A_972] {strides = array<i32>} : memref<672x128xf32, #tpu.memory_space<vmem>>, vector<1x16xf32>,
        %get3A_974 = vector.shape_cast %get3A_973 : vector<1x16xf32> to vector<16xf32>
        %mul3A_975 = arith.mulf %get3A_741, %get3A_974 : vector<16xf32>
        %add3A_976 = arith.constant 1 : i32
        %add3A_977 = arith.addi %add3A_725, %add3A_976 : i32
        %add3A_978 = arith.constant 2 : i32
        %add3A_979 = arith.addi %add3A_977, %add3A_978 : i32
        %get3A_980 = arith.index_cast %add3A_979 : i32 to index
        %get3A_981 = arith.constant 64 : index
        %get3A_982 = tpu.vector_load %arg7[%get3A_980, %get3A_981] {strides = array<i32>} : memref<672x128xf32, #tpu.memory_space<vmem>>, vector<1x16xf32>,
        %get3A_983 = vector.shape_cast %get3A_982 : vector<1x16xf32> to vector<16xf32>
        %mul3A_984 = arith.mulf %get3A_745, %get3A_983 : vector<16xf32>
        %add3A_985 = arith.constant 1 : i32
        %add3A_986 = arith.addi %add3A_725, %add3A_985 : i32
        %add3A_987 = arith.constant 2 : i32
        %add3A_988 = arith.addi %add3A_986, %add3A_987 : i32
        %get3A_989 = arith.index_cast %add3A_988 : i32 to index
        %get3A_990 = arith.constant 80 : index
        %get3A_991 = tpu.vector_load %arg7[%get3A_989, %get3A_990] {strides = array<i32>} : memref<672x128xf32, #tpu.memory_space<vmem>>, vector<1x16xf32>,
        %get3A_992 = vector.shape_cast %get3A_991 : vector<1x16xf32> to vector<16xf32>
        %mul3A_993 = arith.mulf %get3A_749, %get3A_992 : vector<16xf32>
        %add3A_994 = arith.constant 1 : i32
        %add3A_995 = arith.addi %add3A_725, %add3A_994 : i32
        %add3A_996 = arith.constant 2 : i32
        %add3A_997 = arith.addi %add3A_995, %add3A_996 : i32
        %get3A_998 = arith.index_cast %add3A_997 : i32 to index
        %get3A_999 = arith.constant 96 : index
        %get3A_1000 = tpu.vector_load %arg7[%get3A_998, %get3A_999] {strides = array<i32>} : memref<672x128xf32, #tpu.memory_space<vmem>>, vector<1x16xf32>,
        %get3A_1001 = vector.shape_cast %get3A_1000 : vector<1x16xf32> to vector<16xf32>
        %mul3A_1002 = arith.mulf %get3A_753, %get3A_1001 : vector<16xf32>
        %add3A_1003 = arith.constant 1 : i32
        %add3A_1004 = arith.addi %add3A_725, %add3A_1003 : i32
        %add3A_1005 = arith.constant 2 : i32
        %add3A_1006 = arith.addi %add3A_1004, %add3A_1005 : i32
        %get3A_1007 = arith.index_cast %add3A_1006 : i32 to index
        %get3A_1008 = arith.constant 112 : index
        %get3A_1009 = tpu.vector_load %arg7[%get3A_1007, %get3A_1008] {strides = array<i32>} : memref<672x128xf32, #tpu.memory_space<vmem>>, vector<1x16xf32>,
        %get3A_1010 = vector.shape_cast %get3A_1009 : vector<1x16xf32> to vector<16xf32>
        %mul3A_1011 = arith.mulf %get3A_757, %get3A_1010 : vector<16xf32>
        %add3A_1012 = arith.addf %mul3A_948, %mul3A_984 : vector<16xf32>
        %add3A_1013 = arith.addf %mul3A_957, %mul3A_993 : vector<16xf32>
        %add3A_1014 = arith.addf %mul3A_966, %mul3A_1002 : vector<16xf32>
        %add3A_1015 = arith.addf %mul3A_975, %mul3A_1011 : vector<16xf32>
        %add3A_1016 = arith.addf %add3A_1012, %add3A_1014 : vector<16xf32>
        %add3A_1017 = arith.addf %add3A_1013, %add3A_1015 : vector<16xf32>
        %add3A_1018 = arith.addf %add3A_1016, %add3A_1017 : vector<16xf32>
        %gather3A_1019 = vector.shape_cast %broadcast_in_dim3A_4 : vector<16x1xi32> to vector<16xi32>
        %gather3A_1020 = tpu.dynamic_gather %add3A_1018[%gather3A_1019] in [0] : vector<16xf32>, vector<16xi32> -> vector<16xf32>
        %add3A_1021 = arith.addf %add3A_1018, %gather3A_1020 : vector<16xf32>
        %gather3A_1022 = vector.shape_cast %broadcast_in_dim3A_8 : vector<16x1xi32> to vector<16xi32>
        %gather3A_1023 = tpu.dynamic_gather %add3A_1021[%gather3A_1022] in [0] : vector<16xf32>, vector<16xi32> -> vector<16xf32>
        %add3A_1024 = arith.addf %add3A_1021, %gather3A_1023 : vector<16xf32>
        %gather3A_1025 = vector.shape_cast %broadcast_in_dim3A_12 : vector<16x1xi32> to vector<16xi32>
        %gather3A_1026 = tpu.dynamic_gather %add3A_1024[%gather3A_1025] in [0] : vector<16xf32>, vector<16xi32> -> vector<16xf32>
        %add3A_1027 = arith.addf %add3A_1024, %gather3A_1026 : vector<16xf32>
        %gather3A_1028 = vector.shape_cast %broadcast_in_dim3A_16 : vector<16x1xi32> to vector<16xi32>
        %gather3A_1029 = tpu.dynamic_gather %add3A_1027[%gather3A_1028] in [0] : vector<16xf32>, vector<16xi32> -> vector<16xf32>
        %add3A_1030 = arith.addf %add3A_1027, %gather3A_1029 : vector<16xf32>
        %add3A_1031 = arith.constant 1 : i32
        %add3A_1032 = arith.addi %add3A_725, %add3A_1031 : i32
        %add3A_1033 = arith.constant 3 : i32
        %add3A_1034 = arith.addi %add3A_1032, %add3A_1033 : i32
        %get3A_1035 = arith.index_cast %add3A_1034 : i32 to index
        %get3A_1036 = arith.constant 0 : index
        %get3A_1037 = tpu.vector_load %arg7[%get3A_1035, %get3A_1036] {strides = array<i32>} : memref<672x128xf32, #tpu.memory_space<vmem>>, vector<1x16xf32>,
        %get3A_1038 = vector.shape_cast %get3A_1037 : vector<1x16xf32> to vector<16xf32>
        %mul3A_1039 = arith.mulf %get3A_729, %get3A_1038 : vector<16xf32>
        %add3A_1040 = arith.constant 1 : i32
        %add3A_1041 = arith.addi %add3A_725, %add3A_1040 : i32
        %add3A_1042 = arith.constant 3 : i32
        %add3A_1043 = arith.addi %add3A_1041, %add3A_1042 : i32
        %get3A_1044 = arith.index_cast %add3A_1043 : i32 to index
        %get3A_1045 = arith.constant 16 : index
        %get3A_1046 = tpu.vector_load %arg7[%get3A_1044, %get3A_1045] {strides = array<i32>} : memref<672x128xf32, #tpu.memory_space<vmem>>, vector<1x16xf32>,
        %get3A_1047 = vector.shape_cast %get3A_1046 : vector<1x16xf32> to vector<16xf32>
        %mul3A_1048 = arith.mulf %get3A_733, %get3A_1047 : vector<16xf32>
        %add3A_1049 = arith.constant 1 : i32
        %add3A_1050 = arith.addi %add3A_725, %add3A_1049 : i32
        %add3A_1051 = arith.constant 3 : i32
        %add3A_1052 = arith.addi %add3A_1050, %add3A_1051 : i32
        %get3A_1053 = arith.index_cast %add3A_1052 : i32 to index
        %get3A_1054 = arith.constant 32 : index
        %get3A_1055 = tpu.vector_load %arg7[%get3A_1053, %get3A_1054] {strides = array<i32>} : memref<672x128xf32, #tpu.memory_space<vmem>>, vector<1x16xf32>,
        %get3A_1056 = vector.shape_cast %get3A_1055 : vector<1x16xf32> to vector<16xf32>
        %mul3A_1057 = arith.mulf %get3A_737, %get3A_1056 : vector<16xf32>
        %add3A_1058 = arith.constant 1 : i32
        %add3A_1059 = arith.addi %add3A_725, %add3A_1058 : i32
        %add3A_1060 = arith.constant 3 : i32
        %add3A_1061 = arith.addi %add3A_1059, %add3A_1060 : i32
        %get3A_1062 = arith.index_cast %add3A_1061 : i32 to index
        %get3A_1063 = arith.constant 48 : index
        %get3A_1064 = tpu.vector_load %arg7[%get3A_1062, %get3A_1063] {strides = array<i32>} : memref<672x128xf32, #tpu.memory_space<vmem>>, vector<1x16xf32>,
        %get3A_1065 = vector.shape_cast %get3A_1064 : vector<1x16xf32> to vector<16xf32>
        %mul3A_1066 = arith.mulf %get3A_741, %get3A_1065 : vector<16xf32>
        %add3A_1067 = arith.constant 1 : i32
        %add3A_1068 = arith.addi %add3A_725, %add3A_1067 : i32
        %add3A_1069 = arith.constant 3 : i32
        %add3A_1070 = arith.addi %add3A_1068, %add3A_1069 : i32
        %get3A_1071 = arith.index_cast %add3A_1070 : i32 to index
        %get3A_1072 = arith.constant 64 : index
        %get3A_1073 = tpu.vector_load %arg7[%get3A_1071, %get3A_1072] {strides = array<i32>} : memref<672x128xf32, #tpu.memory_space<vmem>>, vector<1x16xf32>,
        %get3A_1074 = vector.shape_cast %get3A_1073 : vector<1x16xf32> to vector<16xf32>
        %mul3A_1075 = arith.mulf %get3A_745, %get3A_1074 : vector<16xf32>
        %add3A_1076 = arith.constant 1 : i32
        %add3A_1077 = arith.addi %add3A_725, %add3A_1076 : i32
        %add3A_1078 = arith.constant 3 : i32
        %add3A_1079 = arith.addi %add3A_1077, %add3A_1078 : i32
        %get3A_1080 = arith.index_cast %add3A_1079 : i32 to index
        %get3A_1081 = arith.constant 80 : index
        %get3A_1082 = tpu.vector_load %arg7[%get3A_1080, %get3A_1081] {strides = array<i32>} : memref<672x128xf32, #tpu.memory_space<vmem>>, vector<1x16xf32>,
        %get3A_1083 = vector.shape_cast %get3A_1082 : vector<1x16xf32> to vector<16xf32>
        %mul3A_1084 = arith.mulf %get3A_749, %get3A_1083 : vector<16xf32>
        %add3A_1085 = arith.constant 1 : i32
        %add3A_1086 = arith.addi %add3A_725, %add3A_1085 : i32
        %add3A_1087 = arith.constant 3 : i32
        %add3A_1088 = arith.addi %add3A_1086, %add3A_1087 : i32
        %get3A_1089 = arith.index_cast %add3A_1088 : i32 to index
        %get3A_1090 = arith.constant 96 : index
        %get3A_1091 = tpu.vector_load %arg7[%get3A_1089, %get3A_1090] {strides = array<i32>} : memref<672x128xf32, #tpu.memory_space<vmem>>, vector<1x16xf32>,
        %get3A_1092 = vector.shape_cast %get3A_1091 : vector<1x16xf32> to vector<16xf32>
        %mul3A_1093 = arith.mulf %get3A_753, %get3A_1092 : vector<16xf32>
        %add3A_1094 = arith.constant 1 : i32
        %add3A_1095 = arith.addi %add3A_725, %add3A_1094 : i32
        %add3A_1096 = arith.constant 3 : i32
        %add3A_1097 = arith.addi %add3A_1095, %add3A_1096 : i32
        %get3A_1098 = arith.index_cast %add3A_1097 : i32 to index
        %get3A_1099 = arith.constant 112 : index
        %get3A_1100 = tpu.vector_load %arg7[%get3A_1098, %get3A_1099] {strides = array<i32>} : memref<672x128xf32, #tpu.memory_space<vmem>>, vector<1x16xf32>,
        %get3A_1101 = vector.shape_cast %get3A_1100 : vector<1x16xf32> to vector<16xf32>
        %mul3A_1102 = arith.mulf %get3A_757, %get3A_1101 : vector<16xf32>
        %add3A_1103 = arith.addf %mul3A_1039, %mul3A_1075 : vector<16xf32>
        %add3A_1104 = arith.addf %mul3A_1048, %mul3A_1084 : vector<16xf32>
        %add3A_1105 = arith.addf %mul3A_1057, %mul3A_1093 : vector<16xf32>
        %add3A_1106 = arith.addf %mul3A_1066, %mul3A_1102 : vector<16xf32>
        %add3A_1107 = arith.addf %add3A_1103, %add3A_1105 : vector<16xf32>
        %add3A_1108 = arith.addf %add3A_1104, %add3A_1106 : vector<16xf32>
        %add3A_1109 = arith.addf %add3A_1107, %add3A_1108 : vector<16xf32>
        %gather3A_1110 = vector.shape_cast %broadcast_in_dim3A_4 : vector<16x1xi32> to vector<16xi32>
        %gather3A_1111 = tpu.dynamic_gather %add3A_1109[%gather3A_1110] in [0] : vector<16xf32>, vector<16xi32> -> vector<16xf32>
        %add3A_1112 = arith.addf %add3A_1109, %gather3A_1111 : vector<16xf32>
        %gather3A_1113 = vector.shape_cast %broadcast_in_dim3A_8 : vector<16x1xi32> to vector<16xi32>
        %gather3A_1114 = tpu.dynamic_gather %add3A_1112[%gather3A_1113] in [0] : vector<16xf32>, vector<16xi32> -> vector<16xf32>
        %add3A_1115 = arith.addf %add3A_1112, %gather3A_1114 : vector<16xf32>
        %gather3A_1116 = vector.shape_cast %broadcast_in_dim3A_12 : vector<16x1xi32> to vector<16xi32>
        %gather3A_1117 = tpu.dynamic_gather %add3A_1115[%gather3A_1116] in [0] : vector<16xf32>, vector<16xi32> -> vector<16xf32>
        %add3A_1118 = arith.addf %add3A_1115, %gather3A_1117 : vector<16xf32>
        %gather3A_1119 = vector.shape_cast %broadcast_in_dim3A_16 : vector<16x1xi32> to vector<16xi32>
        %gather3A_1120 = tpu.dynamic_gather %add3A_1118[%gather3A_1119] in [0] : vector<16xf32>, vector<16xi32> -> vector<16xf32>
        %add3A_1121 = arith.addf %add3A_1118, %gather3A_1120 : vector<16xf32>
        %add3A_1122 = arith.constant 1 : i32
        %add3A_1123 = arith.addi %add3A_725, %add3A_1122 : i32
        %add3A_1124 = arith.constant 4 : i32
        %add3A_1125 = arith.addi %add3A_1123, %add3A_1124 : i32
        %get3A_1126 = arith.index_cast %add3A_1125 : i32 to index
        %get3A_1127 = arith.constant 0 : index
        %get3A_1128 = tpu.vector_load %arg7[%get3A_1126, %get3A_1127] {strides = array<i32>} : memref<672x128xf32, #tpu.memory_space<vmem>>, vector<1x16xf32>,
        %get3A_1129 = vector.shape_cast %get3A_1128 : vector<1x16xf32> to vector<16xf32>
        %mul3A_1130 = arith.mulf %get3A_729, %get3A_1129 : vector<16xf32>
        %add3A_1131 = arith.constant 1 : i32
        %add3A_1132 = arith.addi %add3A_725, %add3A_1131 : i32
        %add3A_1133 = arith.constant 4 : i32
        %add3A_1134 = arith.addi %add3A_1132, %add3A_1133 : i32
        %get3A_1135 = arith.index_cast %add3A_1134 : i32 to index
        %get3A_1136 = arith.constant 16 : index
        %get3A_1137 = tpu.vector_load %arg7[%get3A_1135, %get3A_1136] {strides = array<i32>} : memref<672x128xf32, #tpu.memory_space<vmem>>, vector<1x16xf32>,
        %get3A_1138 = vector.shape_cast %get3A_1137 : vector<1x16xf32> to vector<16xf32>
        %mul3A_1139 = arith.mulf %get3A_733, %get3A_1138 : vector<16xf32>
        %add3A_1140 = arith.constant 1 : i32
        %add3A_1141 = arith.addi %add3A_725, %add3A_1140 : i32
        %add3A_1142 = arith.constant 4 : i32
        %add3A_1143 = arith.addi %add3A_1141, %add3A_1142 : i32
        %get3A_1144 = arith.index_cast %add3A_1143 : i32 to index
        %get3A_1145 = arith.constant 32 : index
        %get3A_1146 = tpu.vector_load %arg7[%get3A_1144, %get3A_1145] {strides = array<i32>} : memref<672x128xf32, #tpu.memory_space<vmem>>, vector<1x16xf32>,
        %get3A_1147 = vector.shape_cast %get3A_1146 : vector<1x16xf32> to vector<16xf32>
        %mul3A_1148 = arith.mulf %get3A_737, %get3A_1147 : vector<16xf32>
        %add3A_1149 = arith.constant 1 : i32
        %add3A_1150 = arith.addi %add3A_725, %add3A_1149 : i32
        %add3A_1151 = arith.constant 4 : i32
        %add3A_1152 = arith.addi %add3A_1150, %add3A_1151 : i32
        %get3A_1153 = arith.index_cast %add3A_1152 : i32 to index
        %get3A_1154 = arith.constant 48 : index
        %get3A_1155 = tpu.vector_load %arg7[%get3A_1153, %get3A_1154] {strides = array<i32>} : memref<672x128xf32, #tpu.memory_space<vmem>>, vector<1x16xf32>,
        %get3A_1156 = vector.shape_cast %get3A_1155 : vector<1x16xf32> to vector<16xf32>
        %mul3A_1157 = arith.mulf %get3A_741, %get3A_1156 : vector<16xf32>
        %add3A_1158 = arith.constant 1 : i32
        %add3A_1159 = arith.addi %add3A_725, %add3A_1158 : i32
        %add3A_1160 = arith.constant 4 : i32
        %add3A_1161 = arith.addi %add3A_1159, %add3A_1160 : i32
        %get3A_1162 = arith.index_cast %add3A_1161 : i32 to index
        %get3A_1163 = arith.constant 64 : index
        %get3A_1164 = tpu.vector_load %arg7[%get3A_1162, %get3A_1163] {strides = array<i32>} : memref<672x128xf32, #tpu.memory_space<vmem>>, vector<1x16xf32>,
        %get3A_1165 = vector.shape_cast %get3A_1164 : vector<1x16xf32> to vector<16xf32>
        %mul3A_1166 = arith.mulf %get3A_745, %get3A_1165 : vector<16xf32>
        %add3A_1167 = arith.constant 1 : i32
        %add3A_1168 = arith.addi %add3A_725, %add3A_1167 : i32
        %add3A_1169 = arith.constant 4 : i32
        %add3A_1170 = arith.addi %add3A_1168, %add3A_1169 : i32
        %get3A_1171 = arith.index_cast %add3A_1170 : i32 to index
        %get3A_1172 = arith.constant 80 : index
        %get3A_1173 = tpu.vector_load %arg7[%get3A_1171, %get3A_1172] {strides = array<i32>} : memref<672x128xf32, #tpu.memory_space<vmem>>, vector<1x16xf32>,
        %get3A_1174 = vector.shape_cast %get3A_1173 : vector<1x16xf32> to vector<16xf32>
        %mul3A_1175 = arith.mulf %get3A_749, %get3A_1174 : vector<16xf32>
        %add3A_1176 = arith.constant 1 : i32
        %add3A_1177 = arith.addi %add3A_725, %add3A_1176 : i32
        %add3A_1178 = arith.constant 4 : i32
        %add3A_1179 = arith.addi %add3A_1177, %add3A_1178 : i32
        %get3A_1180 = arith.index_cast %add3A_1179 : i32 to index
        %get3A_1181 = arith.constant 96 : index
        %get3A_1182 = tpu.vector_load %arg7[%get3A_1180, %get3A_1181] {strides = array<i32>} : memref<672x128xf32, #tpu.memory_space<vmem>>, vector<1x16xf32>,
        %get3A_1183 = vector.shape_cast %get3A_1182 : vector<1x16xf32> to vector<16xf32>
        %mul3A_1184 = arith.mulf %get3A_753, %get3A_1183 : vector<16xf32>
        %add3A_1185 = arith.constant 1 : i32
        %add3A_1186 = arith.addi %add3A_725, %add3A_1185 : i32
        %add3A_1187 = arith.constant 4 : i32
        %add3A_1188 = arith.addi %add3A_1186, %add3A_1187 : i32
        %get3A_1189 = arith.index_cast %add3A_1188 : i32 to index
        %get3A_1190 = arith.constant 112 : index
        %get3A_1191 = tpu.vector_load %arg7[%get3A_1189, %get3A_1190] {strides = array<i32>} : memref<672x128xf32, #tpu.memory_space<vmem>>, vector<1x16xf32>,
        %get3A_1192 = vector.shape_cast %get3A_1191 : vector<1x16xf32> to vector<16xf32>
        %mul3A_1193 = arith.mulf %get3A_757, %get3A_1192 : vector<16xf32>
        %add3A_1194 = arith.addf %mul3A_1130, %mul3A_1166 : vector<16xf32>
        %add3A_1195 = arith.addf %mul3A_1139, %mul3A_1175 : vector<16xf32>
        %add3A_1196 = arith.addf %mul3A_1148, %mul3A_1184 : vector<16xf32>
        %add3A_1197 = arith.addf %mul3A_1157, %mul3A_1193 : vector<16xf32>
        %add3A_1198 = arith.addf %add3A_1194, %add3A_1196 : vector<16xf32>
        %add3A_1199 = arith.addf %add3A_1195, %add3A_1197 : vector<16xf32>
        %add3A_1200 = arith.addf %add3A_1198, %add3A_1199 : vector<16xf32>
        %gather3A_1201 = vector.shape_cast %broadcast_in_dim3A_4 : vector<16x1xi32> to vector<16xi32>
        %gather3A_1202 = tpu.dynamic_gather %add3A_1200[%gather3A_1201] in [0] : vector<16xf32>, vector<16xi32> -> vector<16xf32>
        %add3A_1203 = arith.addf %add3A_1200, %gather3A_1202 : vector<16xf32>
        %gather3A_1204 = vector.shape_cast %broadcast_in_dim3A_8 : vector<16x1xi32> to vector<16xi32>
        %gather3A_1205 = tpu.dynamic_gather %add3A_1203[%gather3A_1204] in [0] : vector<16xf32>, vector<16xi32> -> vector<16xf32>
        %add3A_1206 = arith.addf %add3A_1203, %gather3A_1205 : vector<16xf32>
        %gather3A_1207 = vector.shape_cast %broadcast_in_dim3A_12 : vector<16x1xi32> to vector<16xi32>
        %gather3A_1208 = tpu.dynamic_gather %add3A_1206[%gather3A_1207] in [0] : vector<16xf32>, vector<16xi32> -> vector<16xf32>
        %add3A_1209 = arith.addf %add3A_1206, %gather3A_1208 : vector<16xf32>
        %gather3A_1210 = vector.shape_cast %broadcast_in_dim3A_16 : vector<16x1xi32> to vector<16xi32>
        %gather3A_1211 = tpu.dynamic_gather %add3A_1209[%gather3A_1210] in [0] : vector<16xf32>, vector<16xi32> -> vector<16xf32>
        %add3A_1212 = arith.addf %add3A_1209, %gather3A_1211 : vector<16xf32>
        %add3A_1213 = arith.constant 1 : i32
        %add3A_1214 = arith.addi %add3A_725, %add3A_1213 : i32
        %add3A_1215 = arith.constant 5 : i32
        %add3A_1216 = arith.addi %add3A_1214, %add3A_1215 : i32
        %get3A_1217 = arith.index_cast %add3A_1216 : i32 to index
        %get3A_1218 = arith.constant 0 : index
        %get3A_1219 = tpu.vector_load %arg7[%get3A_1217, %get3A_1218] {strides = array<i32>} : memref<672x128xf32, #tpu.memory_space<vmem>>, vector<1x16xf32>,
        %get3A_1220 = vector.shape_cast %get3A_1219 : vector<1x16xf32> to vector<16xf32>
        %mul3A_1221 = arith.mulf %get3A_729, %get3A_1220 : vector<16xf32>
        %add3A_1222 = arith.constant 1 : i32
        %add3A_1223 = arith.addi %add3A_725, %add3A_1222 : i32
        %add3A_1224 = arith.constant 5 : i32
        %add3A_1225 = arith.addi %add3A_1223, %add3A_1224 : i32
        %get3A_1226 = arith.index_cast %add3A_1225 : i32 to index
        %get3A_1227 = arith.constant 16 : index
        %get3A_1228 = tpu.vector_load %arg7[%get3A_1226, %get3A_1227] {strides = array<i32>} : memref<672x128xf32, #tpu.memory_space<vmem>>, vector<1x16xf32>,
        %get3A_1229 = vector.shape_cast %get3A_1228 : vector<1x16xf32> to vector<16xf32>
        %mul3A_1230 = arith.mulf %get3A_733, %get3A_1229 : vector<16xf32>
        %add3A_1231 = arith.constant 1 : i32
        %add3A_1232 = arith.addi %add3A_725, %add3A_1231 : i32
        %add3A_1233 = arith.constant 5 : i32
        %add3A_1234 = arith.addi %add3A_1232, %add3A_1233 : i32
        %get3A_1235 = arith.index_cast %add3A_1234 : i32 to index
        %get3A_1236 = arith.constant 32 : index
        %get3A_1237 = tpu.vector_load %arg7[%get3A_1235, %get3A_1236] {strides = array<i32>} : memref<672x128xf32, #tpu.memory_space<vmem>>, vector<1x16xf32>,
        %get3A_1238 = vector.shape_cast %get3A_1237 : vector<1x16xf32> to vector<16xf32>
        %mul3A_1239 = arith.mulf %get3A_737, %get3A_1238 : vector<16xf32>
        %add3A_1240 = arith.constant 1 : i32
        %add3A_1241 = arith.addi %add3A_725, %add3A_1240 : i32
        %add3A_1242 = arith.constant 5 : i32
        %add3A_1243 = arith.addi %add3A_1241, %add3A_1242 : i32
        %get3A_1244 = arith.index_cast %add3A_1243 : i32 to index
        %get3A_1245 = arith.constant 48 : index
        %get3A_1246 = tpu.vector_load %arg7[%get3A_1244, %get3A_1245] {strides = array<i32>} : memref<672x128xf32, #tpu.memory_space<vmem>>, vector<1x16xf32>,
        %get3A_1247 = vector.shape_cast %get3A_1246 : vector<1x16xf32> to vector<16xf32>
        %mul3A_1248 = arith.mulf %get3A_741, %get3A_1247 : vector<16xf32>
        %add3A_1249 = arith.constant 1 : i32
        %add3A_1250 = arith.addi %add3A_725, %add3A_1249 : i32
        %add3A_1251 = arith.constant 5 : i32
        %add3A_1252 = arith.addi %add3A_1250, %add3A_1251 : i32
        %get3A_1253 = arith.index_cast %add3A_1252 : i32 to index
        %get3A_1254 = arith.constant 64 : index
        %get3A_1255 = tpu.vector_load %arg7[%get3A_1253, %get3A_1254] {strides = array<i32>} : memref<672x128xf32, #tpu.memory_space<vmem>>, vector<1x16xf32>,
        %get3A_1256 = vector.shape_cast %get3A_1255 : vector<1x16xf32> to vector<16xf32>
        %mul3A_1257 = arith.mulf %get3A_745, %get3A_1256 : vector<16xf32>
        %add3A_1258 = arith.constant 1 : i32
        %add3A_1259 = arith.addi %add3A_725, %add3A_1258 : i32
        %add3A_1260 = arith.constant 5 : i32
        %add3A_1261 = arith.addi %add3A_1259, %add3A_1260 : i32
        %get3A_1262 = arith.index_cast %add3A_1261 : i32 to index
        %get3A_1263 = arith.constant 80 : index
        %get3A_1264 = tpu.vector_load %arg7[%get3A_1262, %get3A_1263] {strides = array<i32>} : memref<672x128xf32, #tpu.memory_space<vmem>>, vector<1x16xf32>,
        %get3A_1265 = vector.shape_cast %get3A_1264 : vector<1x16xf32> to vector<16xf32>
        %mul3A_1266 = arith.mulf %get3A_749, %get3A_1265 : vector<16xf32>
        %add3A_1267 = arith.constant 1 : i32
        %add3A_1268 = arith.addi %add3A_725, %add3A_1267 : i32
        %add3A_1269 = arith.constant 5 : i32
        %add3A_1270 = arith.addi %add3A_1268, %add3A_1269 : i32
        %get3A_1271 = arith.index_cast %add3A_1270 : i32 to index
        %get3A_1272 = arith.constant 96 : index
        %get3A_1273 = tpu.vector_load %arg7[%get3A_1271, %get3A_1272] {strides = array<i32>} : memref<672x128xf32, #tpu.memory_space<vmem>>, vector<1x16xf32>,
        %get3A_1274 = vector.shape_cast %get3A_1273 : vector<1x16xf32> to vector<16xf32>
        %mul3A_1275 = arith.mulf %get3A_753, %get3A_1274 : vector<16xf32>
        %add3A_1276 = arith.constant 1 : i32
        %add3A_1277 = arith.addi %add3A_725, %add3A_1276 : i32
        %add3A_1278 = arith.constant 5 : i32
        %add3A_1279 = arith.addi %add3A_1277, %add3A_1278 : i32
        %get3A_1280 = arith.index_cast %add3A_1279 : i32 to index
        %get3A_1281 = arith.constant 112 : index
        %get3A_1282 = tpu.vector_load %arg7[%get3A_1280, %get3A_1281] {strides = array<i32>} : memref<672x128xf32, #tpu.memory_space<vmem>>, vector<1x16xf32>,
        %get3A_1283 = vector.shape_cast %get3A_1282 : vector<1x16xf32> to vector<16xf32>
        %mul3A_1284 = arith.mulf %get3A_757, %get3A_1283 : vector<16xf32>
        %add3A_1285 = arith.addf %mul3A_1221, %mul3A_1257 : vector<16xf32>
        %add3A_1286 = arith.addf %mul3A_1230, %mul3A_1266 : vector<16xf32>
        %add3A_1287 = arith.addf %mul3A_1239, %mul3A_1275 : vector<16xf32>
        %add3A_1288 = arith.addf %mul3A_1248, %mul3A_1284 : vector<16xf32>
        %add3A_1289 = arith.addf %add3A_1285, %add3A_1287 : vector<16xf32>
        %add3A_1290 = arith.addf %add3A_1286, %add3A_1288 : vector<16xf32>
        %add3A_1291 = arith.addf %add3A_1289, %add3A_1290 : vector<16xf32>
        %gather3A_1292 = vector.shape_cast %broadcast_in_dim3A_4 : vector<16x1xi32> to vector<16xi32>
        %gather3A_1293 = tpu.dynamic_gather %add3A_1291[%gather3A_1292] in [0] : vector<16xf32>, vector<16xi32> -> vector<16xf32>
        %add3A_1294 = arith.addf %add3A_1291, %gather3A_1293 : vector<16xf32>
        %gather3A_1295 = vector.shape_cast %broadcast_in_dim3A_8 : vector<16x1xi32> to vector<16xi32>
        %gather3A_1296 = tpu.dynamic_gather %add3A_1294[%gather3A_1295] in [0] : vector<16xf32>, vector<16xi32> -> vector<16xf32>
        %add3A_1297 = arith.addf %add3A_1294, %gather3A_1296 : vector<16xf32>
        %gather3A_1298 = vector.shape_cast %broadcast_in_dim3A_12 : vector<16x1xi32> to vector<16xi32>
        %gather3A_1299 = tpu.dynamic_gather %add3A_1297[%gather3A_1298] in [0] : vector<16xf32>, vector<16xi32> -> vector<16xf32>
        %add3A_1300 = arith.addf %add3A_1297, %gather3A_1299 : vector<16xf32>
        %gather3A_1301 = vector.shape_cast %broadcast_in_dim3A_16 : vector<16x1xi32> to vector<16xi32>
        %gather3A_1302 = tpu.dynamic_gather %add3A_1300[%gather3A_1301] in [0] : vector<16xf32>, vector<16xi32> -> vector<16xf32>
        %add3A_1303 = arith.addf %add3A_1300, %gather3A_1302 : vector<16xf32>
        %mul3A_1304 = arith.constant 8 : i32
        %mul3A_1305 = arith.muli %add3A_135, %mul3A_1304 : i32
        %add3A_1306 = arith.constant 2 : i32
        %add3A_1307 = arith.addi %mul3A_1305, %add3A_1306 : i32
        %mul3A_1308 = arith.constant 7 : i32
        %mul3A_1309 = arith.muli %add3A_1307, %mul3A_1308 : i32
        %add3A_1310 = arith.addi %mul3A_125, %mul3A_1309 : i32
        %get3A_1311 = arith.index_cast %add3A_1310 : i32 to index
        %get3A_1312 = arith.constant 0 : index
        %get3A_1313 = tpu.vector_load %arg7[%get3A_1311, %get3A_1312] {strides = array<i32>} : memref<672x128xf32, #tpu.memory_space<vmem>>, vector<1x16xf32>,
        %get3A_1314 = vector.shape_cast %get3A_1313 : vector<1x16xf32> to vector<16xf32>
        %get3A_1315 = arith.index_cast %add3A_1310 : i32 to index
        %get3A_1316 = arith.constant 16 : index
        %get3A_1317 = tpu.vector_load %arg7[%get3A_1315, %get3A_1316] {strides = array<i32>} : memref<672x128xf32, #tpu.memory_space<vmem>>, vector<1x16xf32>,
        %get3A_1318 = vector.shape_cast %get3A_1317 : vector<1x16xf32> to vector<16xf32>
        %get3A_1319 = arith.index_cast %add3A_1310 : i32 to index
        %get3A_1320 = arith.constant 32 : index
        %get3A_1321 = tpu.vector_load %arg7[%get3A_1319, %get3A_1320] {strides = array<i32>} : memref<672x128xf32, #tpu.memory_space<vmem>>, vector<1x16xf32>,
        %get3A_1322 = vector.shape_cast %get3A_1321 : vector<1x16xf32> to vector<16xf32>
        %get3A_1323 = arith.index_cast %add3A_1310 : i32 to index
        %get3A_1324 = arith.constant 48 : index
        %get3A_1325 = tpu.vector_load %arg7[%get3A_1323, %get3A_1324] {strides = array<i32>} : memref<672x128xf32, #tpu.memory_space<vmem>>, vector<1x16xf32>,
        %get3A_1326 = vector.shape_cast %get3A_1325 : vector<1x16xf32> to vector<16xf32>
        %get3A_1327 = arith.index_cast %add3A_1310 : i32 to index
        %get3A_1328 = arith.constant 64 : index
        %get3A_1329 = tpu.vector_load %arg7[%get3A_1327, %get3A_1328] {strides = array<i32>} : memref<672x128xf32, #tpu.memory_space<vmem>>, vector<1x16xf32>,
        %get3A_1330 = vector.shape_cast %get3A_1329 : vector<1x16xf32> to vector<16xf32>
        %get3A_1331 = arith.index_cast %add3A_1310 : i32 to index
        %get3A_1332 = arith.constant 80 : index
        %get3A_1333 = tpu.vector_load %arg7[%get3A_1331, %get3A_1332] {strides = array<i32>} : memref<672x128xf32, #tpu.memory_space<vmem>>, vector<1x16xf32>,
        %get3A_1334 = vector.shape_cast %get3A_1333 : vector<1x16xf32> to vector<16xf32>
        %get3A_1335 = arith.index_cast %add3A_1310 : i32 to index
        %get3A_1336 = arith.constant 96 : index
        %get3A_1337 = tpu.vector_load %arg7[%get3A_1335, %get3A_1336] {strides = array<i32>} : memref<672x128xf32, #tpu.memory_space<vmem>>, vector<1x16xf32>,
        %get3A_1338 = vector.shape_cast %get3A_1337 : vector<1x16xf32> to vector<16xf32>
        %get3A_1339 = arith.index_cast %add3A_1310 : i32 to index
        %get3A_1340 = arith.constant 112 : index
        %get3A_1341 = tpu.vector_load %arg7[%get3A_1339, %get3A_1340] {strides = array<i32>} : memref<672x128xf32, #tpu.memory_space<vmem>>, vector<1x16xf32>,
        %get3A_1342 = vector.shape_cast %get3A_1341 : vector<1x16xf32> to vector<16xf32>
        %add3A_1343 = arith.constant 1 : i32
        %add3A_1344 = arith.addi %add3A_1310, %add3A_1343 : i32
        %add3A_1345 = arith.constant 0 : i32
        %add3A_1346 = arith.addi %add3A_1344, %add3A_1345 : i32
        %get3A_1347 = arith.index_cast %add3A_1346 : i32 to index
        %get3A_1348 = arith.constant 0 : index
        %get3A_1349 = tpu.vector_load %arg7[%get3A_1347, %get3A_1348] {strides = array<i32>} : memref<672x128xf32, #tpu.memory_space<vmem>>, vector<1x16xf32>,
        %get3A_1350 = vector.shape_cast %get3A_1349 : vector<1x16xf32> to vector<16xf32>
        %mul3A_1351 = arith.mulf %get3A_1314, %get3A_1350 : vector<16xf32>
        %add3A_1352 = arith.constant 1 : i32
        %add3A_1353 = arith.addi %add3A_1310, %add3A_1352 : i32
        %add3A_1354 = arith.constant 0 : i32
        %add3A_1355 = arith.addi %add3A_1353, %add3A_1354 : i32
        %get3A_1356 = arith.index_cast %add3A_1355 : i32 to index
        %get3A_1357 = arith.constant 16 : index
        %get3A_1358 = tpu.vector_load %arg7[%get3A_1356, %get3A_1357] {strides = array<i32>} : memref<672x128xf32, #tpu.memory_space<vmem>>, vector<1x16xf32>,
        %get3A_1359 = vector.shape_cast %get3A_1358 : vector<1x16xf32> to vector<16xf32>
        %mul3A_1360 = arith.mulf %get3A_1318, %get3A_1359 : vector<16xf32>
        %add3A_1361 = arith.constant 1 : i32
        %add3A_1362 = arith.addi %add3A_1310, %add3A_1361 : i32
        %add3A_1363 = arith.constant 0 : i32
        %add3A_1364 = arith.addi %add3A_1362, %add3A_1363 : i32
        %get3A_1365 = arith.index_cast %add3A_1364 : i32 to index
        %get3A_1366 = arith.constant 32 : index
        %get3A_1367 = tpu.vector_load %arg7[%get3A_1365, %get3A_1366] {strides = array<i32>} : memref<672x128xf32, #tpu.memory_space<vmem>>, vector<1x16xf32>,
        %get3A_1368 = vector.shape_cast %get3A_1367 : vector<1x16xf32> to vector<16xf32>
        %mul3A_1369 = arith.mulf %get3A_1322, %get3A_1368 : vector<16xf32>
        %add3A_1370 = arith.constant 1 : i32
        %add3A_1371 = arith.addi %add3A_1310, %add3A_1370 : i32
        %add3A_1372 = arith.constant 0 : i32
        %add3A_1373 = arith.addi %add3A_1371, %add3A_1372 : i32
        %get3A_1374 = arith.index_cast %add3A_1373 : i32 to index
        %get3A_1375 = arith.constant 48 : index
        %get3A_1376 = tpu.vector_load %arg7[%get3A_1374, %get3A_1375] {strides = array<i32>} : memref<672x128xf32, #tpu.memory_space<vmem>>, vector<1x16xf32>,
        %get3A_1377 = vector.shape_cast %get3A_1376 : vector<1x16xf32> to vector<16xf32>
        %mul3A_1378 = arith.mulf %get3A_1326, %get3A_1377 : vector<16xf32>
        %add3A_1379 = arith.constant 1 : i32
        %add3A_1380 = arith.addi %add3A_1310, %add3A_1379 : i32
        %add3A_1381 = arith.constant 0 : i32
        %add3A_1382 = arith.addi %add3A_1380, %add3A_1381 : i32
        %get3A_1383 = arith.index_cast %add3A_1382 : i32 to index
        %get3A_1384 = arith.constant 64 : index
        %get3A_1385 = tpu.vector_load %arg7[%get3A_1383, %get3A_1384] {strides = array<i32>} : memref<672x128xf32, #tpu.memory_space<vmem>>, vector<1x16xf32>,
        %get3A_1386 = vector.shape_cast %get3A_1385 : vector<1x16xf32> to vector<16xf32>
        %mul3A_1387 = arith.mulf %get3A_1330, %get3A_1386 : vector<16xf32>
        %add3A_1388 = arith.constant 1 : i32
        %add3A_1389 = arith.addi %add3A_1310, %add3A_1388 : i32
        %add3A_1390 = arith.constant 0 : i32
        %add3A_1391 = arith.addi %add3A_1389, %add3A_1390 : i32
        %get3A_1392 = arith.index_cast %add3A_1391 : i32 to index
        %get3A_1393 = arith.constant 80 : index
        %get3A_1394 = tpu.vector_load %arg7[%get3A_1392, %get3A_1393] {strides = array<i32>} : memref<672x128xf32, #tpu.memory_space<vmem>>, vector<1x16xf32>,
        %get3A_1395 = vector.shape_cast %get3A_1394 : vector<1x16xf32> to vector<16xf32>
        %mul3A_1396 = arith.mulf %get3A_1334, %get3A_1395 : vector<16xf32>
        %add3A_1397 = arith.constant 1 : i32
        %add3A_1398 = arith.addi %add3A_1310, %add3A_1397 : i32
        %add3A_1399 = arith.constant 0 : i32
        %add3A_1400 = arith.addi %add3A_1398, %add3A_1399 : i32
        %get3A_1401 = arith.index_cast %add3A_1400 : i32 to index
        %get3A_1402 = arith.constant 96 : index
        %get3A_1403 = tpu.vector_load %arg7[%get3A_1401, %get3A_1402] {strides = array<i32>} : memref<672x128xf32, #tpu.memory_space<vmem>>, vector<1x16xf32>,
        %get3A_1404 = vector.shape_cast %get3A_1403 : vector<1x16xf32> to vector<16xf32>
        %mul3A_1405 = arith.mulf %get3A_1338, %get3A_1404 : vector<16xf32>
        %add3A_1406 = arith.constant 1 : i32
        %add3A_1407 = arith.addi %add3A_1310, %add3A_1406 : i32
        %add3A_1408 = arith.constant 0 : i32
        %add3A_1409 = arith.addi %add3A_1407, %add3A_1408 : i32
        %get3A_1410 = arith.index_cast %add3A_1409 : i32 to index
        %get3A_1411 = arith.constant 112 : index
        %get3A_1412 = tpu.vector_load %arg7[%get3A_1410, %get3A_1411] {strides = array<i32>} : memref<672x128xf32, #tpu.memory_space<vmem>>, vector<1x16xf32>,
        %get3A_1413 = vector.shape_cast %get3A_1412 : vector<1x16xf32> to vector<16xf32>
        %mul3A_1414 = arith.mulf %get3A_1342, %get3A_1413 : vector<16xf32>
        %add3A_1415 = arith.addf %mul3A_1351, %mul3A_1387 : vector<16xf32>
        %add3A_1416 = arith.addf %mul3A_1360, %mul3A_1396 : vector<16xf32>
        %add3A_1417 = arith.addf %mul3A_1369, %mul3A_1405 : vector<16xf32>
        %add3A_1418 = arith.addf %mul3A_1378, %mul3A_1414 : vector<16xf32>
        %add3A_1419 = arith.addf %add3A_1415, %add3A_1417 : vector<16xf32>
        %add3A_1420 = arith.addf %add3A_1416, %add3A_1418 : vector<16xf32>
        %add3A_1421 = arith.addf %add3A_1419, %add3A_1420 : vector<16xf32>
        %gather3A_1422 = vector.shape_cast %broadcast_in_dim3A_4 : vector<16x1xi32> to vector<16xi32>
        %gather3A_1423 = tpu.dynamic_gather %add3A_1421[%gather3A_1422] in [0] : vector<16xf32>, vector<16xi32> -> vector<16xf32>
        %add3A_1424 = arith.addf %add3A_1421, %gather3A_1423 : vector<16xf32>
        %gather3A_1425 = vector.shape_cast %broadcast_in_dim3A_8 : vector<16x1xi32> to vector<16xi32>
        %gather3A_1426 = tpu.dynamic_gather %add3A_1424[%gather3A_1425] in [0] : vector<16xf32>, vector<16xi32> -> vector<16xf32>
        %add3A_1427 = arith.addf %add3A_1424, %gather3A_1426 : vector<16xf32>
        %gather3A_1428 = vector.shape_cast %broadcast_in_dim3A_12 : vector<16x1xi32> to vector<16xi32>
        %gather3A_1429 = tpu.dynamic_gather %add3A_1427[%gather3A_1428] in [0] : vector<16xf32>, vector<16xi32> -> vector<16xf32>
        %add3A_1430 = arith.addf %add3A_1427, %gather3A_1429 : vector<16xf32>
        %gather3A_1431 = vector.shape_cast %broadcast_in_dim3A_16 : vector<16x1xi32> to vector<16xi32>
        %gather3A_1432 = tpu.dynamic_gather %add3A_1430[%gather3A_1431] in [0] : vector<16xf32>, vector<16xi32> -> vector<16xf32>
        %add3A_1433 = arith.addf %add3A_1430, %gather3A_1432 : vector<16xf32>
        %add3A_1434 = arith.constant 1 : i32
        %add3A_1435 = arith.addi %add3A_1310, %add3A_1434 : i32
        %add3A_1436 = arith.constant 1 : i32
        %add3A_1437 = arith.addi %add3A_1435, %add3A_1436 : i32
        %get3A_1438 = arith.index_cast %add3A_1437 : i32 to index
        %get3A_1439 = arith.constant 0 : index
        %get3A_1440 = tpu.vector_load %arg7[%get3A_1438, %get3A_1439] {strides = array<i32>} : memref<672x128xf32, #tpu.memory_space<vmem>>, vector<1x16xf32>,
        %get3A_1441 = vector.shape_cast %get3A_1440 : vector<1x16xf32> to vector<16xf32>
        %mul3A_1442 = arith.mulf %get3A_1314, %get3A_1441 : vector<16xf32>
        %add3A_1443 = arith.constant 1 : i32
        %add3A_1444 = arith.addi %add3A_1310, %add3A_1443 : i32
        %add3A_1445 = arith.constant 1 : i32
        %add3A_1446 = arith.addi %add3A_1444, %add3A_1445 : i32
        %get3A_1447 = arith.index_cast %add3A_1446 : i32 to index
        %get3A_1448 = arith.constant 16 : index
        %get3A_1449 = tpu.vector_load %arg7[%get3A_1447, %get3A_1448] {strides = array<i32>} : memref<672x128xf32, #tpu.memory_space<vmem>>, vector<1x16xf32>,
        %get3A_1450 = vector.shape_cast %get3A_1449 : vector<1x16xf32> to vector<16xf32>
        %mul3A_1451 = arith.mulf %get3A_1318, %get3A_1450 : vector<16xf32>
        %add3A_1452 = arith.constant 1 : i32
        %add3A_1453 = arith.addi %add3A_1310, %add3A_1452 : i32
        %add3A_1454 = arith.constant 1 : i32
        %add3A_1455 = arith.addi %add3A_1453, %add3A_1454 : i32
        %get3A_1456 = arith.index_cast %add3A_1455 : i32 to index
        %get3A_1457 = arith.constant 32 : index
        %get3A_1458 = tpu.vector_load %arg7[%get3A_1456, %get3A_1457] {strides = array<i32>} : memref<672x128xf32, #tpu.memory_space<vmem>>, vector<1x16xf32>,
        %get3A_1459 = vector.shape_cast %get3A_1458 : vector<1x16xf32> to vector<16xf32>
        %mul3A_1460 = arith.mulf %get3A_1322, %get3A_1459 : vector<16xf32>
        %add3A_1461 = arith.constant 1 : i32
        %add3A_1462 = arith.addi %add3A_1310, %add3A_1461 : i32
        %add3A_1463 = arith.constant 1 : i32
        %add3A_1464 = arith.addi %add3A_1462, %add3A_1463 : i32
        %get3A_1465 = arith.index_cast %add3A_1464 : i32 to index
        %get3A_1466 = arith.constant 48 : index
        %get3A_1467 = tpu.vector_load %arg7[%get3A_1465, %get3A_1466] {strides = array<i32>} : memref<672x128xf32, #tpu.memory_space<vmem>>, vector<1x16xf32>,
        %get3A_1468 = vector.shape_cast %get3A_1467 : vector<1x16xf32> to vector<16xf32>
        %mul3A_1469 = arith.mulf %get3A_1326, %get3A_1468 : vector<16xf32>
        %add3A_1470 = arith.constant 1 : i32
        %add3A_1471 = arith.addi %add3A_1310, %add3A_1470 : i32
        %add3A_1472 = arith.constant 1 : i32
        %add3A_1473 = arith.addi %add3A_1471, %add3A_1472 : i32
        %get3A_1474 = arith.index_cast %add3A_1473 : i32 to index
        %get3A_1475 = arith.constant 64 : index
        %get3A_1476 = tpu.vector_load %arg7[%get3A_1474, %get3A_1475] {strides = array<i32>} : memref<672x128xf32, #tpu.memory_space<vmem>>, vector<1x16xf32>,
        %get3A_1477 = vector.shape_cast %get3A_1476 : vector<1x16xf32> to vector<16xf32>
        %mul3A_1478 = arith.mulf %get3A_1330, %get3A_1477 : vector<16xf32>
        %add3A_1479 = arith.constant 1 : i32
        %add3A_1480 = arith.addi %add3A_1310, %add3A_1479 : i32
        %add3A_1481 = arith.constant 1 : i32
        %add3A_1482 = arith.addi %add3A_1480, %add3A_1481 : i32
        %get3A_1483 = arith.index_cast %add3A_1482 : i32 to index
        %get3A_1484 = arith.constant 80 : index
        %get3A_1485 = tpu.vector_load %arg7[%get3A_1483, %get3A_1484] {strides = array<i32>} : memref<672x128xf32, #tpu.memory_space<vmem>>, vector<1x16xf32>,
        %get3A_1486 = vector.shape_cast %get3A_1485 : vector<1x16xf32> to vector<16xf32>
        %mul3A_1487 = arith.mulf %get3A_1334, %get3A_1486 : vector<16xf32>
        %add3A_1488 = arith.constant 1 : i32
        %add3A_1489 = arith.addi %add3A_1310, %add3A_1488 : i32
        %add3A_1490 = arith.constant 1 : i32
        %add3A_1491 = arith.addi %add3A_1489, %add3A_1490 : i32
        %get3A_1492 = arith.index_cast %add3A_1491 : i32 to index
        %get3A_1493 = arith.constant 96 : index
        %get3A_1494 = tpu.vector_load %arg7[%get3A_1492, %get3A_1493] {strides = array<i32>} : memref<672x128xf32, #tpu.memory_space<vmem>>, vector<1x16xf32>,
        %get3A_1495 = vector.shape_cast %get3A_1494 : vector<1x16xf32> to vector<16xf32>
        %mul3A_1496 = arith.mulf %get3A_1338, %get3A_1495 : vector<16xf32>
        %add3A_1497 = arith.constant 1 : i32
        %add3A_1498 = arith.addi %add3A_1310, %add3A_1497 : i32
        %add3A_1499 = arith.constant 1 : i32
        %add3A_1500 = arith.addi %add3A_1498, %add3A_1499 : i32
        %get3A_1501 = arith.index_cast %add3A_1500 : i32 to index
        %get3A_1502 = arith.constant 112 : index
        %get3A_1503 = tpu.vector_load %arg7[%get3A_1501, %get3A_1502] {strides = array<i32>} : memref<672x128xf32, #tpu.memory_space<vmem>>, vector<1x16xf32>,
        %get3A_1504 = vector.shape_cast %get3A_1503 : vector<1x16xf32> to vector<16xf32>
        %mul3A_1505 = arith.mulf %get3A_1342, %get3A_1504 : vector<16xf32>
        %add3A_1506 = arith.addf %mul3A_1442, %mul3A_1478 : vector<16xf32>
        %add3A_1507 = arith.addf %mul3A_1451, %mul3A_1487 : vector<16xf32>
        %add3A_1508 = arith.addf %mul3A_1460, %mul3A_1496 : vector<16xf32>
        %add3A_1509 = arith.addf %mul3A_1469, %mul3A_1505 : vector<16xf32>
        %add3A_1510 = arith.addf %add3A_1506, %add3A_1508 : vector<16xf32>
        %add3A_1511 = arith.addf %add3A_1507, %add3A_1509 : vector<16xf32>
        %add3A_1512 = arith.addf %add3A_1510, %add3A_1511 : vector<16xf32>
        %gather3A_1513 = vector.shape_cast %broadcast_in_dim3A_4 : vector<16x1xi32> to vector<16xi32>
        %gather3A_1514 = tpu.dynamic_gather %add3A_1512[%gather3A_1513] in [0] : vector<16xf32>, vector<16xi32> -> vector<16xf32>
        %add3A_1515 = arith.addf %add3A_1512, %gather3A_1514 : vector<16xf32>
        %gather3A_1516 = vector.shape_cast %broadcast_in_dim3A_8 : vector<16x1xi32> to vector<16xi32>
        %gather3A_1517 = tpu.dynamic_gather %add3A_1515[%gather3A_1516] in [0] : vector<16xf32>, vector<16xi32> -> vector<16xf32>
        %add3A_1518 = arith.addf %add3A_1515, %gather3A_1517 : vector<16xf32>
        %gather3A_1519 = vector.shape_cast %broadcast_in_dim3A_12 : vector<16x1xi32> to vector<16xi32>
        %gather3A_1520 = tpu.dynamic_gather %add3A_1518[%gather3A_1519] in [0] : vector<16xf32>, vector<16xi32> -> vector<16xf32>
        %add3A_1521 = arith.addf %add3A_1518, %gather3A_1520 : vector<16xf32>
        %gather3A_1522 = vector.shape_cast %broadcast_in_dim3A_16 : vector<16x1xi32> to vector<16xi32>
        %gather3A_1523 = tpu.dynamic_gather %add3A_1521[%gather3A_1522] in [0] : vector<16xf32>, vector<16xi32> -> vector<16xf32>
        %add3A_1524 = arith.addf %add3A_1521, %gather3A_1523 : vector<16xf32>
        %add3A_1525 = arith.constant 1 : i32
        %add3A_1526 = arith.addi %add3A_1310, %add3A_1525 : i32
        %add3A_1527 = arith.constant 2 : i32
        %add3A_1528 = arith.addi %add3A_1526, %add3A_1527 : i32
        %get3A_1529 = arith.index_cast %add3A_1528 : i32 to index
        %get3A_1530 = arith.constant 0 : index
        %get3A_1531 = tpu.vector_load %arg7[%get3A_1529, %get3A_1530] {strides = array<i32>} : memref<672x128xf32, #tpu.memory_space<vmem>>, vector<1x16xf32>,
        %get3A_1532 = vector.shape_cast %get3A_1531 : vector<1x16xf32> to vector<16xf32>
        %mul3A_1533 = arith.mulf %get3A_1314, %get3A_1532 : vector<16xf32>
        %add3A_1534 = arith.constant 1 : i32
        %add3A_1535 = arith.addi %add3A_1310, %add3A_1534 : i32
        %add3A_1536 = arith.constant 2 : i32
        %add3A_1537 = arith.addi %add3A_1535, %add3A_1536 : i32
        %get3A_1538 = arith.index_cast %add3A_1537 : i32 to index
        %get3A_1539 = arith.constant 16 : index
        %get3A_1540 = tpu.vector_load %arg7[%get3A_1538, %get3A_1539] {strides = array<i32>} : memref<672x128xf32, #tpu.memory_space<vmem>>, vector<1x16xf32>,
        %get3A_1541 = vector.shape_cast %get3A_1540 : vector<1x16xf32> to vector<16xf32>
        %mul3A_1542 = arith.mulf %get3A_1318, %get3A_1541 : vector<16xf32>
        %add3A_1543 = arith.constant 1 : i32
        %add3A_1544 = arith.addi %add3A_1310, %add3A_1543 : i32
        %add3A_1545 = arith.constant 2 : i32
        %add3A_1546 = arith.addi %add3A_1544, %add3A_1545 : i32
        %get3A_1547 = arith.index_cast %add3A_1546 : i32 to index
        %get3A_1548 = arith.constant 32 : index
        %get3A_1549 = tpu.vector_load %arg7[%get3A_1547, %get3A_1548] {strides = array<i32>} : memref<672x128xf32, #tpu.memory_space<vmem>>, vector<1x16xf32>,
        %get3A_1550 = vector.shape_cast %get3A_1549 : vector<1x16xf32> to vector<16xf32>
        %mul3A_1551 = arith.mulf %get3A_1322, %get3A_1550 : vector<16xf32>
        %add3A_1552 = arith.constant 1 : i32
        %add3A_1553 = arith.addi %add3A_1310, %add3A_1552 : i32
        %add3A_1554 = arith.constant 2 : i32
        %add3A_1555 = arith.addi %add3A_1553, %add3A_1554 : i32
        %get3A_1556 = arith.index_cast %add3A_1555 : i32 to index
        %get3A_1557 = arith.constant 48 : index
        %get3A_1558 = tpu.vector_load %arg7[%get3A_1556, %get3A_1557] {strides = array<i32>} : memref<672x128xf32, #tpu.memory_space<vmem>>, vector<1x16xf32>,
        %get3A_1559 = vector.shape_cast %get3A_1558 : vector<1x16xf32> to vector<16xf32>
        %mul3A_1560 = arith.mulf %get3A_1326, %get3A_1559 : vector<16xf32>
        %add3A_1561 = arith.constant 1 : i32
        %add3A_1562 = arith.addi %add3A_1310, %add3A_1561 : i32
        %add3A_1563 = arith.constant 2 : i32
        %add3A_1564 = arith.addi %add3A_1562, %add3A_1563 : i32
        %get3A_1565 = arith.index_cast %add3A_1564 : i32 to index
        %get3A_1566 = arith.constant 64 : index
        %get3A_1567 = tpu.vector_load %arg7[%get3A_1565, %get3A_1566] {strides = array<i32>} : memref<672x128xf32, #tpu.memory_space<vmem>>, vector<1x16xf32>,
        %get3A_1568 = vector.shape_cast %get3A_1567 : vector<1x16xf32> to vector<16xf32>
        %mul3A_1569 = arith.mulf %get3A_1330, %get3A_1568 : vector<16xf32>
        %add3A_1570 = arith.constant 1 : i32
        %add3A_1571 = arith.addi %add3A_1310, %add3A_1570 : i32
        %add3A_1572 = arith.constant 2 : i32
        %add3A_1573 = arith.addi %add3A_1571, %add3A_1572 : i32
        %get3A_1574 = arith.index_cast %add3A_1573 : i32 to index
        %get3A_1575 = arith.constant 80 : index
        %get3A_1576 = tpu.vector_load %arg7[%get3A_1574, %get3A_1575] {strides = array<i32>} : memref<672x128xf32, #tpu.memory_space<vmem>>, vector<1x16xf32>,
        %get3A_1577 = vector.shape_cast %get3A_1576 : vector<1x16xf32> to vector<16xf32>
        %mul3A_1578 = arith.mulf %get3A_1334, %get3A_1577 : vector<16xf32>
        %add3A_1579 = arith.constant 1 : i32
        %add3A_1580 = arith.addi %add3A_1310, %add3A_1579 : i32
        %add3A_1581 = arith.constant 2 : i32
        %add3A_1582 = arith.addi %add3A_1580, %add3A_1581 : i32
        %get3A_1583 = arith.index_cast %add3A_1582 : i32 to index
        %get3A_1584 = arith.constant 96 : index
        %get3A_1585 = tpu.vector_load %arg7[%get3A_1583, %get3A_1584] {strides = array<i32>} : memref<672x128xf32, #tpu.memory_space<vmem>>, vector<1x16xf32>,
        %get3A_1586 = vector.shape_cast %get3A_1585 : vector<1x16xf32> to vector<16xf32>
        %mul3A_1587 = arith.mulf %get3A_1338, %get3A_1586 : vector<16xf32>
        %add3A_1588 = arith.constant 1 : i32
        %add3A_1589 = arith.addi %add3A_1310, %add3A_1588 : i32
        %add3A_1590 = arith.constant 2 : i32
        %add3A_1591 = arith.addi %add3A_1589, %add3A_1590 : i32
        %get3A_1592 = arith.index_cast %add3A_1591 : i32 to index
        %get3A_1593 = arith.constant 112 : index
        %get3A_1594 = tpu.vector_load %arg7[%get3A_1592, %get3A_1593] {strides = array<i32>} : memref<672x128xf32, #tpu.memory_space<vmem>>, vector<1x16xf32>,
        %get3A_1595 = vector.shape_cast %get3A_1594 : vector<1x16xf32> to vector<16xf32>
        %mul3A_1596 = arith.mulf %get3A_1342, %get3A_1595 : vector<16xf32>
        %add3A_1597 = arith.addf %mul3A_1533, %mul3A_1569 : vector<16xf32>
        %add3A_1598 = arith.addf %mul3A_1542, %mul3A_1578 : vector<16xf32>
        %add3A_1599 = arith.addf %mul3A_1551, %mul3A_1587 : vector<16xf32>
        %add3A_1600 = arith.addf %mul3A_1560, %mul3A_1596 : vector<16xf32>
        %add3A_1601 = arith.addf %add3A_1597, %add3A_1599 : vector<16xf32>
        %add3A_1602 = arith.addf %add3A_1598, %add3A_1600 : vector<16xf32>
        %add3A_1603 = arith.addf %add3A_1601, %add3A_1602 : vector<16xf32>
        %gather3A_1604 = vector.shape_cast %broadcast_in_dim3A_4 : vector<16x1xi32> to vector<16xi32>
        %gather3A_1605 = tpu.dynamic_gather %add3A_1603[%gather3A_1604] in [0] : vector<16xf32>, vector<16xi32> -> vector<16xf32>
        %add3A_1606 = arith.addf %add3A_1603, %gather3A_1605 : vector<16xf32>
        %gather3A_1607 = vector.shape_cast %broadcast_in_dim3A_8 : vector<16x1xi32> to vector<16xi32>
        %gather3A_1608 = tpu.dynamic_gather %add3A_1606[%gather3A_1607] in [0] : vector<16xf32>, vector<16xi32> -> vector<16xf32>
        %add3A_1609 = arith.addf %add3A_1606, %gather3A_1608 : vector<16xf32>
        %gather3A_1610 = vector.shape_cast %broadcast_in_dim3A_12 : vector<16x1xi32> to vector<16xi32>
        %gather3A_1611 = tpu.dynamic_gather %add3A_1609[%gather3A_1610] in [0] : vector<16xf32>, vector<16xi32> -> vector<16xf32>
        %add3A_1612 = arith.addf %add3A_1609, %gather3A_1611 : vector<16xf32>
        %gather3A_1613 = vector.shape_cast %broadcast_in_dim3A_16 : vector<16x1xi32> to vector<16xi32>
        %gather3A_1614 = tpu.dynamic_gather %add3A_1612[%gather3A_1613] in [0] : vector<16xf32>, vector<16xi32> -> vector<16xf32>
        %add3A_1615 = arith.addf %add3A_1612, %gather3A_1614 : vector<16xf32>
        %add3A_1616 = arith.constant 1 : i32
        %add3A_1617 = arith.addi %add3A_1310, %add3A_1616 : i32
        %add3A_1618 = arith.constant 3 : i32
        %add3A_1619 = arith.addi %add3A_1617, %add3A_1618 : i32
        %get3A_1620 = arith.index_cast %add3A_1619 : i32 to index
        %get3A_1621 = arith.constant 0 : index
        %get3A_1622 = tpu.vector_load %arg7[%get3A_1620, %get3A_1621] {strides = array<i32>} : memref<672x128xf32, #tpu.memory_space<vmem>>, vector<1x16xf32>,
        %get3A_1623 = vector.shape_cast %get3A_1622 : vector<1x16xf32> to vector<16xf32>
        %mul3A_1624 = arith.mulf %get3A_1314, %get3A_1623 : vector<16xf32>
        %add3A_1625 = arith.constant 1 : i32
        %add3A_1626 = arith.addi %add3A_1310, %add3A_1625 : i32
        %add3A_1627 = arith.constant 3 : i32
        %add3A_1628 = arith.addi %add3A_1626, %add3A_1627 : i32
        %get3A_1629 = arith.index_cast %add3A_1628 : i32 to index
        %get3A_1630 = arith.constant 16 : index
        %get3A_1631 = tpu.vector_load %arg7[%get3A_1629, %get3A_1630] {strides = array<i32>} : memref<672x128xf32, #tpu.memory_space<vmem>>, vector<1x16xf32>,
        %get3A_1632 = vector.shape_cast %get3A_1631 : vector<1x16xf32> to vector<16xf32>
        %mul3A_1633 = arith.mulf %get3A_1318, %get3A_1632 : vector<16xf32>
        %add3A_1634 = arith.constant 1 : i32
        %add3A_1635 = arith.addi %add3A_1310, %add3A_1634 : i32
        %add3A_1636 = arith.constant 3 : i32
        %add3A_1637 = arith.addi %add3A_1635, %add3A_1636 : i32
        %get3A_1638 = arith.index_cast %add3A_1637 : i32 to index
        %get3A_1639 = arith.constant 32 : index
        %get3A_1640 = tpu.vector_load %arg7[%get3A_1638, %get3A_1639] {strides = array<i32>} : memref<672x128xf32, #tpu.memory_space<vmem>>, vector<1x16xf32>,
        %get3A_1641 = vector.shape_cast %get3A_1640 : vector<1x16xf32> to vector<16xf32>
        %mul3A_1642 = arith.mulf %get3A_1322, %get3A_1641 : vector<16xf32>
        %add3A_1643 = arith.constant 1 : i32
        %add3A_1644 = arith.addi %add3A_1310, %add3A_1643 : i32
        %add3A_1645 = arith.constant 3 : i32
        %add3A_1646 = arith.addi %add3A_1644, %add3A_1645 : i32
        %get3A_1647 = arith.index_cast %add3A_1646 : i32 to index
        %get3A_1648 = arith.constant 48 : index
        %get3A_1649 = tpu.vector_load %arg7[%get3A_1647, %get3A_1648] {strides = array<i32>} : memref<672x128xf32, #tpu.memory_space<vmem>>, vector<1x16xf32>,
        %get3A_1650 = vector.shape_cast %get3A_1649 : vector<1x16xf32> to vector<16xf32>
        %mul3A_1651 = arith.mulf %get3A_1326, %get3A_1650 : vector<16xf32>
        %add3A_1652 = arith.constant 1 : i32
        %add3A_1653 = arith.addi %add3A_1310, %add3A_1652 : i32
        %add3A_1654 = arith.constant 3 : i32
        %add3A_1655 = arith.addi %add3A_1653, %add3A_1654 : i32
        %get3A_1656 = arith.index_cast %add3A_1655 : i32 to index
        %get3A_1657 = arith.constant 64 : index
        %get3A_1658 = tpu.vector_load %arg7[%get3A_1656, %get3A_1657] {strides = array<i32>} : memref<672x128xf32, #tpu.memory_space<vmem>>, vector<1x16xf32>,
        %get3A_1659 = vector.shape_cast %get3A_1658 : vector<1x16xf32> to vector<16xf32>
        %mul3A_1660 = arith.mulf %get3A_1330, %get3A_1659 : vector<16xf32>
        %add3A_1661 = arith.constant 1 : i32
        %add3A_1662 = arith.addi %add3A_1310, %add3A_1661 : i32
        %add3A_1663 = arith.constant 3 : i32
        %add3A_1664 = arith.addi %add3A_1662, %add3A_1663 : i32
        %get3A_1665 = arith.index_cast %add3A_1664 : i32 to index
        %get3A_1666 = arith.constant 80 : index
        %get3A_1667 = tpu.vector_load %arg7[%get3A_1665, %get3A_1666] {strides = array<i32>} : memref<672x128xf32, #tpu.memory_space<vmem>>, vector<1x16xf32>,
        %get3A_1668 = vector.shape_cast %get3A_1667 : vector<1x16xf32> to vector<16xf32>
        %mul3A_1669 = arith.mulf %get3A_1334, %get3A_1668 : vector<16xf32>
        %add3A_1670 = arith.constant 1 : i32
        %add3A_1671 = arith.addi %add3A_1310, %add3A_1670 : i32
        %add3A_1672 = arith.constant 3 : i32
        %add3A_1673 = arith.addi %add3A_1671, %add3A_1672 : i32
        %get3A_1674 = arith.index_cast %add3A_1673 : i32 to index
        %get3A_1675 = arith.constant 96 : index
        %get3A_1676 = tpu.vector_load %arg7[%get3A_1674, %get3A_1675] {strides = array<i32>} : memref<672x128xf32, #tpu.memory_space<vmem>>, vector<1x16xf32>,
        %get3A_1677 = vector.shape_cast %get3A_1676 : vector<1x16xf32> to vector<16xf32>
        %mul3A_1678 = arith.mulf %get3A_1338, %get3A_1677 : vector<16xf32>
        %add3A_1679 = arith.constant 1 : i32
        %add3A_1680 = arith.addi %add3A_1310, %add3A_1679 : i32
        %add3A_1681 = arith.constant 3 : i32
        %add3A_1682 = arith.addi %add3A_1680, %add3A_1681 : i32
        %get3A_1683 = arith.index_cast %add3A_1682 : i32 to index
        %get3A_1684 = arith.constant 112 : index
        %get3A_1685 = tpu.vector_load %arg7[%get3A_1683, %get3A_1684] {strides = array<i32>} : memref<672x128xf32, #tpu.memory_space<vmem>>, vector<1x16xf32>,
        %get3A_1686 = vector.shape_cast %get3A_1685 : vector<1x16xf32> to vector<16xf32>
        %mul3A_1687 = arith.mulf %get3A_1342, %get3A_1686 : vector<16xf32>
        %add3A_1688 = arith.addf %mul3A_1624, %mul3A_1660 : vector<16xf32>
        %add3A_1689 = arith.addf %mul3A_1633, %mul3A_1669 : vector<16xf32>
        %add3A_1690 = arith.addf %mul3A_1642, %mul3A_1678 : vector<16xf32>
        %add3A_1691 = arith.addf %mul3A_1651, %mul3A_1687 : vector<16xf32>
        %add3A_1692 = arith.addf %add3A_1688, %add3A_1690 : vector<16xf32>
        %add3A_1693 = arith.addf %add3A_1689, %add3A_1691 : vector<16xf32>
        %add3A_1694 = arith.addf %add3A_1692, %add3A_1693 : vector<16xf32>
        %gather3A_1695 = vector.shape_cast %broadcast_in_dim3A_4 : vector<16x1xi32> to vector<16xi32>
        %gather3A_1696 = tpu.dynamic_gather %add3A_1694[%gather3A_1695] in [0] : vector<16xf32>, vector<16xi32> -> vector<16xf32>
        %add3A_1697 = arith.addf %add3A_1694, %gather3A_1696 : vector<16xf32>
        %gather3A_1698 = vector.shape_cast %broadcast_in_dim3A_8 : vector<16x1xi32> to vector<16xi32>
        %gather3A_1699 = tpu.dynamic_gather %add3A_1697[%gather3A_1698] in [0] : vector<16xf32>, vector<16xi32> -> vector<16xf32>
        %add3A_1700 = arith.addf %add3A_1697, %gather3A_1699 : vector<16xf32>
        %gather3A_1701 = vector.shape_cast %broadcast_in_dim3A_12 : vector<16x1xi32> to vector<16xi32>
        %gather3A_1702 = tpu.dynamic_gather %add3A_1700[%gather3A_1701] in [0] : vector<16xf32>, vector<16xi32> -> vector<16xf32>
        %add3A_1703 = arith.addf %add3A_1700, %gather3A_1702 : vector<16xf32>
        %gather3A_1704 = vector.shape_cast %broadcast_in_dim3A_16 : vector<16x1xi32> to vector<16xi32>
        %gather3A_1705 = tpu.dynamic_gather %add3A_1703[%gather3A_1704] in [0] : vector<16xf32>, vector<16xi32> -> vector<16xf32>
        %add3A_1706 = arith.addf %add3A_1703, %gather3A_1705 : vector<16xf32>
        %select_n3A_1707 = arith.select %ne3A_20, %add3A_354, %add3A_263 : vector<16xi1>, vector<16xf32>
        %select_n3A_1708 = arith.select %ne3A_20, %add3A_536, %add3A_445 : vector<16xi1>, vector<16xf32>
        %select_n3A_1709 = arith.select %ne3A_20, %add3A_718, %add3A_627 : vector<16xi1>, vector<16xf32>
        %select_n3A_1710 = arith.select %ne3A_20, %add3A_939, %add3A_848 : vector<16xi1>, vector<16xf32>
        %select_n3A_1711 = arith.select %ne3A_20, %add3A_1121, %add3A_1030 : vector<16xi1>, vector<16xf32>
        %select_n3A_1712 = arith.select %ne3A_20, %add3A_1303, %add3A_1212 : vector<16xi1>, vector<16xf32>
        %select_n3A_1713 = arith.select %ne3A_20, %add3A_1524, %add3A_1433 : vector<16xi1>, vector<16xf32>
        %select_n3A_1714 = arith.select %ne3A_20, %add3A_1706, %add3A_1615 : vector<16xi1>, vector<16xf32>
        %select_n3A_1715 = arith.select %ne3A_26, %select_n3A_1708, %select_n3A_1707 : vector<16xi1>, vector<16xf32>
        %select_n3A_1716 = arith.select %ne3A_26, %select_n3A_1710, %select_n3A_1709 : vector<16xi1>, vector<16xf32>
        %select_n3A_1717 = arith.select %ne3A_26, %select_n3A_1712, %select_n3A_1711 : vector<16xi1>, vector<16xf32>
        %select_n3A_1718 = arith.select %ne3A_26, %select_n3A_1714, %select_n3A_1713 : vector<16xi1>, vector<16xf32>
        %select_n3A_1719 = arith.select %ne3A_32, %select_n3A_1716, %select_n3A_1715 : vector<16xi1>, vector<16xf32>
        %select_n3A_1720 = arith.select %ne3A_32, %select_n3A_1718, %select_n3A_1717 : vector<16xi1>, vector<16xf32>
        %select_n3A_1721 = arith.select %ne3A_38, %select_n3A_1720, %select_n3A_1719 : vector<16xi1>, vector<16xf32>
        %abs3A = math.absf %select_n3A_1721 : vector<16xf32>
        %neg3A = arith.constant 0.000000e+00 : f32
        %neg3A_1722 = vector.broadcast %neg3A : f32 to vector<16xf32>
        %neg3A_1723 = arith.subf %neg3A_1722, %abs3A : vector<16xf32>
        %exp3A = math.exp %neg3A_1723 : vector<16xf32>
        %mul3A_1724 = arith.mulf %exp3A, %exp3A : vector<16xf32>
        %mul3A_1725 = arith.mulf %mul3A_1724, %mul3A_1724 : vector<16xf32>
        %mul3A_1726 = arith.constant -0.499963552 : f32
        %mul3A_1727 = vector.broadcast %mul3A_1726 : f32 to vector<16xf32>
        %mul3A_1728 = arith.mulf %mul3A_1727, %exp3A : vector<16xf32>
        %add3A_1729 = arith.constant 0.999999523 : f32
        %add3A_1730 = vector.broadcast %add3A_1729 : f32 to vector<16xf32>
        %add3A_1731 = arith.addf %add3A_1730, %mul3A_1728 : vector<16xf32>
        %mul3A_1732 = arith.constant -0.244533896 : f32
        %mul3A_1733 = vector.broadcast %mul3A_1732 : f32 to vector<16xf32>
        %mul3A_1734 = arith.mulf %mul3A_1733, %exp3A : vector<16xf32>
        %add3A_1735 = arith.constant 0.332652569 : f32
        %add3A_1736 = vector.broadcast %add3A_1735 : f32 to vector<16xf32>
        %add3A_1737 = arith.addf %add3A_1736, %mul3A_1734 : vector<16xf32>
        %mul3A_1738 = arith.mulf %mul3A_1724, %add3A_1737 : vector<16xf32>
        %add3A_1739 = arith.addf %add3A_1731, %mul3A_1738 : vector<16xf32>
        %mul3A_1740 = arith.constant -0.106799312 : f32
        %mul3A_1741 = vector.broadcast %mul3A_1740 : f32 to vector<16xf32>
        %mul3A_1742 = arith.mulf %mul3A_1741, %exp3A : vector<16xf32>
        %add3A_1743 = arith.constant 0.176598653 : f32
        %add3A_1744 = vector.broadcast %add3A_1743 : f32 to vector<16xf32>
        %add3A_1745 = arith.addf %add3A_1744, %mul3A_1742 : vector<16xf32>
        %mul3A_1746 = arith.constant -8.466410e-03 : f32
        %mul3A_1747 = vector.broadcast %mul3A_1746 : f32 to vector<16xf32>
        %mul3A_1748 = arith.mulf %mul3A_1747, %exp3A : vector<16xf32>
        %add3A_1749 = arith.constant 0.0436592884 : f32
        %add3A_1750 = vector.broadcast %add3A_1749 : f32 to vector<16xf32>
        %add3A_1751 = arith.addf %add3A_1750, %mul3A_1748 : vector<16xf32>
        %mul3A_1752 = arith.mulf %mul3A_1724, %add3A_1751 : vector<16xf32>
        %add3A_1753 = arith.addf %add3A_1745, %mul3A_1752 : vector<16xf32>
        %mul3A_1754 = arith.mulf %mul3A_1725, %add3A_1753 : vector<16xf32>
        %add3A_1755 = arith.addf %add3A_1739, %mul3A_1754 : vector<16xf32>
        %mul3A_1756 = arith.mulf %exp3A, %add3A_1755 : vector<16xf32>
        %mul3A_1757 = arith.mulf %select_n3A_1721, %broadcast_in_dim3A_122 : vector<16xf32>
        %max3A = arith.constant 0.000000e+00 : f32
        %max3A_1758 = vector.broadcast %max3A : f32 to vector<16xf32>
        %max3A_1759 = arith.maximumf %mul3A_1757, %max3A_1758 : vector<16xf32>
        %add3A_1760 = arith.addf %mul3A_1756, %max3A_1759 : vector<16xf32>
        %get3A_1761 = arith.constant 0 : i32
        %get3A_1762 = arith.index_cast %get3A_1761 : i32 to index
        %get3A_1763 = arith.constant 0 : index
        %get3A_1764 = tpu.vector_load %arg8[%get3A_1762, %get3A_1763] {strides = array<i32>} : memref<8x128xf32, #tpu.memory_space<vmem>>, vector<1x16xf32>,
        %get3A_1765 = vector.shape_cast %get3A_1764 : vector<1x16xf32> to vector<16xf32>
        %mul3A_1766 = arith.mulf %add3A_1760, %broadcast_in_dim3A_123 : vector<16xf32>
        %add3A_1767 = arith.addf %get3A_1765, %mul3A_1766 : vector<16xf32>
        %swap3A_1768 = arith.constant 0 : i32
        %swap3A_1769 = arith.index_cast %swap3A_1768 : i32 to index
        %swap3A_1770 = arith.constant 0 : index
        %swap3A_1771 = tpu.vector_load %arg8[%swap3A_1769, %swap3A_1770] {strides = array<i32>} : memref<8x128xf32, #tpu.memory_space<vmem>>, vector<1x16xf32>,
        %swap3A_1772 = vector.shape_cast %swap3A_1771 : vector<1x16xf32> to vector<16xf32>
        %swap3A_1773 = vector.shape_cast %add3A_1767 : vector<16xf32> to vector<1x16xf32>
        tpu.vector_store %arg8[%swap3A_1769, %swap3A_1770], %swap3A_1773 {strides = array<i32>} : memref<8x128xf32, #tpu.memory_space<vmem>>, vector<1x16xf32>,
        %add3A_1774 = arith.constant 1 : i32
        %add3A_1775 = arith.addi %add3A_1310, %add3A_1774 : i32
        %add3A_1776 = arith.constant 4 : i32
        %add3A_1777 = arith.addi %add3A_1775, %add3A_1776 : i32
        %get3A_1778 = arith.index_cast %add3A_1777 : i32 to index
        %get3A_1779 = arith.constant 0 : index
        %get3A_1780 = tpu.vector_load %arg7[%get3A_1778, %get3A_1779] {strides = array<i32>} : memref<672x128xf32, #tpu.memory_space<vmem>>, vector<1x16xf32>,
        %get3A_1781 = vector.shape_cast %get3A_1780 : vector<1x16xf32> to vector<16xf32>
        %mul3A_1782 = arith.mulf %get3A_1314, %get3A_1781 : vector<16xf32>
        %add3A_1783 = arith.constant 1 : i32
        %add3A_1784 = arith.addi %add3A_1310, %add3A_1783 : i32
        %add3A_1785 = arith.constant 4 : i32
        %add3A_1786 = arith.addi %add3A_1784, %add3A_1785 : i32
        %get3A_1787 = arith.index_cast %add3A_1786 : i32 to index
        %get3A_1788 = arith.constant 16 : index
        %get3A_1789 = tpu.vector_load %arg7[%get3A_1787, %get3A_1788] {strides = array<i32>} : memref<672x128xf32, #tpu.memory_space<vmem>>, vector<1x16xf32>,
        %get3A_1790 = vector.shape_cast %get3A_1789 : vector<1x16xf32> to vector<16xf32>
        %mul3A_1791 = arith.mulf %get3A_1318, %get3A_1790 : vector<16xf32>
        %add3A_1792 = arith.constant 1 : i32
        %add3A_1793 = arith.addi %add3A_1310, %add3A_1792 : i32
        %add3A_1794 = arith.constant 4 : i32
        %add3A_1795 = arith.addi %add3A_1793, %add3A_1794 : i32
        %get3A_1796 = arith.index_cast %add3A_1795 : i32 to index
        %get3A_1797 = arith.constant 32 : index
        %get3A_1798 = tpu.vector_load %arg7[%get3A_1796, %get3A_1797] {strides = array<i32>} : memref<672x128xf32, #tpu.memory_space<vmem>>, vector<1x16xf32>,
        %get3A_1799 = vector.shape_cast %get3A_1798 : vector<1x16xf32> to vector<16xf32>
        %mul3A_1800 = arith.mulf %get3A_1322, %get3A_1799 : vector<16xf32>
        %add3A_1801 = arith.constant 1 : i32
        %add3A_1802 = arith.addi %add3A_1310, %add3A_1801 : i32
        %add3A_1803 = arith.constant 4 : i32
        %add3A_1804 = arith.addi %add3A_1802, %add3A_1803 : i32
        %get3A_1805 = arith.index_cast %add3A_1804 : i32 to index
        %get3A_1806 = arith.constant 48 : index
        %get3A_1807 = tpu.vector_load %arg7[%get3A_1805, %get3A_1806] {strides = array<i32>} : memref<672x128xf32, #tpu.memory_space<vmem>>, vector<1x16xf32>,
        %get3A_1808 = vector.shape_cast %get3A_1807 : vector<1x16xf32> to vector<16xf32>
        %mul3A_1809 = arith.mulf %get3A_1326, %get3A_1808 : vector<16xf32>
        %add3A_1810 = arith.constant 1 : i32
        %add3A_1811 = arith.addi %add3A_1310, %add3A_1810 : i32
        %add3A_1812 = arith.constant 4 : i32
        %add3A_1813 = arith.addi %add3A_1811, %add3A_1812 : i32
        %get3A_1814 = arith.index_cast %add3A_1813 : i32 to index
        %get3A_1815 = arith.constant 64 : index
        %get3A_1816 = tpu.vector_load %arg7[%get3A_1814, %get3A_1815] {strides = array<i32>} : memref<672x128xf32, #tpu.memory_space<vmem>>, vector<1x16xf32>,
        %get3A_1817 = vector.shape_cast %get3A_1816 : vector<1x16xf32> to vector<16xf32>
        %mul3A_1818 = arith.mulf %get3A_1330, %get3A_1817 : vector<16xf32>
        %add3A_1819 = arith.constant 1 : i32
        %add3A_1820 = arith.addi %add3A_1310, %add3A_1819 : i32
        %add3A_1821 = arith.constant 4 : i32
        %add3A_1822 = arith.addi %add3A_1820, %add3A_1821 : i32
        %get3A_1823 = arith.index_cast %add3A_1822 : i32 to index
        %get3A_1824 = arith.constant 80 : index
        %get3A_1825 = tpu.vector_load %arg7[%get3A_1823, %get3A_1824] {strides = array<i32>} : memref<672x128xf32, #tpu.memory_space<vmem>>, vector<1x16xf32>,
        %get3A_1826 = vector.shape_cast %get3A_1825 : vector<1x16xf32> to vector<16xf32>
        %mul3A_1827 = arith.mulf %get3A_1334, %get3A_1826 : vector<16xf32>
        %add3A_1828 = arith.constant 1 : i32
        %add3A_1829 = arith.addi %add3A_1310, %add3A_1828 : i32
        %add3A_1830 = arith.constant 4 : i32
        %add3A_1831 = arith.addi %add3A_1829, %add3A_1830 : i32
        %get3A_1832 = arith.index_cast %add3A_1831 : i32 to index
        %get3A_1833 = arith.constant 96 : index
        %get3A_1834 = tpu.vector_load %arg7[%get3A_1832, %get3A_1833] {strides = array<i32>} : memref<672x128xf32, #tpu.memory_space<vmem>>, vector<1x16xf32>,
        %get3A_1835 = vector.shape_cast %get3A_1834 : vector<1x16xf32> to vector<16xf32>
        %mul3A_1836 = arith.mulf %get3A_1338, %get3A_1835 : vector<16xf32>
        %add3A_1837 = arith.constant 1 : i32
        %add3A_1838 = arith.addi %add3A_1310, %add3A_1837 : i32
        %add3A_1839 = arith.constant 4 : i32
        %add3A_1840 = arith.addi %add3A_1838, %add3A_1839 : i32
        %get3A_1841 = arith.index_cast %add3A_1840 : i32 to index
        %get3A_1842 = arith.constant 112 : index
        %get3A_1843 = tpu.vector_load %arg7[%get3A_1841, %get3A_1842] {strides = array<i32>} : memref<672x128xf32, #tpu.memory_space<vmem>>, vector<1x16xf32>,
        %get3A_1844 = vector.shape_cast %get3A_1843 : vector<1x16xf32> to vector<16xf32>
        %mul3A_1845 = arith.mulf %get3A_1342, %get3A_1844 : vector<16xf32>
        %add3A_1846 = arith.addf %mul3A_1782, %mul3A_1818 : vector<16xf32>
        %add3A_1847 = arith.addf %mul3A_1791, %mul3A_1827 : vector<16xf32>
        %add3A_1848 = arith.addf %mul3A_1800, %mul3A_1836 : vector<16xf32>
        %add3A_1849 = arith.addf %mul3A_1809, %mul3A_1845 : vector<16xf32>
        %add3A_1850 = arith.addf %add3A_1846, %add3A_1848 : vector<16xf32>
        %add3A_1851 = arith.addf %add3A_1847, %add3A_1849 : vector<16xf32>
        %add3A_1852 = arith.addf %add3A_1850, %add3A_1851 : vector<16xf32>
        %gather3A_1853 = vector.shape_cast %broadcast_in_dim3A_4 : vector<16x1xi32> to vector<16xi32>
        %gather3A_1854 = tpu.dynamic_gather %add3A_1852[%gather3A_1853] in [0] : vector<16xf32>, vector<16xi32> -> vector<16xf32>
        %add3A_1855 = arith.addf %add3A_1852, %gather3A_1854 : vector<16xf32>
        %gather3A_1856 = vector.shape_cast %broadcast_in_dim3A_8 : vector<16x1xi32> to vector<16xi32>
        %gather3A_1857 = tpu.dynamic_gather %add3A_1855[%gather3A_1856] in [0] : vector<16xf32>, vector<16xi32> -> vector<16xf32>
        %add3A_1858 = arith.addf %add3A_1855, %gather3A_1857 : vector<16xf32>
        %gather3A_1859 = vector.shape_cast %broadcast_in_dim3A_12 : vector<16x1xi32> to vector<16xi32>
        %gather3A_1860 = tpu.dynamic_gather %add3A_1858[%gather3A_1859] in [0] : vector<16xf32>, vector<16xi32> -> vector<16xf32>
        %add3A_1861 = arith.addf %add3A_1858, %gather3A_1860 : vector<16xf32>
        %gather3A_1862 = vector.shape_cast %broadcast_in_dim3A_16 : vector<16x1xi32> to vector<16xi32>
        %gather3A_1863 = tpu.dynamic_gather %add3A_1861[%gather3A_1862] in [0] : vector<16xf32>, vector<16xi32> -> vector<16xf32>
        %add3A_1864 = arith.addf %add3A_1861, %gather3A_1863 : vector<16xf32>
        %add3A_1865 = arith.constant 1 : i32
        %add3A_1866 = arith.addi %add3A_1310, %add3A_1865 : i32
        %add3A_1867 = arith.constant 5 : i32
        %add3A_1868 = arith.addi %add3A_1866, %add3A_1867 : i32
        %get3A_1869 = arith.index_cast %add3A_1868 : i32 to index
        %get3A_1870 = arith.constant 0 : index
        %get3A_1871 = tpu.vector_load %arg7[%get3A_1869, %get3A_1870] {strides = array<i32>} : memref<672x128xf32, #tpu.memory_space<vmem>>, vector<1x16xf32>,
        %get3A_1872 = vector.shape_cast %get3A_1871 : vector<1x16xf32> to vector<16xf32>
        %mul3A_1873 = arith.mulf %get3A_1314, %get3A_1872 : vector<16xf32>
        %add3A_1874 = arith.constant 1 : i32
        %add3A_1875 = arith.addi %add3A_1310, %add3A_1874 : i32
        %add3A_1876 = arith.constant 5 : i32
        %add3A_1877 = arith.addi %add3A_1875, %add3A_1876 : i32
        %get3A_1878 = arith.index_cast %add3A_1877 : i32 to index
        %get3A_1879 = arith.constant 16 : index
        %get3A_1880 = tpu.vector_load %arg7[%get3A_1878, %get3A_1879] {strides = array<i32>} : memref<672x128xf32, #tpu.memory_space<vmem>>, vector<1x16xf32>,
        %get3A_1881 = vector.shape_cast %get3A_1880 : vector<1x16xf32> to vector<16xf32>
        %mul3A_1882 = arith.mulf %get3A_1318, %get3A_1881 : vector<16xf32>
        %add3A_1883 = arith.constant 1 : i32
        %add3A_1884 = arith.addi %add3A_1310, %add3A_1883 : i32
        %add3A_1885 = arith.constant 5 : i32
        %add3A_1886 = arith.addi %add3A_1884, %add3A_1885 : i32
        %get3A_1887 = arith.index_cast %add3A_1886 : i32 to index
        %get3A_1888 = arith.constant 32 : index
        %get3A_1889 = tpu.vector_load %arg7[%get3A_1887, %get3A_1888] {strides = array<i32>} : memref<672x128xf32, #tpu.memory_space<vmem>>, vector<1x16xf32>,
        %get3A_1890 = vector.shape_cast %get3A_1889 : vector<1x16xf32> to vector<16xf32>
        %mul3A_1891 = arith.mulf %get3A_1322, %get3A_1890 : vector<16xf32>
        %add3A_1892 = arith.constant 1 : i32
        %add3A_1893 = arith.addi %add3A_1310, %add3A_1892 : i32
        %add3A_1894 = arith.constant 5 : i32
        %add3A_1895 = arith.addi %add3A_1893, %add3A_1894 : i32
        %get3A_1896 = arith.index_cast %add3A_1895 : i32 to index
        %get3A_1897 = arith.constant 48 : index
        %get3A_1898 = tpu.vector_load %arg7[%get3A_1896, %get3A_1897] {strides = array<i32>} : memref<672x128xf32, #tpu.memory_space<vmem>>, vector<1x16xf32>,
        %get3A_1899 = vector.shape_cast %get3A_1898 : vector<1x16xf32> to vector<16xf32>
        %mul3A_1900 = arith.mulf %get3A_1326, %get3A_1899 : vector<16xf32>
        %add3A_1901 = arith.constant 1 : i32
        %add3A_1902 = arith.addi %add3A_1310, %add3A_1901 : i32
        %add3A_1903 = arith.constant 5 : i32
        %add3A_1904 = arith.addi %add3A_1902, %add3A_1903 : i32
        %get3A_1905 = arith.index_cast %add3A_1904 : i32 to index
        %get3A_1906 = arith.constant 64 : index
        %get3A_1907 = tpu.vector_load %arg7[%get3A_1905, %get3A_1906] {strides = array<i32>} : memref<672x128xf32, #tpu.memory_space<vmem>>, vector<1x16xf32>,
        %get3A_1908 = vector.shape_cast %get3A_1907 : vector<1x16xf32> to vector<16xf32>
        %mul3A_1909 = arith.mulf %get3A_1330, %get3A_1908 : vector<16xf32>
        %add3A_1910 = arith.constant 1 : i32
        %add3A_1911 = arith.addi %add3A_1310, %add3A_1910 : i32
        %add3A_1912 = arith.constant 5 : i32
        %add3A_1913 = arith.addi %add3A_1911, %add3A_1912 : i32
        %get3A_1914 = arith.index_cast %add3A_1913 : i32 to index
        %get3A_1915 = arith.constant 80 : index
        %get3A_1916 = tpu.vector_load %arg7[%get3A_1914, %get3A_1915] {strides = array<i32>} : memref<672x128xf32, #tpu.memory_space<vmem>>, vector<1x16xf32>,
        %get3A_1917 = vector.shape_cast %get3A_1916 : vector<1x16xf32> to vector<16xf32>
        %mul3A_1918 = arith.mulf %get3A_1334, %get3A_1917 : vector<16xf32>
        %add3A_1919 = arith.constant 1 : i32
        %add3A_1920 = arith.addi %add3A_1310, %add3A_1919 : i32
        %add3A_1921 = arith.constant 5 : i32
        %add3A_1922 = arith.addi %add3A_1920, %add3A_1921 : i32
        %get3A_1923 = arith.index_cast %add3A_1922 : i32 to index
        %get3A_1924 = arith.constant 96 : index
        %get3A_1925 = tpu.vector_load %arg7[%get3A_1923, %get3A_1924] {strides = array<i32>} : memref<672x128xf32, #tpu.memory_space<vmem>>, vector<1x16xf32>,
        %get3A_1926 = vector.shape_cast %get3A_1925 : vector<1x16xf32> to vector<16xf32>
        %mul3A_1927 = arith.mulf %get3A_1338, %get3A_1926 : vector<16xf32>
        %add3A_1928 = arith.constant 1 : i32
        %add3A_1929 = arith.addi %add3A_1310, %add3A_1928 : i32
        %add3A_1930 = arith.constant 5 : i32
        %add3A_1931 = arith.addi %add3A_1929, %add3A_1930 : i32
        %get3A_1932 = arith.index_cast %add3A_1931 : i32 to index
        %get3A_1933 = arith.constant 112 : index
        %get3A_1934 = tpu.vector_load %arg7[%get3A_1932, %get3A_1933] {strides = array<i32>} : memref<672x128xf32, #tpu.memory_space<vmem>>, vector<1x16xf32>,
        %get3A_1935 = vector.shape_cast %get3A_1934 : vector<1x16xf32> to vector<16xf32>
        %mul3A_1936 = arith.mulf %get3A_1342, %get3A_1935 : vector<16xf32>
        %add3A_1937 = arith.addf %mul3A_1873, %mul3A_1909 : vector<16xf32>
        %add3A_1938 = arith.addf %mul3A_1882, %mul3A_1918 : vector<16xf32>
        %add3A_1939 = arith.addf %mul3A_1891, %mul3A_1927 : vector<16xf32>
        %add3A_1940 = arith.addf %mul3A_1900, %mul3A_1936 : vector<16xf32>
        %add3A_1941 = arith.addf %add3A_1937, %add3A_1939 : vector<16xf32>
        %add3A_1942 = arith.addf %add3A_1938, %add3A_1940 : vector<16xf32>
        %add3A_1943 = arith.addf %add3A_1941, %add3A_1942 : vector<16xf32>
        %gather3A_1944 = vector.shape_cast %broadcast_in_dim3A_4 : vector<16x1xi32> to vector<16xi32>
        %gather3A_1945 = tpu.dynamic_gather %add3A_1943[%gather3A_1944] in [0] : vector<16xf32>, vector<16xi32> -> vector<16xf32>
        %add3A_1946 = arith.addf %add3A_1943, %gather3A_1945 : vector<16xf32>
        %gather3A_1947 = vector.shape_cast %broadcast_in_dim3A_8 : vector<16x1xi32> to vector<16xi32>
        %gather3A_1948 = tpu.dynamic_gather %add3A_1946[%gather3A_1947] in [0] : vector<16xf32>, vector<16xi32> -> vector<16xf32>
        %add3A_1949 = arith.addf %add3A_1946, %gather3A_1948 : vector<16xf32>
        %gather3A_1950 = vector.shape_cast %broadcast_in_dim3A_12 : vector<16x1xi32> to vector<16xi32>
        %gather3A_1951 = tpu.dynamic_gather %add3A_1949[%gather3A_1950] in [0] : vector<16xf32>, vector<16xi32> -> vector<16xf32>
        %add3A_1952 = arith.addf %add3A_1949, %gather3A_1951 : vector<16xf32>
        %gather3A_1953 = vector.shape_cast %broadcast_in_dim3A_16 : vector<16x1xi32> to vector<16xi32>
        %gather3A_1954 = tpu.dynamic_gather %add3A_1952[%gather3A_1953] in [0] : vector<16xf32>, vector<16xi32> -> vector<16xf32>
        %add3A_1955 = arith.addf %add3A_1952, %gather3A_1954 : vector<16xf32>
        %mul3A_1956 = arith.constant 8 : i32
        %mul3A_1957 = arith.muli %add3A_135, %mul3A_1956 : i32
        %add3A_1958 = arith.constant 3 : i32
        %add3A_1959 = arith.addi %mul3A_1957, %add3A_1958 : i32
        %mul3A_1960 = arith.constant 7 : i32
        %mul3A_1961 = arith.muli %add3A_1959, %mul3A_1960 : i32
        %add3A_1962 = arith.addi %mul3A_125, %mul3A_1961 : i32
        %get3A_1963 = arith.index_cast %add3A_1962 : i32 to index
        %get3A_1964 = arith.constant 0 : index
        %get3A_1965 = tpu.vector_load %arg7[%get3A_1963, %get3A_1964] {strides = array<i32>} : memref<672x128xf32, #tpu.memory_space<vmem>>, vector<1x16xf32>,
        %get3A_1966 = vector.shape_cast %get3A_1965 : vector<1x16xf32> to vector<16xf32>
        %get3A_1967 = arith.index_cast %add3A_1962 : i32 to index
        %get3A_1968 = arith.constant 16 : index
        %get3A_1969 = tpu.vector_load %arg7[%get3A_1967, %get3A_1968] {strides = array<i32>} : memref<672x128xf32, #tpu.memory_space<vmem>>, vector<1x16xf32>,
        %get3A_1970 = vector.shape_cast %get3A_1969 : vector<1x16xf32> to vector<16xf32>
        %get3A_1971 = arith.index_cast %add3A_1962 : i32 to index
        %get3A_1972 = arith.constant 32 : index
        %get3A_1973 = tpu.vector_load %arg7[%get3A_1971, %get3A_1972] {strides = array<i32>} : memref<672x128xf32, #tpu.memory_space<vmem>>, vector<1x16xf32>,
        %get3A_1974 = vector.shape_cast %get3A_1973 : vector<1x16xf32> to vector<16xf32>
        %get3A_1975 = arith.index_cast %add3A_1962 : i32 to index
        %get3A_1976 = arith.constant 48 : index
        %get3A_1977 = tpu.vector_load %arg7[%get3A_1975, %get3A_1976] {strides = array<i32>} : memref<672x128xf32, #tpu.memory_space<vmem>>, vector<1x16xf32>,
        %get3A_1978 = vector.shape_cast %get3A_1977 : vector<1x16xf32> to vector<16xf32>
        %get3A_1979 = arith.index_cast %add3A_1962 : i32 to index
        %get3A_1980 = arith.constant 64 : index
        %get3A_1981 = tpu.vector_load %arg7[%get3A_1979, %get3A_1980] {strides = array<i32>} : memref<672x128xf32, #tpu.memory_space<vmem>>, vector<1x16xf32>,
        %get3A_1982 = vector.shape_cast %get3A_1981 : vector<1x16xf32> to vector<16xf32>
        %get3A_1983 = arith.index_cast %add3A_1962 : i32 to index
        %get3A_1984 = arith.constant 80 : index
        %get3A_1985 = tpu.vector_load %arg7[%get3A_1983, %get3A_1984] {strides = array<i32>} : memref<672x128xf32, #tpu.memory_space<vmem>>, vector<1x16xf32>,
        %get3A_1986 = vector.shape_cast %get3A_1985 : vector<1x16xf32> to vector<16xf32>
        %get3A_1987 = arith.index_cast %add3A_1962 : i32 to index
        %get3A_1988 = arith.constant 96 : index
        %get3A_1989 = tpu.vector_load %arg7[%get3A_1987, %get3A_1988] {strides = array<i32>} : memref<672x128xf32, #tpu.memory_space<vmem>>, vector<1x16xf32>,
        %get3A_1990 = vector.shape_cast %get3A_1989 : vector<1x16xf32> to vector<16xf32>
        %get3A_1991 = arith.index_cast %add3A_1962 : i32 to index
        %get3A_1992 = arith.constant 112 : index
        %get3A_1993 = tpu.vector_load %arg7[%get3A_1991, %get3A_1992] {strides = array<i32>} : memref<672x128xf32, #tpu.memory_space<vmem>>, vector<1x16xf32>,
        %get3A_1994 = vector.shape_cast %get3A_1993 : vector<1x16xf32> to vector<16xf32>
        %add3A_1995 = arith.constant 1 : i32
        %add3A_1996 = arith.addi %add3A_1962, %add3A_1995 : i32
        %add3A_1997 = arith.constant 0 : i32
        %add3A_1998 = arith.addi %add3A_1996, %add3A_1997 : i32
        %get3A_1999 = arith.index_cast %add3A_1998 : i32 to index
        %get3A_2000 = arith.constant 0 : index
        %get3A_2001 = tpu.vector_load %arg7[%get3A_1999, %get3A_2000] {strides = array<i32>} : memref<672x128xf32, #tpu.memory_space<vmem>>, vector<1x16xf32>,
        %get3A_2002 = vector.shape_cast %get3A_2001 : vector<1x16xf32> to vector<16xf32>
        %mul3A_2003 = arith.mulf %get3A_1966, %get3A_2002 : vector<16xf32>
        %add3A_2004 = arith.constant 1 : i32
        %add3A_2005 = arith.addi %add3A_1962, %add3A_2004 : i32
        %add3A_2006 = arith.constant 0 : i32
        %add3A_2007 = arith.addi %add3A_2005, %add3A_2006 : i32
        %get3A_2008 = arith.index_cast %add3A_2007 : i32 to index
        %get3A_2009 = arith.constant 16 : index
        %get3A_2010 = tpu.vector_load %arg7[%get3A_2008, %get3A_2009] {strides = array<i32>} : memref<672x128xf32, #tpu.memory_space<vmem>>, vector<1x16xf32>,
        %get3A_2011 = vector.shape_cast %get3A_2010 : vector<1x16xf32> to vector<16xf32>
        %mul3A_2012 = arith.mulf %get3A_1970, %get3A_2011 : vector<16xf32>
        %add3A_2013 = arith.constant 1 : i32
        %add3A_2014 = arith.addi %add3A_1962, %add3A_2013 : i32
        %add3A_2015 = arith.constant 0 : i32
        %add3A_2016 = arith.addi %add3A_2014, %add3A_2015 : i32
        %get3A_2017 = arith.index_cast %add3A_2016 : i32 to index
        %get3A_2018 = arith.constant 32 : index
        %get3A_2019 = tpu.vector_load %arg7[%get3A_2017, %get3A_2018] {strides = array<i32>} : memref<672x128xf32, #tpu.memory_space<vmem>>, vector<1x16xf32>,
        %get3A_2020 = vector.shape_cast %get3A_2019 : vector<1x16xf32> to vector<16xf32>
        %mul3A_2021 = arith.mulf %get3A_1974, %get3A_2020 : vector<16xf32>
        %add3A_2022 = arith.constant 1 : i32
        %add3A_2023 = arith.addi %add3A_1962, %add3A_2022 : i32
        %add3A_2024 = arith.constant 0 : i32
        %add3A_2025 = arith.addi %add3A_2023, %add3A_2024 : i32
        %get3A_2026 = arith.index_cast %add3A_2025 : i32 to index
        %get3A_2027 = arith.constant 48 : index
        %get3A_2028 = tpu.vector_load %arg7[%get3A_2026, %get3A_2027] {strides = array<i32>} : memref<672x128xf32, #tpu.memory_space<vmem>>, vector<1x16xf32>,
        %get3A_2029 = vector.shape_cast %get3A_2028 : vector<1x16xf32> to vector<16xf32>
        %mul3A_2030 = arith.mulf %get3A_1978, %get3A_2029 : vector<16xf32>
        %add3A_2031 = arith.constant 1 : i32
        %add3A_2032 = arith.addi %add3A_1962, %add3A_2031 : i32
        %add3A_2033 = arith.constant 0 : i32
        %add3A_2034 = arith.addi %add3A_2032, %add3A_2033 : i32
        %get3A_2035 = arith.index_cast %add3A_2034 : i32 to index
        %get3A_2036 = arith.constant 64 : index
        %get3A_2037 = tpu.vector_load %arg7[%get3A_2035, %get3A_2036] {strides = array<i32>} : memref<672x128xf32, #tpu.memory_space<vmem>>, vector<1x16xf32>,
        %get3A_2038 = vector.shape_cast %get3A_2037 : vector<1x16xf32> to vector<16xf32>
        %mul3A_2039 = arith.mulf %get3A_1982, %get3A_2038 : vector<16xf32>
        %add3A_2040 = arith.constant 1 : i32
        %add3A_2041 = arith.addi %add3A_1962, %add3A_2040 : i32
        %add3A_2042 = arith.constant 0 : i32
        %add3A_2043 = arith.addi %add3A_2041, %add3A_2042 : i32
        %get3A_2044 = arith.index_cast %add3A_2043 : i32 to index
        %get3A_2045 = arith.constant 80 : index
        %get3A_2046 = tpu.vector_load %arg7[%get3A_2044, %get3A_2045] {strides = array<i32>} : memref<672x128xf32, #tpu.memory_space<vmem>>, vector<1x16xf32>,
        %get3A_2047 = vector.shape_cast %get3A_2046 : vector<1x16xf32> to vector<16xf32>
        %mul3A_2048 = arith.mulf %get3A_1986, %get3A_2047 : vector<16xf32>
        %add3A_2049 = arith.constant 1 : i32
        %add3A_2050 = arith.addi %add3A_1962, %add3A_2049 : i32
        %add3A_2051 = arith.constant 0 : i32
        %add3A_2052 = arith.addi %add3A_2050, %add3A_2051 : i32
        %get3A_2053 = arith.index_cast %add3A_2052 : i32 to index
        %get3A_2054 = arith.constant 96 : index
        %get3A_2055 = tpu.vector_load %arg7[%get3A_2053, %get3A_2054] {strides = array<i32>} : memref<672x128xf32, #tpu.memory_space<vmem>>, vector<1x16xf32>,
        %get3A_2056 = vector.shape_cast %get3A_2055 : vector<1x16xf32> to vector<16xf32>
        %mul3A_2057 = arith.mulf %get3A_1990, %get3A_2056 : vector<16xf32>
        %add3A_2058 = arith.constant 1 : i32
        %add3A_2059 = arith.addi %add3A_1962, %add3A_2058 : i32
        %add3A_2060 = arith.constant 0 : i32
        %add3A_2061 = arith.addi %add3A_2059, %add3A_2060 : i32
        %get3A_2062 = arith.index_cast %add3A_2061 : i32 to index
        %get3A_2063 = arith.constant 112 : index
        %get3A_2064 = tpu.vector_load %arg7[%get3A_2062, %get3A_2063] {strides = array<i32>} : memref<672x128xf32, #tpu.memory_space<vmem>>, vector<1x16xf32>,
        %get3A_2065 = vector.shape_cast %get3A_2064 : vector<1x16xf32> to vector<16xf32>
        %mul3A_2066 = arith.mulf %get3A_1994, %get3A_2065 : vector<16xf32>
        %add3A_2067 = arith.addf %mul3A_2003, %mul3A_2039 : vector<16xf32>
        %add3A_2068 = arith.addf %mul3A_2012, %mul3A_2048 : vector<16xf32>
        %add3A_2069 = arith.addf %mul3A_2021, %mul3A_2057 : vector<16xf32>
        %add3A_2070 = arith.addf %mul3A_2030, %mul3A_2066 : vector<16xf32>
        %add3A_2071 = arith.addf %add3A_2067, %add3A_2069 : vector<16xf32>
        %add3A_2072 = arith.addf %add3A_2068, %add3A_2070 : vector<16xf32>
        %add3A_2073 = arith.addf %add3A_2071, %add3A_2072 : vector<16xf32>
        %gather3A_2074 = vector.shape_cast %broadcast_in_dim3A_4 : vector<16x1xi32> to vector<16xi32>
        %gather3A_2075 = tpu.dynamic_gather %add3A_2073[%gather3A_2074] in [0] : vector<16xf32>, vector<16xi32> -> vector<16xf32>
        %add3A_2076 = arith.addf %add3A_2073, %gather3A_2075 : vector<16xf32>
        %gather3A_2077 = vector.shape_cast %broadcast_in_dim3A_8 : vector<16x1xi32> to vector<16xi32>
        %gather3A_2078 = tpu.dynamic_gather %add3A_2076[%gather3A_2077] in [0] : vector<16xf32>, vector<16xi32> -> vector<16xf32>
        %add3A_2079 = arith.addf %add3A_2076, %gather3A_2078 : vector<16xf32>
        %gather3A_2080 = vector.shape_cast %broadcast_in_dim3A_12 : vector<16x1xi32> to vector<16xi32>
        %gather3A_2081 = tpu.dynamic_gather %add3A_2079[%gather3A_2080] in [0] : vector<16xf32>, vector<16xi32> -> vector<16xf32>
        %add3A_2082 = arith.addf %add3A_2079, %gather3A_2081 : vector<16xf32>
        %gather3A_2083 = vector.shape_cast %broadcast_in_dim3A_16 : vector<16x1xi32> to vector<16xi32>
        %gather3A_2084 = tpu.dynamic_gather %add3A_2082[%gather3A_2083] in [0] : vector<16xf32>, vector<16xi32> -> vector<16xf32>
        %add3A_2085 = arith.addf %add3A_2082, %gather3A_2084 : vector<16xf32>
        %add3A_2086 = arith.constant 1 : i32
        %add3A_2087 = arith.addi %add3A_1962, %add3A_2086 : i32
        %add3A_2088 = arith.constant 1 : i32
        %add3A_2089 = arith.addi %add3A_2087, %add3A_2088 : i32
        %get3A_2090 = arith.index_cast %add3A_2089 : i32 to index
        %get3A_2091 = arith.constant 0 : index
        %get3A_2092 = tpu.vector_load %arg7[%get3A_2090, %get3A_2091] {strides = array<i32>} : memref<672x128xf32, #tpu.memory_space<vmem>>, vector<1x16xf32>,
        %get3A_2093 = vector.shape_cast %get3A_2092 : vector<1x16xf32> to vector<16xf32>
        %mul3A_2094 = arith.mulf %get3A_1966, %get3A_2093 : vector<16xf32>
        %add3A_2095 = arith.constant 1 : i32
        %add3A_2096 = arith.addi %add3A_1962, %add3A_2095 : i32
        %add3A_2097 = arith.constant 1 : i32
        %add3A_2098 = arith.addi %add3A_2096, %add3A_2097 : i32
        %get3A_2099 = arith.index_cast %add3A_2098 : i32 to index
        %get3A_2100 = arith.constant 16 : index
        %get3A_2101 = tpu.vector_load %arg7[%get3A_2099, %get3A_2100] {strides = array<i32>} : memref<672x128xf32, #tpu.memory_space<vmem>>, vector<1x16xf32>,
        %get3A_2102 = vector.shape_cast %get3A_2101 : vector<1x16xf32> to vector<16xf32>
        %mul3A_2103 = arith.mulf %get3A_1970, %get3A_2102 : vector<16xf32>
        %add3A_2104 = arith.constant 1 : i32
        %add3A_2105 = arith.addi %add3A_1962, %add3A_2104 : i32
        %add3A_2106 = arith.constant 1 : i32
        %add3A_2107 = arith.addi %add3A_2105, %add3A_2106 : i32
        %get3A_2108 = arith.index_cast %add3A_2107 : i32 to index
        %get3A_2109 = arith.constant 32 : index
        %get3A_2110 = tpu.vector_load %arg7[%get3A_2108, %get3A_2109] {strides = array<i32>} : memref<672x128xf32, #tpu.memory_space<vmem>>, vector<1x16xf32>,
        %get3A_2111 = vector.shape_cast %get3A_2110 : vector<1x16xf32> to vector<16xf32>
        %mul3A_2112 = arith.mulf %get3A_1974, %get3A_2111 : vector<16xf32>
        %add3A_2113 = arith.constant 1 : i32
        %add3A_2114 = arith.addi %add3A_1962, %add3A_2113 : i32
        %add3A_2115 = arith.constant 1 : i32
        %add3A_2116 = arith.addi %add3A_2114, %add3A_2115 : i32
        %get3A_2117 = arith.index_cast %add3A_2116 : i32 to index
        %get3A_2118 = arith.constant 48 : index
        %get3A_2119 = tpu.vector_load %arg7[%get3A_2117, %get3A_2118] {strides = array<i32>} : memref<672x128xf32, #tpu.memory_space<vmem>>, vector<1x16xf32>,
        %get3A_2120 = vector.shape_cast %get3A_2119 : vector<1x16xf32> to vector<16xf32>
        %mul3A_2121 = arith.mulf %get3A_1978, %get3A_2120 : vector<16xf32>
        %add3A_2122 = arith.constant 1 : i32
        %add3A_2123 = arith.addi %add3A_1962, %add3A_2122 : i32
        %add3A_2124 = arith.constant 1 : i32
        %add3A_2125 = arith.addi %add3A_2123, %add3A_2124 : i32
        %get3A_2126 = arith.index_cast %add3A_2125 : i32 to index
        %get3A_2127 = arith.constant 64 : index
        %get3A_2128 = tpu.vector_load %arg7[%get3A_2126, %get3A_2127] {strides = array<i32>} : memref<672x128xf32, #tpu.memory_space<vmem>>, vector<1x16xf32>,
        %get3A_2129 = vector.shape_cast %get3A_2128 : vector<1x16xf32> to vector<16xf32>
        %mul3A_2130 = arith.mulf %get3A_1982, %get3A_2129 : vector<16xf32>
        %add3A_2131 = arith.constant 1 : i32
        %add3A_2132 = arith.addi %add3A_1962, %add3A_2131 : i32
        %add3A_2133 = arith.constant 1 : i32
        %add3A_2134 = arith.addi %add3A_2132, %add3A_2133 : i32
        %get3A_2135 = arith.index_cast %add3A_2134 : i32 to index
        %get3A_2136 = arith.constant 80 : index
        %get3A_2137 = tpu.vector_load %arg7[%get3A_2135, %get3A_2136] {strides = array<i32>} : memref<672x128xf32, #tpu.memory_space<vmem>>, vector<1x16xf32>,
        %get3A_2138 = vector.shape_cast %get3A_2137 : vector<1x16xf32> to vector<16xf32>
        %mul3A_2139 = arith.mulf %get3A_1986, %get3A_2138 : vector<16xf32>
        %add3A_2140 = arith.constant 1 : i32
        %add3A_2141 = arith.addi %add3A_1962, %add3A_2140 : i32
        %add3A_2142 = arith.constant 1 : i32
        %add3A_2143 = arith.addi %add3A_2141, %add3A_2142 : i32
        %get3A_2144 = arith.index_cast %add3A_2143 : i32 to index
        %get3A_2145 = arith.constant 96 : index
        %get3A_2146 = tpu.vector_load %arg7[%get3A_2144, %get3A_2145] {strides = array<i32>} : memref<672x128xf32, #tpu.memory_space<vmem>>, vector<1x16xf32>,
        %get3A_2147 = vector.shape_cast %get3A_2146 : vector<1x16xf32> to vector<16xf32>
        %mul3A_2148 = arith.mulf %get3A_1990, %get3A_2147 : vector<16xf32>
        %add3A_2149 = arith.constant 1 : i32
        %add3A_2150 = arith.addi %add3A_1962, %add3A_2149 : i32
        %add3A_2151 = arith.constant 1 : i32
        %add3A_2152 = arith.addi %add3A_2150, %add3A_2151 : i32
        %get3A_2153 = arith.index_cast %add3A_2152 : i32 to index
        %get3A_2154 = arith.constant 112 : index
        %get3A_2155 = tpu.vector_load %arg7[%get3A_2153, %get3A_2154] {strides = array<i32>} : memref<672x128xf32, #tpu.memory_space<vmem>>, vector<1x16xf32>,
        %get3A_2156 = vector.shape_cast %get3A_2155 : vector<1x16xf32> to vector<16xf32>
        %mul3A_2157 = arith.mulf %get3A_1994, %get3A_2156 : vector<16xf32>
        %add3A_2158 = arith.addf %mul3A_2094, %mul3A_2130 : vector<16xf32>
        %add3A_2159 = arith.addf %mul3A_2103, %mul3A_2139 : vector<16xf32>
        %add3A_2160 = arith.addf %mul3A_2112, %mul3A_2148 : vector<16xf32>
        %add3A_2161 = arith.addf %mul3A_2121, %mul3A_2157 : vector<16xf32>
        %add3A_2162 = arith.addf %add3A_2158, %add3A_2160 : vector<16xf32>
        %add3A_2163 = arith.addf %add3A_2159, %add3A_2161 : vector<16xf32>
        %add3A_2164 = arith.addf %add3A_2162, %add3A_2163 : vector<16xf32>
        %gather3A_2165 = vector.shape_cast %broadcast_in_dim3A_4 : vector<16x1xi32> to vector<16xi32>
        %gather3A_2166 = tpu.dynamic_gather %add3A_2164[%gather3A_2165] in [0] : vector<16xf32>, vector<16xi32> -> vector<16xf32>
        %add3A_2167 = arith.addf %add3A_2164, %gather3A_2166 : vector<16xf32>
        %gather3A_2168 = vector.shape_cast %broadcast_in_dim3A_8 : vector<16x1xi32> to vector<16xi32>
        %gather3A_2169 = tpu.dynamic_gather %add3A_2167[%gather3A_2168] in [0] : vector<16xf32>, vector<16xi32> -> vector<16xf32>
        %add3A_2170 = arith.addf %add3A_2167, %gather3A_2169 : vector<16xf32>
        %gather3A_2171 = vector.shape_cast %broadcast_in_dim3A_12 : vector<16x1xi32> to vector<16xi32>
        %gather3A_2172 = tpu.dynamic_gather %add3A_2170[%gather3A_2171] in [0] : vector<16xf32>, vector<16xi32> -> vector<16xf32>
        %add3A_2173 = arith.addf %add3A_2170, %gather3A_2172 : vector<16xf32>
        %gather3A_2174 = vector.shape_cast %broadcast_in_dim3A_16 : vector<16x1xi32> to vector<16xi32>
        %gather3A_2175 = tpu.dynamic_gather %add3A_2173[%gather3A_2174] in [0] : vector<16xf32>, vector<16xi32> -> vector<16xf32>
        %add3A_2176 = arith.addf %add3A_2173, %gather3A_2175 : vector<16xf32>
        %add3A_2177 = arith.constant 1 : i32
        %add3A_2178 = arith.addi %add3A_1962, %add3A_2177 : i32
        %add3A_2179 = arith.constant 2 : i32
        %add3A_2180 = arith.addi %add3A_2178, %add3A_2179 : i32
        %get3A_2181 = arith.index_cast %add3A_2180 : i32 to index
        %get3A_2182 = arith.constant 0 : index
        %get3A_2183 = tpu.vector_load %arg7[%get3A_2181, %get3A_2182] {strides = array<i32>} : memref<672x128xf32, #tpu.memory_space<vmem>>, vector<1x16xf32>,
        %get3A_2184 = vector.shape_cast %get3A_2183 : vector<1x16xf32> to vector<16xf32>
        %mul3A_2185 = arith.mulf %get3A_1966, %get3A_2184 : vector<16xf32>
        %add3A_2186 = arith.constant 1 : i32
        %add3A_2187 = arith.addi %add3A_1962, %add3A_2186 : i32
        %add3A_2188 = arith.constant 2 : i32
        %add3A_2189 = arith.addi %add3A_2187, %add3A_2188 : i32
        %get3A_2190 = arith.index_cast %add3A_2189 : i32 to index
        %get3A_2191 = arith.constant 16 : index
        %get3A_2192 = tpu.vector_load %arg7[%get3A_2190, %get3A_2191] {strides = array<i32>} : memref<672x128xf32, #tpu.memory_space<vmem>>, vector<1x16xf32>,
        %get3A_2193 = vector.shape_cast %get3A_2192 : vector<1x16xf32> to vector<16xf32>
        %mul3A_2194 = arith.mulf %get3A_1970, %get3A_2193 : vector<16xf32>
        %add3A_2195 = arith.constant 1 : i32
        %add3A_2196 = arith.addi %add3A_1962, %add3A_2195 : i32
        %add3A_2197 = arith.constant 2 : i32
        %add3A_2198 = arith.addi %add3A_2196, %add3A_2197 : i32
        %get3A_2199 = arith.index_cast %add3A_2198 : i32 to index
        %get3A_2200 = arith.constant 32 : index
        %get3A_2201 = tpu.vector_load %arg7[%get3A_2199, %get3A_2200] {strides = array<i32>} : memref<672x128xf32, #tpu.memory_space<vmem>>, vector<1x16xf32>,
        %get3A_2202 = vector.shape_cast %get3A_2201 : vector<1x16xf32> to vector<16xf32>
        %mul3A_2203 = arith.mulf %get3A_1974, %get3A_2202 : vector<16xf32>
        %add3A_2204 = arith.constant 1 : i32
        %add3A_2205 = arith.addi %add3A_1962, %add3A_2204 : i32
        %add3A_2206 = arith.constant 2 : i32
        %add3A_2207 = arith.addi %add3A_2205, %add3A_2206 : i32
        %get3A_2208 = arith.index_cast %add3A_2207 : i32 to index
        %get3A_2209 = arith.constant 48 : index
        %get3A_2210 = tpu.vector_load %arg7[%get3A_2208, %get3A_2209] {strides = array<i32>} : memref<672x128xf32, #tpu.memory_space<vmem>>, vector<1x16xf32>,
        %get3A_2211 = vector.shape_cast %get3A_2210 : vector<1x16xf32> to vector<16xf32>
        %mul3A_2212 = arith.mulf %get3A_1978, %get3A_2211 : vector<16xf32>
        %add3A_2213 = arith.constant 1 : i32
        %add3A_2214 = arith.addi %add3A_1962, %add3A_2213 : i32
        %add3A_2215 = arith.constant 2 : i32
        %add3A_2216 = arith.addi %add3A_2214, %add3A_2215 : i32
        %get3A_2217 = arith.index_cast %add3A_2216 : i32 to index
        %get3A_2218 = arith.constant 64 : index
        %get3A_2219 = tpu.vector_load %arg7[%get3A_2217, %get3A_2218] {strides = array<i32>} : memref<672x128xf32, #tpu.memory_space<vmem>>, vector<1x16xf32>,
        %get3A_2220 = vector.shape_cast %get3A_2219 : vector<1x16xf32> to vector<16xf32>
        %mul3A_2221 = arith.mulf %get3A_1982, %get3A_2220 : vector<16xf32>
        %add3A_2222 = arith.constant 1 : i32
        %add3A_2223 = arith.addi %add3A_1962, %add3A_2222 : i32
        %add3A_2224 = arith.constant 2 : i32
        %add3A_2225 = arith.addi %add3A_2223, %add3A_2224 : i32
        %get3A_2226 = arith.index_cast %add3A_2225 : i32 to index
        %get3A_2227 = arith.constant 80 : index
        %get3A_2228 = tpu.vector_load %arg7[%get3A_2226, %get3A_2227] {strides = array<i32>} : memref<672x128xf32, #tpu.memory_space<vmem>>, vector<1x16xf32>,
        %get3A_2229 = vector.shape_cast %get3A_2228 : vector<1x16xf32> to vector<16xf32>
        %mul3A_2230 = arith.mulf %get3A_1986, %get3A_2229 : vector<16xf32>
        %add3A_2231 = arith.constant 1 : i32
        %add3A_2232 = arith.addi %add3A_1962, %add3A_2231 : i32
        %add3A_2233 = arith.constant 2 : i32
        %add3A_2234 = arith.addi %add3A_2232, %add3A_2233 : i32
        %get3A_2235 = arith.index_cast %add3A_2234 : i32 to index
        %get3A_2236 = arith.constant 96 : index
        %get3A_2237 = tpu.vector_load %arg7[%get3A_2235, %get3A_2236] {strides = array<i32>} : memref<672x128xf32, #tpu.memory_space<vmem>>, vector<1x16xf32>,
        %get3A_2238 = vector.shape_cast %get3A_2237 : vector<1x16xf32> to vector<16xf32>
        %mul3A_2239 = arith.mulf %get3A_1990, %get3A_2238 : vector<16xf32>
        %add3A_2240 = arith.constant 1 : i32
        %add3A_2241 = arith.addi %add3A_1962, %add3A_2240 : i32
        %add3A_2242 = arith.constant 2 : i32
        %add3A_2243 = arith.addi %add3A_2241, %add3A_2242 : i32
        %get3A_2244 = arith.index_cast %add3A_2243 : i32 to index
        %get3A_2245 = arith.constant 112 : index
        %get3A_2246 = tpu.vector_load %arg7[%get3A_2244, %get3A_2245] {strides = array<i32>} : memref<672x128xf32, #tpu.memory_space<vmem>>, vector<1x16xf32>,
        %get3A_2247 = vector.shape_cast %get3A_2246 : vector<1x16xf32> to vector<16xf32>
        %mul3A_2248 = arith.mulf %get3A_1994, %get3A_2247 : vector<16xf32>
        %add3A_2249 = arith.addf %mul3A_2185, %mul3A_2221 : vector<16xf32>
        %add3A_2250 = arith.addf %mul3A_2194, %mul3A_2230 : vector<16xf32>
        %add3A_2251 = arith.addf %mul3A_2203, %mul3A_2239 : vector<16xf32>
        %add3A_2252 = arith.addf %mul3A_2212, %mul3A_2248 : vector<16xf32>
        %add3A_2253 = arith.addf %add3A_2249, %add3A_2251 : vector<16xf32>
        %add3A_2254 = arith.addf %add3A_2250, %add3A_2252 : vector<16xf32>
        %add3A_2255 = arith.addf %add3A_2253, %add3A_2254 : vector<16xf32>
        %gather3A_2256 = vector.shape_cast %broadcast_in_dim3A_4 : vector<16x1xi32> to vector<16xi32>
        %gather3A_2257 = tpu.dynamic_gather %add3A_2255[%gather3A_2256] in [0] : vector<16xf32>, vector<16xi32> -> vector<16xf32>
        %add3A_2258 = arith.addf %add3A_2255, %gather3A_2257 : vector<16xf32>
        %gather3A_2259 = vector.shape_cast %broadcast_in_dim3A_8 : vector<16x1xi32> to vector<16xi32>
        %gather3A_2260 = tpu.dynamic_gather %add3A_2258[%gather3A_2259] in [0] : vector<16xf32>, vector<16xi32> -> vector<16xf32>
        %add3A_2261 = arith.addf %add3A_2258, %gather3A_2260 : vector<16xf32>
        %gather3A_2262 = vector.shape_cast %broadcast_in_dim3A_12 : vector<16x1xi32> to vector<16xi32>
        %gather3A_2263 = tpu.dynamic_gather %add3A_2261[%gather3A_2262] in [0] : vector<16xf32>, vector<16xi32> -> vector<16xf32>
        %add3A_2264 = arith.addf %add3A_2261, %gather3A_2263 : vector<16xf32>
        %gather3A_2265 = vector.shape_cast %broadcast_in_dim3A_16 : vector<16x1xi32> to vector<16xi32>
        %gather3A_2266 = tpu.dynamic_gather %add3A_2264[%gather3A_2265] in [0] : vector<16xf32>, vector<16xi32> -> vector<16xf32>
        %add3A_2267 = arith.addf %add3A_2264, %gather3A_2266 : vector<16xf32>
        %add3A_2268 = arith.constant 1 : i32
        %add3A_2269 = arith.addi %add3A_1962, %add3A_2268 : i32
        %add3A_2270 = arith.constant 3 : i32
        %add3A_2271 = arith.addi %add3A_2269, %add3A_2270 : i32
        %get3A_2272 = arith.index_cast %add3A_2271 : i32 to index
        %get3A_2273 = arith.constant 0 : index
        %get3A_2274 = tpu.vector_load %arg7[%get3A_2272, %get3A_2273] {strides = array<i32>} : memref<672x128xf32, #tpu.memory_space<vmem>>, vector<1x16xf32>,
        %get3A_2275 = vector.shape_cast %get3A_2274 : vector<1x16xf32> to vector<16xf32>
        %mul3A_2276 = arith.mulf %get3A_1966, %get3A_2275 : vector<16xf32>
        %add3A_2277 = arith.constant 1 : i32
        %add3A_2278 = arith.addi %add3A_1962, %add3A_2277 : i32
        %add3A_2279 = arith.constant 3 : i32
        %add3A_2280 = arith.addi %add3A_2278, %add3A_2279 : i32
        %get3A_2281 = arith.index_cast %add3A_2280 : i32 to index
        %get3A_2282 = arith.constant 16 : index
        %get3A_2283 = tpu.vector_load %arg7[%get3A_2281, %get3A_2282] {strides = array<i32>} : memref<672x128xf32, #tpu.memory_space<vmem>>, vector<1x16xf32>,
        %get3A_2284 = vector.shape_cast %get3A_2283 : vector<1x16xf32> to vector<16xf32>
        %mul3A_2285 = arith.mulf %get3A_1970, %get3A_2284 : vector<16xf32>
        %add3A_2286 = arith.constant 1 : i32
        %add3A_2287 = arith.addi %add3A_1962, %add3A_2286 : i32
        %add3A_2288 = arith.constant 3 : i32
        %add3A_2289 = arith.addi %add3A_2287, %add3A_2288 : i32
        %get3A_2290 = arith.index_cast %add3A_2289 : i32 to index
        %get3A_2291 = arith.constant 32 : index
        %get3A_2292 = tpu.vector_load %arg7[%get3A_2290, %get3A_2291] {strides = array<i32>} : memref<672x128xf32, #tpu.memory_space<vmem>>, vector<1x16xf32>,
        %get3A_2293 = vector.shape_cast %get3A_2292 : vector<1x16xf32> to vector<16xf32>
        %mul3A_2294 = arith.mulf %get3A_1974, %get3A_2293 : vector<16xf32>
        %add3A_2295 = arith.constant 1 : i32
        %add3A_2296 = arith.addi %add3A_1962, %add3A_2295 : i32
        %add3A_2297 = arith.constant 3 : i32
        %add3A_2298 = arith.addi %add3A_2296, %add3A_2297 : i32
        %get3A_2299 = arith.index_cast %add3A_2298 : i32 to index
        %get3A_2300 = arith.constant 48 : index
        %get3A_2301 = tpu.vector_load %arg7[%get3A_2299, %get3A_2300] {strides = array<i32>} : memref<672x128xf32, #tpu.memory_space<vmem>>, vector<1x16xf32>,
        %get3A_2302 = vector.shape_cast %get3A_2301 : vector<1x16xf32> to vector<16xf32>
        %mul3A_2303 = arith.mulf %get3A_1978, %get3A_2302 : vector<16xf32>
        %add3A_2304 = arith.constant 1 : i32
        %add3A_2305 = arith.addi %add3A_1962, %add3A_2304 : i32
        %add3A_2306 = arith.constant 3 : i32
        %add3A_2307 = arith.addi %add3A_2305, %add3A_2306 : i32
        %get3A_2308 = arith.index_cast %add3A_2307 : i32 to index
        %get3A_2309 = arith.constant 64 : index
        %get3A_2310 = tpu.vector_load %arg7[%get3A_2308, %get3A_2309] {strides = array<i32>} : memref<672x128xf32, #tpu.memory_space<vmem>>, vector<1x16xf32>,
        %get3A_2311 = vector.shape_cast %get3A_2310 : vector<1x16xf32> to vector<16xf32>
        %mul3A_2312 = arith.mulf %get3A_1982, %get3A_2311 : vector<16xf32>
        %add3A_2313 = arith.constant 1 : i32
        %add3A_2314 = arith.addi %add3A_1962, %add3A_2313 : i32
        %add3A_2315 = arith.constant 3 : i32
        %add3A_2316 = arith.addi %add3A_2314, %add3A_2315 : i32
        %get3A_2317 = arith.index_cast %add3A_2316 : i32 to index
        %get3A_2318 = arith.constant 80 : index
        %get3A_2319 = tpu.vector_load %arg7[%get3A_2317, %get3A_2318] {strides = array<i32>} : memref<672x128xf32, #tpu.memory_space<vmem>>, vector<1x16xf32>,
        %get3A_2320 = vector.shape_cast %get3A_2319 : vector<1x16xf32> to vector<16xf32>
        %mul3A_2321 = arith.mulf %get3A_1986, %get3A_2320 : vector<16xf32>
        %add3A_2322 = arith.constant 1 : i32
        %add3A_2323 = arith.addi %add3A_1962, %add3A_2322 : i32
        %add3A_2324 = arith.constant 3 : i32
        %add3A_2325 = arith.addi %add3A_2323, %add3A_2324 : i32
        %get3A_2326 = arith.index_cast %add3A_2325 : i32 to index
        %get3A_2327 = arith.constant 96 : index
        %get3A_2328 = tpu.vector_load %arg7[%get3A_2326, %get3A_2327] {strides = array<i32>} : memref<672x128xf32, #tpu.memory_space<vmem>>, vector<1x16xf32>,
        %get3A_2329 = vector.shape_cast %get3A_2328 : vector<1x16xf32> to vector<16xf32>
        %mul3A_2330 = arith.mulf %get3A_1990, %get3A_2329 : vector<16xf32>
        %add3A_2331 = arith.constant 1 : i32
        %add3A_2332 = arith.addi %add3A_1962, %add3A_2331 : i32
        %add3A_2333 = arith.constant 3 : i32
        %add3A_2334 = arith.addi %add3A_2332, %add3A_2333 : i32
        %get3A_2335 = arith.index_cast %add3A_2334 : i32 to index
        %get3A_2336 = arith.constant 112 : index
        %get3A_2337 = tpu.vector_load %arg7[%get3A_2335, %get3A_2336] {strides = array<i32>} : memref<672x128xf32, #tpu.memory_space<vmem>>, vector<1x16xf32>,
        %get3A_2338 = vector.shape_cast %get3A_2337 : vector<1x16xf32> to vector<16xf32>
        %mul3A_2339 = arith.mulf %get3A_1994, %get3A_2338 : vector<16xf32>
        %add3A_2340 = arith.addf %mul3A_2276, %mul3A_2312 : vector<16xf32>
        %add3A_2341 = arith.addf %mul3A_2285, %mul3A_2321 : vector<16xf32>
        %add3A_2342 = arith.addf %mul3A_2294, %mul3A_2330 : vector<16xf32>
        %add3A_2343 = arith.addf %mul3A_2303, %mul3A_2339 : vector<16xf32>
        %add3A_2344 = arith.addf %add3A_2340, %add3A_2342 : vector<16xf32>
        %add3A_2345 = arith.addf %add3A_2341, %add3A_2343 : vector<16xf32>
        %add3A_2346 = arith.addf %add3A_2344, %add3A_2345 : vector<16xf32>
        %gather3A_2347 = vector.shape_cast %broadcast_in_dim3A_4 : vector<16x1xi32> to vector<16xi32>
        %gather3A_2348 = tpu.dynamic_gather %add3A_2346[%gather3A_2347] in [0] : vector<16xf32>, vector<16xi32> -> vector<16xf32>
        %add3A_2349 = arith.addf %add3A_2346, %gather3A_2348 : vector<16xf32>
        %gather3A_2350 = vector.shape_cast %broadcast_in_dim3A_8 : vector<16x1xi32> to vector<16xi32>
        %gather3A_2351 = tpu.dynamic_gather %add3A_2349[%gather3A_2350] in [0] : vector<16xf32>, vector<16xi32> -> vector<16xf32>
        %add3A_2352 = arith.addf %add3A_2349, %gather3A_2351 : vector<16xf32>
        %gather3A_2353 = vector.shape_cast %broadcast_in_dim3A_12 : vector<16x1xi32> to vector<16xi32>
        %gather3A_2354 = tpu.dynamic_gather %add3A_2352[%gather3A_2353] in [0] : vector<16xf32>, vector<16xi32> -> vector<16xf32>
        %add3A_2355 = arith.addf %add3A_2352, %gather3A_2354 : vector<16xf32>
        %gather3A_2356 = vector.shape_cast %broadcast_in_dim3A_16 : vector<16x1xi32> to vector<16xi32>
        %gather3A_2357 = tpu.dynamic_gather %add3A_2355[%gather3A_2356] in [0] : vector<16xf32>, vector<16xi32> -> vector<16xf32>
        %add3A_2358 = arith.addf %add3A_2355, %gather3A_2357 : vector<16xf32>
        %add3A_2359 = arith.constant 1 : i32
        %add3A_2360 = arith.addi %add3A_1962, %add3A_2359 : i32
        %add3A_2361 = arith.constant 4 : i32
        %add3A_2362 = arith.addi %add3A_2360, %add3A_2361 : i32
        %get3A_2363 = arith.index_cast %add3A_2362 : i32 to index
        %get3A_2364 = arith.constant 0 : index
        %get3A_2365 = tpu.vector_load %arg7[%get3A_2363, %get3A_2364] {strides = array<i32>} : memref<672x128xf32, #tpu.memory_space<vmem>>, vector<1x16xf32>,
        %get3A_2366 = vector.shape_cast %get3A_2365 : vector<1x16xf32> to vector<16xf32>
        %mul3A_2367 = arith.mulf %get3A_1966, %get3A_2366 : vector<16xf32>
        %add3A_2368 = arith.constant 1 : i32
        %add3A_2369 = arith.addi %add3A_1962, %add3A_2368 : i32
        %add3A_2370 = arith.constant 4 : i32
        %add3A_2371 = arith.addi %add3A_2369, %add3A_2370 : i32
        %get3A_2372 = arith.index_cast %add3A_2371 : i32 to index
        %get3A_2373 = arith.constant 16 : index
        %get3A_2374 = tpu.vector_load %arg7[%get3A_2372, %get3A_2373] {strides = array<i32>} : memref<672x128xf32, #tpu.memory_space<vmem>>, vector<1x16xf32>,
        %get3A_2375 = vector.shape_cast %get3A_2374 : vector<1x16xf32> to vector<16xf32>
        %mul3A_2376 = arith.mulf %get3A_1970, %get3A_2375 : vector<16xf32>
        %add3A_2377 = arith.constant 1 : i32
        %add3A_2378 = arith.addi %add3A_1962, %add3A_2377 : i32
        %add3A_2379 = arith.constant 4 : i32
        %add3A_2380 = arith.addi %add3A_2378, %add3A_2379 : i32
        %get3A_2381 = arith.index_cast %add3A_2380 : i32 to index
        %get3A_2382 = arith.constant 32 : index
        %get3A_2383 = tpu.vector_load %arg7[%get3A_2381, %get3A_2382] {strides = array<i32>} : memref<672x128xf32, #tpu.memory_space<vmem>>, vector<1x16xf32>,
        %get3A_2384 = vector.shape_cast %get3A_2383 : vector<1x16xf32> to vector<16xf32>
        %mul3A_2385 = arith.mulf %get3A_1974, %get3A_2384 : vector<16xf32>
        %add3A_2386 = arith.constant 1 : i32
        %add3A_2387 = arith.addi %add3A_1962, %add3A_2386 : i32
        %add3A_2388 = arith.constant 4 : i32
        %add3A_2389 = arith.addi %add3A_2387, %add3A_2388 : i32
        %get3A_2390 = arith.index_cast %add3A_2389 : i32 to index
        %get3A_2391 = arith.constant 48 : index
        %get3A_2392 = tpu.vector_load %arg7[%get3A_2390, %get3A_2391] {strides = array<i32>} : memref<672x128xf32, #tpu.memory_space<vmem>>, vector<1x16xf32>,
        %get3A_2393 = vector.shape_cast %get3A_2392 : vector<1x16xf32> to vector<16xf32>
        %mul3A_2394 = arith.mulf %get3A_1978, %get3A_2393 : vector<16xf32>
        %add3A_2395 = arith.constant 1 : i32
        %add3A_2396 = arith.addi %add3A_1962, %add3A_2395 : i32
        %add3A_2397 = arith.constant 4 : i32
        %add3A_2398 = arith.addi %add3A_2396, %add3A_2397 : i32
        %get3A_2399 = arith.index_cast %add3A_2398 : i32 to index
        %get3A_2400 = arith.constant 64 : index
        %get3A_2401 = tpu.vector_load %arg7[%get3A_2399, %get3A_2400] {strides = array<i32>} : memref<672x128xf32, #tpu.memory_space<vmem>>, vector<1x16xf32>,
        %get3A_2402 = vector.shape_cast %get3A_2401 : vector<1x16xf32> to vector<16xf32>
        %mul3A_2403 = arith.mulf %get3A_1982, %get3A_2402 : vector<16xf32>
        %add3A_2404 = arith.constant 1 : i32
        %add3A_2405 = arith.addi %add3A_1962, %add3A_2404 : i32
        %add3A_2406 = arith.constant 4 : i32
        %add3A_2407 = arith.addi %add3A_2405, %add3A_2406 : i32
        %get3A_2408 = arith.index_cast %add3A_2407 : i32 to index
        %get3A_2409 = arith.constant 80 : index
        %get3A_2410 = tpu.vector_load %arg7[%get3A_2408, %get3A_2409] {strides = array<i32>} : memref<672x128xf32, #tpu.memory_space<vmem>>, vector<1x16xf32>,
        %get3A_2411 = vector.shape_cast %get3A_2410 : vector<1x16xf32> to vector<16xf32>
        %mul3A_2412 = arith.mulf %get3A_1986, %get3A_2411 : vector<16xf32>
        %add3A_2413 = arith.constant 1 : i32
        %add3A_2414 = arith.addi %add3A_1962, %add3A_2413 : i32
        %add3A_2415 = arith.constant 4 : i32
        %add3A_2416 = arith.addi %add3A_2414, %add3A_2415 : i32
        %get3A_2417 = arith.index_cast %add3A_2416 : i32 to index
        %get3A_2418 = arith.constant 96 : index
        %get3A_2419 = tpu.vector_load %arg7[%get3A_2417, %get3A_2418] {strides = array<i32>} : memref<672x128xf32, #tpu.memory_space<vmem>>, vector<1x16xf32>,
        %get3A_2420 = vector.shape_cast %get3A_2419 : vector<1x16xf32> to vector<16xf32>
        %mul3A_2421 = arith.mulf %get3A_1990, %get3A_2420 : vector<16xf32>
        %add3A_2422 = arith.constant 1 : i32
        %add3A_2423 = arith.addi %add3A_1962, %add3A_2422 : i32
        %add3A_2424 = arith.constant 4 : i32
        %add3A_2425 = arith.addi %add3A_2423, %add3A_2424 : i32
        %get3A_2426 = arith.index_cast %add3A_2425 : i32 to index
        %get3A_2427 = arith.constant 112 : index
        %get3A_2428 = tpu.vector_load %arg7[%get3A_2426, %get3A_2427] {strides = array<i32>} : memref<672x128xf32, #tpu.memory_space<vmem>>, vector<1x16xf32>,
        %get3A_2429 = vector.shape_cast %get3A_2428 : vector<1x16xf32> to vector<16xf32>
        %mul3A_2430 = arith.mulf %get3A_1994, %get3A_2429 : vector<16xf32>
        %add3A_2431 = arith.addf %mul3A_2367, %mul3A_2403 : vector<16xf32>
        %add3A_2432 = arith.addf %mul3A_2376, %mul3A_2412 : vector<16xf32>
        %add3A_2433 = arith.addf %mul3A_2385, %mul3A_2421 : vector<16xf32>
        %add3A_2434 = arith.addf %mul3A_2394, %mul3A_2430 : vector<16xf32>
        %add3A_2435 = arith.addf %add3A_2431, %add3A_2433 : vector<16xf32>
        %add3A_2436 = arith.addf %add3A_2432, %add3A_2434 : vector<16xf32>
        %add3A_2437 = arith.addf %add3A_2435, %add3A_2436 : vector<16xf32>
        %gather3A_2438 = vector.shape_cast %broadcast_in_dim3A_4 : vector<16x1xi32> to vector<16xi32>
        %gather3A_2439 = tpu.dynamic_gather %add3A_2437[%gather3A_2438] in [0] : vector<16xf32>, vector<16xi32> -> vector<16xf32>
        %add3A_2440 = arith.addf %add3A_2437, %gather3A_2439 : vector<16xf32>
        %gather3A_2441 = vector.shape_cast %broadcast_in_dim3A_8 : vector<16x1xi32> to vector<16xi32>
        %gather3A_2442 = tpu.dynamic_gather %add3A_2440[%gather3A_2441] in [0] : vector<16xf32>, vector<16xi32> -> vector<16xf32>
        %add3A_2443 = arith.addf %add3A_2440, %gather3A_2442 : vector<16xf32>
        %gather3A_2444 = vector.shape_cast %broadcast_in_dim3A_12 : vector<16x1xi32> to vector<16xi32>
        %gather3A_2445 = tpu.dynamic_gather %add3A_2443[%gather3A_2444] in [0] : vector<16xf32>, vector<16xi32> -> vector<16xf32>
        %add3A_2446 = arith.addf %add3A_2443, %gather3A_2445 : vector<16xf32>
        %gather3A_2447 = vector.shape_cast %broadcast_in_dim3A_16 : vector<16x1xi32> to vector<16xi32>
        %gather3A_2448 = tpu.dynamic_gather %add3A_2446[%gather3A_2447] in [0] : vector<16xf32>, vector<16xi32> -> vector<16xf32>
        %add3A_2449 = arith.addf %add3A_2446, %gather3A_2448 : vector<16xf32>
        %add3A_2450 = arith.constant 1 : i32
        %add3A_2451 = arith.addi %add3A_1962, %add3A_2450 : i32
        %add3A_2452 = arith.constant 5 : i32
        %add3A_2453 = arith.addi %add3A_2451, %add3A_2452 : i32
        %get3A_2454 = arith.index_cast %add3A_2453 : i32 to index
        %get3A_2455 = arith.constant 0 : index
        %get3A_2456 = tpu.vector_load %arg7[%get3A_2454, %get3A_2455] {strides = array<i32>} : memref<672x128xf32, #tpu.memory_space<vmem>>, vector<1x16xf32>,
        %get3A_2457 = vector.shape_cast %get3A_2456 : vector<1x16xf32> to vector<16xf32>
        %mul3A_2458 = arith.mulf %get3A_1966, %get3A_2457 : vector<16xf32>
        %add3A_2459 = arith.constant 1 : i32
        %add3A_2460 = arith.addi %add3A_1962, %add3A_2459 : i32
        %add3A_2461 = arith.constant 5 : i32
        %add3A_2462 = arith.addi %add3A_2460, %add3A_2461 : i32
        %get3A_2463 = arith.index_cast %add3A_2462 : i32 to index
        %get3A_2464 = arith.constant 16 : index
        %get3A_2465 = tpu.vector_load %arg7[%get3A_2463, %get3A_2464] {strides = array<i32>} : memref<672x128xf32, #tpu.memory_space<vmem>>, vector<1x16xf32>,
        %get3A_2466 = vector.shape_cast %get3A_2465 : vector<1x16xf32> to vector<16xf32>
        %mul3A_2467 = arith.mulf %get3A_1970, %get3A_2466 : vector<16xf32>
        %add3A_2468 = arith.constant 1 : i32
        %add3A_2469 = arith.addi %add3A_1962, %add3A_2468 : i32
        %add3A_2470 = arith.constant 5 : i32
        %add3A_2471 = arith.addi %add3A_2469, %add3A_2470 : i32
        %get3A_2472 = arith.index_cast %add3A_2471 : i32 to index
        %get3A_2473 = arith.constant 32 : index
        %get3A_2474 = tpu.vector_load %arg7[%get3A_2472, %get3A_2473] {strides = array<i32>} : memref<672x128xf32, #tpu.memory_space<vmem>>, vector<1x16xf32>,
        %get3A_2475 = vector.shape_cast %get3A_2474 : vector<1x16xf32> to vector<16xf32>
        %mul3A_2476 = arith.mulf %get3A_1974, %get3A_2475 : vector<16xf32>
        %add3A_2477 = arith.constant 1 : i32
        %add3A_2478 = arith.addi %add3A_1962, %add3A_2477 : i32
        %add3A_2479 = arith.constant 5 : i32
        %add3A_2480 = arith.addi %add3A_2478, %add3A_2479 : i32
        %get3A_2481 = arith.index_cast %add3A_2480 : i32 to index
        %get3A_2482 = arith.constant 48 : index
        %get3A_2483 = tpu.vector_load %arg7[%get3A_2481, %get3A_2482] {strides = array<i32>} : memref<672x128xf32, #tpu.memory_space<vmem>>, vector<1x16xf32>,
        %get3A_2484 = vector.shape_cast %get3A_2483 : vector<1x16xf32> to vector<16xf32>
        %mul3A_2485 = arith.mulf %get3A_1978, %get3A_2484 : vector<16xf32>
        %add3A_2486 = arith.constant 1 : i32
        %add3A_2487 = arith.addi %add3A_1962, %add3A_2486 : i32
        %add3A_2488 = arith.constant 5 : i32
        %add3A_2489 = arith.addi %add3A_2487, %add3A_2488 : i32
        %get3A_2490 = arith.index_cast %add3A_2489 : i32 to index
        %get3A_2491 = arith.constant 64 : index
        %get3A_2492 = tpu.vector_load %arg7[%get3A_2490, %get3A_2491] {strides = array<i32>} : memref<672x128xf32, #tpu.memory_space<vmem>>, vector<1x16xf32>,
        %get3A_2493 = vector.shape_cast %get3A_2492 : vector<1x16xf32> to vector<16xf32>
        %mul3A_2494 = arith.mulf %get3A_1982, %get3A_2493 : vector<16xf32>
        %add3A_2495 = arith.constant 1 : i32
        %add3A_2496 = arith.addi %add3A_1962, %add3A_2495 : i32
        %add3A_2497 = arith.constant 5 : i32
        %add3A_2498 = arith.addi %add3A_2496, %add3A_2497 : i32
        %get3A_2499 = arith.index_cast %add3A_2498 : i32 to index
        %get3A_2500 = arith.constant 80 : index
        %get3A_2501 = tpu.vector_load %arg7[%get3A_2499, %get3A_2500] {strides = array<i32>} : memref<672x128xf32, #tpu.memory_space<vmem>>, vector<1x16xf32>,
        %get3A_2502 = vector.shape_cast %get3A_2501 : vector<1x16xf32> to vector<16xf32>
        %mul3A_2503 = arith.mulf %get3A_1986, %get3A_2502 : vector<16xf32>
        %add3A_2504 = arith.constant 1 : i32
        %add3A_2505 = arith.addi %add3A_1962, %add3A_2504 : i32
        %add3A_2506 = arith.constant 5 : i32
        %add3A_2507 = arith.addi %add3A_2505, %add3A_2506 : i32
        %get3A_2508 = arith.index_cast %add3A_2507 : i32 to index
        %get3A_2509 = arith.constant 96 : index
        %get3A_2510 = tpu.vector_load %arg7[%get3A_2508, %get3A_2509] {strides = array<i32>} : memref<672x128xf32, #tpu.memory_space<vmem>>, vector<1x16xf32>,
        %get3A_2511 = vector.shape_cast %get3A_2510 : vector<1x16xf32> to vector<16xf32>
        %mul3A_2512 = arith.mulf %get3A_1990, %get3A_2511 : vector<16xf32>
        %add3A_2513 = arith.constant 1 : i32
        %add3A_2514 = arith.addi %add3A_1962, %add3A_2513 : i32
        %add3A_2515 = arith.constant 5 : i32
        %add3A_2516 = arith.addi %add3A_2514, %add3A_2515 : i32
        %get3A_2517 = arith.index_cast %add3A_2516 : i32 to index
        %get3A_2518 = arith.constant 112 : index
        %get3A_2519 = tpu.vector_load %arg7[%get3A_2517, %get3A_2518] {strides = array<i32>} : memref<672x128xf32, #tpu.memory_space<vmem>>, vector<1x16xf32>,
        %get3A_2520 = vector.shape_cast %get3A_2519 : vector<1x16xf32> to vector<16xf32>
        %mul3A_2521 = arith.mulf %get3A_1994, %get3A_2520 : vector<16xf32>
        %add3A_2522 = arith.addf %mul3A_2458, %mul3A_2494 : vector<16xf32>
        %add3A_2523 = arith.addf %mul3A_2467, %mul3A_2503 : vector<16xf32>
        %add3A_2524 = arith.addf %mul3A_2476, %mul3A_2512 : vector<16xf32>
        %add3A_2525 = arith.addf %mul3A_2485, %mul3A_2521 : vector<16xf32>
        %add3A_2526 = arith.addf %add3A_2522, %add3A_2524 : vector<16xf32>
        %add3A_2527 = arith.addf %add3A_2523, %add3A_2525 : vector<16xf32>
        %add3A_2528 = arith.addf %add3A_2526, %add3A_2527 : vector<16xf32>
        %gather3A_2529 = vector.shape_cast %broadcast_in_dim3A_4 : vector<16x1xi32> to vector<16xi32>
        %gather3A_2530 = tpu.dynamic_gather %add3A_2528[%gather3A_2529] in [0] : vector<16xf32>, vector<16xi32> -> vector<16xf32>
        %add3A_2531 = arith.addf %add3A_2528, %gather3A_2530 : vector<16xf32>
        %gather3A_2532 = vector.shape_cast %broadcast_in_dim3A_8 : vector<16x1xi32> to vector<16xi32>
        %gather3A_2533 = tpu.dynamic_gather %add3A_2531[%gather3A_2532] in [0] : vector<16xf32>, vector<16xi32> -> vector<16xf32>
        %add3A_2534 = arith.addf %add3A_2531, %gather3A_2533 : vector<16xf32>
        %gather3A_2535 = vector.shape_cast %broadcast_in_dim3A_12 : vector<16x1xi32> to vector<16xi32>
        %gather3A_2536 = tpu.dynamic_gather %add3A_2534[%gather3A_2535] in [0] : vector<16xf32>, vector<16xi32> -> vector<16xf32>
        %add3A_2537 = arith.addf %add3A_2534, %gather3A_2536 : vector<16xf32>
        %gather3A_2538 = vector.shape_cast %broadcast_in_dim3A_16 : vector<16x1xi32> to vector<16xi32>
        %gather3A_2539 = tpu.dynamic_gather %add3A_2537[%gather3A_2538] in [0] : vector<16xf32>, vector<16xi32> -> vector<16xf32>
        %add3A_2540 = arith.addf %add3A_2537, %gather3A_2539 : vector<16xf32>
        %mul3A_2541 = arith.constant 8 : i32
        %mul3A_2542 = arith.muli %add3A_135, %mul3A_2541 : i32
        %add3A_2543 = arith.constant 4 : i32
        %add3A_2544 = arith.addi %mul3A_2542, %add3A_2543 : i32
        %mul3A_2545 = arith.constant 7 : i32
        %mul3A_2546 = arith.muli %add3A_2544, %mul3A_2545 : i32
        %add3A_2547 = arith.addi %mul3A_125, %mul3A_2546 : i32
        %get3A_2548 = arith.index_cast %add3A_2547 : i32 to index
        %get3A_2549 = arith.constant 0 : index
        %get3A_2550 = tpu.vector_load %arg7[%get3A_2548, %get3A_2549] {strides = array<i32>} : memref<672x128xf32, #tpu.memory_space<vmem>>, vector<1x16xf32>,
        %get3A_2551 = vector.shape_cast %get3A_2550 : vector<1x16xf32> to vector<16xf32>
        %get3A_2552 = arith.index_cast %add3A_2547 : i32 to index
        %get3A_2553 = arith.constant 16 : index
        %get3A_2554 = tpu.vector_load %arg7[%get3A_2552, %get3A_2553] {strides = array<i32>} : memref<672x128xf32, #tpu.memory_space<vmem>>, vector<1x16xf32>,
        %get3A_2555 = vector.shape_cast %get3A_2554 : vector<1x16xf32> to vector<16xf32>
        %get3A_2556 = arith.index_cast %add3A_2547 : i32 to index
        %get3A_2557 = arith.constant 32 : index
        %get3A_2558 = tpu.vector_load %arg7[%get3A_2556, %get3A_2557] {strides = array<i32>} : memref<672x128xf32, #tpu.memory_space<vmem>>, vector<1x16xf32>,
        %get3A_2559 = vector.shape_cast %get3A_2558 : vector<1x16xf32> to vector<16xf32>
        %get3A_2560 = arith.index_cast %add3A_2547 : i32 to index
        %get3A_2561 = arith.constant 48 : index
        %get3A_2562 = tpu.vector_load %arg7[%get3A_2560, %get3A_2561] {strides = array<i32>} : memref<672x128xf32, #tpu.memory_space<vmem>>, vector<1x16xf32>,
        %get3A_2563 = vector.shape_cast %get3A_2562 : vector<1x16xf32> to vector<16xf32>
        %get3A_2564 = arith.index_cast %add3A_2547 : i32 to index
        %get3A_2565 = arith.constant 64 : index
        %get3A_2566 = tpu.vector_load %arg7[%get3A_2564, %get3A_2565] {strides = array<i32>} : memref<672x128xf32, #tpu.memory_space<vmem>>, vector<1x16xf32>,
        %get3A_2567 = vector.shape_cast %get3A_2566 : vector<1x16xf32> to vector<16xf32>
        %get3A_2568 = arith.index_cast %add3A_2547 : i32 to index
        %get3A_2569 = arith.constant 80 : index
        %get3A_2570 = tpu.vector_load %arg7[%get3A_2568, %get3A_2569] {strides = array<i32>} : memref<672x128xf32, #tpu.memory_space<vmem>>, vector<1x16xf32>,
        %get3A_2571 = vector.shape_cast %get3A_2570 : vector<1x16xf32> to vector<16xf32>
        %get3A_2572 = arith.index_cast %add3A_2547 : i32 to index
        %get3A_2573 = arith.constant 96 : index
        %get3A_2574 = tpu.vector_load %arg7[%get3A_2572, %get3A_2573] {strides = array<i32>} : memref<672x128xf32, #tpu.memory_space<vmem>>, vector<1x16xf32>,
        %get3A_2575 = vector.shape_cast %get3A_2574 : vector<1x16xf32> to vector<16xf32>
        %get3A_2576 = arith.index_cast %add3A_2547 : i32 to index
        %get3A_2577 = arith.constant 112 : index
        %get3A_2578 = tpu.vector_load %arg7[%get3A_2576, %get3A_2577] {strides = array<i32>} : memref<672x128xf32, #tpu.memory_space<vmem>>, vector<1x16xf32>,
        %get3A_2579 = vector.shape_cast %get3A_2578 : vector<1x16xf32> to vector<16xf32>
        %add3A_2580 = arith.constant 1 : i32
        %add3A_2581 = arith.addi %add3A_2547, %add3A_2580 : i32
        %add3A_2582 = arith.constant 0 : i32
        %add3A_2583 = arith.addi %add3A_2581, %add3A_2582 : i32
        %get3A_2584 = arith.index_cast %add3A_2583 : i32 to index
        %get3A_2585 = arith.constant 0 : index
        %get3A_2586 = tpu.vector_load %arg7[%get3A_2584, %get3A_2585] {strides = array<i32>} : memref<672x128xf32, #tpu.memory_space<vmem>>, vector<1x16xf32>,
        %get3A_2587 = vector.shape_cast %get3A_2586 : vector<1x16xf32> to vector<16xf32>
        %mul3A_2588 = arith.mulf %get3A_2551, %get3A_2587 : vector<16xf32>
        %add3A_2589 = arith.constant 1 : i32
        %add3A_2590 = arith.addi %add3A_2547, %add3A_2589 : i32
        %add3A_2591 = arith.constant 0 : i32
        %add3A_2592 = arith.addi %add3A_2590, %add3A_2591 : i32
        %get3A_2593 = arith.index_cast %add3A_2592 : i32 to index
        %get3A_2594 = arith.constant 16 : index
        %get3A_2595 = tpu.vector_load %arg7[%get3A_2593, %get3A_2594] {strides = array<i32>} : memref<672x128xf32, #tpu.memory_space<vmem>>, vector<1x16xf32>,
        %get3A_2596 = vector.shape_cast %get3A_2595 : vector<1x16xf32> to vector<16xf32>
        %mul3A_2597 = arith.mulf %get3A_2555, %get3A_2596 : vector<16xf32>
        %add3A_2598 = arith.constant 1 : i32
        %add3A_2599 = arith.addi %add3A_2547, %add3A_2598 : i32
        %add3A_2600 = arith.constant 0 : i32
        %add3A_2601 = arith.addi %add3A_2599, %add3A_2600 : i32
        %get3A_2602 = arith.index_cast %add3A_2601 : i32 to index
        %get3A_2603 = arith.constant 32 : index
        %get3A_2604 = tpu.vector_load %arg7[%get3A_2602, %get3A_2603] {strides = array<i32>} : memref<672x128xf32, #tpu.memory_space<vmem>>, vector<1x16xf32>,
        %get3A_2605 = vector.shape_cast %get3A_2604 : vector<1x16xf32> to vector<16xf32>
        %mul3A_2606 = arith.mulf %get3A_2559, %get3A_2605 : vector<16xf32>
        %add3A_2607 = arith.constant 1 : i32
        %add3A_2608 = arith.addi %add3A_2547, %add3A_2607 : i32
        %add3A_2609 = arith.constant 0 : i32
        %add3A_2610 = arith.addi %add3A_2608, %add3A_2609 : i32
        %get3A_2611 = arith.index_cast %add3A_2610 : i32 to index
        %get3A_2612 = arith.constant 48 : index
        %get3A_2613 = tpu.vector_load %arg7[%get3A_2611, %get3A_2612] {strides = array<i32>} : memref<672x128xf32, #tpu.memory_space<vmem>>, vector<1x16xf32>,
        %get3A_2614 = vector.shape_cast %get3A_2613 : vector<1x16xf32> to vector<16xf32>
        %mul3A_2615 = arith.mulf %get3A_2563, %get3A_2614 : vector<16xf32>
        %add3A_2616 = arith.constant 1 : i32
        %add3A_2617 = arith.addi %add3A_2547, %add3A_2616 : i32
        %add3A_2618 = arith.constant 0 : i32
        %add3A_2619 = arith.addi %add3A_2617, %add3A_2618 : i32
        %get3A_2620 = arith.index_cast %add3A_2619 : i32 to index
        %get3A_2621 = arith.constant 64 : index
        %get3A_2622 = tpu.vector_load %arg7[%get3A_2620, %get3A_2621] {strides = array<i32>} : memref<672x128xf32, #tpu.memory_space<vmem>>, vector<1x16xf32>,
        %get3A_2623 = vector.shape_cast %get3A_2622 : vector<1x16xf32> to vector<16xf32>
        %mul3A_2624 = arith.mulf %get3A_2567, %get3A_2623 : vector<16xf32>
        %add3A_2625 = arith.constant 1 : i32
        %add3A_2626 = arith.addi %add3A_2547, %add3A_2625 : i32
        %add3A_2627 = arith.constant 0 : i32
        %add3A_2628 = arith.addi %add3A_2626, %add3A_2627 : i32
        %get3A_2629 = arith.index_cast %add3A_2628 : i32 to index
        %get3A_2630 = arith.constant 80 : index
        %get3A_2631 = tpu.vector_load %arg7[%get3A_2629, %get3A_2630] {strides = array<i32>} : memref<672x128xf32, #tpu.memory_space<vmem>>, vector<1x16xf32>,
        %get3A_2632 = vector.shape_cast %get3A_2631 : vector<1x16xf32> to vector<16xf32>
        %mul3A_2633 = arith.mulf %get3A_2571, %get3A_2632 : vector<16xf32>
        %add3A_2634 = arith.constant 1 : i32
        %add3A_2635 = arith.addi %add3A_2547, %add3A_2634 : i32
        %add3A_2636 = arith.constant 0 : i32
        %add3A_2637 = arith.addi %add3A_2635, %add3A_2636 : i32
        %get3A_2638 = arith.index_cast %add3A_2637 : i32 to index
        %get3A_2639 = arith.constant 96 : index
        %get3A_2640 = tpu.vector_load %arg7[%get3A_2638, %get3A_2639] {strides = array<i32>} : memref<672x128xf32, #tpu.memory_space<vmem>>, vector<1x16xf32>,
        %get3A_2641 = vector.shape_cast %get3A_2640 : vector<1x16xf32> to vector<16xf32>
        %mul3A_2642 = arith.mulf %get3A_2575, %get3A_2641 : vector<16xf32>
        %add3A_2643 = arith.constant 1 : i32
        %add3A_2644 = arith.addi %add3A_2547, %add3A_2643 : i32
        %add3A_2645 = arith.constant 0 : i32
        %add3A_2646 = arith.addi %add3A_2644, %add3A_2645 : i32
        %get3A_2647 = arith.index_cast %add3A_2646 : i32 to index
        %get3A_2648 = arith.constant 112 : index
        %get3A_2649 = tpu.vector_load %arg7[%get3A_2647, %get3A_2648] {strides = array<i32>} : memref<672x128xf32, #tpu.memory_space<vmem>>, vector<1x16xf32>,
        %get3A_2650 = vector.shape_cast %get3A_2649 : vector<1x16xf32> to vector<16xf32>
        %mul3A_2651 = arith.mulf %get3A_2579, %get3A_2650 : vector<16xf32>
        %add3A_2652 = arith.addf %mul3A_2588, %mul3A_2624 : vector<16xf32>
        %add3A_2653 = arith.addf %mul3A_2597, %mul3A_2633 : vector<16xf32>
        %add3A_2654 = arith.addf %mul3A_2606, %mul3A_2642 : vector<16xf32>
        %add3A_2655 = arith.addf %mul3A_2615, %mul3A_2651 : vector<16xf32>
        %add3A_2656 = arith.addf %add3A_2652, %add3A_2654 : vector<16xf32>
        %add3A_2657 = arith.addf %add3A_2653, %add3A_2655 : vector<16xf32>
        %add3A_2658 = arith.addf %add3A_2656, %add3A_2657 : vector<16xf32>
        %gather3A_2659 = vector.shape_cast %broadcast_in_dim3A_4 : vector<16x1xi32> to vector<16xi32>
        %gather3A_2660 = tpu.dynamic_gather %add3A_2658[%gather3A_2659] in [0] : vector<16xf32>, vector<16xi32> -> vector<16xf32>
        %add3A_2661 = arith.addf %add3A_2658, %gather3A_2660 : vector<16xf32>
        %gather3A_2662 = vector.shape_cast %broadcast_in_dim3A_8 : vector<16x1xi32> to vector<16xi32>
        %gather3A_2663 = tpu.dynamic_gather %add3A_2661[%gather3A_2662] in [0] : vector<16xf32>, vector<16xi32> -> vector<16xf32>
        %add3A_2664 = arith.addf %add3A_2661, %gather3A_2663 : vector<16xf32>
        %gather3A_2665 = vector.shape_cast %broadcast_in_dim3A_12 : vector<16x1xi32> to vector<16xi32>
        %gather3A_2666 = tpu.dynamic_gather %add3A_2664[%gather3A_2665] in [0] : vector<16xf32>, vector<16xi32> -> vector<16xf32>
        %add3A_2667 = arith.addf %add3A_2664, %gather3A_2666 : vector<16xf32>
        %gather3A_2668 = vector.shape_cast %broadcast_in_dim3A_16 : vector<16x1xi32> to vector<16xi32>
        %gather3A_2669 = tpu.dynamic_gather %add3A_2667[%gather3A_2668] in [0] : vector<16xf32>, vector<16xi32> -> vector<16xf32>
        %add3A_2670 = arith.addf %add3A_2667, %gather3A_2669 : vector<16xf32>
        %add3A_2671 = arith.constant 1 : i32
        %add3A_2672 = arith.addi %add3A_2547, %add3A_2671 : i32
        %add3A_2673 = arith.constant 1 : i32
        %add3A_2674 = arith.addi %add3A_2672, %add3A_2673 : i32
        %get3A_2675 = arith.index_cast %add3A_2674 : i32 to index
        %get3A_2676 = arith.constant 0 : index
        %get3A_2677 = tpu.vector_load %arg7[%get3A_2675, %get3A_2676] {strides = array<i32>} : memref<672x128xf32, #tpu.memory_space<vmem>>, vector<1x16xf32>,
        %get3A_2678 = vector.shape_cast %get3A_2677 : vector<1x16xf32> to vector<16xf32>
        %mul3A_2679 = arith.mulf %get3A_2551, %get3A_2678 : vector<16xf32>
        %add3A_2680 = arith.constant 1 : i32
        %add3A_2681 = arith.addi %add3A_2547, %add3A_2680 : i32
        %add3A_2682 = arith.constant 1 : i32
        %add3A_2683 = arith.addi %add3A_2681, %add3A_2682 : i32
        %get3A_2684 = arith.index_cast %add3A_2683 : i32 to index
        %get3A_2685 = arith.constant 16 : index
        %get3A_2686 = tpu.vector_load %arg7[%get3A_2684, %get3A_2685] {strides = array<i32>} : memref<672x128xf32, #tpu.memory_space<vmem>>, vector<1x16xf32>,
        %get3A_2687 = vector.shape_cast %get3A_2686 : vector<1x16xf32> to vector<16xf32>
        %mul3A_2688 = arith.mulf %get3A_2555, %get3A_2687 : vector<16xf32>
        %add3A_2689 = arith.constant 1 : i32
        %add3A_2690 = arith.addi %add3A_2547, %add3A_2689 : i32
        %add3A_2691 = arith.constant 1 : i32
        %add3A_2692 = arith.addi %add3A_2690, %add3A_2691 : i32
        %get3A_2693 = arith.index_cast %add3A_2692 : i32 to index
        %get3A_2694 = arith.constant 32 : index
        %get3A_2695 = tpu.vector_load %arg7[%get3A_2693, %get3A_2694] {strides = array<i32>} : memref<672x128xf32, #tpu.memory_space<vmem>>, vector<1x16xf32>,
        %get3A_2696 = vector.shape_cast %get3A_2695 : vector<1x16xf32> to vector<16xf32>
        %mul3A_2697 = arith.mulf %get3A_2559, %get3A_2696 : vector<16xf32>
        %add3A_2698 = arith.constant 1 : i32
        %add3A_2699 = arith.addi %add3A_2547, %add3A_2698 : i32
        %add3A_2700 = arith.constant 1 : i32
        %add3A_2701 = arith.addi %add3A_2699, %add3A_2700 : i32
        %get3A_2702 = arith.index_cast %add3A_2701 : i32 to index
        %get3A_2703 = arith.constant 48 : index
        %get3A_2704 = tpu.vector_load %arg7[%get3A_2702, %get3A_2703] {strides = array<i32>} : memref<672x128xf32, #tpu.memory_space<vmem>>, vector<1x16xf32>,
        %get3A_2705 = vector.shape_cast %get3A_2704 : vector<1x16xf32> to vector<16xf32>
        %mul3A_2706 = arith.mulf %get3A_2563, %get3A_2705 : vector<16xf32>
        %add3A_2707 = arith.constant 1 : i32
        %add3A_2708 = arith.addi %add3A_2547, %add3A_2707 : i32
        %add3A_2709 = arith.constant 1 : i32
        %add3A_2710 = arith.addi %add3A_2708, %add3A_2709 : i32
        %get3A_2711 = arith.index_cast %add3A_2710 : i32 to index
        %get3A_2712 = arith.constant 64 : index
        %get3A_2713 = tpu.vector_load %arg7[%get3A_2711, %get3A_2712] {strides = array<i32>} : memref<672x128xf32, #tpu.memory_space<vmem>>, vector<1x16xf32>,
        %get3A_2714 = vector.shape_cast %get3A_2713 : vector<1x16xf32> to vector<16xf32>
        %mul3A_2715 = arith.mulf %get3A_2567, %get3A_2714 : vector<16xf32>
        %add3A_2716 = arith.constant 1 : i32
        %add3A_2717 = arith.addi %add3A_2547, %add3A_2716 : i32
        %add3A_2718 = arith.constant 1 : i32
        %add3A_2719 = arith.addi %add3A_2717, %add3A_2718 : i32
        %get3A_2720 = arith.index_cast %add3A_2719 : i32 to index
        %get3A_2721 = arith.constant 80 : index
        %get3A_2722 = tpu.vector_load %arg7[%get3A_2720, %get3A_2721] {strides = array<i32>} : memref<672x128xf32, #tpu.memory_space<vmem>>, vector<1x16xf32>,
        %get3A_2723 = vector.shape_cast %get3A_2722 : vector<1x16xf32> to vector<16xf32>
        %mul3A_2724 = arith.mulf %get3A_2571, %get3A_2723 : vector<16xf32>
        %add3A_2725 = arith.constant 1 : i32
        %add3A_2726 = arith.addi %add3A_2547, %add3A_2725 : i32
        %add3A_2727 = arith.constant 1 : i32
        %add3A_2728 = arith.addi %add3A_2726, %add3A_2727 : i32
        %get3A_2729 = arith.index_cast %add3A_2728 : i32 to index
        %get3A_2730 = arith.constant 96 : index
        %get3A_2731 = tpu.vector_load %arg7[%get3A_2729, %get3A_2730] {strides = array<i32>} : memref<672x128xf32, #tpu.memory_space<vmem>>, vector<1x16xf32>,
        %get3A_2732 = vector.shape_cast %get3A_2731 : vector<1x16xf32> to vector<16xf32>
        %mul3A_2733 = arith.mulf %get3A_2575, %get3A_2732 : vector<16xf32>
        %add3A_2734 = arith.constant 1 : i32
        %add3A_2735 = arith.addi %add3A_2547, %add3A_2734 : i32
        %add3A_2736 = arith.constant 1 : i32
        %add3A_2737 = arith.addi %add3A_2735, %add3A_2736 : i32
        %get3A_2738 = arith.index_cast %add3A_2737 : i32 to index
        %get3A_2739 = arith.constant 112 : index
        %get3A_2740 = tpu.vector_load %arg7[%get3A_2738, %get3A_2739] {strides = array<i32>} : memref<672x128xf32, #tpu.memory_space<vmem>>, vector<1x16xf32>,
        %get3A_2741 = vector.shape_cast %get3A_2740 : vector<1x16xf32> to vector<16xf32>
        %mul3A_2742 = arith.mulf %get3A_2579, %get3A_2741 : vector<16xf32>
        %add3A_2743 = arith.addf %mul3A_2679, %mul3A_2715 : vector<16xf32>
        %add3A_2744 = arith.addf %mul3A_2688, %mul3A_2724 : vector<16xf32>
        %add3A_2745 = arith.addf %mul3A_2697, %mul3A_2733 : vector<16xf32>
        %add3A_2746 = arith.addf %mul3A_2706, %mul3A_2742 : vector<16xf32>
        %add3A_2747 = arith.addf %add3A_2743, %add3A_2745 : vector<16xf32>
        %add3A_2748 = arith.addf %add3A_2744, %add3A_2746 : vector<16xf32>
        %add3A_2749 = arith.addf %add3A_2747, %add3A_2748 : vector<16xf32>
        %gather3A_2750 = vector.shape_cast %broadcast_in_dim3A_4 : vector<16x1xi32> to vector<16xi32>
        %gather3A_2751 = tpu.dynamic_gather %add3A_2749[%gather3A_2750] in [0] : vector<16xf32>, vector<16xi32> -> vector<16xf32>
        %add3A_2752 = arith.addf %add3A_2749, %gather3A_2751 : vector<16xf32>
        %gather3A_2753 = vector.shape_cast %broadcast_in_dim3A_8 : vector<16x1xi32> to vector<16xi32>
        %gather3A_2754 = tpu.dynamic_gather %add3A_2752[%gather3A_2753] in [0] : vector<16xf32>, vector<16xi32> -> vector<16xf32>
        %add3A_2755 = arith.addf %add3A_2752, %gather3A_2754 : vector<16xf32>
        %gather3A_2756 = vector.shape_cast %broadcast_in_dim3A_12 : vector<16x1xi32> to vector<16xi32>
        %gather3A_2757 = tpu.dynamic_gather %add3A_2755[%gather3A_2756] in [0] : vector<16xf32>, vector<16xi32> -> vector<16xf32>
        %add3A_2758 = arith.addf %add3A_2755, %gather3A_2757 : vector<16xf32>
        %gather3A_2759 = vector.shape_cast %broadcast_in_dim3A_16 : vector<16x1xi32> to vector<16xi32>
        %gather3A_2760 = tpu.dynamic_gather %add3A_2758[%gather3A_2759] in [0] : vector<16xf32>, vector<16xi32> -> vector<16xf32>
        %add3A_2761 = arith.addf %add3A_2758, %gather3A_2760 : vector<16xf32>
        %add3A_2762 = arith.constant 1 : i32
        %add3A_2763 = arith.addi %add3A_2547, %add3A_2762 : i32
        %add3A_2764 = arith.constant 2 : i32
        %add3A_2765 = arith.addi %add3A_2763, %add3A_2764 : i32
        %get3A_2766 = arith.index_cast %add3A_2765 : i32 to index
        %get3A_2767 = arith.constant 0 : index
        %get3A_2768 = tpu.vector_load %arg7[%get3A_2766, %get3A_2767] {strides = array<i32>} : memref<672x128xf32, #tpu.memory_space<vmem>>, vector<1x16xf32>,
        %get3A_2769 = vector.shape_cast %get3A_2768 : vector<1x16xf32> to vector<16xf32>
        %mul3A_2770 = arith.mulf %get3A_2551, %get3A_2769 : vector<16xf32>
        %add3A_2771 = arith.constant 1 : i32
        %add3A_2772 = arith.addi %add3A_2547, %add3A_2771 : i32
        %add3A_2773 = arith.constant 2 : i32
        %add3A_2774 = arith.addi %add3A_2772, %add3A_2773 : i32
        %get3A_2775 = arith.index_cast %add3A_2774 : i32 to index
        %get3A_2776 = arith.constant 16 : index
        %get3A_2777 = tpu.vector_load %arg7[%get3A_2775, %get3A_2776] {strides = array<i32>} : memref<672x128xf32, #tpu.memory_space<vmem>>, vector<1x16xf32>,
        %get3A_2778 = vector.shape_cast %get3A_2777 : vector<1x16xf32> to vector<16xf32>
        %mul3A_2779 = arith.mulf %get3A_2555, %get3A_2778 : vector<16xf32>
        %add3A_2780 = arith.constant 1 : i32
        %add3A_2781 = arith.addi %add3A_2547, %add3A_2780 : i32
        %add3A_2782 = arith.constant 2 : i32
        %add3A_2783 = arith.addi %add3A_2781, %add3A_2782 : i32
        %get3A_2784 = arith.index_cast %add3A_2783 : i32 to index
        %get3A_2785 = arith.constant 32 : index
        %get3A_2786 = tpu.vector_load %arg7[%get3A_2784, %get3A_2785] {strides = array<i32>} : memref<672x128xf32, #tpu.memory_space<vmem>>, vector<1x16xf32>,
        %get3A_2787 = vector.shape_cast %get3A_2786 : vector<1x16xf32> to vector<16xf32>
        %mul3A_2788 = arith.mulf %get3A_2559, %get3A_2787 : vector<16xf32>
        %add3A_2789 = arith.constant 1 : i32
        %add3A_2790 = arith.addi %add3A_2547, %add3A_2789 : i32
        %add3A_2791 = arith.constant 2 : i32
        %add3A_2792 = arith.addi %add3A_2790, %add3A_2791 : i32
        %get3A_2793 = arith.index_cast %add3A_2792 : i32 to index
        %get3A_2794 = arith.constant 48 : index
        %get3A_2795 = tpu.vector_load %arg7[%get3A_2793, %get3A_2794] {strides = array<i32>} : memref<672x128xf32, #tpu.memory_space<vmem>>, vector<1x16xf32>,
        %get3A_2796 = vector.shape_cast %get3A_2795 : vector<1x16xf32> to vector<16xf32>
        %mul3A_2797 = arith.mulf %get3A_2563, %get3A_2796 : vector<16xf32>
        %add3A_2798 = arith.constant 1 : i32
        %add3A_2799 = arith.addi %add3A_2547, %add3A_2798 : i32
        %add3A_2800 = arith.constant 2 : i32
        %add3A_2801 = arith.addi %add3A_2799, %add3A_2800 : i32
        %get3A_2802 = arith.index_cast %add3A_2801 : i32 to index
        %get3A_2803 = arith.constant 64 : index
        %get3A_2804 = tpu.vector_load %arg7[%get3A_2802, %get3A_2803] {strides = array<i32>} : memref<672x128xf32, #tpu.memory_space<vmem>>, vector<1x16xf32>,
        %get3A_2805 = vector.shape_cast %get3A_2804 : vector<1x16xf32> to vector<16xf32>
        %mul3A_2806 = arith.mulf %get3A_2567, %get3A_2805 : vector<16xf32>
        %add3A_2807 = arith.constant 1 : i32
        %add3A_2808 = arith.addi %add3A_2547, %add3A_2807 : i32
        %add3A_2809 = arith.constant 2 : i32
        %add3A_2810 = arith.addi %add3A_2808, %add3A_2809 : i32
        %get3A_2811 = arith.index_cast %add3A_2810 : i32 to index
        %get3A_2812 = arith.constant 80 : index
        %get3A_2813 = tpu.vector_load %arg7[%get3A_2811, %get3A_2812] {strides = array<i32>} : memref<672x128xf32, #tpu.memory_space<vmem>>, vector<1x16xf32>,
        %get3A_2814 = vector.shape_cast %get3A_2813 : vector<1x16xf32> to vector<16xf32>
        %mul3A_2815 = arith.mulf %get3A_2571, %get3A_2814 : vector<16xf32>
        %add3A_2816 = arith.constant 1 : i32
        %add3A_2817 = arith.addi %add3A_2547, %add3A_2816 : i32
        %add3A_2818 = arith.constant 2 : i32
        %add3A_2819 = arith.addi %add3A_2817, %add3A_2818 : i32
        %get3A_2820 = arith.index_cast %add3A_2819 : i32 to index
        %get3A_2821 = arith.constant 96 : index
        %get3A_2822 = tpu.vector_load %arg7[%get3A_2820, %get3A_2821] {strides = array<i32>} : memref<672x128xf32, #tpu.memory_space<vmem>>, vector<1x16xf32>,
        %get3A_2823 = vector.shape_cast %get3A_2822 : vector<1x16xf32> to vector<16xf32>
        %mul3A_2824 = arith.mulf %get3A_2575, %get3A_2823 : vector<16xf32>
        %add3A_2825 = arith.constant 1 : i32
        %add3A_2826 = arith.addi %add3A_2547, %add3A_2825 : i32
        %add3A_2827 = arith.constant 2 : i32
        %add3A_2828 = arith.addi %add3A_2826, %add3A_2827 : i32
        %get3A_2829 = arith.index_cast %add3A_2828 : i32 to index
        %get3A_2830 = arith.constant 112 : index
        %get3A_2831 = tpu.vector_load %arg7[%get3A_2829, %get3A_2830] {strides = array<i32>} : memref<672x128xf32, #tpu.memory_space<vmem>>, vector<1x16xf32>,
        %get3A_2832 = vector.shape_cast %get3A_2831 : vector<1x16xf32> to vector<16xf32>
        %mul3A_2833 = arith.mulf %get3A_2579, %get3A_2832 : vector<16xf32>
        %add3A_2834 = arith.addf %mul3A_2770, %mul3A_2806 : vector<16xf32>
        %add3A_2835 = arith.addf %mul3A_2779, %mul3A_2815 : vector<16xf32>
        %add3A_2836 = arith.addf %mul3A_2788, %mul3A_2824 : vector<16xf32>
        %add3A_2837 = arith.addf %mul3A_2797, %mul3A_2833 : vector<16xf32>
        %add3A_2838 = arith.addf %add3A_2834, %add3A_2836 : vector<16xf32>
        %add3A_2839 = arith.addf %add3A_2835, %add3A_2837 : vector<16xf32>
        %add3A_2840 = arith.addf %add3A_2838, %add3A_2839 : vector<16xf32>
        %gather3A_2841 = vector.shape_cast %broadcast_in_dim3A_4 : vector<16x1xi32> to vector<16xi32>
        %gather3A_2842 = tpu.dynamic_gather %add3A_2840[%gather3A_2841] in [0] : vector<16xf32>, vector<16xi32> -> vector<16xf32>
        %add3A_2843 = arith.addf %add3A_2840, %gather3A_2842 : vector<16xf32>
        %gather3A_2844 = vector.shape_cast %broadcast_in_dim3A_8 : vector<16x1xi32> to vector<16xi32>
        %gather3A_2845 = tpu.dynamic_gather %add3A_2843[%gather3A_2844] in [0] : vector<16xf32>, vector<16xi32> -> vector<16xf32>
        %add3A_2846 = arith.addf %add3A_2843, %gather3A_2845 : vector<16xf32>
        %gather3A_2847 = vector.shape_cast %broadcast_in_dim3A_12 : vector<16x1xi32> to vector<16xi32>
        %gather3A_2848 = tpu.dynamic_gather %add3A_2846[%gather3A_2847] in [0] : vector<16xf32>, vector<16xi32> -> vector<16xf32>
        %add3A_2849 = arith.addf %add3A_2846, %gather3A_2848 : vector<16xf32>
        %gather3A_2850 = vector.shape_cast %broadcast_in_dim3A_16 : vector<16x1xi32> to vector<16xi32>
        %gather3A_2851 = tpu.dynamic_gather %add3A_2849[%gather3A_2850] in [0] : vector<16xf32>, vector<16xi32> -> vector<16xf32>
        %add3A_2852 = arith.addf %add3A_2849, %gather3A_2851 : vector<16xf32>
        %add3A_2853 = arith.constant 1 : i32
        %add3A_2854 = arith.addi %add3A_2547, %add3A_2853 : i32
        %add3A_2855 = arith.constant 3 : i32
        %add3A_2856 = arith.addi %add3A_2854, %add3A_2855 : i32
        %get3A_2857 = arith.index_cast %add3A_2856 : i32 to index
        %get3A_2858 = arith.constant 0 : index
        %get3A_2859 = tpu.vector_load %arg7[%get3A_2857, %get3A_2858] {strides = array<i32>} : memref<672x128xf32, #tpu.memory_space<vmem>>, vector<1x16xf32>,
        %get3A_2860 = vector.shape_cast %get3A_2859 : vector<1x16xf32> to vector<16xf32>
        %mul3A_2861 = arith.mulf %get3A_2551, %get3A_2860 : vector<16xf32>
        %add3A_2862 = arith.constant 1 : i32
        %add3A_2863 = arith.addi %add3A_2547, %add3A_2862 : i32
        %add3A_2864 = arith.constant 3 : i32
        %add3A_2865 = arith.addi %add3A_2863, %add3A_2864 : i32
        %get3A_2866 = arith.index_cast %add3A_2865 : i32 to index
        %get3A_2867 = arith.constant 16 : index
        %get3A_2868 = tpu.vector_load %arg7[%get3A_2866, %get3A_2867] {strides = array<i32>} : memref<672x128xf32, #tpu.memory_space<vmem>>, vector<1x16xf32>,
        %get3A_2869 = vector.shape_cast %get3A_2868 : vector<1x16xf32> to vector<16xf32>
        %mul3A_2870 = arith.mulf %get3A_2555, %get3A_2869 : vector<16xf32>
        %add3A_2871 = arith.constant 1 : i32
        %add3A_2872 = arith.addi %add3A_2547, %add3A_2871 : i32
        %add3A_2873 = arith.constant 3 : i32
        %add3A_2874 = arith.addi %add3A_2872, %add3A_2873 : i32
        %get3A_2875 = arith.index_cast %add3A_2874 : i32 to index
        %get3A_2876 = arith.constant 32 : index
        %get3A_2877 = tpu.vector_load %arg7[%get3A_2875, %get3A_2876] {strides = array<i32>} : memref<672x128xf32, #tpu.memory_space<vmem>>, vector<1x16xf32>,
        %get3A_2878 = vector.shape_cast %get3A_2877 : vector<1x16xf32> to vector<16xf32>
        %mul3A_2879 = arith.mulf %get3A_2559, %get3A_2878 : vector<16xf32>
        %add3A_2880 = arith.constant 1 : i32
        %add3A_2881 = arith.addi %add3A_2547, %add3A_2880 : i32
        %add3A_2882 = arith.constant 3 : i32
        %add3A_2883 = arith.addi %add3A_2881, %add3A_2882 : i32
        %get3A_2884 = arith.index_cast %add3A_2883 : i32 to index
        %get3A_2885 = arith.constant 48 : index
        %get3A_2886 = tpu.vector_load %arg7[%get3A_2884, %get3A_2885] {strides = array<i32>} : memref<672x128xf32, #tpu.memory_space<vmem>>, vector<1x16xf32>,
        %get3A_2887 = vector.shape_cast %get3A_2886 : vector<1x16xf32> to vector<16xf32>
        %mul3A_2888 = arith.mulf %get3A_2563, %get3A_2887 : vector<16xf32>
        %add3A_2889 = arith.constant 1 : i32
        %add3A_2890 = arith.addi %add3A_2547, %add3A_2889 : i32
        %add3A_2891 = arith.constant 3 : i32
        %add3A_2892 = arith.addi %add3A_2890, %add3A_2891 : i32
        %get3A_2893 = arith.index_cast %add3A_2892 : i32 to index
        %get3A_2894 = arith.constant 64 : index
        %get3A_2895 = tpu.vector_load %arg7[%get3A_2893, %get3A_2894] {strides = array<i32>} : memref<672x128xf32, #tpu.memory_space<vmem>>, vector<1x16xf32>,
        %get3A_2896 = vector.shape_cast %get3A_2895 : vector<1x16xf32> to vector<16xf32>
        %mul3A_2897 = arith.mulf %get3A_2567, %get3A_2896 : vector<16xf32>
        %add3A_2898 = arith.constant 1 : i32
        %add3A_2899 = arith.addi %add3A_2547, %add3A_2898 : i32
        %add3A_2900 = arith.constant 3 : i32
        %add3A_2901 = arith.addi %add3A_2899, %add3A_2900 : i32
        %get3A_2902 = arith.index_cast %add3A_2901 : i32 to index
        %get3A_2903 = arith.constant 80 : index
        %get3A_2904 = tpu.vector_load %arg7[%get3A_2902, %get3A_2903] {strides = array<i32>} : memref<672x128xf32, #tpu.memory_space<vmem>>, vector<1x16xf32>,
        %get3A_2905 = vector.shape_cast %get3A_2904 : vector<1x16xf32> to vector<16xf32>
        %mul3A_2906 = arith.mulf %get3A_2571, %get3A_2905 : vector<16xf32>
        %add3A_2907 = arith.constant 1 : i32
        %add3A_2908 = arith.addi %add3A_2547, %add3A_2907 : i32
        %add3A_2909 = arith.constant 3 : i32
        %add3A_2910 = arith.addi %add3A_2908, %add3A_2909 : i32
        %get3A_2911 = arith.index_cast %add3A_2910 : i32 to index
        %get3A_2912 = arith.constant 96 : index
        %get3A_2913 = tpu.vector_load %arg7[%get3A_2911, %get3A_2912] {strides = array<i32>} : memref<672x128xf32, #tpu.memory_space<vmem>>, vector<1x16xf32>,
        %get3A_2914 = vector.shape_cast %get3A_2913 : vector<1x16xf32> to vector<16xf32>
        %mul3A_2915 = arith.mulf %get3A_2575, %get3A_2914 : vector<16xf32>
        %add3A_2916 = arith.constant 1 : i32
        %add3A_2917 = arith.addi %add3A_2547, %add3A_2916 : i32
        %add3A_2918 = arith.constant 3 : i32
        %add3A_2919 = arith.addi %add3A_2917, %add3A_2918 : i32
        %get3A_2920 = arith.index_cast %add3A_2919 : i32 to index
        %get3A_2921 = arith.constant 112 : index
        %get3A_2922 = tpu.vector_load %arg7[%get3A_2920, %get3A_2921] {strides = array<i32>} : memref<672x128xf32, #tpu.memory_space<vmem>>, vector<1x16xf32>,
        %get3A_2923 = vector.shape_cast %get3A_2922 : vector<1x16xf32> to vector<16xf32>
        %mul3A_2924 = arith.mulf %get3A_2579, %get3A_2923 : vector<16xf32>
        %add3A_2925 = arith.addf %mul3A_2861, %mul3A_2897 : vector<16xf32>
        %add3A_2926 = arith.addf %mul3A_2870, %mul3A_2906 : vector<16xf32>
        %add3A_2927 = arith.addf %mul3A_2879, %mul3A_2915 : vector<16xf32>
        %add3A_2928 = arith.addf %mul3A_2888, %mul3A_2924 : vector<16xf32>
        %add3A_2929 = arith.addf %add3A_2925, %add3A_2927 : vector<16xf32>
        %add3A_2930 = arith.addf %add3A_2926, %add3A_2928 : vector<16xf32>
        %add3A_2931 = arith.addf %add3A_2929, %add3A_2930 : vector<16xf32>
        %gather3A_2932 = vector.shape_cast %broadcast_in_dim3A_4 : vector<16x1xi32> to vector<16xi32>
        %gather3A_2933 = tpu.dynamic_gather %add3A_2931[%gather3A_2932] in [0] : vector<16xf32>, vector<16xi32> -> vector<16xf32>
        %add3A_2934 = arith.addf %add3A_2931, %gather3A_2933 : vector<16xf32>
        %gather3A_2935 = vector.shape_cast %broadcast_in_dim3A_8 : vector<16x1xi32> to vector<16xi32>
        %gather3A_2936 = tpu.dynamic_gather %add3A_2934[%gather3A_2935] in [0] : vector<16xf32>, vector<16xi32> -> vector<16xf32>
        %add3A_2937 = arith.addf %add3A_2934, %gather3A_2936 : vector<16xf32>
        %gather3A_2938 = vector.shape_cast %broadcast_in_dim3A_12 : vector<16x1xi32> to vector<16xi32>
        %gather3A_2939 = tpu.dynamic_gather %add3A_2937[%gather3A_2938] in [0] : vector<16xf32>, vector<16xi32> -> vector<16xf32>
        %add3A_2940 = arith.addf %add3A_2937, %gather3A_2939 : vector<16xf32>
        %gather3A_2941 = vector.shape_cast %broadcast_in_dim3A_16 : vector<16x1xi32> to vector<16xi32>
        %gather3A_2942 = tpu.dynamic_gather %add3A_2940[%gather3A_2941] in [0] : vector<16xf32>, vector<16xi32> -> vector<16xf32>
        %add3A_2943 = arith.addf %add3A_2940, %gather3A_2942 : vector<16xf32>
        %add3A_2944 = arith.constant 1 : i32
        %add3A_2945 = arith.addi %add3A_2547, %add3A_2944 : i32
        %add3A_2946 = arith.constant 4 : i32
        %add3A_2947 = arith.addi %add3A_2945, %add3A_2946 : i32
        %get3A_2948 = arith.index_cast %add3A_2947 : i32 to index
        %get3A_2949 = arith.constant 0 : index
        %get3A_2950 = tpu.vector_load %arg7[%get3A_2948, %get3A_2949] {strides = array<i32>} : memref<672x128xf32, #tpu.memory_space<vmem>>, vector<1x16xf32>,
        %get3A_2951 = vector.shape_cast %get3A_2950 : vector<1x16xf32> to vector<16xf32>
        %mul3A_2952 = arith.mulf %get3A_2551, %get3A_2951 : vector<16xf32>
        %add3A_2953 = arith.constant 1 : i32
        %add3A_2954 = arith.addi %add3A_2547, %add3A_2953 : i32
        %add3A_2955 = arith.constant 4 : i32
        %add3A_2956 = arith.addi %add3A_2954, %add3A_2955 : i32
        %get3A_2957 = arith.index_cast %add3A_2956 : i32 to index
        %get3A_2958 = arith.constant 16 : index
        %get3A_2959 = tpu.vector_load %arg7[%get3A_2957, %get3A_2958] {strides = array<i32>} : memref<672x128xf32, #tpu.memory_space<vmem>>, vector<1x16xf32>,
        %get3A_2960 = vector.shape_cast %get3A_2959 : vector<1x16xf32> to vector<16xf32>
        %mul3A_2961 = arith.mulf %get3A_2555, %get3A_2960 : vector<16xf32>
        %add3A_2962 = arith.constant 1 : i32
        %add3A_2963 = arith.addi %add3A_2547, %add3A_2962 : i32
        %add3A_2964 = arith.constant 4 : i32
        %add3A_2965 = arith.addi %add3A_2963, %add3A_2964 : i32
        %get3A_2966 = arith.index_cast %add3A_2965 : i32 to index
        %get3A_2967 = arith.constant 32 : index
        %get3A_2968 = tpu.vector_load %arg7[%get3A_2966, %get3A_2967] {strides = array<i32>} : memref<672x128xf32, #tpu.memory_space<vmem>>, vector<1x16xf32>,
        %get3A_2969 = vector.shape_cast %get3A_2968 : vector<1x16xf32> to vector<16xf32>
        %mul3A_2970 = arith.mulf %get3A_2559, %get3A_2969 : vector<16xf32>
        %add3A_2971 = arith.constant 1 : i32
        %add3A_2972 = arith.addi %add3A_2547, %add3A_2971 : i32
        %add3A_2973 = arith.constant 4 : i32
        %add3A_2974 = arith.addi %add3A_2972, %add3A_2973 : i32
        %get3A_2975 = arith.index_cast %add3A_2974 : i32 to index
        %get3A_2976 = arith.constant 48 : index
        %get3A_2977 = tpu.vector_load %arg7[%get3A_2975, %get3A_2976] {strides = array<i32>} : memref<672x128xf32, #tpu.memory_space<vmem>>, vector<1x16xf32>,
        %get3A_2978 = vector.shape_cast %get3A_2977 : vector<1x16xf32> to vector<16xf32>
        %mul3A_2979 = arith.mulf %get3A_2563, %get3A_2978 : vector<16xf32>
        %add3A_2980 = arith.constant 1 : i32
        %add3A_2981 = arith.addi %add3A_2547, %add3A_2980 : i32
        %add3A_2982 = arith.constant 4 : i32
        %add3A_2983 = arith.addi %add3A_2981, %add3A_2982 : i32
        %get3A_2984 = arith.index_cast %add3A_2983 : i32 to index
        %get3A_2985 = arith.constant 64 : index
        %get3A_2986 = tpu.vector_load %arg7[%get3A_2984, %get3A_2985] {strides = array<i32>} : memref<672x128xf32, #tpu.memory_space<vmem>>, vector<1x16xf32>,
        %get3A_2987 = vector.shape_cast %get3A_2986 : vector<1x16xf32> to vector<16xf32>
        %mul3A_2988 = arith.mulf %get3A_2567, %get3A_2987 : vector<16xf32>
        %add3A_2989 = arith.constant 1 : i32
        %add3A_2990 = arith.addi %add3A_2547, %add3A_2989 : i32
        %add3A_2991 = arith.constant 4 : i32
        %add3A_2992 = arith.addi %add3A_2990, %add3A_2991 : i32
        %get3A_2993 = arith.index_cast %add3A_2992 : i32 to index
        %get3A_2994 = arith.constant 80 : index
        %get3A_2995 = tpu.vector_load %arg7[%get3A_2993, %get3A_2994] {strides = array<i32>} : memref<672x128xf32, #tpu.memory_space<vmem>>, vector<1x16xf32>,
        %get3A_2996 = vector.shape_cast %get3A_2995 : vector<1x16xf32> to vector<16xf32>
        %mul3A_2997 = arith.mulf %get3A_2571, %get3A_2996 : vector<16xf32>
        %add3A_2998 = arith.constant 1 : i32
        %add3A_2999 = arith.addi %add3A_2547, %add3A_2998 : i32
        %add3A_3000 = arith.constant 4 : i32
        %add3A_3001 = arith.addi %add3A_2999, %add3A_3000 : i32
        %get3A_3002 = arith.index_cast %add3A_3001 : i32 to index
        %get3A_3003 = arith.constant 96 : index
        %get3A_3004 = tpu.vector_load %arg7[%get3A_3002, %get3A_3003] {strides = array<i32>} : memref<672x128xf32, #tpu.memory_space<vmem>>, vector<1x16xf32>,
        %get3A_3005 = vector.shape_cast %get3A_3004 : vector<1x16xf32> to vector<16xf32>
        %mul3A_3006 = arith.mulf %get3A_2575, %get3A_3005 : vector<16xf32>
        %add3A_3007 = arith.constant 1 : i32
        %add3A_3008 = arith.addi %add3A_2547, %add3A_3007 : i32
        %add3A_3009 = arith.constant 4 : i32
        %add3A_3010 = arith.addi %add3A_3008, %add3A_3009 : i32
        %get3A_3011 = arith.index_cast %add3A_3010 : i32 to index
        %get3A_3012 = arith.constant 112 : index
        %get3A_3013 = tpu.vector_load %arg7[%get3A_3011, %get3A_3012] {strides = array<i32>} : memref<672x128xf32, #tpu.memory_space<vmem>>, vector<1x16xf32>,
        %get3A_3014 = vector.shape_cast %get3A_3013 : vector<1x16xf32> to vector<16xf32>
        %mul3A_3015 = arith.mulf %get3A_2579, %get3A_3014 : vector<16xf32>
        %add3A_3016 = arith.addf %mul3A_2952, %mul3A_2988 : vector<16xf32>
        %add3A_3017 = arith.addf %mul3A_2961, %mul3A_2997 : vector<16xf32>
        %add3A_3018 = arith.addf %mul3A_2970, %mul3A_3006 : vector<16xf32>
        %add3A_3019 = arith.addf %mul3A_2979, %mul3A_3015 : vector<16xf32>
        %add3A_3020 = arith.addf %add3A_3016, %add3A_3018 : vector<16xf32>
        %add3A_3021 = arith.addf %add3A_3017, %add3A_3019 : vector<16xf32>
        %add3A_3022 = arith.addf %add3A_3020, %add3A_3021 : vector<16xf32>
        %gather3A_3023 = vector.shape_cast %broadcast_in_dim3A_4 : vector<16x1xi32> to vector<16xi32>
        %gather3A_3024 = tpu.dynamic_gather %add3A_3022[%gather3A_3023] in [0] : vector<16xf32>, vector<16xi32> -> vector<16xf32>
        %add3A_3025 = arith.addf %add3A_3022, %gather3A_3024 : vector<16xf32>
        %gather3A_3026 = vector.shape_cast %broadcast_in_dim3A_8 : vector<16x1xi32> to vector<16xi32>
        %gather3A_3027 = tpu.dynamic_gather %add3A_3025[%gather3A_3026] in [0] : vector<16xf32>, vector<16xi32> -> vector<16xf32>
        %add3A_3028 = arith.addf %add3A_3025, %gather3A_3027 : vector<16xf32>
        %gather3A_3029 = vector.shape_cast %broadcast_in_dim3A_12 : vector<16x1xi32> to vector<16xi32>
        %gather3A_3030 = tpu.dynamic_gather %add3A_3028[%gather3A_3029] in [0] : vector<16xf32>, vector<16xi32> -> vector<16xf32>
        %add3A_3031 = arith.addf %add3A_3028, %gather3A_3030 : vector<16xf32>
        %gather3A_3032 = vector.shape_cast %broadcast_in_dim3A_16 : vector<16x1xi32> to vector<16xi32>
        %gather3A_3033 = tpu.dynamic_gather %add3A_3031[%gather3A_3032] in [0] : vector<16xf32>, vector<16xi32> -> vector<16xf32>
        %add3A_3034 = arith.addf %add3A_3031, %gather3A_3033 : vector<16xf32>
        %add3A_3035 = arith.constant 1 : i32
        %add3A_3036 = arith.addi %add3A_2547, %add3A_3035 : i32
        %add3A_3037 = arith.constant 5 : i32
        %add3A_3038 = arith.addi %add3A_3036, %add3A_3037 : i32
        %get3A_3039 = arith.index_cast %add3A_3038 : i32 to index
        %get3A_3040 = arith.constant 0 : index
        %get3A_3041 = tpu.vector_load %arg7[%get3A_3039, %get3A_3040] {strides = array<i32>} : memref<672x128xf32, #tpu.memory_space<vmem>>, vector<1x16xf32>,
        %get3A_3042 = vector.shape_cast %get3A_3041 : vector<1x16xf32> to vector<16xf32>
        %mul3A_3043 = arith.mulf %get3A_2551, %get3A_3042 : vector<16xf32>
        %add3A_3044 = arith.constant 1 : i32
        %add3A_3045 = arith.addi %add3A_2547, %add3A_3044 : i32
        %add3A_3046 = arith.constant 5 : i32
        %add3A_3047 = arith.addi %add3A_3045, %add3A_3046 : i32
        %get3A_3048 = arith.index_cast %add3A_3047 : i32 to index
        %get3A_3049 = arith.constant 16 : index
        %get3A_3050 = tpu.vector_load %arg7[%get3A_3048, %get3A_3049] {strides = array<i32>} : memref<672x128xf32, #tpu.memory_space<vmem>>, vector<1x16xf32>,
        %get3A_3051 = vector.shape_cast %get3A_3050 : vector<1x16xf32> to vector<16xf32>
        %mul3A_3052 = arith.mulf %get3A_2555, %get3A_3051 : vector<16xf32>
        %add3A_3053 = arith.constant 1 : i32
        %add3A_3054 = arith.addi %add3A_2547, %add3A_3053 : i32
        %add3A_3055 = arith.constant 5 : i32
        %add3A_3056 = arith.addi %add3A_3054, %add3A_3055 : i32
        %get3A_3057 = arith.index_cast %add3A_3056 : i32 to index
        %get3A_3058 = arith.constant 32 : index
        %get3A_3059 = tpu.vector_load %arg7[%get3A_3057, %get3A_3058] {strides = array<i32>} : memref<672x128xf32, #tpu.memory_space<vmem>>, vector<1x16xf32>,
        %get3A_3060 = vector.shape_cast %get3A_3059 : vector<1x16xf32> to vector<16xf32>
        %mul3A_3061 = arith.mulf %get3A_2559, %get3A_3060 : vector<16xf32>
        %add3A_3062 = arith.constant 1 : i32
        %add3A_3063 = arith.addi %add3A_2547, %add3A_3062 : i32
        %add3A_3064 = arith.constant 5 : i32
        %add3A_3065 = arith.addi %add3A_3063, %add3A_3064 : i32
        %get3A_3066 = arith.index_cast %add3A_3065 : i32 to index
        %get3A_3067 = arith.constant 48 : index
        %get3A_3068 = tpu.vector_load %arg7[%get3A_3066, %get3A_3067] {strides = array<i32>} : memref<672x128xf32, #tpu.memory_space<vmem>>, vector<1x16xf32>,
        %get3A_3069 = vector.shape_cast %get3A_3068 : vector<1x16xf32> to vector<16xf32>
        %mul3A_3070 = arith.mulf %get3A_2563, %get3A_3069 : vector<16xf32>
        %add3A_3071 = arith.constant 1 : i32
        %add3A_3072 = arith.addi %add3A_2547, %add3A_3071 : i32
        %add3A_3073 = arith.constant 5 : i32
        %add3A_3074 = arith.addi %add3A_3072, %add3A_3073 : i32
        %get3A_3075 = arith.index_cast %add3A_3074 : i32 to index
        %get3A_3076 = arith.constant 64 : index
        %get3A_3077 = tpu.vector_load %arg7[%get3A_3075, %get3A_3076] {strides = array<i32>} : memref<672x128xf32, #tpu.memory_space<vmem>>, vector<1x16xf32>,
        %get3A_3078 = vector.shape_cast %get3A_3077 : vector<1x16xf32> to vector<16xf32>
        %mul3A_3079 = arith.mulf %get3A_2567, %get3A_3078 : vector<16xf32>
        %add3A_3080 = arith.constant 1 : i32
        %add3A_3081 = arith.addi %add3A_2547, %add3A_3080 : i32
        %add3A_3082 = arith.constant 5 : i32
        %add3A_3083 = arith.addi %add3A_3081, %add3A_3082 : i32
        %get3A_3084 = arith.index_cast %add3A_3083 : i32 to index
        %get3A_3085 = arith.constant 80 : index
        %get3A_3086 = tpu.vector_load %arg7[%get3A_3084, %get3A_3085] {strides = array<i32>} : memref<672x128xf32, #tpu.memory_space<vmem>>, vector<1x16xf32>,
        %get3A_3087 = vector.shape_cast %get3A_3086 : vector<1x16xf32> to vector<16xf32>
        %mul3A_3088 = arith.mulf %get3A_2571, %get3A_3087 : vector<16xf32>
        %add3A_3089 = arith.constant 1 : i32
        %add3A_3090 = arith.addi %add3A_2547, %add3A_3089 : i32
        %add3A_3091 = arith.constant 5 : i32
        %add3A_3092 = arith.addi %add3A_3090, %add3A_3091 : i32
        %get3A_3093 = arith.index_cast %add3A_3092 : i32 to index
        %get3A_3094 = arith.constant 96 : index
        %get3A_3095 = tpu.vector_load %arg7[%get3A_3093, %get3A_3094] {strides = array<i32>} : memref<672x128xf32, #tpu.memory_space<vmem>>, vector<1x16xf32>,
        %get3A_3096 = vector.shape_cast %get3A_3095 : vector<1x16xf32> to vector<16xf32>
        %mul3A_3097 = arith.mulf %get3A_2575, %get3A_3096 : vector<16xf32>
        %add3A_3098 = arith.constant 1 : i32
        %add3A_3099 = arith.addi %add3A_2547, %add3A_3098 : i32
        %add3A_3100 = arith.constant 5 : i32
        %add3A_3101 = arith.addi %add3A_3099, %add3A_3100 : i32
        %get3A_3102 = arith.index_cast %add3A_3101 : i32 to index
        %get3A_3103 = arith.constant 112 : index
        %get3A_3104 = tpu.vector_load %arg7[%get3A_3102, %get3A_3103] {strides = array<i32>} : memref<672x128xf32, #tpu.memory_space<vmem>>, vector<1x16xf32>,
        %get3A_3105 = vector.shape_cast %get3A_3104 : vector<1x16xf32> to vector<16xf32>
        %mul3A_3106 = arith.mulf %get3A_2579, %get3A_3105 : vector<16xf32>
        %add3A_3107 = arith.addf %mul3A_3043, %mul3A_3079 : vector<16xf32>
        %add3A_3108 = arith.addf %mul3A_3052, %mul3A_3088 : vector<16xf32>
        %add3A_3109 = arith.addf %mul3A_3061, %mul3A_3097 : vector<16xf32>
        %add3A_3110 = arith.addf %mul3A_3070, %mul3A_3106 : vector<16xf32>
        %add3A_3111 = arith.addf %add3A_3107, %add3A_3109 : vector<16xf32>
        %add3A_3112 = arith.addf %add3A_3108, %add3A_3110 : vector<16xf32>
        %add3A_3113 = arith.addf %add3A_3111, %add3A_3112 : vector<16xf32>
        %gather3A_3114 = vector.shape_cast %broadcast_in_dim3A_4 : vector<16x1xi32> to vector<16xi32>
        %gather3A_3115 = tpu.dynamic_gather %add3A_3113[%gather3A_3114] in [0] : vector<16xf32>, vector<16xi32> -> vector<16xf32>
        %add3A_3116 = arith.addf %add3A_3113, %gather3A_3115 : vector<16xf32>
        %gather3A_3117 = vector.shape_cast %broadcast_in_dim3A_8 : vector<16x1xi32> to vector<16xi32>
        %gather3A_3118 = tpu.dynamic_gather %add3A_3116[%gather3A_3117] in [0] : vector<16xf32>, vector<16xi32> -> vector<16xf32>
        %add3A_3119 = arith.addf %add3A_3116, %gather3A_3118 : vector<16xf32>
        %gather3A_3120 = vector.shape_cast %broadcast_in_dim3A_12 : vector<16x1xi32> to vector<16xi32>
        %gather3A_3121 = tpu.dynamic_gather %add3A_3119[%gather3A_3120] in [0] : vector<16xf32>, vector<16xi32> -> vector<16xf32>
        %add3A_3122 = arith.addf %add3A_3119, %gather3A_3121 : vector<16xf32>
        %gather3A_3123 = vector.shape_cast %broadcast_in_dim3A_16 : vector<16x1xi32> to vector<16xi32>
        %gather3A_3124 = tpu.dynamic_gather %add3A_3122[%gather3A_3123] in [0] : vector<16xf32>, vector<16xi32> -> vector<16xf32>
        %add3A_3125 = arith.addf %add3A_3122, %gather3A_3124 : vector<16xf32>
        %mul3A_3126 = arith.constant 8 : i32
        %mul3A_3127 = arith.muli %add3A_135, %mul3A_3126 : i32
        %add3A_3128 = arith.constant 5 : i32
        %add3A_3129 = arith.addi %mul3A_3127, %add3A_3128 : i32
        %mul3A_3130 = arith.constant 7 : i32
        %mul3A_3131 = arith.muli %add3A_3129, %mul3A_3130 : i32
        %add3A_3132 = arith.addi %mul3A_125, %mul3A_3131 : i32
        %get3A_3133 = arith.index_cast %add3A_3132 : i32 to index
        %get3A_3134 = arith.constant 0 : index
        %get3A_3135 = tpu.vector_load %arg7[%get3A_3133, %get3A_3134] {strides = array<i32>} : memref<672x128xf32, #tpu.memory_space<vmem>>, vector<1x16xf32>,
        %get3A_3136 = vector.shape_cast %get3A_3135 : vector<1x16xf32> to vector<16xf32>
        %get3A_3137 = arith.index_cast %add3A_3132 : i32 to index
        %get3A_3138 = arith.constant 16 : index
        %get3A_3139 = tpu.vector_load %arg7[%get3A_3137, %get3A_3138] {strides = array<i32>} : memref<672x128xf32, #tpu.memory_space<vmem>>, vector<1x16xf32>,
        %get3A_3140 = vector.shape_cast %get3A_3139 : vector<1x16xf32> to vector<16xf32>
        %get3A_3141 = arith.index_cast %add3A_3132 : i32 to index
        %get3A_3142 = arith.constant 32 : index
        %get3A_3143 = tpu.vector_load %arg7[%get3A_3141, %get3A_3142] {strides = array<i32>} : memref<672x128xf32, #tpu.memory_space<vmem>>, vector<1x16xf32>,
        %get3A_3144 = vector.shape_cast %get3A_3143 : vector<1x16xf32> to vector<16xf32>
        %get3A_3145 = arith.index_cast %add3A_3132 : i32 to index
        %get3A_3146 = arith.constant 48 : index
        %get3A_3147 = tpu.vector_load %arg7[%get3A_3145, %get3A_3146] {strides = array<i32>} : memref<672x128xf32, #tpu.memory_space<vmem>>, vector<1x16xf32>,
        %get3A_3148 = vector.shape_cast %get3A_3147 : vector<1x16xf32> to vector<16xf32>
        %get3A_3149 = arith.index_cast %add3A_3132 : i32 to index
        %get3A_3150 = arith.constant 64 : index
        %get3A_3151 = tpu.vector_load %arg7[%get3A_3149, %get3A_3150] {strides = array<i32>} : memref<672x128xf32, #tpu.memory_space<vmem>>, vector<1x16xf32>,
        %get3A_3152 = vector.shape_cast %get3A_3151 : vector<1x16xf32> to vector<16xf32>
        %get3A_3153 = arith.index_cast %add3A_3132 : i32 to index
        %get3A_3154 = arith.constant 80 : index
        %get3A_3155 = tpu.vector_load %arg7[%get3A_3153, %get3A_3154] {strides = array<i32>} : memref<672x128xf32, #tpu.memory_space<vmem>>, vector<1x16xf32>,
        %get3A_3156 = vector.shape_cast %get3A_3155 : vector<1x16xf32> to vector<16xf32>
        %get3A_3157 = arith.index_cast %add3A_3132 : i32 to index
        %get3A_3158 = arith.constant 96 : index
        %get3A_3159 = tpu.vector_load %arg7[%get3A_3157, %get3A_3158] {strides = array<i32>} : memref<672x128xf32, #tpu.memory_space<vmem>>, vector<1x16xf32>,
        %get3A_3160 = vector.shape_cast %get3A_3159 : vector<1x16xf32> to vector<16xf32>
        %get3A_3161 = arith.index_cast %add3A_3132 : i32 to index
        %get3A_3162 = arith.constant 112 : index
        %get3A_3163 = tpu.vector_load %arg7[%get3A_3161, %get3A_3162] {strides = array<i32>} : memref<672x128xf32, #tpu.memory_space<vmem>>, vector<1x16xf32>,
        %get3A_3164 = vector.shape_cast %get3A_3163 : vector<1x16xf32> to vector<16xf32>
        %add3A_3165 = arith.constant 1 : i32
        %add3A_3166 = arith.addi %add3A_3132, %add3A_3165 : i32
        %add3A_3167 = arith.constant 0 : i32
        %add3A_3168 = arith.addi %add3A_3166, %add3A_3167 : i32
        %get3A_3169 = arith.index_cast %add3A_3168 : i32 to index
        %get3A_3170 = arith.constant 0 : index
        %get3A_3171 = tpu.vector_load %arg7[%get3A_3169, %get3A_3170] {strides = array<i32>} : memref<672x128xf32, #tpu.memory_space<vmem>>, vector<1x16xf32>,
        %get3A_3172 = vector.shape_cast %get3A_3171 : vector<1x16xf32> to vector<16xf32>
        %mul3A_3173 = arith.mulf %get3A_3136, %get3A_3172 : vector<16xf32>
        %add3A_3174 = arith.constant 1 : i32
        %add3A_3175 = arith.addi %add3A_3132, %add3A_3174 : i32
        %add3A_3176 = arith.constant 0 : i32
        %add3A_3177 = arith.addi %add3A_3175, %add3A_3176 : i32
        %get3A_3178 = arith.index_cast %add3A_3177 : i32 to index
        %get3A_3179 = arith.constant 16 : index
        %get3A_3180 = tpu.vector_load %arg7[%get3A_3178, %get3A_3179] {strides = array<i32>} : memref<672x128xf32, #tpu.memory_space<vmem>>, vector<1x16xf32>,
        %get3A_3181 = vector.shape_cast %get3A_3180 : vector<1x16xf32> to vector<16xf32>
        %mul3A_3182 = arith.mulf %get3A_3140, %get3A_3181 : vector<16xf32>
        %add3A_3183 = arith.constant 1 : i32
        %add3A_3184 = arith.addi %add3A_3132, %add3A_3183 : i32
        %add3A_3185 = arith.constant 0 : i32
        %add3A_3186 = arith.addi %add3A_3184, %add3A_3185 : i32
        %get3A_3187 = arith.index_cast %add3A_3186 : i32 to index
        %get3A_3188 = arith.constant 32 : index
        %get3A_3189 = tpu.vector_load %arg7[%get3A_3187, %get3A_3188] {strides = array<i32>} : memref<672x128xf32, #tpu.memory_space<vmem>>, vector<1x16xf32>,
        %get3A_3190 = vector.shape_cast %get3A_3189 : vector<1x16xf32> to vector<16xf32>
        %mul3A_3191 = arith.mulf %get3A_3144, %get3A_3190 : vector<16xf32>
        %add3A_3192 = arith.constant 1 : i32
        %add3A_3193 = arith.addi %add3A_3132, %add3A_3192 : i32
        %add3A_3194 = arith.constant 0 : i32
        %add3A_3195 = arith.addi %add3A_3193, %add3A_3194 : i32
        %get3A_3196 = arith.index_cast %add3A_3195 : i32 to index
        %get3A_3197 = arith.constant 48 : index
        %get3A_3198 = tpu.vector_load %arg7[%get3A_3196, %get3A_3197] {strides = array<i32>} : memref<672x128xf32, #tpu.memory_space<vmem>>, vector<1x16xf32>,
        %get3A_3199 = vector.shape_cast %get3A_3198 : vector<1x16xf32> to vector<16xf32>
        %mul3A_3200 = arith.mulf %get3A_3148, %get3A_3199 : vector<16xf32>
        %add3A_3201 = arith.constant 1 : i32
        %add3A_3202 = arith.addi %add3A_3132, %add3A_3201 : i32
        %add3A_3203 = arith.constant 0 : i32
        %add3A_3204 = arith.addi %add3A_3202, %add3A_3203 : i32
        %get3A_3205 = arith.index_cast %add3A_3204 : i32 to index
        %get3A_3206 = arith.constant 64 : index
        %get3A_3207 = tpu.vector_load %arg7[%get3A_3205, %get3A_3206] {strides = array<i32>} : memref<672x128xf32, #tpu.memory_space<vmem>>, vector<1x16xf32>,
        %get3A_3208 = vector.shape_cast %get3A_3207 : vector<1x16xf32> to vector<16xf32>
        %mul3A_3209 = arith.mulf %get3A_3152, %get3A_3208 : vector<16xf32>
        %add3A_3210 = arith.constant 1 : i32
        %add3A_3211 = arith.addi %add3A_3132, %add3A_3210 : i32
        %add3A_3212 = arith.constant 0 : i32
        %add3A_3213 = arith.addi %add3A_3211, %add3A_3212 : i32
        %get3A_3214 = arith.index_cast %add3A_3213 : i32 to index
        %get3A_3215 = arith.constant 80 : index
        %get3A_3216 = tpu.vector_load %arg7[%get3A_3214, %get3A_3215] {strides = array<i32>} : memref<672x128xf32, #tpu.memory_space<vmem>>, vector<1x16xf32>,
        %get3A_3217 = vector.shape_cast %get3A_3216 : vector<1x16xf32> to vector<16xf32>
        %mul3A_3218 = arith.mulf %get3A_3156, %get3A_3217 : vector<16xf32>
        %add3A_3219 = arith.constant 1 : i32
        %add3A_3220 = arith.addi %add3A_3132, %add3A_3219 : i32
        %add3A_3221 = arith.constant 0 : i32
        %add3A_3222 = arith.addi %add3A_3220, %add3A_3221 : i32
        %get3A_3223 = arith.index_cast %add3A_3222 : i32 to index
        %get3A_3224 = arith.constant 96 : index
        %get3A_3225 = tpu.vector_load %arg7[%get3A_3223, %get3A_3224] {strides = array<i32>} : memref<672x128xf32, #tpu.memory_space<vmem>>, vector<1x16xf32>,
        %get3A_3226 = vector.shape_cast %get3A_3225 : vector<1x16xf32> to vector<16xf32>
        %mul3A_3227 = arith.mulf %get3A_3160, %get3A_3226 : vector<16xf32>
        %add3A_3228 = arith.constant 1 : i32
        %add3A_3229 = arith.addi %add3A_3132, %add3A_3228 : i32
        %add3A_3230 = arith.constant 0 : i32
        %add3A_3231 = arith.addi %add3A_3229, %add3A_3230 : i32
        %get3A_3232 = arith.index_cast %add3A_3231 : i32 to index
        %get3A_3233 = arith.constant 112 : index
        %get3A_3234 = tpu.vector_load %arg7[%get3A_3232, %get3A_3233] {strides = array<i32>} : memref<672x128xf32, #tpu.memory_space<vmem>>, vector<1x16xf32>,
        %get3A_3235 = vector.shape_cast %get3A_3234 : vector<1x16xf32> to vector<16xf32>
        %mul3A_3236 = arith.mulf %get3A_3164, %get3A_3235 : vector<16xf32>
        %add3A_3237 = arith.addf %mul3A_3173, %mul3A_3209 : vector<16xf32>
        %add3A_3238 = arith.addf %mul3A_3182, %mul3A_3218 : vector<16xf32>
        %add3A_3239 = arith.addf %mul3A_3191, %mul3A_3227 : vector<16xf32>
        %add3A_3240 = arith.addf %mul3A_3200, %mul3A_3236 : vector<16xf32>
        %add3A_3241 = arith.addf %add3A_3237, %add3A_3239 : vector<16xf32>
        %add3A_3242 = arith.addf %add3A_3238, %add3A_3240 : vector<16xf32>
        %add3A_3243 = arith.addf %add3A_3241, %add3A_3242 : vector<16xf32>
        %gather3A_3244 = vector.shape_cast %broadcast_in_dim3A_4 : vector<16x1xi32> to vector<16xi32>
        %gather3A_3245 = tpu.dynamic_gather %add3A_3243[%gather3A_3244] in [0] : vector<16xf32>, vector<16xi32> -> vector<16xf32>
        %add3A_3246 = arith.addf %add3A_3243, %gather3A_3245 : vector<16xf32>
        %gather3A_3247 = vector.shape_cast %broadcast_in_dim3A_8 : vector<16x1xi32> to vector<16xi32>
        %gather3A_3248 = tpu.dynamic_gather %add3A_3246[%gather3A_3247] in [0] : vector<16xf32>, vector<16xi32> -> vector<16xf32>
        %add3A_3249 = arith.addf %add3A_3246, %gather3A_3248 : vector<16xf32>
        %gather3A_3250 = vector.shape_cast %broadcast_in_dim3A_12 : vector<16x1xi32> to vector<16xi32>
        %gather3A_3251 = tpu.dynamic_gather %add3A_3249[%gather3A_3250] in [0] : vector<16xf32>, vector<16xi32> -> vector<16xf32>
        %add3A_3252 = arith.addf %add3A_3249, %gather3A_3251 : vector<16xf32>
        %gather3A_3253 = vector.shape_cast %broadcast_in_dim3A_16 : vector<16x1xi32> to vector<16xi32>
        %gather3A_3254 = tpu.dynamic_gather %add3A_3252[%gather3A_3253] in [0] : vector<16xf32>, vector<16xi32> -> vector<16xf32>
        %add3A_3255 = arith.addf %add3A_3252, %gather3A_3254 : vector<16xf32>
        %add3A_3256 = arith.constant 1 : i32
        %add3A_3257 = arith.addi %add3A_3132, %add3A_3256 : i32
        %add3A_3258 = arith.constant 1 : i32
        %add3A_3259 = arith.addi %add3A_3257, %add3A_3258 : i32
        %get3A_3260 = arith.index_cast %add3A_3259 : i32 to index
        %get3A_3261 = arith.constant 0 : index
        %get3A_3262 = tpu.vector_load %arg7[%get3A_3260, %get3A_3261] {strides = array<i32>} : memref<672x128xf32, #tpu.memory_space<vmem>>, vector<1x16xf32>,
        %get3A_3263 = vector.shape_cast %get3A_3262 : vector<1x16xf32> to vector<16xf32>
        %mul3A_3264 = arith.mulf %get3A_3136, %get3A_3263 : vector<16xf32>
        %add3A_3265 = arith.constant 1 : i32
        %add3A_3266 = arith.addi %add3A_3132, %add3A_3265 : i32
        %add3A_3267 = arith.constant 1 : i32
        %add3A_3268 = arith.addi %add3A_3266, %add3A_3267 : i32
        %get3A_3269 = arith.index_cast %add3A_3268 : i32 to index
        %get3A_3270 = arith.constant 16 : index
        %get3A_3271 = tpu.vector_load %arg7[%get3A_3269, %get3A_3270] {strides = array<i32>} : memref<672x128xf32, #tpu.memory_space<vmem>>, vector<1x16xf32>,
        %get3A_3272 = vector.shape_cast %get3A_3271 : vector<1x16xf32> to vector<16xf32>
        %mul3A_3273 = arith.mulf %get3A_3140, %get3A_3272 : vector<16xf32>
        %add3A_3274 = arith.constant 1 : i32
        %add3A_3275 = arith.addi %add3A_3132, %add3A_3274 : i32
        %add3A_3276 = arith.constant 1 : i32
        %add3A_3277 = arith.addi %add3A_3275, %add3A_3276 : i32
        %get3A_3278 = arith.index_cast %add3A_3277 : i32 to index
        %get3A_3279 = arith.constant 32 : index
        %get3A_3280 = tpu.vector_load %arg7[%get3A_3278, %get3A_3279] {strides = array<i32>} : memref<672x128xf32, #tpu.memory_space<vmem>>, vector<1x16xf32>,
        %get3A_3281 = vector.shape_cast %get3A_3280 : vector<1x16xf32> to vector<16xf32>
        %mul3A_3282 = arith.mulf %get3A_3144, %get3A_3281 : vector<16xf32>
        %add3A_3283 = arith.constant 1 : i32
        %add3A_3284 = arith.addi %add3A_3132, %add3A_3283 : i32
        %add3A_3285 = arith.constant 1 : i32
        %add3A_3286 = arith.addi %add3A_3284, %add3A_3285 : i32
        %get3A_3287 = arith.index_cast %add3A_3286 : i32 to index
        %get3A_3288 = arith.constant 48 : index
        %get3A_3289 = tpu.vector_load %arg7[%get3A_3287, %get3A_3288] {strides = array<i32>} : memref<672x128xf32, #tpu.memory_space<vmem>>, vector<1x16xf32>,
        %get3A_3290 = vector.shape_cast %get3A_3289 : vector<1x16xf32> to vector<16xf32>
        %mul3A_3291 = arith.mulf %get3A_3148, %get3A_3290 : vector<16xf32>
        %add3A_3292 = arith.constant 1 : i32
        %add3A_3293 = arith.addi %add3A_3132, %add3A_3292 : i32
        %add3A_3294 = arith.constant 1 : i32
        %add3A_3295 = arith.addi %add3A_3293, %add3A_3294 : i32
        %get3A_3296 = arith.index_cast %add3A_3295 : i32 to index
        %get3A_3297 = arith.constant 64 : index
        %get3A_3298 = tpu.vector_load %arg7[%get3A_3296, %get3A_3297] {strides = array<i32>} : memref<672x128xf32, #tpu.memory_space<vmem>>, vector<1x16xf32>,
        %get3A_3299 = vector.shape_cast %get3A_3298 : vector<1x16xf32> to vector<16xf32>
        %mul3A_3300 = arith.mulf %get3A_3152, %get3A_3299 : vector<16xf32>
        %add3A_3301 = arith.constant 1 : i32
        %add3A_3302 = arith.addi %add3A_3132, %add3A_3301 : i32
        %add3A_3303 = arith.constant 1 : i32
        %add3A_3304 = arith.addi %add3A_3302, %add3A_3303 : i32
        %get3A_3305 = arith.index_cast %add3A_3304 : i32 to index
        %get3A_3306 = arith.constant 80 : index
        %get3A_3307 = tpu.vector_load %arg7[%get3A_3305, %get3A_3306] {strides = array<i32>} : memref<672x128xf32, #tpu.memory_space<vmem>>, vector<1x16xf32>,
        %get3A_3308 = vector.shape_cast %get3A_3307 : vector<1x16xf32> to vector<16xf32>
        %mul3A_3309 = arith.mulf %get3A_3156, %get3A_3308 : vector<16xf32>
        %add3A_3310 = arith.constant 1 : i32
        %add3A_3311 = arith.addi %add3A_3132, %add3A_3310 : i32
        %add3A_3312 = arith.constant 1 : i32
        %add3A_3313 = arith.addi %add3A_3311, %add3A_3312 : i32
        %get3A_3314 = arith.index_cast %add3A_3313 : i32 to index
        %get3A_3315 = arith.constant 96 : index
        %get3A_3316 = tpu.vector_load %arg7[%get3A_3314, %get3A_3315] {strides = array<i32>} : memref<672x128xf32, #tpu.memory_space<vmem>>, vector<1x16xf32>,
        %get3A_3317 = vector.shape_cast %get3A_3316 : vector<1x16xf32> to vector<16xf32>
        %mul3A_3318 = arith.mulf %get3A_3160, %get3A_3317 : vector<16xf32>
        %add3A_3319 = arith.constant 1 : i32
        %add3A_3320 = arith.addi %add3A_3132, %add3A_3319 : i32
        %add3A_3321 = arith.constant 1 : i32
        %add3A_3322 = arith.addi %add3A_3320, %add3A_3321 : i32
        %get3A_3323 = arith.index_cast %add3A_3322 : i32 to index
        %get3A_3324 = arith.constant 112 : index
        %get3A_3325 = tpu.vector_load %arg7[%get3A_3323, %get3A_3324] {strides = array<i32>} : memref<672x128xf32, #tpu.memory_space<vmem>>, vector<1x16xf32>,
        %get3A_3326 = vector.shape_cast %get3A_3325 : vector<1x16xf32> to vector<16xf32>
        %mul3A_3327 = arith.mulf %get3A_3164, %get3A_3326 : vector<16xf32>
        %add3A_3328 = arith.addf %mul3A_3264, %mul3A_3300 : vector<16xf32>
        %add3A_3329 = arith.addf %mul3A_3273, %mul3A_3309 : vector<16xf32>
        %add3A_3330 = arith.addf %mul3A_3282, %mul3A_3318 : vector<16xf32>
        %add3A_3331 = arith.addf %mul3A_3291, %mul3A_3327 : vector<16xf32>
        %add3A_3332 = arith.addf %add3A_3328, %add3A_3330 : vector<16xf32>
        %add3A_3333 = arith.addf %add3A_3329, %add3A_3331 : vector<16xf32>
        %add3A_3334 = arith.addf %add3A_3332, %add3A_3333 : vector<16xf32>
        %gather3A_3335 = vector.shape_cast %broadcast_in_dim3A_4 : vector<16x1xi32> to vector<16xi32>
        %gather3A_3336 = tpu.dynamic_gather %add3A_3334[%gather3A_3335] in [0] : vector<16xf32>, vector<16xi32> -> vector<16xf32>
        %add3A_3337 = arith.addf %add3A_3334, %gather3A_3336 : vector<16xf32>
        %gather3A_3338 = vector.shape_cast %broadcast_in_dim3A_8 : vector<16x1xi32> to vector<16xi32>
        %gather3A_3339 = tpu.dynamic_gather %add3A_3337[%gather3A_3338] in [0] : vector<16xf32>, vector<16xi32> -> vector<16xf32>
        %add3A_3340 = arith.addf %add3A_3337, %gather3A_3339 : vector<16xf32>
        %gather3A_3341 = vector.shape_cast %broadcast_in_dim3A_12 : vector<16x1xi32> to vector<16xi32>
        %gather3A_3342 = tpu.dynamic_gather %add3A_3340[%gather3A_3341] in [0] : vector<16xf32>, vector<16xi32> -> vector<16xf32>
        %add3A_3343 = arith.addf %add3A_3340, %gather3A_3342 : vector<16xf32>
        %gather3A_3344 = vector.shape_cast %broadcast_in_dim3A_16 : vector<16x1xi32> to vector<16xi32>
        %gather3A_3345 = tpu.dynamic_gather %add3A_3343[%gather3A_3344] in [0] : vector<16xf32>, vector<16xi32> -> vector<16xf32>
        %add3A_3346 = arith.addf %add3A_3343, %gather3A_3345 : vector<16xf32>
        %select_n3A_3347 = arith.select %ne3A_20, %add3A_1955, %add3A_1864 : vector<16xi1>, vector<16xf32>
        %select_n3A_3348 = arith.select %ne3A_20, %add3A_2176, %add3A_2085 : vector<16xi1>, vector<16xf32>
        %select_n3A_3349 = arith.select %ne3A_20, %add3A_2358, %add3A_2267 : vector<16xi1>, vector<16xf32>
        %select_n3A_3350 = arith.select %ne3A_20, %add3A_2540, %add3A_2449 : vector<16xi1>, vector<16xf32>
        %select_n3A_3351 = arith.select %ne3A_20, %add3A_2761, %add3A_2670 : vector<16xi1>, vector<16xf32>
        %select_n3A_3352 = arith.select %ne3A_20, %add3A_2943, %add3A_2852 : vector<16xi1>, vector<16xf32>
        %select_n3A_3353 = arith.select %ne3A_20, %add3A_3125, %add3A_3034 : vector<16xi1>, vector<16xf32>
        %select_n3A_3354 = arith.select %ne3A_20, %add3A_3346, %add3A_3255 : vector<16xi1>, vector<16xf32>
        %select_n3A_3355 = arith.select %ne3A_26, %select_n3A_3348, %select_n3A_3347 : vector<16xi1>, vector<16xf32>
        %select_n3A_3356 = arith.select %ne3A_26, %select_n3A_3350, %select_n3A_3349 : vector<16xi1>, vector<16xf32>
        %select_n3A_3357 = arith.select %ne3A_26, %select_n3A_3352, %select_n3A_3351 : vector<16xi1>, vector<16xf32>
        %select_n3A_3358 = arith.select %ne3A_26, %select_n3A_3354, %select_n3A_3353 : vector<16xi1>, vector<16xf32>
        %select_n3A_3359 = arith.select %ne3A_32, %select_n3A_3356, %select_n3A_3355 : vector<16xi1>, vector<16xf32>
        %select_n3A_3360 = arith.select %ne3A_32, %select_n3A_3358, %select_n3A_3357 : vector<16xi1>, vector<16xf32>
        %select_n3A_3361 = arith.select %ne3A_38, %select_n3A_3360, %select_n3A_3359 : vector<16xi1>, vector<16xf32>
        %abs3A_3362 = math.absf %select_n3A_3361 : vector<16xf32>
        %neg3A_3363 = arith.constant 0.000000e+00 : f32
        %neg3A_3364 = vector.broadcast %neg3A_3363 : f32 to vector<16xf32>
        %neg3A_3365 = arith.subf %neg3A_3364, %abs3A_3362 : vector<16xf32>
        %exp3A_3366 = math.exp %neg3A_3365 : vector<16xf32>
        %mul3A_3367 = arith.mulf %exp3A_3366, %exp3A_3366 : vector<16xf32>
        %mul3A_3368 = arith.mulf %mul3A_3367, %mul3A_3367 : vector<16xf32>
        %mul3A_3369 = arith.constant -0.499963552 : f32
        %mul3A_3370 = vector.broadcast %mul3A_3369 : f32 to vector<16xf32>
        %mul3A_3371 = arith.mulf %mul3A_3370, %exp3A_3366 : vector<16xf32>
        %add3A_3372 = arith.constant 0.999999523 : f32
        %add3A_3373 = vector.broadcast %add3A_3372 : f32 to vector<16xf32>
        %add3A_3374 = arith.addf %add3A_3373, %mul3A_3371 : vector<16xf32>
        %mul3A_3375 = arith.constant -0.244533896 : f32
        %mul3A_3376 = vector.broadcast %mul3A_3375 : f32 to vector<16xf32>
        %mul3A_3377 = arith.mulf %mul3A_3376, %exp3A_3366 : vector<16xf32>
        %add3A_3378 = arith.constant 0.332652569 : f32
        %add3A_3379 = vector.broadcast %add3A_3378 : f32 to vector<16xf32>
        %add3A_3380 = arith.addf %add3A_3379, %mul3A_3377 : vector<16xf32>
        %mul3A_3381 = arith.mulf %mul3A_3367, %add3A_3380 : vector<16xf32>
        %add3A_3382 = arith.addf %add3A_3374, %mul3A_3381 : vector<16xf32>
        %mul3A_3383 = arith.constant -0.106799312 : f32
        %mul3A_3384 = vector.broadcast %mul3A_3383 : f32 to vector<16xf32>
        %mul3A_3385 = arith.mulf %mul3A_3384, %exp3A_3366 : vector<16xf32>
        %add3A_3386 = arith.constant 0.176598653 : f32
        %add3A_3387 = vector.broadcast %add3A_3386 : f32 to vector<16xf32>
        %add3A_3388 = arith.addf %add3A_3387, %mul3A_3385 : vector<16xf32>
        %mul3A_3389 = arith.constant -8.466410e-03 : f32
        %mul3A_3390 = vector.broadcast %mul3A_3389 : f32 to vector<16xf32>
        %mul3A_3391 = arith.mulf %mul3A_3390, %exp3A_3366 : vector<16xf32>
        %add3A_3392 = arith.constant 0.0436592884 : f32
        %add3A_3393 = vector.broadcast %add3A_3392 : f32 to vector<16xf32>
        %add3A_3394 = arith.addf %add3A_3393, %mul3A_3391 : vector<16xf32>
        %mul3A_3395 = arith.mulf %mul3A_3367, %add3A_3394 : vector<16xf32>
        %add3A_3396 = arith.addf %add3A_3388, %mul3A_3395 : vector<16xf32>
        %mul3A_3397 = arith.mulf %mul3A_3368, %add3A_3396 : vector<16xf32>
        %add3A_3398 = arith.addf %add3A_3382, %mul3A_3397 : vector<16xf32>
        %mul3A_3399 = arith.mulf %exp3A_3366, %add3A_3398 : vector<16xf32>
        %mul3A_3400 = arith.mulf %select_n3A_3361, %broadcast_in_dim3A_122 : vector<16xf32>
        %max3A_3401 = arith.constant 0.000000e+00 : f32
        %max3A_3402 = vector.broadcast %max3A_3401 : f32 to vector<16xf32>
        %max3A_3403 = arith.maximumf %mul3A_3400, %max3A_3402 : vector<16xf32>
        %add3A_3404 = arith.addf %mul3A_3399, %max3A_3403 : vector<16xf32>
        %get3A_3405 = arith.constant 0 : i32
        %get3A_3406 = arith.index_cast %get3A_3405 : i32 to index
        %get3A_3407 = arith.constant 0 : index
        %get3A_3408 = tpu.vector_load %arg8[%get3A_3406, %get3A_3407] {strides = array<i32>} : memref<8x128xf32, #tpu.memory_space<vmem>>, vector<1x16xf32>,
        %get3A_3409 = vector.shape_cast %get3A_3408 : vector<1x16xf32> to vector<16xf32>
        %mul3A_3410 = arith.mulf %add3A_3404, %broadcast_in_dim3A_123 : vector<16xf32>
        %add3A_3411 = arith.addf %get3A_3409, %mul3A_3410 : vector<16xf32>
        %swap3A_3412 = arith.constant 0 : i32
        %swap3A_3413 = arith.index_cast %swap3A_3412 : i32 to index
        %swap3A_3414 = arith.constant 0 : index
        %swap3A_3415 = tpu.vector_load %arg8[%swap3A_3413, %swap3A_3414] {strides = array<i32>} : memref<8x128xf32, #tpu.memory_space<vmem>>, vector<1x16xf32>,
        %swap3A_3416 = vector.shape_cast %swap3A_3415 : vector<1x16xf32> to vector<16xf32>
        %swap3A_3417 = vector.shape_cast %add3A_3411 : vector<16xf32> to vector<1x16xf32>
        tpu.vector_store %arg8[%swap3A_3413, %swap3A_3414], %swap3A_3417 {strides = array<i32>} : memref<8x128xf32, #tpu.memory_space<vmem>>, vector<1x16xf32>,
        %add3A_3418 = arith.constant 1 : i32
        %add3A_3419 = arith.addi %add3A_3132, %add3A_3418 : i32
        %add3A_3420 = arith.constant 2 : i32
        %add3A_3421 = arith.addi %add3A_3419, %add3A_3420 : i32
        %get3A_3422 = arith.index_cast %add3A_3421 : i32 to index
        %get3A_3423 = arith.constant 0 : index
        %get3A_3424 = tpu.vector_load %arg7[%get3A_3422, %get3A_3423] {strides = array<i32>} : memref<672x128xf32, #tpu.memory_space<vmem>>, vector<1x16xf32>,
        %get3A_3425 = vector.shape_cast %get3A_3424 : vector<1x16xf32> to vector<16xf32>
        %mul3A_3426 = arith.mulf %get3A_3136, %get3A_3425 : vector<16xf32>
        %add3A_3427 = arith.constant 1 : i32
        %add3A_3428 = arith.addi %add3A_3132, %add3A_3427 : i32
        %add3A_3429 = arith.constant 2 : i32
        %add3A_3430 = arith.addi %add3A_3428, %add3A_3429 : i32
        %get3A_3431 = arith.index_cast %add3A_3430 : i32 to index
        %get3A_3432 = arith.constant 16 : index
        %get3A_3433 = tpu.vector_load %arg7[%get3A_3431, %get3A_3432] {strides = array<i32>} : memref<672x128xf32, #tpu.memory_space<vmem>>, vector<1x16xf32>,
        %get3A_3434 = vector.shape_cast %get3A_3433 : vector<1x16xf32> to vector<16xf32>
        %mul3A_3435 = arith.mulf %get3A_3140, %get3A_3434 : vector<16xf32>
        %add3A_3436 = arith.constant 1 : i32
        %add3A_3437 = arith.addi %add3A_3132, %add3A_3436 : i32
        %add3A_3438 = arith.constant 2 : i32
        %add3A_3439 = arith.addi %add3A_3437, %add3A_3438 : i32
        %get3A_3440 = arith.index_cast %add3A_3439 : i32 to index
        %get3A_3441 = arith.constant 32 : index
        %get3A_3442 = tpu.vector_load %arg7[%get3A_3440, %get3A_3441] {strides = array<i32>} : memref<672x128xf32, #tpu.memory_space<vmem>>, vector<1x16xf32>,
        %get3A_3443 = vector.shape_cast %get3A_3442 : vector<1x16xf32> to vector<16xf32>
        %mul3A_3444 = arith.mulf %get3A_3144, %get3A_3443 : vector<16xf32>
        %add3A_3445 = arith.constant 1 : i32
        %add3A_3446 = arith.addi %add3A_3132, %add3A_3445 : i32
        %add3A_3447 = arith.constant 2 : i32
        %add3A_3448 = arith.addi %add3A_3446, %add3A_3447 : i32
        %get3A_3449 = arith.index_cast %add3A_3448 : i32 to index
        %get3A_3450 = arith.constant 48 : index
        %get3A_3451 = tpu.vector_load %arg7[%get3A_3449, %get3A_3450] {strides = array<i32>} : memref<672x128xf32, #tpu.memory_space<vmem>>, vector<1x16xf32>,
        %get3A_3452 = vector.shape_cast %get3A_3451 : vector<1x16xf32> to vector<16xf32>
        %mul3A_3453 = arith.mulf %get3A_3148, %get3A_3452 : vector<16xf32>
        %add3A_3454 = arith.constant 1 : i32
        %add3A_3455 = arith.addi %add3A_3132, %add3A_3454 : i32
        %add3A_3456 = arith.constant 2 : i32
        %add3A_3457 = arith.addi %add3A_3455, %add3A_3456 : i32
        %get3A_3458 = arith.index_cast %add3A_3457 : i32 to index
        %get3A_3459 = arith.constant 64 : index
        %get3A_3460 = tpu.vector_load %arg7[%get3A_3458, %get3A_3459] {strides = array<i32>} : memref<672x128xf32, #tpu.memory_space<vmem>>, vector<1x16xf32>,
        %get3A_3461 = vector.shape_cast %get3A_3460 : vector<1x16xf32> to vector<16xf32>
        %mul3A_3462 = arith.mulf %get3A_3152, %get3A_3461 : vector<16xf32>
        %add3A_3463 = arith.constant 1 : i32
        %add3A_3464 = arith.addi %add3A_3132, %add3A_3463 : i32
        %add3A_3465 = arith.constant 2 : i32
        %add3A_3466 = arith.addi %add3A_3464, %add3A_3465 : i32
        %get3A_3467 = arith.index_cast %add3A_3466 : i32 to index
        %get3A_3468 = arith.constant 80 : index
        %get3A_3469 = tpu.vector_load %arg7[%get3A_3467, %get3A_3468] {strides = array<i32>} : memref<672x128xf32, #tpu.memory_space<vmem>>, vector<1x16xf32>,
        %get3A_3470 = vector.shape_cast %get3A_3469 : vector<1x16xf32> to vector<16xf32>
        %mul3A_3471 = arith.mulf %get3A_3156, %get3A_3470 : vector<16xf32>
        %add3A_3472 = arith.constant 1 : i32
        %add3A_3473 = arith.addi %add3A_3132, %add3A_3472 : i32
        %add3A_3474 = arith.constant 2 : i32
        %add3A_3475 = arith.addi %add3A_3473, %add3A_3474 : i32
        %get3A_3476 = arith.index_cast %add3A_3475 : i32 to index
        %get3A_3477 = arith.constant 96 : index
        %get3A_3478 = tpu.vector_load %arg7[%get3A_3476, %get3A_3477] {strides = array<i32>} : memref<672x128xf32, #tpu.memory_space<vmem>>, vector<1x16xf32>,
        %get3A_3479 = vector.shape_cast %get3A_3478 : vector<1x16xf32> to vector<16xf32>
        %mul3A_3480 = arith.mulf %get3A_3160, %get3A_3479 : vector<16xf32>
        %add3A_3481 = arith.constant 1 : i32
        %add3A_3482 = arith.addi %add3A_3132, %add3A_3481 : i32
        %add3A_3483 = arith.constant 2 : i32
        %add3A_3484 = arith.addi %add3A_3482, %add3A_3483 : i32
        %get3A_3485 = arith.index_cast %add3A_3484 : i32 to index
        %get3A_3486 = arith.constant 112 : index
        %get3A_3487 = tpu.vector_load %arg7[%get3A_3485, %get3A_3486] {strides = array<i32>} : memref<672x128xf32, #tpu.memory_space<vmem>>, vector<1x16xf32>,
        %get3A_3488 = vector.shape_cast %get3A_3487 : vector<1x16xf32> to vector<16xf32>
        %mul3A_3489 = arith.mulf %get3A_3164, %get3A_3488 : vector<16xf32>
        %add3A_3490 = arith.addf %mul3A_3426, %mul3A_3462 : vector<16xf32>
        %add3A_3491 = arith.addf %mul3A_3435, %mul3A_3471 : vector<16xf32>
        %add3A_3492 = arith.addf %mul3A_3444, %mul3A_3480 : vector<16xf32>
        %add3A_3493 = arith.addf %mul3A_3453, %mul3A_3489 : vector<16xf32>
        %add3A_3494 = arith.addf %add3A_3490, %add3A_3492 : vector<16xf32>
        %add3A_3495 = arith.addf %add3A_3491, %add3A_3493 : vector<16xf32>
        %add3A_3496 = arith.addf %add3A_3494, %add3A_3495 : vector<16xf32>
        %gather3A_3497 = vector.shape_cast %broadcast_in_dim3A_4 : vector<16x1xi32> to vector<16xi32>
        %gather3A_3498 = tpu.dynamic_gather %add3A_3496[%gather3A_3497] in [0] : vector<16xf32>, vector<16xi32> -> vector<16xf32>
        %add3A_3499 = arith.addf %add3A_3496, %gather3A_3498 : vector<16xf32>
        %gather3A_3500 = vector.shape_cast %broadcast_in_dim3A_8 : vector<16x1xi32> to vector<16xi32>
        %gather3A_3501 = tpu.dynamic_gather %add3A_3499[%gather3A_3500] in [0] : vector<16xf32>, vector<16xi32> -> vector<16xf32>
        %add3A_3502 = arith.addf %add3A_3499, %gather3A_3501 : vector<16xf32>
        %gather3A_3503 = vector.shape_cast %broadcast_in_dim3A_12 : vector<16x1xi32> to vector<16xi32>
        %gather3A_3504 = tpu.dynamic_gather %add3A_3502[%gather3A_3503] in [0] : vector<16xf32>, vector<16xi32> -> vector<16xf32>
        %add3A_3505 = arith.addf %add3A_3502, %gather3A_3504 : vector<16xf32>
        %gather3A_3506 = vector.shape_cast %broadcast_in_dim3A_16 : vector<16x1xi32> to vector<16xi32>
        %gather3A_3507 = tpu.dynamic_gather %add3A_3505[%gather3A_3506] in [0] : vector<16xf32>, vector<16xi32> -> vector<16xf32>
        %add3A_3508 = arith.addf %add3A_3505, %gather3A_3507 : vector<16xf32>
        %add3A_3509 = arith.constant 1 : i32
        %add3A_3510 = arith.addi %add3A_3132, %add3A_3509 : i32
        %add3A_3511 = arith.constant 3 : i32
        %add3A_3512 = arith.addi %add3A_3510, %add3A_3511 : i32
        %get3A_3513 = arith.index_cast %add3A_3512 : i32 to index
        %get3A_3514 = arith.constant 0 : index
        %get3A_3515 = tpu.vector_load %arg7[%get3A_3513, %get3A_3514] {strides = array<i32>} : memref<672x128xf32, #tpu.memory_space<vmem>>, vector<1x16xf32>,
        %get3A_3516 = vector.shape_cast %get3A_3515 : vector<1x16xf32> to vector<16xf32>
        %mul3A_3517 = arith.mulf %get3A_3136, %get3A_3516 : vector<16xf32>
        %add3A_3518 = arith.constant 1 : i32
        %add3A_3519 = arith.addi %add3A_3132, %add3A_3518 : i32
        %add3A_3520 = arith.constant 3 : i32
        %add3A_3521 = arith.addi %add3A_3519, %add3A_3520 : i32
        %get3A_3522 = arith.index_cast %add3A_3521 : i32 to index
        %get3A_3523 = arith.constant 16 : index
        %get3A_3524 = tpu.vector_load %arg7[%get3A_3522, %get3A_3523] {strides = array<i32>} : memref<672x128xf32, #tpu.memory_space<vmem>>, vector<1x16xf32>,
        %get3A_3525 = vector.shape_cast %get3A_3524 : vector<1x16xf32> to vector<16xf32>
        %mul3A_3526 = arith.mulf %get3A_3140, %get3A_3525 : vector<16xf32>
        %add3A_3527 = arith.constant 1 : i32
        %add3A_3528 = arith.addi %add3A_3132, %add3A_3527 : i32
        %add3A_3529 = arith.constant 3 : i32
        %add3A_3530 = arith.addi %add3A_3528, %add3A_3529 : i32
        %get3A_3531 = arith.index_cast %add3A_3530 : i32 to index
        %get3A_3532 = arith.constant 32 : index
        %get3A_3533 = tpu.vector_load %arg7[%get3A_3531, %get3A_3532] {strides = array<i32>} : memref<672x128xf32, #tpu.memory_space<vmem>>, vector<1x16xf32>,
        %get3A_3534 = vector.shape_cast %get3A_3533 : vector<1x16xf32> to vector<16xf32>
        %mul3A_3535 = arith.mulf %get3A_3144, %get3A_3534 : vector<16xf32>
        %add3A_3536 = arith.constant 1 : i32
        %add3A_3537 = arith.addi %add3A_3132, %add3A_3536 : i32
        %add3A_3538 = arith.constant 3 : i32
        %add3A_3539 = arith.addi %add3A_3537, %add3A_3538 : i32
        %get3A_3540 = arith.index_cast %add3A_3539 : i32 to index
        %get3A_3541 = arith.constant 48 : index
        %get3A_3542 = tpu.vector_load %arg7[%get3A_3540, %get3A_3541] {strides = array<i32>} : memref<672x128xf32, #tpu.memory_space<vmem>>, vector<1x16xf32>,
        %get3A_3543 = vector.shape_cast %get3A_3542 : vector<1x16xf32> to vector<16xf32>
        %mul3A_3544 = arith.mulf %get3A_3148, %get3A_3543 : vector<16xf32>
        %add3A_3545 = arith.constant 1 : i32
        %add3A_3546 = arith.addi %add3A_3132, %add3A_3545 : i32
        %add3A_3547 = arith.constant 3 : i32
        %add3A_3548 = arith.addi %add3A_3546, %add3A_3547 : i32
        %get3A_3549 = arith.index_cast %add3A_3548 : i32 to index
        %get3A_3550 = arith.constant 64 : index
        %get3A_3551 = tpu.vector_load %arg7[%get3A_3549, %get3A_3550] {strides = array<i32>} : memref<672x128xf32, #tpu.memory_space<vmem>>, vector<1x16xf32>,
        %get3A_3552 = vector.shape_cast %get3A_3551 : vector<1x16xf32> to vector<16xf32>
        %mul3A_3553 = arith.mulf %get3A_3152, %get3A_3552 : vector<16xf32>
        %add3A_3554 = arith.constant 1 : i32
        %add3A_3555 = arith.addi %add3A_3132, %add3A_3554 : i32
        %add3A_3556 = arith.constant 3 : i32
        %add3A_3557 = arith.addi %add3A_3555, %add3A_3556 : i32
        %get3A_3558 = arith.index_cast %add3A_3557 : i32 to index
        %get3A_3559 = arith.constant 80 : index
        %get3A_3560 = tpu.vector_load %arg7[%get3A_3558, %get3A_3559] {strides = array<i32>} : memref<672x128xf32, #tpu.memory_space<vmem>>, vector<1x16xf32>,
        %get3A_3561 = vector.shape_cast %get3A_3560 : vector<1x16xf32> to vector<16xf32>
        %mul3A_3562 = arith.mulf %get3A_3156, %get3A_3561 : vector<16xf32>
        %add3A_3563 = arith.constant 1 : i32
        %add3A_3564 = arith.addi %add3A_3132, %add3A_3563 : i32
        %add3A_3565 = arith.constant 3 : i32
        %add3A_3566 = arith.addi %add3A_3564, %add3A_3565 : i32
        %get3A_3567 = arith.index_cast %add3A_3566 : i32 to index
        %get3A_3568 = arith.constant 96 : index
        %get3A_3569 = tpu.vector_load %arg7[%get3A_3567, %get3A_3568] {strides = array<i32>} : memref<672x128xf32, #tpu.memory_space<vmem>>, vector<1x16xf32>,
        %get3A_3570 = vector.shape_cast %get3A_3569 : vector<1x16xf32> to vector<16xf32>
        %mul3A_3571 = arith.mulf %get3A_3160, %get3A_3570 : vector<16xf32>
        %add3A_3572 = arith.constant 1 : i32
        %add3A_3573 = arith.addi %add3A_3132, %add3A_3572 : i32
        %add3A_3574 = arith.constant 3 : i32
        %add3A_3575 = arith.addi %add3A_3573, %add3A_3574 : i32
        %get3A_3576 = arith.index_cast %add3A_3575 : i32 to index
        %get3A_3577 = arith.constant 112 : index
        %get3A_3578 = tpu.vector_load %arg7[%get3A_3576, %get3A_3577] {strides = array<i32>} : memref<672x128xf32, #tpu.memory_space<vmem>>, vector<1x16xf32>,
        %get3A_3579 = vector.shape_cast %get3A_3578 : vector<1x16xf32> to vector<16xf32>
        %mul3A_3580 = arith.mulf %get3A_3164, %get3A_3579 : vector<16xf32>
        %add3A_3581 = arith.addf %mul3A_3517, %mul3A_3553 : vector<16xf32>
        %add3A_3582 = arith.addf %mul3A_3526, %mul3A_3562 : vector<16xf32>
        %add3A_3583 = arith.addf %mul3A_3535, %mul3A_3571 : vector<16xf32>
        %add3A_3584 = arith.addf %mul3A_3544, %mul3A_3580 : vector<16xf32>
        %add3A_3585 = arith.addf %add3A_3581, %add3A_3583 : vector<16xf32>
        %add3A_3586 = arith.addf %add3A_3582, %add3A_3584 : vector<16xf32>
        %add3A_3587 = arith.addf %add3A_3585, %add3A_3586 : vector<16xf32>
        %gather3A_3588 = vector.shape_cast %broadcast_in_dim3A_4 : vector<16x1xi32> to vector<16xi32>
        %gather3A_3589 = tpu.dynamic_gather %add3A_3587[%gather3A_3588] in [0] : vector<16xf32>, vector<16xi32> -> vector<16xf32>
        %add3A_3590 = arith.addf %add3A_3587, %gather3A_3589 : vector<16xf32>
        %gather3A_3591 = vector.shape_cast %broadcast_in_dim3A_8 : vector<16x1xi32> to vector<16xi32>
        %gather3A_3592 = tpu.dynamic_gather %add3A_3590[%gather3A_3591] in [0] : vector<16xf32>, vector<16xi32> -> vector<16xf32>
        %add3A_3593 = arith.addf %add3A_3590, %gather3A_3592 : vector<16xf32>
        %gather3A_3594 = vector.shape_cast %broadcast_in_dim3A_12 : vector<16x1xi32> to vector<16xi32>
        %gather3A_3595 = tpu.dynamic_gather %add3A_3593[%gather3A_3594] in [0] : vector<16xf32>, vector<16xi32> -> vector<16xf32>
        %add3A_3596 = arith.addf %add3A_3593, %gather3A_3595 : vector<16xf32>
        %gather3A_3597 = vector.shape_cast %broadcast_in_dim3A_16 : vector<16x1xi32> to vector<16xi32>
        %gather3A_3598 = tpu.dynamic_gather %add3A_3596[%gather3A_3597] in [0] : vector<16xf32>, vector<16xi32> -> vector<16xf32>
        %add3A_3599 = arith.addf %add3A_3596, %gather3A_3598 : vector<16xf32>
        %add3A_3600 = arith.constant 1 : i32
        %add3A_3601 = arith.addi %add3A_3132, %add3A_3600 : i32
        %add3A_3602 = arith.constant 4 : i32
        %add3A_3603 = arith.addi %add3A_3601, %add3A_3602 : i32
        %get3A_3604 = arith.index_cast %add3A_3603 : i32 to index
        %get3A_3605 = arith.constant 0 : index
        %get3A_3606 = tpu.vector_load %arg7[%get3A_3604, %get3A_3605] {strides = array<i32>} : memref<672x128xf32, #tpu.memory_space<vmem>>, vector<1x16xf32>,
        %get3A_3607 = vector.shape_cast %get3A_3606 : vector<1x16xf32> to vector<16xf32>
        %mul3A_3608 = arith.mulf %get3A_3136, %get3A_3607 : vector<16xf32>
        %add3A_3609 = arith.constant 1 : i32
        %add3A_3610 = arith.addi %add3A_3132, %add3A_3609 : i32
        %add3A_3611 = arith.constant 4 : i32
        %add3A_3612 = arith.addi %add3A_3610, %add3A_3611 : i32
        %get3A_3613 = arith.index_cast %add3A_3612 : i32 to index
        %get3A_3614 = arith.constant 16 : index
        %get3A_3615 = tpu.vector_load %arg7[%get3A_3613, %get3A_3614] {strides = array<i32>} : memref<672x128xf32, #tpu.memory_space<vmem>>, vector<1x16xf32>,
        %get3A_3616 = vector.shape_cast %get3A_3615 : vector<1x16xf32> to vector<16xf32>
        %mul3A_3617 = arith.mulf %get3A_3140, %get3A_3616 : vector<16xf32>
        %add3A_3618 = arith.constant 1 : i32
        %add3A_3619 = arith.addi %add3A_3132, %add3A_3618 : i32
        %add3A_3620 = arith.constant 4 : i32
        %add3A_3621 = arith.addi %add3A_3619, %add3A_3620 : i32
        %get3A_3622 = arith.index_cast %add3A_3621 : i32 to index
        %get3A_3623 = arith.constant 32 : index
        %get3A_3624 = tpu.vector_load %arg7[%get3A_3622, %get3A_3623] {strides = array<i32>} : memref<672x128xf32, #tpu.memory_space<vmem>>, vector<1x16xf32>,
        %get3A_3625 = vector.shape_cast %get3A_3624 : vector<1x16xf32> to vector<16xf32>
        %mul3A_3626 = arith.mulf %get3A_3144, %get3A_3625 : vector<16xf32>
        %add3A_3627 = arith.constant 1 : i32
        %add3A_3628 = arith.addi %add3A_3132, %add3A_3627 : i32
        %add3A_3629 = arith.constant 4 : i32
        %add3A_3630 = arith.addi %add3A_3628, %add3A_3629 : i32
        %get3A_3631 = arith.index_cast %add3A_3630 : i32 to index
        %get3A_3632 = arith.constant 48 : index
        %get3A_3633 = tpu.vector_load %arg7[%get3A_3631, %get3A_3632] {strides = array<i32>} : memref<672x128xf32, #tpu.memory_space<vmem>>, vector<1x16xf32>,
        %get3A_3634 = vector.shape_cast %get3A_3633 : vector<1x16xf32> to vector<16xf32>
        %mul3A_3635 = arith.mulf %get3A_3148, %get3A_3634 : vector<16xf32>
        %add3A_3636 = arith.constant 1 : i32
        %add3A_3637 = arith.addi %add3A_3132, %add3A_3636 : i32
        %add3A_3638 = arith.constant 4 : i32
        %add3A_3639 = arith.addi %add3A_3637, %add3A_3638 : i32
        %get3A_3640 = arith.index_cast %add3A_3639 : i32 to index
        %get3A_3641 = arith.constant 64 : index
        %get3A_3642 = tpu.vector_load %arg7[%get3A_3640, %get3A_3641] {strides = array<i32>} : memref<672x128xf32, #tpu.memory_space<vmem>>, vector<1x16xf32>,
        %get3A_3643 = vector.shape_cast %get3A_3642 : vector<1x16xf32> to vector<16xf32>
        %mul3A_3644 = arith.mulf %get3A_3152, %get3A_3643 : vector<16xf32>
        %add3A_3645 = arith.constant 1 : i32
        %add3A_3646 = arith.addi %add3A_3132, %add3A_3645 : i32
        %add3A_3647 = arith.constant 4 : i32
        %add3A_3648 = arith.addi %add3A_3646, %add3A_3647 : i32
        %get3A_3649 = arith.index_cast %add3A_3648 : i32 to index
        %get3A_3650 = arith.constant 80 : index
        %get3A_3651 = tpu.vector_load %arg7[%get3A_3649, %get3A_3650] {strides = array<i32>} : memref<672x128xf32, #tpu.memory_space<vmem>>, vector<1x16xf32>,
        %get3A_3652 = vector.shape_cast %get3A_3651 : vector<1x16xf32> to vector<16xf32>
        %mul3A_3653 = arith.mulf %get3A_3156, %get3A_3652 : vector<16xf32>
        %add3A_3654 = arith.constant 1 : i32
        %add3A_3655 = arith.addi %add3A_3132, %add3A_3654 : i32
        %add3A_3656 = arith.constant 4 : i32
        %add3A_3657 = arith.addi %add3A_3655, %add3A_3656 : i32
        %get3A_3658 = arith.index_cast %add3A_3657 : i32 to index
        %get3A_3659 = arith.constant 96 : index
        %get3A_3660 = tpu.vector_load %arg7[%get3A_3658, %get3A_3659] {strides = array<i32>} : memref<672x128xf32, #tpu.memory_space<vmem>>, vector<1x16xf32>,
        %get3A_3661 = vector.shape_cast %get3A_3660 : vector<1x16xf32> to vector<16xf32>
        %mul3A_3662 = arith.mulf %get3A_3160, %get3A_3661 : vector<16xf32>
        %add3A_3663 = arith.constant 1 : i32
        %add3A_3664 = arith.addi %add3A_3132, %add3A_3663 : i32
        %add3A_3665 = arith.constant 4 : i32
        %add3A_3666 = arith.addi %add3A_3664, %add3A_3665 : i32
        %get3A_3667 = arith.index_cast %add3A_3666 : i32 to index
        %get3A_3668 = arith.constant 112 : index
        %get3A_3669 = tpu.vector_load %arg7[%get3A_3667, %get3A_3668] {strides = array<i32>} : memref<672x128xf32, #tpu.memory_space<vmem>>, vector<1x16xf32>,
        %get3A_3670 = vector.shape_cast %get3A_3669 : vector<1x16xf32> to vector<16xf32>
        %mul3A_3671 = arith.mulf %get3A_3164, %get3A_3670 : vector<16xf32>
        %add3A_3672 = arith.addf %mul3A_3608, %mul3A_3644 : vector<16xf32>
        %add3A_3673 = arith.addf %mul3A_3617, %mul3A_3653 : vector<16xf32>
        %add3A_3674 = arith.addf %mul3A_3626, %mul3A_3662 : vector<16xf32>
        %add3A_3675 = arith.addf %mul3A_3635, %mul3A_3671 : vector<16xf32>
        %add3A_3676 = arith.addf %add3A_3672, %add3A_3674 : vector<16xf32>
        %add3A_3677 = arith.addf %add3A_3673, %add3A_3675 : vector<16xf32>
        %add3A_3678 = arith.addf %add3A_3676, %add3A_3677 : vector<16xf32>
        %gather3A_3679 = vector.shape_cast %broadcast_in_dim3A_4 : vector<16x1xi32> to vector<16xi32>
        %gather3A_3680 = tpu.dynamic_gather %add3A_3678[%gather3A_3679] in [0] : vector<16xf32>, vector<16xi32> -> vector<16xf32>
        %add3A_3681 = arith.addf %add3A_3678, %gather3A_3680 : vector<16xf32>
        %gather3A_3682 = vector.shape_cast %broadcast_in_dim3A_8 : vector<16x1xi32> to vector<16xi32>
        %gather3A_3683 = tpu.dynamic_gather %add3A_3681[%gather3A_3682] in [0] : vector<16xf32>, vector<16xi32> -> vector<16xf32>
        %add3A_3684 = arith.addf %add3A_3681, %gather3A_3683 : vector<16xf32>
        %gather3A_3685 = vector.shape_cast %broadcast_in_dim3A_12 : vector<16x1xi32> to vector<16xi32>
        %gather3A_3686 = tpu.dynamic_gather %add3A_3684[%gather3A_3685] in [0] : vector<16xf32>, vector<16xi32> -> vector<16xf32>
        %add3A_3687 = arith.addf %add3A_3684, %gather3A_3686 : vector<16xf32>
        %gather3A_3688 = vector.shape_cast %broadcast_in_dim3A_16 : vector<16x1xi32> to vector<16xi32>
        %gather3A_3689 = tpu.dynamic_gather %add3A_3687[%gather3A_3688] in [0] : vector<16xf32>, vector<16xi32> -> vector<16xf32>
        %add3A_3690 = arith.addf %add3A_3687, %gather3A_3689 : vector<16xf32>
        %add3A_3691 = arith.constant 1 : i32
        %add3A_3692 = arith.addi %add3A_3132, %add3A_3691 : i32
        %add3A_3693 = arith.constant 5 : i32
        %add3A_3694 = arith.addi %add3A_3692, %add3A_3693 : i32
        %get3A_3695 = arith.index_cast %add3A_3694 : i32 to index
        %get3A_3696 = arith.constant 0 : index
        %get3A_3697 = tpu.vector_load %arg7[%get3A_3695, %get3A_3696] {strides = array<i32>} : memref<672x128xf32, #tpu.memory_space<vmem>>, vector<1x16xf32>,
        %get3A_3698 = vector.shape_cast %get3A_3697 : vector<1x16xf32> to vector<16xf32>
        %mul3A_3699 = arith.mulf %get3A_3136, %get3A_3698 : vector<16xf32>
        %add3A_3700 = arith.constant 1 : i32
        %add3A_3701 = arith.addi %add3A_3132, %add3A_3700 : i32
        %add3A_3702 = arith.constant 5 : i32
        %add3A_3703 = arith.addi %add3A_3701, %add3A_3702 : i32
        %get3A_3704 = arith.index_cast %add3A_3703 : i32 to index
        %get3A_3705 = arith.constant 16 : index
        %get3A_3706 = tpu.vector_load %arg7[%get3A_3704, %get3A_3705] {strides = array<i32>} : memref<672x128xf32, #tpu.memory_space<vmem>>, vector<1x16xf32>,
        %get3A_3707 = vector.shape_cast %get3A_3706 : vector<1x16xf32> to vector<16xf32>
        %mul3A_3708 = arith.mulf %get3A_3140, %get3A_3707 : vector<16xf32>
        %add3A_3709 = arith.constant 1 : i32
        %add3A_3710 = arith.addi %add3A_3132, %add3A_3709 : i32
        %add3A_3711 = arith.constant 5 : i32
        %add3A_3712 = arith.addi %add3A_3710, %add3A_3711 : i32
        %get3A_3713 = arith.index_cast %add3A_3712 : i32 to index
        %get3A_3714 = arith.constant 32 : index
        %get3A_3715 = tpu.vector_load %arg7[%get3A_3713, %get3A_3714] {strides = array<i32>} : memref<672x128xf32, #tpu.memory_space<vmem>>, vector<1x16xf32>,
        %get3A_3716 = vector.shape_cast %get3A_3715 : vector<1x16xf32> to vector<16xf32>
        %mul3A_3717 = arith.mulf %get3A_3144, %get3A_3716 : vector<16xf32>
        %add3A_3718 = arith.constant 1 : i32
        %add3A_3719 = arith.addi %add3A_3132, %add3A_3718 : i32
        %add3A_3720 = arith.constant 5 : i32
        %add3A_3721 = arith.addi %add3A_3719, %add3A_3720 : i32
        %get3A_3722 = arith.index_cast %add3A_3721 : i32 to index
        %get3A_3723 = arith.constant 48 : index
        %get3A_3724 = tpu.vector_load %arg7[%get3A_3722, %get3A_3723] {strides = array<i32>} : memref<672x128xf32, #tpu.memory_space<vmem>>, vector<1x16xf32>,
        %get3A_3725 = vector.shape_cast %get3A_3724 : vector<1x16xf32> to vector<16xf32>
        %mul3A_3726 = arith.mulf %get3A_3148, %get3A_3725 : vector<16xf32>
        %add3A_3727 = arith.constant 1 : i32
        %add3A_3728 = arith.addi %add3A_3132, %add3A_3727 : i32
        %add3A_3729 = arith.constant 5 : i32
        %add3A_3730 = arith.addi %add3A_3728, %add3A_3729 : i32
        %get3A_3731 = arith.index_cast %add3A_3730 : i32 to index
        %get3A_3732 = arith.constant 64 : index
        %get3A_3733 = tpu.vector_load %arg7[%get3A_3731, %get3A_3732] {strides = array<i32>} : memref<672x128xf32, #tpu.memory_space<vmem>>, vector<1x16xf32>,
        %get3A_3734 = vector.shape_cast %get3A_3733 : vector<1x16xf32> to vector<16xf32>
        %mul3A_3735 = arith.mulf %get3A_3152, %get3A_3734 : vector<16xf32>
        %add3A_3736 = arith.constant 1 : i32
        %add3A_3737 = arith.addi %add3A_3132, %add3A_3736 : i32
        %add3A_3738 = arith.constant 5 : i32
        %add3A_3739 = arith.addi %add3A_3737, %add3A_3738 : i32
        %get3A_3740 = arith.index_cast %add3A_3739 : i32 to index
        %get3A_3741 = arith.constant 80 : index
        %get3A_3742 = tpu.vector_load %arg7[%get3A_3740, %get3A_3741] {strides = array<i32>} : memref<672x128xf32, #tpu.memory_space<vmem>>, vector<1x16xf32>,
        %get3A_3743 = vector.shape_cast %get3A_3742 : vector<1x16xf32> to vector<16xf32>
        %mul3A_3744 = arith.mulf %get3A_3156, %get3A_3743 : vector<16xf32>
        %add3A_3745 = arith.constant 1 : i32
        %add3A_3746 = arith.addi %add3A_3132, %add3A_3745 : i32
        %add3A_3747 = arith.constant 5 : i32
        %add3A_3748 = arith.addi %add3A_3746, %add3A_3747 : i32
        %get3A_3749 = arith.index_cast %add3A_3748 : i32 to index
        %get3A_3750 = arith.constant 96 : index
        %get3A_3751 = tpu.vector_load %arg7[%get3A_3749, %get3A_3750] {strides = array<i32>} : memref<672x128xf32, #tpu.memory_space<vmem>>, vector<1x16xf32>,
        %get3A_3752 = vector.shape_cast %get3A_3751 : vector<1x16xf32> to vector<16xf32>
        %mul3A_3753 = arith.mulf %get3A_3160, %get3A_3752 : vector<16xf32>
        %add3A_3754 = arith.constant 1 : i32
        %add3A_3755 = arith.addi %add3A_3132, %add3A_3754 : i32
        %add3A_3756 = arith.constant 5 : i32
        %add3A_3757 = arith.addi %add3A_3755, %add3A_3756 : i32
        %get3A_3758 = arith.index_cast %add3A_3757 : i32 to index
        %get3A_3759 = arith.constant 112 : index
        %get3A_3760 = tpu.vector_load %arg7[%get3A_3758, %get3A_3759] {strides = array<i32>} : memref<672x128xf32, #tpu.memory_space<vmem>>, vector<1x16xf32>,
        %get3A_3761 = vector.shape_cast %get3A_3760 : vector<1x16xf32> to vector<16xf32>
        %mul3A_3762 = arith.mulf %get3A_3164, %get3A_3761 : vector<16xf32>
        %add3A_3763 = arith.addf %mul3A_3699, %mul3A_3735 : vector<16xf32>
        %add3A_3764 = arith.addf %mul3A_3708, %mul3A_3744 : vector<16xf32>
        %add3A_3765 = arith.addf %mul3A_3717, %mul3A_3753 : vector<16xf32>
        %add3A_3766 = arith.addf %mul3A_3726, %mul3A_3762 : vector<16xf32>
        %add3A_3767 = arith.addf %add3A_3763, %add3A_3765 : vector<16xf32>
        %add3A_3768 = arith.addf %add3A_3764, %add3A_3766 : vector<16xf32>
        %add3A_3769 = arith.addf %add3A_3767, %add3A_3768 : vector<16xf32>
        %gather3A_3770 = vector.shape_cast %broadcast_in_dim3A_4 : vector<16x1xi32> to vector<16xi32>
        %gather3A_3771 = tpu.dynamic_gather %add3A_3769[%gather3A_3770] in [0] : vector<16xf32>, vector<16xi32> -> vector<16xf32>
        %add3A_3772 = arith.addf %add3A_3769, %gather3A_3771 : vector<16xf32>
        %gather3A_3773 = vector.shape_cast %broadcast_in_dim3A_8 : vector<16x1xi32> to vector<16xi32>
        %gather3A_3774 = tpu.dynamic_gather %add3A_3772[%gather3A_3773] in [0] : vector<16xf32>, vector<16xi32> -> vector<16xf32>
        %add3A_3775 = arith.addf %add3A_3772, %gather3A_3774 : vector<16xf32>
        %gather3A_3776 = vector.shape_cast %broadcast_in_dim3A_12 : vector<16x1xi32> to vector<16xi32>
        %gather3A_3777 = tpu.dynamic_gather %add3A_3775[%gather3A_3776] in [0] : vector<16xf32>, vector<16xi32> -> vector<16xf32>
        %add3A_3778 = arith.addf %add3A_3775, %gather3A_3777 : vector<16xf32>
        %gather3A_3779 = vector.shape_cast %broadcast_in_dim3A_16 : vector<16x1xi32> to vector<16xi32>
        %gather3A_3780 = tpu.dynamic_gather %add3A_3778[%gather3A_3779] in [0] : vector<16xf32>, vector<16xi32> -> vector<16xf32>
        %add3A_3781 = arith.addf %add3A_3778, %gather3A_3780 : vector<16xf32>
        %mul3A_3782 = arith.constant 8 : i32
        %mul3A_3783 = arith.muli %add3A_135, %mul3A_3782 : i32
        %add3A_3784 = arith.constant 6 : i32
        %add3A_3785 = arith.addi %mul3A_3783, %add3A_3784 : i32
        %mul3A_3786 = arith.constant 7 : i32
        %mul3A_3787 = arith.muli %add3A_3785, %mul3A_3786 : i32
        %add3A_3788 = arith.addi %mul3A_125, %mul3A_3787 : i32
        %get3A_3789 = arith.index_cast %add3A_3788 : i32 to index
        %get3A_3790 = arith.constant 0 : index
        %get3A_3791 = tpu.vector_load %arg7[%get3A_3789, %get3A_3790] {strides = array<i32>} : memref<672x128xf32, #tpu.memory_space<vmem>>, vector<1x16xf32>,
        %get3A_3792 = vector.shape_cast %get3A_3791 : vector<1x16xf32> to vector<16xf32>
        %get3A_3793 = arith.index_cast %add3A_3788 : i32 to index
        %get3A_3794 = arith.constant 16 : index
        %get3A_3795 = tpu.vector_load %arg7[%get3A_3793, %get3A_3794] {strides = array<i32>} : memref<672x128xf32, #tpu.memory_space<vmem>>, vector<1x16xf32>,
        %get3A_3796 = vector.shape_cast %get3A_3795 : vector<1x16xf32> to vector<16xf32>
        %get3A_3797 = arith.index_cast %add3A_3788 : i32 to index
        %get3A_3798 = arith.constant 32 : index
        %get3A_3799 = tpu.vector_load %arg7[%get3A_3797, %get3A_3798] {strides = array<i32>} : memref<672x128xf32, #tpu.memory_space<vmem>>, vector<1x16xf32>,
        %get3A_3800 = vector.shape_cast %get3A_3799 : vector<1x16xf32> to vector<16xf32>
        %get3A_3801 = arith.index_cast %add3A_3788 : i32 to index
        %get3A_3802 = arith.constant 48 : index
        %get3A_3803 = tpu.vector_load %arg7[%get3A_3801, %get3A_3802] {strides = array<i32>} : memref<672x128xf32, #tpu.memory_space<vmem>>, vector<1x16xf32>,
        %get3A_3804 = vector.shape_cast %get3A_3803 : vector<1x16xf32> to vector<16xf32>
        %get3A_3805 = arith.index_cast %add3A_3788 : i32 to index
        %get3A_3806 = arith.constant 64 : index
        %get3A_3807 = tpu.vector_load %arg7[%get3A_3805, %get3A_3806] {strides = array<i32>} : memref<672x128xf32, #tpu.memory_space<vmem>>, vector<1x16xf32>,
        %get3A_3808 = vector.shape_cast %get3A_3807 : vector<1x16xf32> to vector<16xf32>
        %get3A_3809 = arith.index_cast %add3A_3788 : i32 to index
        %get3A_3810 = arith.constant 80 : index
        %get3A_3811 = tpu.vector_load %arg7[%get3A_3809, %get3A_3810] {strides = array<i32>} : memref<672x128xf32, #tpu.memory_space<vmem>>, vector<1x16xf32>,
        %get3A_3812 = vector.shape_cast %get3A_3811 : vector<1x16xf32> to vector<16xf32>
        %get3A_3813 = arith.index_cast %add3A_3788 : i32 to index
        %get3A_3814 = arith.constant 96 : index
        %get3A_3815 = tpu.vector_load %arg7[%get3A_3813, %get3A_3814] {strides = array<i32>} : memref<672x128xf32, #tpu.memory_space<vmem>>, vector<1x16xf32>,
        %get3A_3816 = vector.shape_cast %get3A_3815 : vector<1x16xf32> to vector<16xf32>
        %get3A_3817 = arith.index_cast %add3A_3788 : i32 to index
        %get3A_3818 = arith.constant 112 : index
        %get3A_3819 = tpu.vector_load %arg7[%get3A_3817, %get3A_3818] {strides = array<i32>} : memref<672x128xf32, #tpu.memory_space<vmem>>, vector<1x16xf32>,
        %get3A_3820 = vector.shape_cast %get3A_3819 : vector<1x16xf32> to vector<16xf32>
        %add3A_3821 = arith.constant 1 : i32
        %add3A_3822 = arith.addi %add3A_3788, %add3A_3821 : i32
        %add3A_3823 = arith.constant 0 : i32
        %add3A_3824 = arith.addi %add3A_3822, %add3A_3823 : i32
        %get3A_3825 = arith.index_cast %add3A_3824 : i32 to index
        %get3A_3826 = arith.constant 0 : index
        %get3A_3827 = tpu.vector_load %arg7[%get3A_3825, %get3A_3826] {strides = array<i32>} : memref<672x128xf32, #tpu.memory_space<vmem>>, vector<1x16xf32>,
        %get3A_3828 = vector.shape_cast %get3A_3827 : vector<1x16xf32> to vector<16xf32>
        %mul3A_3829 = arith.mulf %get3A_3792, %get3A_3828 : vector<16xf32>
        %add3A_3830 = arith.constant 1 : i32
        %add3A_3831 = arith.addi %add3A_3788, %add3A_3830 : i32
        %add3A_3832 = arith.constant 0 : i32
        %add3A_3833 = arith.addi %add3A_3831, %add3A_3832 : i32
        %get3A_3834 = arith.index_cast %add3A_3833 : i32 to index
        %get3A_3835 = arith.constant 16 : index
        %get3A_3836 = tpu.vector_load %arg7[%get3A_3834, %get3A_3835] {strides = array<i32>} : memref<672x128xf32, #tpu.memory_space<vmem>>, vector<1x16xf32>,
        %get3A_3837 = vector.shape_cast %get3A_3836 : vector<1x16xf32> to vector<16xf32>
        %mul3A_3838 = arith.mulf %get3A_3796, %get3A_3837 : vector<16xf32>
        %add3A_3839 = arith.constant 1 : i32
        %add3A_3840 = arith.addi %add3A_3788, %add3A_3839 : i32
        %add3A_3841 = arith.constant 0 : i32
        %add3A_3842 = arith.addi %add3A_3840, %add3A_3841 : i32
        %get3A_3843 = arith.index_cast %add3A_3842 : i32 to index
        %get3A_3844 = arith.constant 32 : index
        %get3A_3845 = tpu.vector_load %arg7[%get3A_3843, %get3A_3844] {strides = array<i32>} : memref<672x128xf32, #tpu.memory_space<vmem>>, vector<1x16xf32>,
        %get3A_3846 = vector.shape_cast %get3A_3845 : vector<1x16xf32> to vector<16xf32>
        %mul3A_3847 = arith.mulf %get3A_3800, %get3A_3846 : vector<16xf32>
        %add3A_3848 = arith.constant 1 : i32
        %add3A_3849 = arith.addi %add3A_3788, %add3A_3848 : i32
        %add3A_3850 = arith.constant 0 : i32
        %add3A_3851 = arith.addi %add3A_3849, %add3A_3850 : i32
        %get3A_3852 = arith.index_cast %add3A_3851 : i32 to index
        %get3A_3853 = arith.constant 48 : index
        %get3A_3854 = tpu.vector_load %arg7[%get3A_3852, %get3A_3853] {strides = array<i32>} : memref<672x128xf32, #tpu.memory_space<vmem>>, vector<1x16xf32>,
        %get3A_3855 = vector.shape_cast %get3A_3854 : vector<1x16xf32> to vector<16xf32>
        %mul3A_3856 = arith.mulf %get3A_3804, %get3A_3855 : vector<16xf32>
        %add3A_3857 = arith.constant 1 : i32
        %add3A_3858 = arith.addi %add3A_3788, %add3A_3857 : i32
        %add3A_3859 = arith.constant 0 : i32
        %add3A_3860 = arith.addi %add3A_3858, %add3A_3859 : i32
        %get3A_3861 = arith.index_cast %add3A_3860 : i32 to index
        %get3A_3862 = arith.constant 64 : index
        %get3A_3863 = tpu.vector_load %arg7[%get3A_3861, %get3A_3862] {strides = array<i32>} : memref<672x128xf32, #tpu.memory_space<vmem>>, vector<1x16xf32>,
        %get3A_3864 = vector.shape_cast %get3A_3863 : vector<1x16xf32> to vector<16xf32>
        %mul3A_3865 = arith.mulf %get3A_3808, %get3A_3864 : vector<16xf32>
        %add3A_3866 = arith.constant 1 : i32
        %add3A_3867 = arith.addi %add3A_3788, %add3A_3866 : i32
        %add3A_3868 = arith.constant 0 : i32
        %add3A_3869 = arith.addi %add3A_3867, %add3A_3868 : i32
        %get3A_3870 = arith.index_cast %add3A_3869 : i32 to index
        %get3A_3871 = arith.constant 80 : index
        %get3A_3872 = tpu.vector_load %arg7[%get3A_3870, %get3A_3871] {strides = array<i32>} : memref<672x128xf32, #tpu.memory_space<vmem>>, vector<1x16xf32>,
        %get3A_3873 = vector.shape_cast %get3A_3872 : vector<1x16xf32> to vector<16xf32>
        %mul3A_3874 = arith.mulf %get3A_3812, %get3A_3873 : vector<16xf32>
        %add3A_3875 = arith.constant 1 : i32
        %add3A_3876 = arith.addi %add3A_3788, %add3A_3875 : i32
        %add3A_3877 = arith.constant 0 : i32
        %add3A_3878 = arith.addi %add3A_3876, %add3A_3877 : i32
        %get3A_3879 = arith.index_cast %add3A_3878 : i32 to index
        %get3A_3880 = arith.constant 96 : index
        %get3A_3881 = tpu.vector_load %arg7[%get3A_3879, %get3A_3880] {strides = array<i32>} : memref<672x128xf32, #tpu.memory_space<vmem>>, vector<1x16xf32>,
        %get3A_3882 = vector.shape_cast %get3A_3881 : vector<1x16xf32> to vector<16xf32>
        %mul3A_3883 = arith.mulf %get3A_3816, %get3A_3882 : vector<16xf32>
        %add3A_3884 = arith.constant 1 : i32
        %add3A_3885 = arith.addi %add3A_3788, %add3A_3884 : i32
        %add3A_3886 = arith.constant 0 : i32
        %add3A_3887 = arith.addi %add3A_3885, %add3A_3886 : i32
        %get3A_3888 = arith.index_cast %add3A_3887 : i32 to index
        %get3A_3889 = arith.constant 112 : index
        %get3A_3890 = tpu.vector_load %arg7[%get3A_3888, %get3A_3889] {strides = array<i32>} : memref<672x128xf32, #tpu.memory_space<vmem>>, vector<1x16xf32>,
        %get3A_3891 = vector.shape_cast %get3A_3890 : vector<1x16xf32> to vector<16xf32>
        %mul3A_3892 = arith.mulf %get3A_3820, %get3A_3891 : vector<16xf32>
        %add3A_3893 = arith.addf %mul3A_3829, %mul3A_3865 : vector<16xf32>
        %add3A_3894 = arith.addf %mul3A_3838, %mul3A_3874 : vector<16xf32>
        %add3A_3895 = arith.addf %mul3A_3847, %mul3A_3883 : vector<16xf32>
        %add3A_3896 = arith.addf %mul3A_3856, %mul3A_3892 : vector<16xf32>
        %add3A_3897 = arith.addf %add3A_3893, %add3A_3895 : vector<16xf32>
        %add3A_3898 = arith.addf %add3A_3894, %add3A_3896 : vector<16xf32>
        %add3A_3899 = arith.addf %add3A_3897, %add3A_3898 : vector<16xf32>
        %gather3A_3900 = vector.shape_cast %broadcast_in_dim3A_4 : vector<16x1xi32> to vector<16xi32>
        %gather3A_3901 = tpu.dynamic_gather %add3A_3899[%gather3A_3900] in [0] : vector<16xf32>, vector<16xi32> -> vector<16xf32>
        %add3A_3902 = arith.addf %add3A_3899, %gather3A_3901 : vector<16xf32>
        %gather3A_3903 = vector.shape_cast %broadcast_in_dim3A_8 : vector<16x1xi32> to vector<16xi32>
        %gather3A_3904 = tpu.dynamic_gather %add3A_3902[%gather3A_3903] in [0] : vector<16xf32>, vector<16xi32> -> vector<16xf32>
        %add3A_3905 = arith.addf %add3A_3902, %gather3A_3904 : vector<16xf32>
        %gather3A_3906 = vector.shape_cast %broadcast_in_dim3A_12 : vector<16x1xi32> to vector<16xi32>
        %gather3A_3907 = tpu.dynamic_gather %add3A_3905[%gather3A_3906] in [0] : vector<16xf32>, vector<16xi32> -> vector<16xf32>
        %add3A_3908 = arith.addf %add3A_3905, %gather3A_3907 : vector<16xf32>
        %gather3A_3909 = vector.shape_cast %broadcast_in_dim3A_16 : vector<16x1xi32> to vector<16xi32>
        %gather3A_3910 = tpu.dynamic_gather %add3A_3908[%gather3A_3909] in [0] : vector<16xf32>, vector<16xi32> -> vector<16xf32>
        %add3A_3911 = arith.addf %add3A_3908, %gather3A_3910 : vector<16xf32>
        %add3A_3912 = arith.constant 1 : i32
        %add3A_3913 = arith.addi %add3A_3788, %add3A_3912 : i32
        %add3A_3914 = arith.constant 1 : i32
        %add3A_3915 = arith.addi %add3A_3913, %add3A_3914 : i32
        %get3A_3916 = arith.index_cast %add3A_3915 : i32 to index
        %get3A_3917 = arith.constant 0 : index
        %get3A_3918 = tpu.vector_load %arg7[%get3A_3916, %get3A_3917] {strides = array<i32>} : memref<672x128xf32, #tpu.memory_space<vmem>>, vector<1x16xf32>,
        %get3A_3919 = vector.shape_cast %get3A_3918 : vector<1x16xf32> to vector<16xf32>
        %mul3A_3920 = arith.mulf %get3A_3792, %get3A_3919 : vector<16xf32>
        %add3A_3921 = arith.constant 1 : i32
        %add3A_3922 = arith.addi %add3A_3788, %add3A_3921 : i32
        %add3A_3923 = arith.constant 1 : i32
        %add3A_3924 = arith.addi %add3A_3922, %add3A_3923 : i32
        %get3A_3925 = arith.index_cast %add3A_3924 : i32 to index
        %get3A_3926 = arith.constant 16 : index
        %get3A_3927 = tpu.vector_load %arg7[%get3A_3925, %get3A_3926] {strides = array<i32>} : memref<672x128xf32, #tpu.memory_space<vmem>>, vector<1x16xf32>,
        %get3A_3928 = vector.shape_cast %get3A_3927 : vector<1x16xf32> to vector<16xf32>
        %mul3A_3929 = arith.mulf %get3A_3796, %get3A_3928 : vector<16xf32>
        %add3A_3930 = arith.constant 1 : i32
        %add3A_3931 = arith.addi %add3A_3788, %add3A_3930 : i32
        %add3A_3932 = arith.constant 1 : i32
        %add3A_3933 = arith.addi %add3A_3931, %add3A_3932 : i32
        %get3A_3934 = arith.index_cast %add3A_3933 : i32 to index
        %get3A_3935 = arith.constant 32 : index
        %get3A_3936 = tpu.vector_load %arg7[%get3A_3934, %get3A_3935] {strides = array<i32>} : memref<672x128xf32, #tpu.memory_space<vmem>>, vector<1x16xf32>,
        %get3A_3937 = vector.shape_cast %get3A_3936 : vector<1x16xf32> to vector<16xf32>
        %mul3A_3938 = arith.mulf %get3A_3800, %get3A_3937 : vector<16xf32>
        %add3A_3939 = arith.constant 1 : i32
        %add3A_3940 = arith.addi %add3A_3788, %add3A_3939 : i32
        %add3A_3941 = arith.constant 1 : i32
        %add3A_3942 = arith.addi %add3A_3940, %add3A_3941 : i32
        %get3A_3943 = arith.index_cast %add3A_3942 : i32 to index
        %get3A_3944 = arith.constant 48 : index
        %get3A_3945 = tpu.vector_load %arg7[%get3A_3943, %get3A_3944] {strides = array<i32>} : memref<672x128xf32, #tpu.memory_space<vmem>>, vector<1x16xf32>,
        %get3A_3946 = vector.shape_cast %get3A_3945 : vector<1x16xf32> to vector<16xf32>
        %mul3A_3947 = arith.mulf %get3A_3804, %get3A_3946 : vector<16xf32>
        %add3A_3948 = arith.constant 1 : i32
        %add3A_3949 = arith.addi %add3A_3788, %add3A_3948 : i32
        %add3A_3950 = arith.constant 1 : i32
        %add3A_3951 = arith.addi %add3A_3949, %add3A_3950 : i32
        %get3A_3952 = arith.index_cast %add3A_3951 : i32 to index
        %get3A_3953 = arith.constant 64 : index
        %get3A_3954 = tpu.vector_load %arg7[%get3A_3952, %get3A_3953] {strides = array<i32>} : memref<672x128xf32, #tpu.memory_space<vmem>>, vector<1x16xf32>,
        %get3A_3955 = vector.shape_cast %get3A_3954 : vector<1x16xf32> to vector<16xf32>
        %mul3A_3956 = arith.mulf %get3A_3808, %get3A_3955 : vector<16xf32>
        %add3A_3957 = arith.constant 1 : i32
        %add3A_3958 = arith.addi %add3A_3788, %add3A_3957 : i32
        %add3A_3959 = arith.constant 1 : i32
        %add3A_3960 = arith.addi %add3A_3958, %add3A_3959 : i32
        %get3A_3961 = arith.index_cast %add3A_3960 : i32 to index
        %get3A_3962 = arith.constant 80 : index
        %get3A_3963 = tpu.vector_load %arg7[%get3A_3961, %get3A_3962] {strides = array<i32>} : memref<672x128xf32, #tpu.memory_space<vmem>>, vector<1x16xf32>,
        %get3A_3964 = vector.shape_cast %get3A_3963 : vector<1x16xf32> to vector<16xf32>
        %mul3A_3965 = arith.mulf %get3A_3812, %get3A_3964 : vector<16xf32>
        %add3A_3966 = arith.constant 1 : i32
        %add3A_3967 = arith.addi %add3A_3788, %add3A_3966 : i32
        %add3A_3968 = arith.constant 1 : i32
        %add3A_3969 = arith.addi %add3A_3967, %add3A_3968 : i32
        %get3A_3970 = arith.index_cast %add3A_3969 : i32 to index
        %get3A_3971 = arith.constant 96 : index
        %get3A_3972 = tpu.vector_load %arg7[%get3A_3970, %get3A_3971] {strides = array<i32>} : memref<672x128xf32, #tpu.memory_space<vmem>>, vector<1x16xf32>,
        %get3A_3973 = vector.shape_cast %get3A_3972 : vector<1x16xf32> to vector<16xf32>
        %mul3A_3974 = arith.mulf %get3A_3816, %get3A_3973 : vector<16xf32>
        %add3A_3975 = arith.constant 1 : i32
        %add3A_3976 = arith.addi %add3A_3788, %add3A_3975 : i32
        %add3A_3977 = arith.constant 1 : i32
        %add3A_3978 = arith.addi %add3A_3976, %add3A_3977 : i32
        %get3A_3979 = arith.index_cast %add3A_3978 : i32 to index
        %get3A_3980 = arith.constant 112 : index
        %get3A_3981 = tpu.vector_load %arg7[%get3A_3979, %get3A_3980] {strides = array<i32>} : memref<672x128xf32, #tpu.memory_space<vmem>>, vector<1x16xf32>,
        %get3A_3982 = vector.shape_cast %get3A_3981 : vector<1x16xf32> to vector<16xf32>
        %mul3A_3983 = arith.mulf %get3A_3820, %get3A_3982 : vector<16xf32>
        %add3A_3984 = arith.addf %mul3A_3920, %mul3A_3956 : vector<16xf32>
        %add3A_3985 = arith.addf %mul3A_3929, %mul3A_3965 : vector<16xf32>
        %add3A_3986 = arith.addf %mul3A_3938, %mul3A_3974 : vector<16xf32>
        %add3A_3987 = arith.addf %mul3A_3947, %mul3A_3983 : vector<16xf32>
        %add3A_3988 = arith.addf %add3A_3984, %add3A_3986 : vector<16xf32>
        %add3A_3989 = arith.addf %add3A_3985, %add3A_3987 : vector<16xf32>
        %add3A_3990 = arith.addf %add3A_3988, %add3A_3989 : vector<16xf32>
        %gather3A_3991 = vector.shape_cast %broadcast_in_dim3A_4 : vector<16x1xi32> to vector<16xi32>
        %gather3A_3992 = tpu.dynamic_gather %add3A_3990[%gather3A_3991] in [0] : vector<16xf32>, vector<16xi32> -> vector<16xf32>
        %add3A_3993 = arith.addf %add3A_3990, %gather3A_3992 : vector<16xf32>
        %gather3A_3994 = vector.shape_cast %broadcast_in_dim3A_8 : vector<16x1xi32> to vector<16xi32>
        %gather3A_3995 = tpu.dynamic_gather %add3A_3993[%gather3A_3994] in [0] : vector<16xf32>, vector<16xi32> -> vector<16xf32>
        %add3A_3996 = arith.addf %add3A_3993, %gather3A_3995 : vector<16xf32>
        %gather3A_3997 = vector.shape_cast %broadcast_in_dim3A_12 : vector<16x1xi32> to vector<16xi32>
        %gather3A_3998 = tpu.dynamic_gather %add3A_3996[%gather3A_3997] in [0] : vector<16xf32>, vector<16xi32> -> vector<16xf32>
        %add3A_3999 = arith.addf %add3A_3996, %gather3A_3998 : vector<16xf32>
        %gather3A_4000 = vector.shape_cast %broadcast_in_dim3A_16 : vector<16x1xi32> to vector<16xi32>
        %gather3A_4001 = tpu.dynamic_gather %add3A_3999[%gather3A_4000] in [0] : vector<16xf32>, vector<16xi32> -> vector<16xf32>
        %add3A_4002 = arith.addf %add3A_3999, %gather3A_4001 : vector<16xf32>
        %add3A_4003 = arith.constant 1 : i32
        %add3A_4004 = arith.addi %add3A_3788, %add3A_4003 : i32
        %add3A_4005 = arith.constant 2 : i32
        %add3A_4006 = arith.addi %add3A_4004, %add3A_4005 : i32
        %get3A_4007 = arith.index_cast %add3A_4006 : i32 to index
        %get3A_4008 = arith.constant 0 : index
        %get3A_4009 = tpu.vector_load %arg7[%get3A_4007, %get3A_4008] {strides = array<i32>} : memref<672x128xf32, #tpu.memory_space<vmem>>, vector<1x16xf32>,
        %get3A_4010 = vector.shape_cast %get3A_4009 : vector<1x16xf32> to vector<16xf32>
        %mul3A_4011 = arith.mulf %get3A_3792, %get3A_4010 : vector<16xf32>
        %add3A_4012 = arith.constant 1 : i32
        %add3A_4013 = arith.addi %add3A_3788, %add3A_4012 : i32
        %add3A_4014 = arith.constant 2 : i32
        %add3A_4015 = arith.addi %add3A_4013, %add3A_4014 : i32
        %get3A_4016 = arith.index_cast %add3A_4015 : i32 to index
        %get3A_4017 = arith.constant 16 : index
        %get3A_4018 = tpu.vector_load %arg7[%get3A_4016, %get3A_4017] {strides = array<i32>} : memref<672x128xf32, #tpu.memory_space<vmem>>, vector<1x16xf32>,
        %get3A_4019 = vector.shape_cast %get3A_4018 : vector<1x16xf32> to vector<16xf32>
        %mul3A_4020 = arith.mulf %get3A_3796, %get3A_4019 : vector<16xf32>
        %add3A_4021 = arith.constant 1 : i32
        %add3A_4022 = arith.addi %add3A_3788, %add3A_4021 : i32
        %add3A_4023 = arith.constant 2 : i32
        %add3A_4024 = arith.addi %add3A_4022, %add3A_4023 : i32
        %get3A_4025 = arith.index_cast %add3A_4024 : i32 to index
        %get3A_4026 = arith.constant 32 : index
        %get3A_4027 = tpu.vector_load %arg7[%get3A_4025, %get3A_4026] {strides = array<i32>} : memref<672x128xf32, #tpu.memory_space<vmem>>, vector<1x16xf32>,
        %get3A_4028 = vector.shape_cast %get3A_4027 : vector<1x16xf32> to vector<16xf32>
        %mul3A_4029 = arith.mulf %get3A_3800, %get3A_4028 : vector<16xf32>
        %add3A_4030 = arith.constant 1 : i32
        %add3A_4031 = arith.addi %add3A_3788, %add3A_4030 : i32
        %add3A_4032 = arith.constant 2 : i32
        %add3A_4033 = arith.addi %add3A_4031, %add3A_4032 : i32
        %get3A_4034 = arith.index_cast %add3A_4033 : i32 to index
        %get3A_4035 = arith.constant 48 : index
        %get3A_4036 = tpu.vector_load %arg7[%get3A_4034, %get3A_4035] {strides = array<i32>} : memref<672x128xf32, #tpu.memory_space<vmem>>, vector<1x16xf32>,
        %get3A_4037 = vector.shape_cast %get3A_4036 : vector<1x16xf32> to vector<16xf32>
        %mul3A_4038 = arith.mulf %get3A_3804, %get3A_4037 : vector<16xf32>
        %add3A_4039 = arith.constant 1 : i32
        %add3A_4040 = arith.addi %add3A_3788, %add3A_4039 : i32
        %add3A_4041 = arith.constant 2 : i32
        %add3A_4042 = arith.addi %add3A_4040, %add3A_4041 : i32
        %get3A_4043 = arith.index_cast %add3A_4042 : i32 to index
        %get3A_4044 = arith.constant 64 : index
        %get3A_4045 = tpu.vector_load %arg7[%get3A_4043, %get3A_4044] {strides = array<i32>} : memref<672x128xf32, #tpu.memory_space<vmem>>, vector<1x16xf32>,
        %get3A_4046 = vector.shape_cast %get3A_4045 : vector<1x16xf32> to vector<16xf32>
        %mul3A_4047 = arith.mulf %get3A_3808, %get3A_4046 : vector<16xf32>
        %add3A_4048 = arith.constant 1 : i32
        %add3A_4049 = arith.addi %add3A_3788, %add3A_4048 : i32
        %add3A_4050 = arith.constant 2 : i32
        %add3A_4051 = arith.addi %add3A_4049, %add3A_4050 : i32
        %get3A_4052 = arith.index_cast %add3A_4051 : i32 to index
        %get3A_4053 = arith.constant 80 : index
        %get3A_4054 = tpu.vector_load %arg7[%get3A_4052, %get3A_4053] {strides = array<i32>} : memref<672x128xf32, #tpu.memory_space<vmem>>, vector<1x16xf32>,
        %get3A_4055 = vector.shape_cast %get3A_4054 : vector<1x16xf32> to vector<16xf32>
        %mul3A_4056 = arith.mulf %get3A_3812, %get3A_4055 : vector<16xf32>
        %add3A_4057 = arith.constant 1 : i32
        %add3A_4058 = arith.addi %add3A_3788, %add3A_4057 : i32
        %add3A_4059 = arith.constant 2 : i32
        %add3A_4060 = arith.addi %add3A_4058, %add3A_4059 : i32
        %get3A_4061 = arith.index_cast %add3A_4060 : i32 to index
        %get3A_4062 = arith.constant 96 : index
        %get3A_4063 = tpu.vector_load %arg7[%get3A_4061, %get3A_4062] {strides = array<i32>} : memref<672x128xf32, #tpu.memory_space<vmem>>, vector<1x16xf32>,
        %get3A_4064 = vector.shape_cast %get3A_4063 : vector<1x16xf32> to vector<16xf32>
        %mul3A_4065 = arith.mulf %get3A_3816, %get3A_4064 : vector<16xf32>
        %add3A_4066 = arith.constant 1 : i32
        %add3A_4067 = arith.addi %add3A_3788, %add3A_4066 : i32
        %add3A_4068 = arith.constant 2 : i32
        %add3A_4069 = arith.addi %add3A_4067, %add3A_4068 : i32
        %get3A_4070 = arith.index_cast %add3A_4069 : i32 to index
        %get3A_4071 = arith.constant 112 : index
        %get3A_4072 = tpu.vector_load %arg7[%get3A_4070, %get3A_4071] {strides = array<i32>} : memref<672x128xf32, #tpu.memory_space<vmem>>, vector<1x16xf32>,
        %get3A_4073 = vector.shape_cast %get3A_4072 : vector<1x16xf32> to vector<16xf32>
        %mul3A_4074 = arith.mulf %get3A_3820, %get3A_4073 : vector<16xf32>
        %add3A_4075 = arith.addf %mul3A_4011, %mul3A_4047 : vector<16xf32>
        %add3A_4076 = arith.addf %mul3A_4020, %mul3A_4056 : vector<16xf32>
        %add3A_4077 = arith.addf %mul3A_4029, %mul3A_4065 : vector<16xf32>
        %add3A_4078 = arith.addf %mul3A_4038, %mul3A_4074 : vector<16xf32>
        %add3A_4079 = arith.addf %add3A_4075, %add3A_4077 : vector<16xf32>
        %add3A_4080 = arith.addf %add3A_4076, %add3A_4078 : vector<16xf32>
        %add3A_4081 = arith.addf %add3A_4079, %add3A_4080 : vector<16xf32>
        %gather3A_4082 = vector.shape_cast %broadcast_in_dim3A_4 : vector<16x1xi32> to vector<16xi32>
        %gather3A_4083 = tpu.dynamic_gather %add3A_4081[%gather3A_4082] in [0] : vector<16xf32>, vector<16xi32> -> vector<16xf32>
        %add3A_4084 = arith.addf %add3A_4081, %gather3A_4083 : vector<16xf32>
        %gather3A_4085 = vector.shape_cast %broadcast_in_dim3A_8 : vector<16x1xi32> to vector<16xi32>
        %gather3A_4086 = tpu.dynamic_gather %add3A_4084[%gather3A_4085] in [0] : vector<16xf32>, vector<16xi32> -> vector<16xf32>
        %add3A_4087 = arith.addf %add3A_4084, %gather3A_4086 : vector<16xf32>
        %gather3A_4088 = vector.shape_cast %broadcast_in_dim3A_12 : vector<16x1xi32> to vector<16xi32>
        %gather3A_4089 = tpu.dynamic_gather %add3A_4087[%gather3A_4088] in [0] : vector<16xf32>, vector<16xi32> -> vector<16xf32>
        %add3A_4090 = arith.addf %add3A_4087, %gather3A_4089 : vector<16xf32>
        %gather3A_4091 = vector.shape_cast %broadcast_in_dim3A_16 : vector<16x1xi32> to vector<16xi32>
        %gather3A_4092 = tpu.dynamic_gather %add3A_4090[%gather3A_4091] in [0] : vector<16xf32>, vector<16xi32> -> vector<16xf32>
        %add3A_4093 = arith.addf %add3A_4090, %gather3A_4092 : vector<16xf32>
        %add3A_4094 = arith.constant 1 : i32
        %add3A_4095 = arith.addi %add3A_3788, %add3A_4094 : i32
        %add3A_4096 = arith.constant 3 : i32
        %add3A_4097 = arith.addi %add3A_4095, %add3A_4096 : i32
        %get3A_4098 = arith.index_cast %add3A_4097 : i32 to index
        %get3A_4099 = arith.constant 0 : index
        %get3A_4100 = tpu.vector_load %arg7[%get3A_4098, %get3A_4099] {strides = array<i32>} : memref<672x128xf32, #tpu.memory_space<vmem>>, vector<1x16xf32>,
        %get3A_4101 = vector.shape_cast %get3A_4100 : vector<1x16xf32> to vector<16xf32>
        %mul3A_4102 = arith.mulf %get3A_3792, %get3A_4101 : vector<16xf32>
        %add3A_4103 = arith.constant 1 : i32
        %add3A_4104 = arith.addi %add3A_3788, %add3A_4103 : i32
        %add3A_4105 = arith.constant 3 : i32
        %add3A_4106 = arith.addi %add3A_4104, %add3A_4105 : i32
        %get3A_4107 = arith.index_cast %add3A_4106 : i32 to index
        %get3A_4108 = arith.constant 16 : index
        %get3A_4109 = tpu.vector_load %arg7[%get3A_4107, %get3A_4108] {strides = array<i32>} : memref<672x128xf32, #tpu.memory_space<vmem>>, vector<1x16xf32>,
        %get3A_4110 = vector.shape_cast %get3A_4109 : vector<1x16xf32> to vector<16xf32>
        %mul3A_4111 = arith.mulf %get3A_3796, %get3A_4110 : vector<16xf32>
        %add3A_4112 = arith.constant 1 : i32
        %add3A_4113 = arith.addi %add3A_3788, %add3A_4112 : i32
        %add3A_4114 = arith.constant 3 : i32
        %add3A_4115 = arith.addi %add3A_4113, %add3A_4114 : i32
        %get3A_4116 = arith.index_cast %add3A_4115 : i32 to index
        %get3A_4117 = arith.constant 32 : index
        %get3A_4118 = tpu.vector_load %arg7[%get3A_4116, %get3A_4117] {strides = array<i32>} : memref<672x128xf32, #tpu.memory_space<vmem>>, vector<1x16xf32>,
        %get3A_4119 = vector.shape_cast %get3A_4118 : vector<1x16xf32> to vector<16xf32>
        %mul3A_4120 = arith.mulf %get3A_3800, %get3A_4119 : vector<16xf32>
        %add3A_4121 = arith.constant 1 : i32
        %add3A_4122 = arith.addi %add3A_3788, %add3A_4121 : i32
        %add3A_4123 = arith.constant 3 : i32
        %add3A_4124 = arith.addi %add3A_4122, %add3A_4123 : i32
        %get3A_4125 = arith.index_cast %add3A_4124 : i32 to index
        %get3A_4126 = arith.constant 48 : index
        %get3A_4127 = tpu.vector_load %arg7[%get3A_4125, %get3A_4126] {strides = array<i32>} : memref<672x128xf32, #tpu.memory_space<vmem>>, vector<1x16xf32>,
        %get3A_4128 = vector.shape_cast %get3A_4127 : vector<1x16xf32> to vector<16xf32>
        %mul3A_4129 = arith.mulf %get3A_3804, %get3A_4128 : vector<16xf32>
        %add3A_4130 = arith.constant 1 : i32
        %add3A_4131 = arith.addi %add3A_3788, %add3A_4130 : i32
        %add3A_4132 = arith.constant 3 : i32
        %add3A_4133 = arith.addi %add3A_4131, %add3A_4132 : i32
        %get3A_4134 = arith.index_cast %add3A_4133 : i32 to index
        %get3A_4135 = arith.constant 64 : index
        %get3A_4136 = tpu.vector_load %arg7[%get3A_4134, %get3A_4135] {strides = array<i32>} : memref<672x128xf32, #tpu.memory_space<vmem>>, vector<1x16xf32>,
        %get3A_4137 = vector.shape_cast %get3A_4136 : vector<1x16xf32> to vector<16xf32>
        %mul3A_4138 = arith.mulf %get3A_3808, %get3A_4137 : vector<16xf32>
        %add3A_4139 = arith.constant 1 : i32
        %add3A_4140 = arith.addi %add3A_3788, %add3A_4139 : i32
        %add3A_4141 = arith.constant 3 : i32
        %add3A_4142 = arith.addi %add3A_4140, %add3A_4141 : i32
        %get3A_4143 = arith.index_cast %add3A_4142 : i32 to index
        %get3A_4144 = arith.constant 80 : index
        %get3A_4145 = tpu.vector_load %arg7[%get3A_4143, %get3A_4144] {strides = array<i32>} : memref<672x128xf32, #tpu.memory_space<vmem>>, vector<1x16xf32>,
        %get3A_4146 = vector.shape_cast %get3A_4145 : vector<1x16xf32> to vector<16xf32>
        %mul3A_4147 = arith.mulf %get3A_3812, %get3A_4146 : vector<16xf32>
        %add3A_4148 = arith.constant 1 : i32
        %add3A_4149 = arith.addi %add3A_3788, %add3A_4148 : i32
        %add3A_4150 = arith.constant 3 : i32
        %add3A_4151 = arith.addi %add3A_4149, %add3A_4150 : i32
        %get3A_4152 = arith.index_cast %add3A_4151 : i32 to index
        %get3A_4153 = arith.constant 96 : index
        %get3A_4154 = tpu.vector_load %arg7[%get3A_4152, %get3A_4153] {strides = array<i32>} : memref<672x128xf32, #tpu.memory_space<vmem>>, vector<1x16xf32>,
        %get3A_4155 = vector.shape_cast %get3A_4154 : vector<1x16xf32> to vector<16xf32>
        %mul3A_4156 = arith.mulf %get3A_3816, %get3A_4155 : vector<16xf32>
        %add3A_4157 = arith.constant 1 : i32
        %add3A_4158 = arith.addi %add3A_3788, %add3A_4157 : i32
        %add3A_4159 = arith.constant 3 : i32
        %add3A_4160 = arith.addi %add3A_4158, %add3A_4159 : i32
        %get3A_4161 = arith.index_cast %add3A_4160 : i32 to index
        %get3A_4162 = arith.constant 112 : index
        %get3A_4163 = tpu.vector_load %arg7[%get3A_4161, %get3A_4162] {strides = array<i32>} : memref<672x128xf32, #tpu.memory_space<vmem>>, vector<1x16xf32>,
        %get3A_4164 = vector.shape_cast %get3A_4163 : vector<1x16xf32> to vector<16xf32>
        %mul3A_4165 = arith.mulf %get3A_3820, %get3A_4164 : vector<16xf32>
        %add3A_4166 = arith.addf %mul3A_4102, %mul3A_4138 : vector<16xf32>
        %add3A_4167 = arith.addf %mul3A_4111, %mul3A_4147 : vector<16xf32>
        %add3A_4168 = arith.addf %mul3A_4120, %mul3A_4156 : vector<16xf32>
        %add3A_4169 = arith.addf %mul3A_4129, %mul3A_4165 : vector<16xf32>
        %add3A_4170 = arith.addf %add3A_4166, %add3A_4168 : vector<16xf32>
        %add3A_4171 = arith.addf %add3A_4167, %add3A_4169 : vector<16xf32>
        %add3A_4172 = arith.addf %add3A_4170, %add3A_4171 : vector<16xf32>
        %gather3A_4173 = vector.shape_cast %broadcast_in_dim3A_4 : vector<16x1xi32> to vector<16xi32>
        %gather3A_4174 = tpu.dynamic_gather %add3A_4172[%gather3A_4173] in [0] : vector<16xf32>, vector<16xi32> -> vector<16xf32>
        %add3A_4175 = arith.addf %add3A_4172, %gather3A_4174 : vector<16xf32>
        %gather3A_4176 = vector.shape_cast %broadcast_in_dim3A_8 : vector<16x1xi32> to vector<16xi32>
        %gather3A_4177 = tpu.dynamic_gather %add3A_4175[%gather3A_4176] in [0] : vector<16xf32>, vector<16xi32> -> vector<16xf32>
        %add3A_4178 = arith.addf %add3A_4175, %gather3A_4177 : vector<16xf32>
        %gather3A_4179 = vector.shape_cast %broadcast_in_dim3A_12 : vector<16x1xi32> to vector<16xi32>
        %gather3A_4180 = tpu.dynamic_gather %add3A_4178[%gather3A_4179] in [0] : vector<16xf32>, vector<16xi32> -> vector<16xf32>
        %add3A_4181 = arith.addf %add3A_4178, %gather3A_4180 : vector<16xf32>
        %gather3A_4182 = vector.shape_cast %broadcast_in_dim3A_16 : vector<16x1xi32> to vector<16xi32>
        %gather3A_4183 = tpu.dynamic_gather %add3A_4181[%gather3A_4182] in [0] : vector<16xf32>, vector<16xi32> -> vector<16xf32>
        %add3A_4184 = arith.addf %add3A_4181, %gather3A_4183 : vector<16xf32>
        %add3A_4185 = arith.constant 1 : i32
        %add3A_4186 = arith.addi %add3A_3788, %add3A_4185 : i32
        %add3A_4187 = arith.constant 4 : i32
        %add3A_4188 = arith.addi %add3A_4186, %add3A_4187 : i32
        %get3A_4189 = arith.index_cast %add3A_4188 : i32 to index
        %get3A_4190 = arith.constant 0 : index
        %get3A_4191 = tpu.vector_load %arg7[%get3A_4189, %get3A_4190] {strides = array<i32>} : memref<672x128xf32, #tpu.memory_space<vmem>>, vector<1x16xf32>,
        %get3A_4192 = vector.shape_cast %get3A_4191 : vector<1x16xf32> to vector<16xf32>
        %mul3A_4193 = arith.mulf %get3A_3792, %get3A_4192 : vector<16xf32>
        %add3A_4194 = arith.constant 1 : i32
        %add3A_4195 = arith.addi %add3A_3788, %add3A_4194 : i32
        %add3A_4196 = arith.constant 4 : i32
        %add3A_4197 = arith.addi %add3A_4195, %add3A_4196 : i32
        %get3A_4198 = arith.index_cast %add3A_4197 : i32 to index
        %get3A_4199 = arith.constant 16 : index
        %get3A_4200 = tpu.vector_load %arg7[%get3A_4198, %get3A_4199] {strides = array<i32>} : memref<672x128xf32, #tpu.memory_space<vmem>>, vector<1x16xf32>,
        %get3A_4201 = vector.shape_cast %get3A_4200 : vector<1x16xf32> to vector<16xf32>
        %mul3A_4202 = arith.mulf %get3A_3796, %get3A_4201 : vector<16xf32>
        %add3A_4203 = arith.constant 1 : i32
        %add3A_4204 = arith.addi %add3A_3788, %add3A_4203 : i32
        %add3A_4205 = arith.constant 4 : i32
        %add3A_4206 = arith.addi %add3A_4204, %add3A_4205 : i32
        %get3A_4207 = arith.index_cast %add3A_4206 : i32 to index
        %get3A_4208 = arith.constant 32 : index
        %get3A_4209 = tpu.vector_load %arg7[%get3A_4207, %get3A_4208] {strides = array<i32>} : memref<672x128xf32, #tpu.memory_space<vmem>>, vector<1x16xf32>,
        %get3A_4210 = vector.shape_cast %get3A_4209 : vector<1x16xf32> to vector<16xf32>
        %mul3A_4211 = arith.mulf %get3A_3800, %get3A_4210 : vector<16xf32>
        %add3A_4212 = arith.constant 1 : i32
        %add3A_4213 = arith.addi %add3A_3788, %add3A_4212 : i32
        %add3A_4214 = arith.constant 4 : i32
        %add3A_4215 = arith.addi %add3A_4213, %add3A_4214 : i32
        %get3A_4216 = arith.index_cast %add3A_4215 : i32 to index
        %get3A_4217 = arith.constant 48 : index
        %get3A_4218 = tpu.vector_load %arg7[%get3A_4216, %get3A_4217] {strides = array<i32>} : memref<672x128xf32, #tpu.memory_space<vmem>>, vector<1x16xf32>,
        %get3A_4219 = vector.shape_cast %get3A_4218 : vector<1x16xf32> to vector<16xf32>
        %mul3A_4220 = arith.mulf %get3A_3804, %get3A_4219 : vector<16xf32>
        %add3A_4221 = arith.constant 1 : i32
        %add3A_4222 = arith.addi %add3A_3788, %add3A_4221 : i32
        %add3A_4223 = arith.constant 4 : i32
        %add3A_4224 = arith.addi %add3A_4222, %add3A_4223 : i32
        %get3A_4225 = arith.index_cast %add3A_4224 : i32 to index
        %get3A_4226 = arith.constant 64 : index
        %get3A_4227 = tpu.vector_load %arg7[%get3A_4225, %get3A_4226] {strides = array<i32>} : memref<672x128xf32, #tpu.memory_space<vmem>>, vector<1x16xf32>,
        %get3A_4228 = vector.shape_cast %get3A_4227 : vector<1x16xf32> to vector<16xf32>
        %mul3A_4229 = arith.mulf %get3A_3808, %get3A_4228 : vector<16xf32>
        %add3A_4230 = arith.constant 1 : i32
        %add3A_4231 = arith.addi %add3A_3788, %add3A_4230 : i32
        %add3A_4232 = arith.constant 4 : i32
        %add3A_4233 = arith.addi %add3A_4231, %add3A_4232 : i32
        %get3A_4234 = arith.index_cast %add3A_4233 : i32 to index
        %get3A_4235 = arith.constant 80 : index
        %get3A_4236 = tpu.vector_load %arg7[%get3A_4234, %get3A_4235] {strides = array<i32>} : memref<672x128xf32, #tpu.memory_space<vmem>>, vector<1x16xf32>,
        %get3A_4237 = vector.shape_cast %get3A_4236 : vector<1x16xf32> to vector<16xf32>
        %mul3A_4238 = arith.mulf %get3A_3812, %get3A_4237 : vector<16xf32>
        %add3A_4239 = arith.constant 1 : i32
        %add3A_4240 = arith.addi %add3A_3788, %add3A_4239 : i32
        %add3A_4241 = arith.constant 4 : i32
        %add3A_4242 = arith.addi %add3A_4240, %add3A_4241 : i32
        %get3A_4243 = arith.index_cast %add3A_4242 : i32 to index
        %get3A_4244 = arith.constant 96 : index
        %get3A_4245 = tpu.vector_load %arg7[%get3A_4243, %get3A_4244] {strides = array<i32>} : memref<672x128xf32, #tpu.memory_space<vmem>>, vector<1x16xf32>,
        %get3A_4246 = vector.shape_cast %get3A_4245 : vector<1x16xf32> to vector<16xf32>
        %mul3A_4247 = arith.mulf %get3A_3816, %get3A_4246 : vector<16xf32>
        %add3A_4248 = arith.constant 1 : i32
        %add3A_4249 = arith.addi %add3A_3788, %add3A_4248 : i32
        %add3A_4250 = arith.constant 4 : i32
        %add3A_4251 = arith.addi %add3A_4249, %add3A_4250 : i32
        %get3A_4252 = arith.index_cast %add3A_4251 : i32 to index
        %get3A_4253 = arith.constant 112 : index
        %get3A_4254 = tpu.vector_load %arg7[%get3A_4252, %get3A_4253] {strides = array<i32>} : memref<672x128xf32, #tpu.memory_space<vmem>>, vector<1x16xf32>,
        %get3A_4255 = vector.shape_cast %get3A_4254 : vector<1x16xf32> to vector<16xf32>
        %mul3A_4256 = arith.mulf %get3A_3820, %get3A_4255 : vector<16xf32>
        %add3A_4257 = arith.addf %mul3A_4193, %mul3A_4229 : vector<16xf32>
        %add3A_4258 = arith.addf %mul3A_4202, %mul3A_4238 : vector<16xf32>
        %add3A_4259 = arith.addf %mul3A_4211, %mul3A_4247 : vector<16xf32>
        %add3A_4260 = arith.addf %mul3A_4220, %mul3A_4256 : vector<16xf32>
        %add3A_4261 = arith.addf %add3A_4257, %add3A_4259 : vector<16xf32>
        %add3A_4262 = arith.addf %add3A_4258, %add3A_4260 : vector<16xf32>
        %add3A_4263 = arith.addf %add3A_4261, %add3A_4262 : vector<16xf32>
        %gather3A_4264 = vector.shape_cast %broadcast_in_dim3A_4 : vector<16x1xi32> to vector<16xi32>
        %gather3A_4265 = tpu.dynamic_gather %add3A_4263[%gather3A_4264] in [0] : vector<16xf32>, vector<16xi32> -> vector<16xf32>
        %add3A_4266 = arith.addf %add3A_4263, %gather3A_4265 : vector<16xf32>
        %gather3A_4267 = vector.shape_cast %broadcast_in_dim3A_8 : vector<16x1xi32> to vector<16xi32>
        %gather3A_4268 = tpu.dynamic_gather %add3A_4266[%gather3A_4267] in [0] : vector<16xf32>, vector<16xi32> -> vector<16xf32>
        %add3A_4269 = arith.addf %add3A_4266, %gather3A_4268 : vector<16xf32>
        %gather3A_4270 = vector.shape_cast %broadcast_in_dim3A_12 : vector<16x1xi32> to vector<16xi32>
        %gather3A_4271 = tpu.dynamic_gather %add3A_4269[%gather3A_4270] in [0] : vector<16xf32>, vector<16xi32> -> vector<16xf32>
        %add3A_4272 = arith.addf %add3A_4269, %gather3A_4271 : vector<16xf32>
        %gather3A_4273 = vector.shape_cast %broadcast_in_dim3A_16 : vector<16x1xi32> to vector<16xi32>
        %gather3A_4274 = tpu.dynamic_gather %add3A_4272[%gather3A_4273] in [0] : vector<16xf32>, vector<16xi32> -> vector<16xf32>
        %add3A_4275 = arith.addf %add3A_4272, %gather3A_4274 : vector<16xf32>
        %add3A_4276 = arith.constant 1 : i32
        %add3A_4277 = arith.addi %add3A_3788, %add3A_4276 : i32
        %add3A_4278 = arith.constant 5 : i32
        %add3A_4279 = arith.addi %add3A_4277, %add3A_4278 : i32
        %get3A_4280 = arith.index_cast %add3A_4279 : i32 to index
        %get3A_4281 = arith.constant 0 : index
        %get3A_4282 = tpu.vector_load %arg7[%get3A_4280, %get3A_4281] {strides = array<i32>} : memref<672x128xf32, #tpu.memory_space<vmem>>, vector<1x16xf32>,
        %get3A_4283 = vector.shape_cast %get3A_4282 : vector<1x16xf32> to vector<16xf32>
        %mul3A_4284 = arith.mulf %get3A_3792, %get3A_4283 : vector<16xf32>
        %add3A_4285 = arith.constant 1 : i32
        %add3A_4286 = arith.addi %add3A_3788, %add3A_4285 : i32
        %add3A_4287 = arith.constant 5 : i32
        %add3A_4288 = arith.addi %add3A_4286, %add3A_4287 : i32
        %get3A_4289 = arith.index_cast %add3A_4288 : i32 to index
        %get3A_4290 = arith.constant 16 : index
        %get3A_4291 = tpu.vector_load %arg7[%get3A_4289, %get3A_4290] {strides = array<i32>} : memref<672x128xf32, #tpu.memory_space<vmem>>, vector<1x16xf32>,
        %get3A_4292 = vector.shape_cast %get3A_4291 : vector<1x16xf32> to vector<16xf32>
        %mul3A_4293 = arith.mulf %get3A_3796, %get3A_4292 : vector<16xf32>
        %add3A_4294 = arith.constant 1 : i32
        %add3A_4295 = arith.addi %add3A_3788, %add3A_4294 : i32
        %add3A_4296 = arith.constant 5 : i32
        %add3A_4297 = arith.addi %add3A_4295, %add3A_4296 : i32
        %get3A_4298 = arith.index_cast %add3A_4297 : i32 to index
        %get3A_4299 = arith.constant 32 : index
        %get3A_4300 = tpu.vector_load %arg7[%get3A_4298, %get3A_4299] {strides = array<i32>} : memref<672x128xf32, #tpu.memory_space<vmem>>, vector<1x16xf32>,
        %get3A_4301 = vector.shape_cast %get3A_4300 : vector<1x16xf32> to vector<16xf32>
        %mul3A_4302 = arith.mulf %get3A_3800, %get3A_4301 : vector<16xf32>
        %add3A_4303 = arith.constant 1 : i32
        %add3A_4304 = arith.addi %add3A_3788, %add3A_4303 : i32
        %add3A_4305 = arith.constant 5 : i32
        %add3A_4306 = arith.addi %add3A_4304, %add3A_4305 : i32
        %get3A_4307 = arith.index_cast %add3A_4306 : i32 to index
        %get3A_4308 = arith.constant 48 : index
        %get3A_4309 = tpu.vector_load %arg7[%get3A_4307, %get3A_4308] {strides = array<i32>} : memref<672x128xf32, #tpu.memory_space<vmem>>, vector<1x16xf32>,
        %get3A_4310 = vector.shape_cast %get3A_4309 : vector<1x16xf32> to vector<16xf32>
        %mul3A_4311 = arith.mulf %get3A_3804, %get3A_4310 : vector<16xf32>
        %add3A_4312 = arith.constant 1 : i32
        %add3A_4313 = arith.addi %add3A_3788, %add3A_4312 : i32
        %add3A_4314 = arith.constant 5 : i32
        %add3A_4315 = arith.addi %add3A_4313, %add3A_4314 : i32
        %get3A_4316 = arith.index_cast %add3A_4315 : i32 to index
        %get3A_4317 = arith.constant 64 : index
        %get3A_4318 = tpu.vector_load %arg7[%get3A_4316, %get3A_4317] {strides = array<i32>} : memref<672x128xf32, #tpu.memory_space<vmem>>, vector<1x16xf32>,
        %get3A_4319 = vector.shape_cast %get3A_4318 : vector<1x16xf32> to vector<16xf32>
        %mul3A_4320 = arith.mulf %get3A_3808, %get3A_4319 : vector<16xf32>
        %add3A_4321 = arith.constant 1 : i32
        %add3A_4322 = arith.addi %add3A_3788, %add3A_4321 : i32
        %add3A_4323 = arith.constant 5 : i32
        %add3A_4324 = arith.addi %add3A_4322, %add3A_4323 : i32
        %get3A_4325 = arith.index_cast %add3A_4324 : i32 to index
        %get3A_4326 = arith.constant 80 : index
        %get3A_4327 = tpu.vector_load %arg7[%get3A_4325, %get3A_4326] {strides = array<i32>} : memref<672x128xf32, #tpu.memory_space<vmem>>, vector<1x16xf32>,
        %get3A_4328 = vector.shape_cast %get3A_4327 : vector<1x16xf32> to vector<16xf32>
        %mul3A_4329 = arith.mulf %get3A_3812, %get3A_4328 : vector<16xf32>
        %add3A_4330 = arith.constant 1 : i32
        %add3A_4331 = arith.addi %add3A_3788, %add3A_4330 : i32
        %add3A_4332 = arith.constant 5 : i32
        %add3A_4333 = arith.addi %add3A_4331, %add3A_4332 : i32
        %get3A_4334 = arith.index_cast %add3A_4333 : i32 to index
        %get3A_4335 = arith.constant 96 : index
        %get3A_4336 = tpu.vector_load %arg7[%get3A_4334, %get3A_4335] {strides = array<i32>} : memref<672x128xf32, #tpu.memory_space<vmem>>, vector<1x16xf32>,
        %get3A_4337 = vector.shape_cast %get3A_4336 : vector<1x16xf32> to vector<16xf32>
        %mul3A_4338 = arith.mulf %get3A_3816, %get3A_4337 : vector<16xf32>
        %add3A_4339 = arith.constant 1 : i32
        %add3A_4340 = arith.addi %add3A_3788, %add3A_4339 : i32
        %add3A_4341 = arith.constant 5 : i32
        %add3A_4342 = arith.addi %add3A_4340, %add3A_4341 : i32
        %get3A_4343 = arith.index_cast %add3A_4342 : i32 to index
        %get3A_4344 = arith.constant 112 : index
        %get3A_4345 = tpu.vector_load %arg7[%get3A_4343, %get3A_4344] {strides = array<i32>} : memref<672x128xf32, #tpu.memory_space<vmem>>, vector<1x16xf32>,
        %get3A_4346 = vector.shape_cast %get3A_4345 : vector<1x16xf32> to vector<16xf32>
        %mul3A_4347 = arith.mulf %get3A_3820, %get3A_4346 : vector<16xf32>
        %add3A_4348 = arith.addf %mul3A_4284, %mul3A_4320 : vector<16xf32>
        %add3A_4349 = arith.addf %mul3A_4293, %mul3A_4329 : vector<16xf32>
        %add3A_4350 = arith.addf %mul3A_4302, %mul3A_4338 : vector<16xf32>
        %add3A_4351 = arith.addf %mul3A_4311, %mul3A_4347 : vector<16xf32>
        %add3A_4352 = arith.addf %add3A_4348, %add3A_4350 : vector<16xf32>
        %add3A_4353 = arith.addf %add3A_4349, %add3A_4351 : vector<16xf32>
        %add3A_4354 = arith.addf %add3A_4352, %add3A_4353 : vector<16xf32>
        %gather3A_4355 = vector.shape_cast %broadcast_in_dim3A_4 : vector<16x1xi32> to vector<16xi32>
        %gather3A_4356 = tpu.dynamic_gather %add3A_4354[%gather3A_4355] in [0] : vector<16xf32>, vector<16xi32> -> vector<16xf32>
        %add3A_4357 = arith.addf %add3A_4354, %gather3A_4356 : vector<16xf32>
        %gather3A_4358 = vector.shape_cast %broadcast_in_dim3A_8 : vector<16x1xi32> to vector<16xi32>
        %gather3A_4359 = tpu.dynamic_gather %add3A_4357[%gather3A_4358] in [0] : vector<16xf32>, vector<16xi32> -> vector<16xf32>
        %add3A_4360 = arith.addf %add3A_4357, %gather3A_4359 : vector<16xf32>
        %gather3A_4361 = vector.shape_cast %broadcast_in_dim3A_12 : vector<16x1xi32> to vector<16xi32>
        %gather3A_4362 = tpu.dynamic_gather %add3A_4360[%gather3A_4361] in [0] : vector<16xf32>, vector<16xi32> -> vector<16xf32>
        %add3A_4363 = arith.addf %add3A_4360, %gather3A_4362 : vector<16xf32>
        %gather3A_4364 = vector.shape_cast %broadcast_in_dim3A_16 : vector<16x1xi32> to vector<16xi32>
        %gather3A_4365 = tpu.dynamic_gather %add3A_4363[%gather3A_4364] in [0] : vector<16xf32>, vector<16xi32> -> vector<16xf32>
        %add3A_4366 = arith.addf %add3A_4363, %gather3A_4365 : vector<16xf32>
        %mul3A_4367 = arith.constant 8 : i32
        %mul3A_4368 = arith.muli %add3A_135, %mul3A_4367 : i32
        %add3A_4369 = arith.constant 7 : i32
        %add3A_4370 = arith.addi %mul3A_4368, %add3A_4369 : i32
        %mul3A_4371 = arith.constant 7 : i32
        %mul3A_4372 = arith.muli %add3A_4370, %mul3A_4371 : i32
        %add3A_4373 = arith.addi %mul3A_125, %mul3A_4372 : i32
        %get3A_4374 = arith.index_cast %add3A_4373 : i32 to index
        %get3A_4375 = arith.constant 0 : index
        %get3A_4376 = tpu.vector_load %arg7[%get3A_4374, %get3A_4375] {strides = array<i32>} : memref<672x128xf32, #tpu.memory_space<vmem>>, vector<1x16xf32>,
        %get3A_4377 = vector.shape_cast %get3A_4376 : vector<1x16xf32> to vector<16xf32>
        %get3A_4378 = arith.index_cast %add3A_4373 : i32 to index
        %get3A_4379 = arith.constant 16 : index
        %get3A_4380 = tpu.vector_load %arg7[%get3A_4378, %get3A_4379] {strides = array<i32>} : memref<672x128xf32, #tpu.memory_space<vmem>>, vector<1x16xf32>,
        %get3A_4381 = vector.shape_cast %get3A_4380 : vector<1x16xf32> to vector<16xf32>
        %get3A_4382 = arith.index_cast %add3A_4373 : i32 to index
        %get3A_4383 = arith.constant 32 : index
        %get3A_4384 = tpu.vector_load %arg7[%get3A_4382, %get3A_4383] {strides = array<i32>} : memref<672x128xf32, #tpu.memory_space<vmem>>, vector<1x16xf32>,
        %get3A_4385 = vector.shape_cast %get3A_4384 : vector<1x16xf32> to vector<16xf32>
        %get3A_4386 = arith.index_cast %add3A_4373 : i32 to index
        %get3A_4387 = arith.constant 48 : index
        %get3A_4388 = tpu.vector_load %arg7[%get3A_4386, %get3A_4387] {strides = array<i32>} : memref<672x128xf32, #tpu.memory_space<vmem>>, vector<1x16xf32>,
        %get3A_4389 = vector.shape_cast %get3A_4388 : vector<1x16xf32> to vector<16xf32>
        %get3A_4390 = arith.index_cast %add3A_4373 : i32 to index
        %get3A_4391 = arith.constant 64 : index
        %get3A_4392 = tpu.vector_load %arg7[%get3A_4390, %get3A_4391] {strides = array<i32>} : memref<672x128xf32, #tpu.memory_space<vmem>>, vector<1x16xf32>,
        %get3A_4393 = vector.shape_cast %get3A_4392 : vector<1x16xf32> to vector<16xf32>
        %get3A_4394 = arith.index_cast %add3A_4373 : i32 to index
        %get3A_4395 = arith.constant 80 : index
        %get3A_4396 = tpu.vector_load %arg7[%get3A_4394, %get3A_4395] {strides = array<i32>} : memref<672x128xf32, #tpu.memory_space<vmem>>, vector<1x16xf32>,
        %get3A_4397 = vector.shape_cast %get3A_4396 : vector<1x16xf32> to vector<16xf32>
        %get3A_4398 = arith.index_cast %add3A_4373 : i32 to index
        %get3A_4399 = arith.constant 96 : index
        %get3A_4400 = tpu.vector_load %arg7[%get3A_4398, %get3A_4399] {strides = array<i32>} : memref<672x128xf32, #tpu.memory_space<vmem>>, vector<1x16xf32>,
        %get3A_4401 = vector.shape_cast %get3A_4400 : vector<1x16xf32> to vector<16xf32>
        %get3A_4402 = arith.index_cast %add3A_4373 : i32 to index
        %get3A_4403 = arith.constant 112 : index
        %get3A_4404 = tpu.vector_load %arg7[%get3A_4402, %get3A_4403] {strides = array<i32>} : memref<672x128xf32, #tpu.memory_space<vmem>>, vector<1x16xf32>,
        %get3A_4405 = vector.shape_cast %get3A_4404 : vector<1x16xf32> to vector<16xf32>
        %add3A_4406 = arith.constant 1 : i32
        %add3A_4407 = arith.addi %add3A_4373, %add3A_4406 : i32
        %add3A_4408 = arith.constant 0 : i32
        %add3A_4409 = arith.addi %add3A_4407, %add3A_4408 : i32
        %get3A_4410 = arith.index_cast %add3A_4409 : i32 to index
        %get3A_4411 = arith.constant 0 : index
        %get3A_4412 = tpu.vector_load %arg7[%get3A_4410, %get3A_4411] {strides = array<i32>} : memref<672x128xf32, #tpu.memory_space<vmem>>, vector<1x16xf32>,
        %get3A_4413 = vector.shape_cast %get3A_4412 : vector<1x16xf32> to vector<16xf32>
        %mul3A_4414 = arith.mulf %get3A_4377, %get3A_4413 : vector<16xf32>
        %add3A_4415 = arith.constant 1 : i32
        %add3A_4416 = arith.addi %add3A_4373, %add3A_4415 : i32
        %add3A_4417 = arith.constant 0 : i32
        %add3A_4418 = arith.addi %add3A_4416, %add3A_4417 : i32
        %get3A_4419 = arith.index_cast %add3A_4418 : i32 to index
        %get3A_4420 = arith.constant 16 : index
        %get3A_4421 = tpu.vector_load %arg7[%get3A_4419, %get3A_4420] {strides = array<i32>} : memref<672x128xf32, #tpu.memory_space<vmem>>, vector<1x16xf32>,
        %get3A_4422 = vector.shape_cast %get3A_4421 : vector<1x16xf32> to vector<16xf32>
        %mul3A_4423 = arith.mulf %get3A_4381, %get3A_4422 : vector<16xf32>
        %add3A_4424 = arith.constant 1 : i32
        %add3A_4425 = arith.addi %add3A_4373, %add3A_4424 : i32
        %add3A_4426 = arith.constant 0 : i32
        %add3A_4427 = arith.addi %add3A_4425, %add3A_4426 : i32
        %get3A_4428 = arith.index_cast %add3A_4427 : i32 to index
        %get3A_4429 = arith.constant 32 : index
        %get3A_4430 = tpu.vector_load %arg7[%get3A_4428, %get3A_4429] {strides = array<i32>} : memref<672x128xf32, #tpu.memory_space<vmem>>, vector<1x16xf32>,
        %get3A_4431 = vector.shape_cast %get3A_4430 : vector<1x16xf32> to vector<16xf32>
        %mul3A_4432 = arith.mulf %get3A_4385, %get3A_4431 : vector<16xf32>
        %add3A_4433 = arith.constant 1 : i32
        %add3A_4434 = arith.addi %add3A_4373, %add3A_4433 : i32
        %add3A_4435 = arith.constant 0 : i32
        %add3A_4436 = arith.addi %add3A_4434, %add3A_4435 : i32
        %get3A_4437 = arith.index_cast %add3A_4436 : i32 to index
        %get3A_4438 = arith.constant 48 : index
        %get3A_4439 = tpu.vector_load %arg7[%get3A_4437, %get3A_4438] {strides = array<i32>} : memref<672x128xf32, #tpu.memory_space<vmem>>, vector<1x16xf32>,
        %get3A_4440 = vector.shape_cast %get3A_4439 : vector<1x16xf32> to vector<16xf32>
        %mul3A_4441 = arith.mulf %get3A_4389, %get3A_4440 : vector<16xf32>
        %add3A_4442 = arith.constant 1 : i32
        %add3A_4443 = arith.addi %add3A_4373, %add3A_4442 : i32
        %add3A_4444 = arith.constant 0 : i32
        %add3A_4445 = arith.addi %add3A_4443, %add3A_4444 : i32
        %get3A_4446 = arith.index_cast %add3A_4445 : i32 to index
        %get3A_4447 = arith.constant 64 : index
        %get3A_4448 = tpu.vector_load %arg7[%get3A_4446, %get3A_4447] {strides = array<i32>} : memref<672x128xf32, #tpu.memory_space<vmem>>, vector<1x16xf32>,
        %get3A_4449 = vector.shape_cast %get3A_4448 : vector<1x16xf32> to vector<16xf32>
        %mul3A_4450 = arith.mulf %get3A_4393, %get3A_4449 : vector<16xf32>
        %add3A_4451 = arith.constant 1 : i32
        %add3A_4452 = arith.addi %add3A_4373, %add3A_4451 : i32
        %add3A_4453 = arith.constant 0 : i32
        %add3A_4454 = arith.addi %add3A_4452, %add3A_4453 : i32
        %get3A_4455 = arith.index_cast %add3A_4454 : i32 to index
        %get3A_4456 = arith.constant 80 : index
        %get3A_4457 = tpu.vector_load %arg7[%get3A_4455, %get3A_4456] {strides = array<i32>} : memref<672x128xf32, #tpu.memory_space<vmem>>, vector<1x16xf32>,
        %get3A_4458 = vector.shape_cast %get3A_4457 : vector<1x16xf32> to vector<16xf32>
        %mul3A_4459 = arith.mulf %get3A_4397, %get3A_4458 : vector<16xf32>
        %add3A_4460 = arith.constant 1 : i32
        %add3A_4461 = arith.addi %add3A_4373, %add3A_4460 : i32
        %add3A_4462 = arith.constant 0 : i32
        %add3A_4463 = arith.addi %add3A_4461, %add3A_4462 : i32
        %get3A_4464 = arith.index_cast %add3A_4463 : i32 to index
        %get3A_4465 = arith.constant 96 : index
        %get3A_4466 = tpu.vector_load %arg7[%get3A_4464, %get3A_4465] {strides = array<i32>} : memref<672x128xf32, #tpu.memory_space<vmem>>, vector<1x16xf32>,
        %get3A_4467 = vector.shape_cast %get3A_4466 : vector<1x16xf32> to vector<16xf32>
        %mul3A_4468 = arith.mulf %get3A_4401, %get3A_4467 : vector<16xf32>
        %add3A_4469 = arith.constant 1 : i32
        %add3A_4470 = arith.addi %add3A_4373, %add3A_4469 : i32
        %add3A_4471 = arith.constant 0 : i32
        %add3A_4472 = arith.addi %add3A_4470, %add3A_4471 : i32
        %get3A_4473 = arith.index_cast %add3A_4472 : i32 to index
        %get3A_4474 = arith.constant 112 : index
        %get3A_4475 = tpu.vector_load %arg7[%get3A_4473, %get3A_4474] {strides = array<i32>} : memref<672x128xf32, #tpu.memory_space<vmem>>, vector<1x16xf32>,
        %get3A_4476 = vector.shape_cast %get3A_4475 : vector<1x16xf32> to vector<16xf32>
        %mul3A_4477 = arith.mulf %get3A_4405, %get3A_4476 : vector<16xf32>
        %add3A_4478 = arith.addf %mul3A_4414, %mul3A_4450 : vector<16xf32>
        %add3A_4479 = arith.addf %mul3A_4423, %mul3A_4459 : vector<16xf32>
        %add3A_4480 = arith.addf %mul3A_4432, %mul3A_4468 : vector<16xf32>
        %add3A_4481 = arith.addf %mul3A_4441, %mul3A_4477 : vector<16xf32>
        %add3A_4482 = arith.addf %add3A_4478, %add3A_4480 : vector<16xf32>
        %add3A_4483 = arith.addf %add3A_4479, %add3A_4481 : vector<16xf32>
        %add3A_4484 = arith.addf %add3A_4482, %add3A_4483 : vector<16xf32>
        %gather3A_4485 = vector.shape_cast %broadcast_in_dim3A_4 : vector<16x1xi32> to vector<16xi32>
        %gather3A_4486 = tpu.dynamic_gather %add3A_4484[%gather3A_4485] in [0] : vector<16xf32>, vector<16xi32> -> vector<16xf32>
        %add3A_4487 = arith.addf %add3A_4484, %gather3A_4486 : vector<16xf32>
        %gather3A_4488 = vector.shape_cast %broadcast_in_dim3A_8 : vector<16x1xi32> to vector<16xi32>
        %gather3A_4489 = tpu.dynamic_gather %add3A_4487[%gather3A_4488] in [0] : vector<16xf32>, vector<16xi32> -> vector<16xf32>
        %add3A_4490 = arith.addf %add3A_4487, %gather3A_4489 : vector<16xf32>
        %gather3A_4491 = vector.shape_cast %broadcast_in_dim3A_12 : vector<16x1xi32> to vector<16xi32>
        %gather3A_4492 = tpu.dynamic_gather %add3A_4490[%gather3A_4491] in [0] : vector<16xf32>, vector<16xi32> -> vector<16xf32>
        %add3A_4493 = arith.addf %add3A_4490, %gather3A_4492 : vector<16xf32>
        %gather3A_4494 = vector.shape_cast %broadcast_in_dim3A_16 : vector<16x1xi32> to vector<16xi32>
        %gather3A_4495 = tpu.dynamic_gather %add3A_4493[%gather3A_4494] in [0] : vector<16xf32>, vector<16xi32> -> vector<16xf32>
        %add3A_4496 = arith.addf %add3A_4493, %gather3A_4495 : vector<16xf32>
        %add3A_4497 = arith.constant 1 : i32
        %add3A_4498 = arith.addi %add3A_4373, %add3A_4497 : i32
        %add3A_4499 = arith.constant 1 : i32
        %add3A_4500 = arith.addi %add3A_4498, %add3A_4499 : i32
        %get3A_4501 = arith.index_cast %add3A_4500 : i32 to index
        %get3A_4502 = arith.constant 0 : index
        %get3A_4503 = tpu.vector_load %arg7[%get3A_4501, %get3A_4502] {strides = array<i32>} : memref<672x128xf32, #tpu.memory_space<vmem>>, vector<1x16xf32>,
        %get3A_4504 = vector.shape_cast %get3A_4503 : vector<1x16xf32> to vector<16xf32>
        %mul3A_4505 = arith.mulf %get3A_4377, %get3A_4504 : vector<16xf32>
        %add3A_4506 = arith.constant 1 : i32
        %add3A_4507 = arith.addi %add3A_4373, %add3A_4506 : i32
        %add3A_4508 = arith.constant 1 : i32
        %add3A_4509 = arith.addi %add3A_4507, %add3A_4508 : i32
        %get3A_4510 = arith.index_cast %add3A_4509 : i32 to index
        %get3A_4511 = arith.constant 16 : index
        %get3A_4512 = tpu.vector_load %arg7[%get3A_4510, %get3A_4511] {strides = array<i32>} : memref<672x128xf32, #tpu.memory_space<vmem>>, vector<1x16xf32>,
        %get3A_4513 = vector.shape_cast %get3A_4512 : vector<1x16xf32> to vector<16xf32>
        %mul3A_4514 = arith.mulf %get3A_4381, %get3A_4513 : vector<16xf32>
        %add3A_4515 = arith.constant 1 : i32
        %add3A_4516 = arith.addi %add3A_4373, %add3A_4515 : i32
        %add3A_4517 = arith.constant 1 : i32
        %add3A_4518 = arith.addi %add3A_4516, %add3A_4517 : i32
        %get3A_4519 = arith.index_cast %add3A_4518 : i32 to index
        %get3A_4520 = arith.constant 32 : index
        %get3A_4521 = tpu.vector_load %arg7[%get3A_4519, %get3A_4520] {strides = array<i32>} : memref<672x128xf32, #tpu.memory_space<vmem>>, vector<1x16xf32>,
        %get3A_4522 = vector.shape_cast %get3A_4521 : vector<1x16xf32> to vector<16xf32>
        %mul3A_4523 = arith.mulf %get3A_4385, %get3A_4522 : vector<16xf32>
        %add3A_4524 = arith.constant 1 : i32
        %add3A_4525 = arith.addi %add3A_4373, %add3A_4524 : i32
        %add3A_4526 = arith.constant 1 : i32
        %add3A_4527 = arith.addi %add3A_4525, %add3A_4526 : i32
        %get3A_4528 = arith.index_cast %add3A_4527 : i32 to index
        %get3A_4529 = arith.constant 48 : index
        %get3A_4530 = tpu.vector_load %arg7[%get3A_4528, %get3A_4529] {strides = array<i32>} : memref<672x128xf32, #tpu.memory_space<vmem>>, vector<1x16xf32>,
        %get3A_4531 = vector.shape_cast %get3A_4530 : vector<1x16xf32> to vector<16xf32>
        %mul3A_4532 = arith.mulf %get3A_4389, %get3A_4531 : vector<16xf32>
        %add3A_4533 = arith.constant 1 : i32
        %add3A_4534 = arith.addi %add3A_4373, %add3A_4533 : i32
        %add3A_4535 = arith.constant 1 : i32
        %add3A_4536 = arith.addi %add3A_4534, %add3A_4535 : i32
        %get3A_4537 = arith.index_cast %add3A_4536 : i32 to index
        %get3A_4538 = arith.constant 64 : index
        %get3A_4539 = tpu.vector_load %arg7[%get3A_4537, %get3A_4538] {strides = array<i32>} : memref<672x128xf32, #tpu.memory_space<vmem>>, vector<1x16xf32>,
        %get3A_4540 = vector.shape_cast %get3A_4539 : vector<1x16xf32> to vector<16xf32>
        %mul3A_4541 = arith.mulf %get3A_4393, %get3A_4540 : vector<16xf32>
        %add3A_4542 = arith.constant 1 : i32
        %add3A_4543 = arith.addi %add3A_4373, %add3A_4542 : i32
        %add3A_4544 = arith.constant 1 : i32
        %add3A_4545 = arith.addi %add3A_4543, %add3A_4544 : i32
        %get3A_4546 = arith.index_cast %add3A_4545 : i32 to index
        %get3A_4547 = arith.constant 80 : index
        %get3A_4548 = tpu.vector_load %arg7[%get3A_4546, %get3A_4547] {strides = array<i32>} : memref<672x128xf32, #tpu.memory_space<vmem>>, vector<1x16xf32>,
        %get3A_4549 = vector.shape_cast %get3A_4548 : vector<1x16xf32> to vector<16xf32>
        %mul3A_4550 = arith.mulf %get3A_4397, %get3A_4549 : vector<16xf32>
        %add3A_4551 = arith.constant 1 : i32
        %add3A_4552 = arith.addi %add3A_4373, %add3A_4551 : i32
        %add3A_4553 = arith.constant 1 : i32
        %add3A_4554 = arith.addi %add3A_4552, %add3A_4553 : i32
        %get3A_4555 = arith.index_cast %add3A_4554 : i32 to index
        %get3A_4556 = arith.constant 96 : index
        %get3A_4557 = tpu.vector_load %arg7[%get3A_4555, %get3A_4556] {strides = array<i32>} : memref<672x128xf32, #tpu.memory_space<vmem>>, vector<1x16xf32>,
        %get3A_4558 = vector.shape_cast %get3A_4557 : vector<1x16xf32> to vector<16xf32>
        %mul3A_4559 = arith.mulf %get3A_4401, %get3A_4558 : vector<16xf32>
        %add3A_4560 = arith.constant 1 : i32
        %add3A_4561 = arith.addi %add3A_4373, %add3A_4560 : i32
        %add3A_4562 = arith.constant 1 : i32
        %add3A_4563 = arith.addi %add3A_4561, %add3A_4562 : i32
        %get3A_4564 = arith.index_cast %add3A_4563 : i32 to index
        %get3A_4565 = arith.constant 112 : index
        %get3A_4566 = tpu.vector_load %arg7[%get3A_4564, %get3A_4565] {strides = array<i32>} : memref<672x128xf32, #tpu.memory_space<vmem>>, vector<1x16xf32>,
        %get3A_4567 = vector.shape_cast %get3A_4566 : vector<1x16xf32> to vector<16xf32>
        %mul3A_4568 = arith.mulf %get3A_4405, %get3A_4567 : vector<16xf32>
        %add3A_4569 = arith.addf %mul3A_4505, %mul3A_4541 : vector<16xf32>
        %add3A_4570 = arith.addf %mul3A_4514, %mul3A_4550 : vector<16xf32>
        %add3A_4571 = arith.addf %mul3A_4523, %mul3A_4559 : vector<16xf32>
        %add3A_4572 = arith.addf %mul3A_4532, %mul3A_4568 : vector<16xf32>
        %add3A_4573 = arith.addf %add3A_4569, %add3A_4571 : vector<16xf32>
        %add3A_4574 = arith.addf %add3A_4570, %add3A_4572 : vector<16xf32>
        %add3A_4575 = arith.addf %add3A_4573, %add3A_4574 : vector<16xf32>
        %gather3A_4576 = vector.shape_cast %broadcast_in_dim3A_4 : vector<16x1xi32> to vector<16xi32>
        %gather3A_4577 = tpu.dynamic_gather %add3A_4575[%gather3A_4576] in [0] : vector<16xf32>, vector<16xi32> -> vector<16xf32>
        %add3A_4578 = arith.addf %add3A_4575, %gather3A_4577 : vector<16xf32>
        %gather3A_4579 = vector.shape_cast %broadcast_in_dim3A_8 : vector<16x1xi32> to vector<16xi32>
        %gather3A_4580 = tpu.dynamic_gather %add3A_4578[%gather3A_4579] in [0] : vector<16xf32>, vector<16xi32> -> vector<16xf32>
        %add3A_4581 = arith.addf %add3A_4578, %gather3A_4580 : vector<16xf32>
        %gather3A_4582 = vector.shape_cast %broadcast_in_dim3A_12 : vector<16x1xi32> to vector<16xi32>
        %gather3A_4583 = tpu.dynamic_gather %add3A_4581[%gather3A_4582] in [0] : vector<16xf32>, vector<16xi32> -> vector<16xf32>
        %add3A_4584 = arith.addf %add3A_4581, %gather3A_4583 : vector<16xf32>
        %gather3A_4585 = vector.shape_cast %broadcast_in_dim3A_16 : vector<16x1xi32> to vector<16xi32>
        %gather3A_4586 = tpu.dynamic_gather %add3A_4584[%gather3A_4585] in [0] : vector<16xf32>, vector<16xi32> -> vector<16xf32>
        %add3A_4587 = arith.addf %add3A_4584, %gather3A_4586 : vector<16xf32>
        %add3A_4588 = arith.constant 1 : i32
        %add3A_4589 = arith.addi %add3A_4373, %add3A_4588 : i32
        %add3A_4590 = arith.constant 2 : i32
        %add3A_4591 = arith.addi %add3A_4589, %add3A_4590 : i32
        %get3A_4592 = arith.index_cast %add3A_4591 : i32 to index
        %get3A_4593 = arith.constant 0 : index
        %get3A_4594 = tpu.vector_load %arg7[%get3A_4592, %get3A_4593] {strides = array<i32>} : memref<672x128xf32, #tpu.memory_space<vmem>>, vector<1x16xf32>,
        %get3A_4595 = vector.shape_cast %get3A_4594 : vector<1x16xf32> to vector<16xf32>
        %mul3A_4596 = arith.mulf %get3A_4377, %get3A_4595 : vector<16xf32>
        %add3A_4597 = arith.constant 1 : i32
        %add3A_4598 = arith.addi %add3A_4373, %add3A_4597 : i32
        %add3A_4599 = arith.constant 2 : i32
        %add3A_4600 = arith.addi %add3A_4598, %add3A_4599 : i32
        %get3A_4601 = arith.index_cast %add3A_4600 : i32 to index
        %get3A_4602 = arith.constant 16 : index
        %get3A_4603 = tpu.vector_load %arg7[%get3A_4601, %get3A_4602] {strides = array<i32>} : memref<672x128xf32, #tpu.memory_space<vmem>>, vector<1x16xf32>,
        %get3A_4604 = vector.shape_cast %get3A_4603 : vector<1x16xf32> to vector<16xf32>
        %mul3A_4605 = arith.mulf %get3A_4381, %get3A_4604 : vector<16xf32>
        %add3A_4606 = arith.constant 1 : i32
        %add3A_4607 = arith.addi %add3A_4373, %add3A_4606 : i32
        %add3A_4608 = arith.constant 2 : i32
        %add3A_4609 = arith.addi %add3A_4607, %add3A_4608 : i32
        %get3A_4610 = arith.index_cast %add3A_4609 : i32 to index
        %get3A_4611 = arith.constant 32 : index
        %get3A_4612 = tpu.vector_load %arg7[%get3A_4610, %get3A_4611] {strides = array<i32>} : memref<672x128xf32, #tpu.memory_space<vmem>>, vector<1x16xf32>,
        %get3A_4613 = vector.shape_cast %get3A_4612 : vector<1x16xf32> to vector<16xf32>
        %mul3A_4614 = arith.mulf %get3A_4385, %get3A_4613 : vector<16xf32>
        %add3A_4615 = arith.constant 1 : i32
        %add3A_4616 = arith.addi %add3A_4373, %add3A_4615 : i32
        %add3A_4617 = arith.constant 2 : i32
        %add3A_4618 = arith.addi %add3A_4616, %add3A_4617 : i32
        %get3A_4619 = arith.index_cast %add3A_4618 : i32 to index
        %get3A_4620 = arith.constant 48 : index
        %get3A_4621 = tpu.vector_load %arg7[%get3A_4619, %get3A_4620] {strides = array<i32>} : memref<672x128xf32, #tpu.memory_space<vmem>>, vector<1x16xf32>,
        %get3A_4622 = vector.shape_cast %get3A_4621 : vector<1x16xf32> to vector<16xf32>
        %mul3A_4623 = arith.mulf %get3A_4389, %get3A_4622 : vector<16xf32>
        %add3A_4624 = arith.constant 1 : i32
        %add3A_4625 = arith.addi %add3A_4373, %add3A_4624 : i32
        %add3A_4626 = arith.constant 2 : i32
        %add3A_4627 = arith.addi %add3A_4625, %add3A_4626 : i32
        %get3A_4628 = arith.index_cast %add3A_4627 : i32 to index
        %get3A_4629 = arith.constant 64 : index
        %get3A_4630 = tpu.vector_load %arg7[%get3A_4628, %get3A_4629] {strides = array<i32>} : memref<672x128xf32, #tpu.memory_space<vmem>>, vector<1x16xf32>,
        %get3A_4631 = vector.shape_cast %get3A_4630 : vector<1x16xf32> to vector<16xf32>
        %mul3A_4632 = arith.mulf %get3A_4393, %get3A_4631 : vector<16xf32>
        %add3A_4633 = arith.constant 1 : i32
        %add3A_4634 = arith.addi %add3A_4373, %add3A_4633 : i32
        %add3A_4635 = arith.constant 2 : i32
        %add3A_4636 = arith.addi %add3A_4634, %add3A_4635 : i32
        %get3A_4637 = arith.index_cast %add3A_4636 : i32 to index
        %get3A_4638 = arith.constant 80 : index
        %get3A_4639 = tpu.vector_load %arg7[%get3A_4637, %get3A_4638] {strides = array<i32>} : memref<672x128xf32, #tpu.memory_space<vmem>>, vector<1x16xf32>,
        %get3A_4640 = vector.shape_cast %get3A_4639 : vector<1x16xf32> to vector<16xf32>
        %mul3A_4641 = arith.mulf %get3A_4397, %get3A_4640 : vector<16xf32>
        %add3A_4642 = arith.constant 1 : i32
        %add3A_4643 = arith.addi %add3A_4373, %add3A_4642 : i32
        %add3A_4644 = arith.constant 2 : i32
        %add3A_4645 = arith.addi %add3A_4643, %add3A_4644 : i32
        %get3A_4646 = arith.index_cast %add3A_4645 : i32 to index
        %get3A_4647 = arith.constant 96 : index
        %get3A_4648 = tpu.vector_load %arg7[%get3A_4646, %get3A_4647] {strides = array<i32>} : memref<672x128xf32, #tpu.memory_space<vmem>>, vector<1x16xf32>,
        %get3A_4649 = vector.shape_cast %get3A_4648 : vector<1x16xf32> to vector<16xf32>
        %mul3A_4650 = arith.mulf %get3A_4401, %get3A_4649 : vector<16xf32>
        %add3A_4651 = arith.constant 1 : i32
        %add3A_4652 = arith.addi %add3A_4373, %add3A_4651 : i32
        %add3A_4653 = arith.constant 2 : i32
        %add3A_4654 = arith.addi %add3A_4652, %add3A_4653 : i32
        %get3A_4655 = arith.index_cast %add3A_4654 : i32 to index
        %get3A_4656 = arith.constant 112 : index
        %get3A_4657 = tpu.vector_load %arg7[%get3A_4655, %get3A_4656] {strides = array<i32>} : memref<672x128xf32, #tpu.memory_space<vmem>>, vector<1x16xf32>,
        %get3A_4658 = vector.shape_cast %get3A_4657 : vector<1x16xf32> to vector<16xf32>
        %mul3A_4659 = arith.mulf %get3A_4405, %get3A_4658 : vector<16xf32>
        %add3A_4660 = arith.addf %mul3A_4596, %mul3A_4632 : vector<16xf32>
        %add3A_4661 = arith.addf %mul3A_4605, %mul3A_4641 : vector<16xf32>
        %add3A_4662 = arith.addf %mul3A_4614, %mul3A_4650 : vector<16xf32>
        %add3A_4663 = arith.addf %mul3A_4623, %mul3A_4659 : vector<16xf32>
        %add3A_4664 = arith.addf %add3A_4660, %add3A_4662 : vector<16xf32>
        %add3A_4665 = arith.addf %add3A_4661, %add3A_4663 : vector<16xf32>
        %add3A_4666 = arith.addf %add3A_4664, %add3A_4665 : vector<16xf32>
        %gather3A_4667 = vector.shape_cast %broadcast_in_dim3A_4 : vector<16x1xi32> to vector<16xi32>
        %gather3A_4668 = tpu.dynamic_gather %add3A_4666[%gather3A_4667] in [0] : vector<16xf32>, vector<16xi32> -> vector<16xf32>
        %add3A_4669 = arith.addf %add3A_4666, %gather3A_4668 : vector<16xf32>
        %gather3A_4670 = vector.shape_cast %broadcast_in_dim3A_8 : vector<16x1xi32> to vector<16xi32>
        %gather3A_4671 = tpu.dynamic_gather %add3A_4669[%gather3A_4670] in [0] : vector<16xf32>, vector<16xi32> -> vector<16xf32>
        %add3A_4672 = arith.addf %add3A_4669, %gather3A_4671 : vector<16xf32>
        %gather3A_4673 = vector.shape_cast %broadcast_in_dim3A_12 : vector<16x1xi32> to vector<16xi32>
        %gather3A_4674 = tpu.dynamic_gather %add3A_4672[%gather3A_4673] in [0] : vector<16xf32>, vector<16xi32> -> vector<16xf32>
        %add3A_4675 = arith.addf %add3A_4672, %gather3A_4674 : vector<16xf32>
        %gather3A_4676 = vector.shape_cast %broadcast_in_dim3A_16 : vector<16x1xi32> to vector<16xi32>
        %gather3A_4677 = tpu.dynamic_gather %add3A_4675[%gather3A_4676] in [0] : vector<16xf32>, vector<16xi32> -> vector<16xf32>
        %add3A_4678 = arith.addf %add3A_4675, %gather3A_4677 : vector<16xf32>
        %add3A_4679 = arith.constant 1 : i32
        %add3A_4680 = arith.addi %add3A_4373, %add3A_4679 : i32
        %add3A_4681 = arith.constant 3 : i32
        %add3A_4682 = arith.addi %add3A_4680, %add3A_4681 : i32
        %get3A_4683 = arith.index_cast %add3A_4682 : i32 to index
        %get3A_4684 = arith.constant 0 : index
        %get3A_4685 = tpu.vector_load %arg7[%get3A_4683, %get3A_4684] {strides = array<i32>} : memref<672x128xf32, #tpu.memory_space<vmem>>, vector<1x16xf32>,
        %get3A_4686 = vector.shape_cast %get3A_4685 : vector<1x16xf32> to vector<16xf32>
        %mul3A_4687 = arith.mulf %get3A_4377, %get3A_4686 : vector<16xf32>
        %add3A_4688 = arith.constant 1 : i32
        %add3A_4689 = arith.addi %add3A_4373, %add3A_4688 : i32
        %add3A_4690 = arith.constant 3 : i32
        %add3A_4691 = arith.addi %add3A_4689, %add3A_4690 : i32
        %get3A_4692 = arith.index_cast %add3A_4691 : i32 to index
        %get3A_4693 = arith.constant 16 : index
        %get3A_4694 = tpu.vector_load %arg7[%get3A_4692, %get3A_4693] {strides = array<i32>} : memref<672x128xf32, #tpu.memory_space<vmem>>, vector<1x16xf32>,
        %get3A_4695 = vector.shape_cast %get3A_4694 : vector<1x16xf32> to vector<16xf32>
        %mul3A_4696 = arith.mulf %get3A_4381, %get3A_4695 : vector<16xf32>
        %add3A_4697 = arith.constant 1 : i32
        %add3A_4698 = arith.addi %add3A_4373, %add3A_4697 : i32
        %add3A_4699 = arith.constant 3 : i32
        %add3A_4700 = arith.addi %add3A_4698, %add3A_4699 : i32
        %get3A_4701 = arith.index_cast %add3A_4700 : i32 to index
        %get3A_4702 = arith.constant 32 : index
        %get3A_4703 = tpu.vector_load %arg7[%get3A_4701, %get3A_4702] {strides = array<i32>} : memref<672x128xf32, #tpu.memory_space<vmem>>, vector<1x16xf32>,
        %get3A_4704 = vector.shape_cast %get3A_4703 : vector<1x16xf32> to vector<16xf32>
        %mul3A_4705 = arith.mulf %get3A_4385, %get3A_4704 : vector<16xf32>
        %add3A_4706 = arith.constant 1 : i32
        %add3A_4707 = arith.addi %add3A_4373, %add3A_4706 : i32
        %add3A_4708 = arith.constant 3 : i32
        %add3A_4709 = arith.addi %add3A_4707, %add3A_4708 : i32
        %get3A_4710 = arith.index_cast %add3A_4709 : i32 to index
        %get3A_4711 = arith.constant 48 : index
        %get3A_4712 = tpu.vector_load %arg7[%get3A_4710, %get3A_4711] {strides = array<i32>} : memref<672x128xf32, #tpu.memory_space<vmem>>, vector<1x16xf32>,
        %get3A_4713 = vector.shape_cast %get3A_4712 : vector<1x16xf32> to vector<16xf32>
        %mul3A_4714 = arith.mulf %get3A_4389, %get3A_4713 : vector<16xf32>
        %add3A_4715 = arith.constant 1 : i32
        %add3A_4716 = arith.addi %add3A_4373, %add3A_4715 : i32
        %add3A_4717 = arith.constant 3 : i32
        %add3A_4718 = arith.addi %add3A_4716, %add3A_4717 : i32
        %get3A_4719 = arith.index_cast %add3A_4718 : i32 to index
        %get3A_4720 = arith.constant 64 : index
        %get3A_4721 = tpu.vector_load %arg7[%get3A_4719, %get3A_4720] {strides = array<i32>} : memref<672x128xf32, #tpu.memory_space<vmem>>, vector<1x16xf32>,
        %get3A_4722 = vector.shape_cast %get3A_4721 : vector<1x16xf32> to vector<16xf32>
        %mul3A_4723 = arith.mulf %get3A_4393, %get3A_4722 : vector<16xf32>
        %add3A_4724 = arith.constant 1 : i32
        %add3A_4725 = arith.addi %add3A_4373, %add3A_4724 : i32
        %add3A_4726 = arith.constant 3 : i32
        %add3A_4727 = arith.addi %add3A_4725, %add3A_4726 : i32
        %get3A_4728 = arith.index_cast %add3A_4727 : i32 to index
        %get3A_4729 = arith.constant 80 : index
        %get3A_4730 = tpu.vector_load %arg7[%get3A_4728, %get3A_4729] {strides = array<i32>} : memref<672x128xf32, #tpu.memory_space<vmem>>, vector<1x16xf32>,
        %get3A_4731 = vector.shape_cast %get3A_4730 : vector<1x16xf32> to vector<16xf32>
        %mul3A_4732 = arith.mulf %get3A_4397, %get3A_4731 : vector<16xf32>
        %add3A_4733 = arith.constant 1 : i32
        %add3A_4734 = arith.addi %add3A_4373, %add3A_4733 : i32
        %add3A_4735 = arith.constant 3 : i32
        %add3A_4736 = arith.addi %add3A_4734, %add3A_4735 : i32
        %get3A_4737 = arith.index_cast %add3A_4736 : i32 to index
        %get3A_4738 = arith.constant 96 : index
        %get3A_4739 = tpu.vector_load %arg7[%get3A_4737, %get3A_4738] {strides = array<i32>} : memref<672x128xf32, #tpu.memory_space<vmem>>, vector<1x16xf32>,
        %get3A_4740 = vector.shape_cast %get3A_4739 : vector<1x16xf32> to vector<16xf32>
        %mul3A_4741 = arith.mulf %get3A_4401, %get3A_4740 : vector<16xf32>
        %add3A_4742 = arith.constant 1 : i32
        %add3A_4743 = arith.addi %add3A_4373, %add3A_4742 : i32
        %add3A_4744 = arith.constant 3 : i32
        %add3A_4745 = arith.addi %add3A_4743, %add3A_4744 : i32
        %get3A_4746 = arith.index_cast %add3A_4745 : i32 to index
        %get3A_4747 = arith.constant 112 : index
        %get3A_4748 = tpu.vector_load %arg7[%get3A_4746, %get3A_4747] {strides = array<i32>} : memref<672x128xf32, #tpu.memory_space<vmem>>, vector<1x16xf32>,
        %get3A_4749 = vector.shape_cast %get3A_4748 : vector<1x16xf32> to vector<16xf32>
        %mul3A_4750 = arith.mulf %get3A_4405, %get3A_4749 : vector<16xf32>
        %add3A_4751 = arith.addf %mul3A_4687, %mul3A_4723 : vector<16xf32>
        %add3A_4752 = arith.addf %mul3A_4696, %mul3A_4732 : vector<16xf32>
        %add3A_4753 = arith.addf %mul3A_4705, %mul3A_4741 : vector<16xf32>
        %add3A_4754 = arith.addf %mul3A_4714, %mul3A_4750 : vector<16xf32>
        %add3A_4755 = arith.addf %add3A_4751, %add3A_4753 : vector<16xf32>
        %add3A_4756 = arith.addf %add3A_4752, %add3A_4754 : vector<16xf32>
        %add3A_4757 = arith.addf %add3A_4755, %add3A_4756 : vector<16xf32>
        %gather3A_4758 = vector.shape_cast %broadcast_in_dim3A_4 : vector<16x1xi32> to vector<16xi32>
        %gather3A_4759 = tpu.dynamic_gather %add3A_4757[%gather3A_4758] in [0] : vector<16xf32>, vector<16xi32> -> vector<16xf32>
        %add3A_4760 = arith.addf %add3A_4757, %gather3A_4759 : vector<16xf32>
        %gather3A_4761 = vector.shape_cast %broadcast_in_dim3A_8 : vector<16x1xi32> to vector<16xi32>
        %gather3A_4762 = tpu.dynamic_gather %add3A_4760[%gather3A_4761] in [0] : vector<16xf32>, vector<16xi32> -> vector<16xf32>
        %add3A_4763 = arith.addf %add3A_4760, %gather3A_4762 : vector<16xf32>
        %gather3A_4764 = vector.shape_cast %broadcast_in_dim3A_12 : vector<16x1xi32> to vector<16xi32>
        %gather3A_4765 = tpu.dynamic_gather %add3A_4763[%gather3A_4764] in [0] : vector<16xf32>, vector<16xi32> -> vector<16xf32>
        %add3A_4766 = arith.addf %add3A_4763, %gather3A_4765 : vector<16xf32>
        %gather3A_4767 = vector.shape_cast %broadcast_in_dim3A_16 : vector<16x1xi32> to vector<16xi32>
        %gather3A_4768 = tpu.dynamic_gather %add3A_4766[%gather3A_4767] in [0] : vector<16xf32>, vector<16xi32> -> vector<16xf32>
        %add3A_4769 = arith.addf %add3A_4766, %gather3A_4768 : vector<16xf32>
        %add3A_4770 = arith.constant 1 : i32
        %add3A_4771 = arith.addi %add3A_4373, %add3A_4770 : i32
        %add3A_4772 = arith.constant 4 : i32
        %add3A_4773 = arith.addi %add3A_4771, %add3A_4772 : i32
        %get3A_4774 = arith.index_cast %add3A_4773 : i32 to index
        %get3A_4775 = arith.constant 0 : index
        %get3A_4776 = tpu.vector_load %arg7[%get3A_4774, %get3A_4775] {strides = array<i32>} : memref<672x128xf32, #tpu.memory_space<vmem>>, vector<1x16xf32>,
        %get3A_4777 = vector.shape_cast %get3A_4776 : vector<1x16xf32> to vector<16xf32>
        %mul3A_4778 = arith.mulf %get3A_4377, %get3A_4777 : vector<16xf32>
        %add3A_4779 = arith.constant 1 : i32
        %add3A_4780 = arith.addi %add3A_4373, %add3A_4779 : i32
        %add3A_4781 = arith.constant 4 : i32
        %add3A_4782 = arith.addi %add3A_4780, %add3A_4781 : i32
        %get3A_4783 = arith.index_cast %add3A_4782 : i32 to index
        %get3A_4784 = arith.constant 16 : index
        %get3A_4785 = tpu.vector_load %arg7[%get3A_4783, %get3A_4784] {strides = array<i32>} : memref<672x128xf32, #tpu.memory_space<vmem>>, vector<1x16xf32>,
        %get3A_4786 = vector.shape_cast %get3A_4785 : vector<1x16xf32> to vector<16xf32>
        %mul3A_4787 = arith.mulf %get3A_4381, %get3A_4786 : vector<16xf32>
        %add3A_4788 = arith.constant 1 : i32
        %add3A_4789 = arith.addi %add3A_4373, %add3A_4788 : i32
        %add3A_4790 = arith.constant 4 : i32
        %add3A_4791 = arith.addi %add3A_4789, %add3A_4790 : i32
        %get3A_4792 = arith.index_cast %add3A_4791 : i32 to index
        %get3A_4793 = arith.constant 32 : index
        %get3A_4794 = tpu.vector_load %arg7[%get3A_4792, %get3A_4793] {strides = array<i32>} : memref<672x128xf32, #tpu.memory_space<vmem>>, vector<1x16xf32>,
        %get3A_4795 = vector.shape_cast %get3A_4794 : vector<1x16xf32> to vector<16xf32>
        %mul3A_4796 = arith.mulf %get3A_4385, %get3A_4795 : vector<16xf32>
        %add3A_4797 = arith.constant 1 : i32
        %add3A_4798 = arith.addi %add3A_4373, %add3A_4797 : i32
        %add3A_4799 = arith.constant 4 : i32
        %add3A_4800 = arith.addi %add3A_4798, %add3A_4799 : i32
        %get3A_4801 = arith.index_cast %add3A_4800 : i32 to index
        %get3A_4802 = arith.constant 48 : index
        %get3A_4803 = tpu.vector_load %arg7[%get3A_4801, %get3A_4802] {strides = array<i32>} : memref<672x128xf32, #tpu.memory_space<vmem>>, vector<1x16xf32>,
        %get3A_4804 = vector.shape_cast %get3A_4803 : vector<1x16xf32> to vector<16xf32>
        %mul3A_4805 = arith.mulf %get3A_4389, %get3A_4804 : vector<16xf32>
        %add3A_4806 = arith.constant 1 : i32
        %add3A_4807 = arith.addi %add3A_4373, %add3A_4806 : i32
        %add3A_4808 = arith.constant 4 : i32
        %add3A_4809 = arith.addi %add3A_4807, %add3A_4808 : i32
        %get3A_4810 = arith.index_cast %add3A_4809 : i32 to index
        %get3A_4811 = arith.constant 64 : index
        %get3A_4812 = tpu.vector_load %arg7[%get3A_4810, %get3A_4811] {strides = array<i32>} : memref<672x128xf32, #tpu.memory_space<vmem>>, vector<1x16xf32>,
        %get3A_4813 = vector.shape_cast %get3A_4812 : vector<1x16xf32> to vector<16xf32>
        %mul3A_4814 = arith.mulf %get3A_4393, %get3A_4813 : vector<16xf32>
        %add3A_4815 = arith.constant 1 : i32
        %add3A_4816 = arith.addi %add3A_4373, %add3A_4815 : i32
        %add3A_4817 = arith.constant 4 : i32
        %add3A_4818 = arith.addi %add3A_4816, %add3A_4817 : i32
        %get3A_4819 = arith.index_cast %add3A_4818 : i32 to index
        %get3A_4820 = arith.constant 80 : index
        %get3A_4821 = tpu.vector_load %arg7[%get3A_4819, %get3A_4820] {strides = array<i32>} : memref<672x128xf32, #tpu.memory_space<vmem>>, vector<1x16xf32>,
        %get3A_4822 = vector.shape_cast %get3A_4821 : vector<1x16xf32> to vector<16xf32>
        %mul3A_4823 = arith.mulf %get3A_4397, %get3A_4822 : vector<16xf32>
        %add3A_4824 = arith.constant 1 : i32
        %add3A_4825 = arith.addi %add3A_4373, %add3A_4824 : i32
        %add3A_4826 = arith.constant 4 : i32
        %add3A_4827 = arith.addi %add3A_4825, %add3A_4826 : i32
        %get3A_4828 = arith.index_cast %add3A_4827 : i32 to index
        %get3A_4829 = arith.constant 96 : index
        %get3A_4830 = tpu.vector_load %arg7[%get3A_4828, %get3A_4829] {strides = array<i32>} : memref<672x128xf32, #tpu.memory_space<vmem>>, vector<1x16xf32>,
        %get3A_4831 = vector.shape_cast %get3A_4830 : vector<1x16xf32> to vector<16xf32>
        %mul3A_4832 = arith.mulf %get3A_4401, %get3A_4831 : vector<16xf32>
        %add3A_4833 = arith.constant 1 : i32
        %add3A_4834 = arith.addi %add3A_4373, %add3A_4833 : i32
        %add3A_4835 = arith.constant 4 : i32
        %add3A_4836 = arith.addi %add3A_4834, %add3A_4835 : i32
        %get3A_4837 = arith.index_cast %add3A_4836 : i32 to index
        %get3A_4838 = arith.constant 112 : index
        %get3A_4839 = tpu.vector_load %arg7[%get3A_4837, %get3A_4838] {strides = array<i32>} : memref<672x128xf32, #tpu.memory_space<vmem>>, vector<1x16xf32>,
        %get3A_4840 = vector.shape_cast %get3A_4839 : vector<1x16xf32> to vector<16xf32>
        %mul3A_4841 = arith.mulf %get3A_4405, %get3A_4840 : vector<16xf32>
        %add3A_4842 = arith.addf %mul3A_4778, %mul3A_4814 : vector<16xf32>
        %add3A_4843 = arith.addf %mul3A_4787, %mul3A_4823 : vector<16xf32>
        %add3A_4844 = arith.addf %mul3A_4796, %mul3A_4832 : vector<16xf32>
        %add3A_4845 = arith.addf %mul3A_4805, %mul3A_4841 : vector<16xf32>
        %add3A_4846 = arith.addf %add3A_4842, %add3A_4844 : vector<16xf32>
        %add3A_4847 = arith.addf %add3A_4843, %add3A_4845 : vector<16xf32>
        %add3A_4848 = arith.addf %add3A_4846, %add3A_4847 : vector<16xf32>
        %gather3A_4849 = vector.shape_cast %broadcast_in_dim3A_4 : vector<16x1xi32> to vector<16xi32>
        %gather3A_4850 = tpu.dynamic_gather %add3A_4848[%gather3A_4849] in [0] : vector<16xf32>, vector<16xi32> -> vector<16xf32>
        %add3A_4851 = arith.addf %add3A_4848, %gather3A_4850 : vector<16xf32>
        %gather3A_4852 = vector.shape_cast %broadcast_in_dim3A_8 : vector<16x1xi32> to vector<16xi32>
        %gather3A_4853 = tpu.dynamic_gather %add3A_4851[%gather3A_4852] in [0] : vector<16xf32>, vector<16xi32> -> vector<16xf32>
        %add3A_4854 = arith.addf %add3A_4851, %gather3A_4853 : vector<16xf32>
        %gather3A_4855 = vector.shape_cast %broadcast_in_dim3A_12 : vector<16x1xi32> to vector<16xi32>
        %gather3A_4856 = tpu.dynamic_gather %add3A_4854[%gather3A_4855] in [0] : vector<16xf32>, vector<16xi32> -> vector<16xf32>
        %add3A_4857 = arith.addf %add3A_4854, %gather3A_4856 : vector<16xf32>
        %gather3A_4858 = vector.shape_cast %broadcast_in_dim3A_16 : vector<16x1xi32> to vector<16xi32>
        %gather3A_4859 = tpu.dynamic_gather %add3A_4857[%gather3A_4858] in [0] : vector<16xf32>, vector<16xi32> -> vector<16xf32>
        %add3A_4860 = arith.addf %add3A_4857, %gather3A_4859 : vector<16xf32>
        %add3A_4861 = arith.constant 1 : i32
        %add3A_4862 = arith.addi %add3A_4373, %add3A_4861 : i32
        %add3A_4863 = arith.constant 5 : i32
        %add3A_4864 = arith.addi %add3A_4862, %add3A_4863 : i32
        %get3A_4865 = arith.index_cast %add3A_4864 : i32 to index
        %get3A_4866 = arith.constant 0 : index
        %get3A_4867 = tpu.vector_load %arg7[%get3A_4865, %get3A_4866] {strides = array<i32>} : memref<672x128xf32, #tpu.memory_space<vmem>>, vector<1x16xf32>,
        %get3A_4868 = vector.shape_cast %get3A_4867 : vector<1x16xf32> to vector<16xf32>
        %mul3A_4869 = arith.mulf %get3A_4377, %get3A_4868 : vector<16xf32>
        %add3A_4870 = arith.constant 1 : i32
        %add3A_4871 = arith.addi %add3A_4373, %add3A_4870 : i32
        %add3A_4872 = arith.constant 5 : i32
        %add3A_4873 = arith.addi %add3A_4871, %add3A_4872 : i32
        %get3A_4874 = arith.index_cast %add3A_4873 : i32 to index
        %get3A_4875 = arith.constant 16 : index
        %get3A_4876 = tpu.vector_load %arg7[%get3A_4874, %get3A_4875] {strides = array<i32>} : memref<672x128xf32, #tpu.memory_space<vmem>>, vector<1x16xf32>,
        %get3A_4877 = vector.shape_cast %get3A_4876 : vector<1x16xf32> to vector<16xf32>
        %mul3A_4878 = arith.mulf %get3A_4381, %get3A_4877 : vector<16xf32>
        %add3A_4879 = arith.constant 1 : i32
        %add3A_4880 = arith.addi %add3A_4373, %add3A_4879 : i32
        %add3A_4881 = arith.constant 5 : i32
        %add3A_4882 = arith.addi %add3A_4880, %add3A_4881 : i32
        %get3A_4883 = arith.index_cast %add3A_4882 : i32 to index
        %get3A_4884 = arith.constant 32 : index
        %get3A_4885 = tpu.vector_load %arg7[%get3A_4883, %get3A_4884] {strides = array<i32>} : memref<672x128xf32, #tpu.memory_space<vmem>>, vector<1x16xf32>,
        %get3A_4886 = vector.shape_cast %get3A_4885 : vector<1x16xf32> to vector<16xf32>
        %mul3A_4887 = arith.mulf %get3A_4385, %get3A_4886 : vector<16xf32>
        %add3A_4888 = arith.constant 1 : i32
        %add3A_4889 = arith.addi %add3A_4373, %add3A_4888 : i32
        %add3A_4890 = arith.constant 5 : i32
        %add3A_4891 = arith.addi %add3A_4889, %add3A_4890 : i32
        %get3A_4892 = arith.index_cast %add3A_4891 : i32 to index
        %get3A_4893 = arith.constant 48 : index
        %get3A_4894 = tpu.vector_load %arg7[%get3A_4892, %get3A_4893] {strides = array<i32>} : memref<672x128xf32, #tpu.memory_space<vmem>>, vector<1x16xf32>,
        %get3A_4895 = vector.shape_cast %get3A_4894 : vector<1x16xf32> to vector<16xf32>
        %mul3A_4896 = arith.mulf %get3A_4389, %get3A_4895 : vector<16xf32>
        %add3A_4897 = arith.constant 1 : i32
        %add3A_4898 = arith.addi %add3A_4373, %add3A_4897 : i32
        %add3A_4899 = arith.constant 5 : i32
        %add3A_4900 = arith.addi %add3A_4898, %add3A_4899 : i32
        %get3A_4901 = arith.index_cast %add3A_4900 : i32 to index
        %get3A_4902 = arith.constant 64 : index
        %get3A_4903 = tpu.vector_load %arg7[%get3A_4901, %get3A_4902] {strides = array<i32>} : memref<672x128xf32, #tpu.memory_space<vmem>>, vector<1x16xf32>,
        %get3A_4904 = vector.shape_cast %get3A_4903 : vector<1x16xf32> to vector<16xf32>
        %mul3A_4905 = arith.mulf %get3A_4393, %get3A_4904 : vector<16xf32>
        %add3A_4906 = arith.constant 1 : i32
        %add3A_4907 = arith.addi %add3A_4373, %add3A_4906 : i32
        %add3A_4908 = arith.constant 5 : i32
        %add3A_4909 = arith.addi %add3A_4907, %add3A_4908 : i32
        %get3A_4910 = arith.index_cast %add3A_4909 : i32 to index
        %get3A_4911 = arith.constant 80 : index
        %get3A_4912 = tpu.vector_load %arg7[%get3A_4910, %get3A_4911] {strides = array<i32>} : memref<672x128xf32, #tpu.memory_space<vmem>>, vector<1x16xf32>,
        %get3A_4913 = vector.shape_cast %get3A_4912 : vector<1x16xf32> to vector<16xf32>
        %mul3A_4914 = arith.mulf %get3A_4397, %get3A_4913 : vector<16xf32>
        %add3A_4915 = arith.constant 1 : i32
        %add3A_4916 = arith.addi %add3A_4373, %add3A_4915 : i32
        %add3A_4917 = arith.constant 5 : i32
        %add3A_4918 = arith.addi %add3A_4916, %add3A_4917 : i32
        %get3A_4919 = arith.index_cast %add3A_4918 : i32 to index
        %get3A_4920 = arith.constant 96 : index
        %get3A_4921 = tpu.vector_load %arg7[%get3A_4919, %get3A_4920] {strides = array<i32>} : memref<672x128xf32, #tpu.memory_space<vmem>>, vector<1x16xf32>,
        %get3A_4922 = vector.shape_cast %get3A_4921 : vector<1x16xf32> to vector<16xf32>
        %mul3A_4923 = arith.mulf %get3A_4401, %get3A_4922 : vector<16xf32>
        %add3A_4924 = arith.constant 1 : i32
        %add3A_4925 = arith.addi %add3A_4373, %add3A_4924 : i32
        %add3A_4926 = arith.constant 5 : i32
        %add3A_4927 = arith.addi %add3A_4925, %add3A_4926 : i32
        %get3A_4928 = arith.index_cast %add3A_4927 : i32 to index
        %get3A_4929 = arith.constant 112 : index
        %get3A_4930 = tpu.vector_load %arg7[%get3A_4928, %get3A_4929] {strides = array<i32>} : memref<672x128xf32, #tpu.memory_space<vmem>>, vector<1x16xf32>,
        %get3A_4931 = vector.shape_cast %get3A_4930 : vector<1x16xf32> to vector<16xf32>
        %mul3A_4932 = arith.mulf %get3A_4405, %get3A_4931 : vector<16xf32>
        %add3A_4933 = arith.addf %mul3A_4869, %mul3A_4905 : vector<16xf32>
        %add3A_4934 = arith.addf %mul3A_4878, %mul3A_4914 : vector<16xf32>
        %add3A_4935 = arith.addf %mul3A_4887, %mul3A_4923 : vector<16xf32>
        %add3A_4936 = arith.addf %mul3A_4896, %mul3A_4932 : vector<16xf32>
        %add3A_4937 = arith.addf %add3A_4933, %add3A_4935 : vector<16xf32>
        %add3A_4938 = arith.addf %add3A_4934, %add3A_4936 : vector<16xf32>
        %add3A_4939 = arith.addf %add3A_4937, %add3A_4938 : vector<16xf32>
        %gather3A_4940 = vector.shape_cast %broadcast_in_dim3A_4 : vector<16x1xi32> to vector<16xi32>
        %gather3A_4941 = tpu.dynamic_gather %add3A_4939[%gather3A_4940] in [0] : vector<16xf32>, vector<16xi32> -> vector<16xf32>
        %add3A_4942 = arith.addf %add3A_4939, %gather3A_4941 : vector<16xf32>
        %gather3A_4943 = vector.shape_cast %broadcast_in_dim3A_8 : vector<16x1xi32> to vector<16xi32>
        %gather3A_4944 = tpu.dynamic_gather %add3A_4942[%gather3A_4943] in [0] : vector<16xf32>, vector<16xi32> -> vector<16xf32>
        %add3A_4945 = arith.addf %add3A_4942, %gather3A_4944 : vector<16xf32>
        %gather3A_4946 = vector.shape_cast %broadcast_in_dim3A_12 : vector<16x1xi32> to vector<16xi32>
        %gather3A_4947 = tpu.dynamic_gather %add3A_4945[%gather3A_4946] in [0] : vector<16xf32>, vector<16xi32> -> vector<16xf32>
        %add3A_4948 = arith.addf %add3A_4945, %gather3A_4947 : vector<16xf32>
        %gather3A_4949 = vector.shape_cast %broadcast_in_dim3A_16 : vector<16x1xi32> to vector<16xi32>
        %gather3A_4950 = tpu.dynamic_gather %add3A_4948[%gather3A_4949] in [0] : vector<16xf32>, vector<16xi32> -> vector<16xf32>
        %add3A_4951 = arith.addf %add3A_4948, %gather3A_4950 : vector<16xf32>
        %select_n3A_4952 = arith.select %ne3A_20, %add3A_3599, %add3A_3508 : vector<16xi1>, vector<16xf32>
        %select_n3A_4953 = arith.select %ne3A_20, %add3A_3781, %add3A_3690 : vector<16xi1>, vector<16xf32>
        %select_n3A_4954 = arith.select %ne3A_20, %add3A_4002, %add3A_3911 : vector<16xi1>, vector<16xf32>
        %select_n3A_4955 = arith.select %ne3A_20, %add3A_4184, %add3A_4093 : vector<16xi1>, vector<16xf32>
        %select_n3A_4956 = arith.select %ne3A_20, %add3A_4366, %add3A_4275 : vector<16xi1>, vector<16xf32>
        %select_n3A_4957 = arith.select %ne3A_20, %add3A_4587, %add3A_4496 : vector<16xi1>, vector<16xf32>
        %select_n3A_4958 = arith.select %ne3A_20, %add3A_4769, %add3A_4678 : vector<16xi1>, vector<16xf32>
        %select_n3A_4959 = arith.select %ne3A_20, %add3A_4951, %add3A_4860 : vector<16xi1>, vector<16xf32>
        %select_n3A_4960 = arith.select %ne3A_26, %select_n3A_4953, %select_n3A_4952 : vector<16xi1>, vector<16xf32>
        %select_n3A_4961 = arith.select %ne3A_26, %select_n3A_4955, %select_n3A_4954 : vector<16xi1>, vector<16xf32>
        %select_n3A_4962 = arith.select %ne3A_26, %select_n3A_4957, %select_n3A_4956 : vector<16xi1>, vector<16xf32>
        %select_n3A_4963 = arith.select %ne3A_26, %select_n3A_4959, %select_n3A_4958 : vector<16xi1>, vector<16xf32>
        %select_n3A_4964 = arith.select %ne3A_32, %select_n3A_4961, %select_n3A_4960 : vector<16xi1>, vector<16xf32>
        %select_n3A_4965 = arith.select %ne3A_32, %select_n3A_4963, %select_n3A_4962 : vector<16xi1>, vector<16xf32>
        %select_n3A_4966 = arith.select %ne3A_38, %select_n3A_4965, %select_n3A_4964 : vector<16xi1>, vector<16xf32>
        %abs3A_4967 = math.absf %select_n3A_4966 : vector<16xf32>
        %neg3A_4968 = arith.constant 0.000000e+00 : f32
        %neg3A_4969 = vector.broadcast %neg3A_4968 : f32 to vector<16xf32>
        %neg3A_4970 = arith.subf %neg3A_4969, %abs3A_4967 : vector<16xf32>
        %exp3A_4971 = math.exp %neg3A_4970 : vector<16xf32>
        %mul3A_4972 = arith.mulf %exp3A_4971, %exp3A_4971 : vector<16xf32>
        %mul3A_4973 = arith.mulf %mul3A_4972, %mul3A_4972 : vector<16xf32>
        %mul3A_4974 = arith.constant -0.499963552 : f32
        %mul3A_4975 = vector.broadcast %mul3A_4974 : f32 to vector<16xf32>
        %mul3A_4976 = arith.mulf %mul3A_4975, %exp3A_4971 : vector<16xf32>
        %add3A_4977 = arith.constant 0.999999523 : f32
        %add3A_4978 = vector.broadcast %add3A_4977 : f32 to vector<16xf32>
        %add3A_4979 = arith.addf %add3A_4978, %mul3A_4976 : vector<16xf32>
        %mul3A_4980 = arith.constant -0.244533896 : f32
        %mul3A_4981 = vector.broadcast %mul3A_4980 : f32 to vector<16xf32>
        %mul3A_4982 = arith.mulf %mul3A_4981, %exp3A_4971 : vector<16xf32>
        %add3A_4983 = arith.constant 0.332652569 : f32
        %add3A_4984 = vector.broadcast %add3A_4983 : f32 to vector<16xf32>
        %add3A_4985 = arith.addf %add3A_4984, %mul3A_4982 : vector<16xf32>
        %mul3A_4986 = arith.mulf %mul3A_4972, %add3A_4985 : vector<16xf32>
        %add3A_4987 = arith.addf %add3A_4979, %mul3A_4986 : vector<16xf32>
        %mul3A_4988 = arith.constant -0.106799312 : f32
        %mul3A_4989 = vector.broadcast %mul3A_4988 : f32 to vector<16xf32>
        %mul3A_4990 = arith.mulf %mul3A_4989, %exp3A_4971 : vector<16xf32>
        %add3A_4991 = arith.constant 0.176598653 : f32
        %add3A_4992 = vector.broadcast %add3A_4991 : f32 to vector<16xf32>
        %add3A_4993 = arith.addf %add3A_4992, %mul3A_4990 : vector<16xf32>
        %mul3A_4994 = arith.constant -8.466410e-03 : f32
        %mul3A_4995 = vector.broadcast %mul3A_4994 : f32 to vector<16xf32>
        %mul3A_4996 = arith.mulf %mul3A_4995, %exp3A_4971 : vector<16xf32>
        %add3A_4997 = arith.constant 0.0436592884 : f32
        %add3A_4998 = vector.broadcast %add3A_4997 : f32 to vector<16xf32>
        %add3A_4999 = arith.addf %add3A_4998, %mul3A_4996 : vector<16xf32>
        %mul3A_5000 = arith.mulf %mul3A_4972, %add3A_4999 : vector<16xf32>
        %add3A_5001 = arith.addf %add3A_4993, %mul3A_5000 : vector<16xf32>
        %mul3A_5002 = arith.mulf %mul3A_4973, %add3A_5001 : vector<16xf32>
        %add3A_5003 = arith.addf %add3A_4987, %mul3A_5002 : vector<16xf32>
        %mul3A_5004 = arith.mulf %exp3A_4971, %add3A_5003 : vector<16xf32>
        %mul3A_5005 = arith.mulf %select_n3A_4966, %broadcast_in_dim3A_122 : vector<16xf32>
        %max3A_5006 = arith.constant 0.000000e+00 : f32
        %max3A_5007 = vector.broadcast %max3A_5006 : f32 to vector<16xf32>
        %max3A_5008 = arith.maximumf %mul3A_5005, %max3A_5007 : vector<16xf32>
        %add3A_5009 = arith.addf %mul3A_5004, %max3A_5008 : vector<16xf32>
        %get3A_5010 = arith.constant 0 : i32
        %get3A_5011 = arith.index_cast %get3A_5010 : i32 to index
        %get3A_5012 = arith.constant 0 : index
        %get3A_5013 = tpu.vector_load %arg8[%get3A_5011, %get3A_5012] {strides = array<i32>} : memref<8x128xf32, #tpu.memory_space<vmem>>, vector<1x16xf32>,
        %get3A_5014 = vector.shape_cast %get3A_5013 : vector<1x16xf32> to vector<16xf32>
        %mul3A_5015 = arith.mulf %add3A_5009, %broadcast_in_dim3A_123 : vector<16xf32>
        %add3A_5016 = arith.addf %get3A_5014, %mul3A_5015 : vector<16xf32>
        %swap3A_5017 = arith.constant 0 : i32
        %swap3A_5018 = arith.index_cast %swap3A_5017 : i32 to index
        %swap3A_5019 = arith.constant 0 : index
        %swap3A_5020 = tpu.vector_load %arg8[%swap3A_5018, %swap3A_5019] {strides = array<i32>} : memref<8x128xf32, #tpu.memory_space<vmem>>, vector<1x16xf32>,
        %swap3A_5021 = vector.shape_cast %swap3A_5020 : vector<1x16xf32> to vector<16xf32>
        %swap3A_5022 = vector.shape_cast %add3A_5016 : vector<16xf32> to vector<1x16xf32>
        tpu.vector_store %arg8[%swap3A_5018, %swap3A_5019], %swap3A_5022 {strides = array<i32>} : memref<8x128xf32, #tpu.memory_space<vmem>>, vector<1x16xf32>,
      }
      %scan3A_130 = arith.constant 4 : i32
    }
    %scan3A_87 = arith.constant 96 : i32
    %mul3A_88 = arith.constant 8 : i32
    %mul3A_89 = arith.muli %add3A, %mul3A_88 : i32
    %multiple_of3A_90 = tpu.assume_multiple %mul3A_89, 8 : i32
    "tpu.region"() ({
      %run_scoped3A = tpu.sem_alloc : memref<!tpu.dma_semaphore, #tpu.memory_space<semaphore_mem>>
      %dma_start3A_91 = arith.constant 0 : i32
      %dma_start3A_92 = tpu.memref_slice %arg5[%multiple_of3A_90, %dma_start3A_91] : memref<256x128xf32, #tpu.memory_space<hbm>> -> memref<8x128xf32, #tpu.memory_space<hbm>>
      %dma_start3A_93 = arith.constant 0 : i32
      %dma_start3A_94 = tpu.memref_slice %arg5[%multiple_of3A_90, %dma_start3A_93] : memref<256x128xf32, #tpu.memory_space<hbm>> -> memref<8x128xf32, #tpu.memory_space<hbm>>
      tpu.enqueue_dma source(%arg8 : memref<8x128xf32, #tpu.memory_space<vmem>>) target(%dma_start3A_94 : memref<8x128xf32, #tpu.memory_space<hbm>>) target_semaphore(%run_scoped3A : memref<!tpu.dma_semaphore, #tpu.memory_space<semaphore_mem>>)
      %dma_wait3A = arith.constant 0 : i32
      %dma_wait3A_95 = tpu.memref_slice %arg5[%multiple_of3A_90, %dma_wait3A] : memref<256x128xf32, #tpu.memory_space<hbm>> -> memref<8x128xf32, #tpu.memory_space<hbm>>
      %dma_wait3A_96 = arith.constant 0 : i32
      %dma_wait3A_97 = tpu.memref_slice %arg5[%multiple_of3A_90, %dma_wait3A_96] : memref<256x128xf32, #tpu.memory_space<hbm>> -> memref<8x128xf32, #tpu.memory_space<hbm>>
      tpu.wait_dma2 semaphore(%run_scoped3A : memref<!tpu.dma_semaphore, #tpu.memory_space<semaphore_mem>>) src(%arg8 : memref<8x128xf32, #tpu.memory_space<vmem>>) dst(%dma_wait3A_97 : memref<8x128xf32, #tpu.memory_space<hbm>>)
      tpu.yield
    }) : () -> ()
    return
  }
}

</mosaic_0001>

<sc_bundles>
// kernel: kernel.3.cloned.1.call-start
scs
__scs_entry_jumppad:
0x0: {  	(pc) =	sbr.rel $0x88, $3  }
0x1: {  	(tag) =	ssettag $0x0;
	lr =	simm.s32 $0x1  }
0x2: {  	[smem:$0x3F9E] =	sst lr;
	_ =	strace $0xD0000000  }
0x3: {  	_ = 	snop  }
0x4: {  	_ = 	snop  }
0x5: {  	_ = 	snop  }
0x6: {  	_ = 	snop  }
0x7: {  	_ = 	snop  }
__scs_overlays_trampoline_lowered:
0x8: {  	[smem:$0x3FAD] =	sst s0  }
0x9: {  	[smem:$0x3FAE] =	sst s1  }
0xa: {  	[smem:$0x3FAF] =	sst s2  }
0xb: {  	[smem:$0x3FB0] =	sst s3  }
0xc: {  	[smem:$0x3FB1] =	sst s4  }
0xd: {  	[smem:$0x3FB2] =	sst s5  }
0xe: {  	[smem:$0x3FB3] =	sst s6  }
0xf: {  	[smem:$0x3FB4] =	sst s7  }
0x10: {  	[smem:$0x3FB5] =	sst s8  }
0x11: {  	[smem:$0x3FB6] =	sst s9;
	s0 =	simm.s32 @!p0 $0x0  }
0x12: {  	s1 =	sld [smem:$0x3F9C];
	s0 =	simm.s32 @p0 $0x1  }
0x13: {  	[smem:$0x3FB7] =	sst s0;
	s0 =	simm.s32 @!p1 $0x0  }
0x14: {  	s2 =	sld [smem:$0x3F9B];
	s0 =	simm.s32 @p1 $0x1  }
0x15: {  	[smem:$0x3FB8] =	sst s0;
	s0 =	simm.s32 @!p2 $0x0  }
0x16: {  	s3 =	sld [smem:$0x3FDB];
	s0 =	simm.s32 @p2 $0x1  }
0x17: {  	s4 =	simm.s32 $0x1BF5;
	[smem:$0x3FBA] =	sst s0  }
0x18: {  	s0 =	sld [smem:$0x3F9D];
	_ =	swait.ge [sflag:s4], $0x0  }
0x19: {  	s7 =	sld [smem:$0x3F9E]  }
0x1a: {  	s8 =	sadd.s32 $0xFFFFE003, lr  }
0x1b: {  	s9 =	sadd.s32 $0xFFFFFEF7, lr;
	s5 =	simm.s32 $0xFFFFFFFF;
	p2 =	slt.u32 s8, $0xFFFFF086  }
0x1c: {  	p1 =	slt.u32 s9, $0xF7A;
	s5 =	simm.s32 @!p2 $0x0  }
0x1d: {  	s5 =	simm.s32 @p1 $0x1;
	p0 =	seq.s32 s7, s2  }
0x1e: {  	s7 =	smul.u32 @!p0 $0xF7A, s2;
	p2 =	seq.s32 @!p0 s5, $0x0  }
0x1f: {  	s9 =	smul.u32 $0xF7A, s1;
	s8 =	simm.s32 @!p0 $0x1BF5;
	p2 =	por !p2, p0  }
0x20: {  	[sflag:s8] =	ssyncset.s32 @!p0 $0xFFFFF086;
	s6 =	sadd.s32 @!p0 s3, s7;
	s7 =	simm.s32 @!p0 $0x108  }
0x21: {  	s3 =	sadd.s32 s3, s9;
	s6 =	sadd.s32 @!p0 $0x88, s6;
	s7 =	simm.s32 @p2 $0x1082  }
0x22: {  	[simem:s7], [sflag:s8] =	dma.local @!p0 [hbm:s6], $0xF7A  }
0x23: {  	s9 =	sor.u32 $0xD0000000, s2;
	s6 =	simm.s32 $0x108;
	_ =	swait.ge @!p0 [sflag:s8], $0x0  }
0x24: {  	s3 =	sadd.s32 $0x88, s3;
	s6 =	simm.s32 @!p1 $0x1082;
	[sflag:s4] =	ssyncset.s32 $0xFFFFF086  }
0x25: {  	[simem:s6], [sflag:s4] =	dma.local [hbm:s3], $0xF7A  }
0x26: {  	[smem:$0x3F9E] =	sst s1;
	(tag) =	ssettag s2;
	_ =	strace s9  }
0x27: {  	s1 =	sld [smem:$0x3FAE]  }
0x28: {  	s2 =	sld [smem:$0x3FAF]  }
0x29: {  	s4 =	sld [smem:$0x3FB1]  }
0x2a: {  	p0 =	seq.s32 s5, $0x0;
	s5 =	sld [smem:$0x3FB2]  }
0x2b: {  	s6 =	sld [smem:$0x3FB3]  }
0x2c: {  	s7 =	sld [smem:$0x3FB4]  }
0x2d: {  	s3 =	simm.s32 $0x108;
	s8 =	sld [smem:$0x3FB5]  }
0x2e: {  	s3 =	simm.s32 @!p0 $0x1082;
	s9 =	sld [smem:$0x3FB6]  }
0x2f: {  	lr =	sadd.s32 s0, s3;
	s0 =	sld [smem:$0x3FAD]  }
0x30: {  	s3 =	sld [smem:$0x3FB0]  }
0x31: {  	[smem:$0x3FB9] =	sst s10  }
0x32: {  	s10 =	sld [smem:$0x3FB7];
	_ =	sdelay $0x3  }
0x33: {  	p0 =	seq.s32 s10, $0x1;
	s10 =	sld [smem:$0x3FB9];
	_ =	sdelay $0x3  }
0x34: {  	[smem:$0x3FB9] =	sst s10  }
0x35: {  	s10 =	sld [smem:$0x3FB8];
	_ =	sdelay $0x3  }
0x36: {  	p1 =	seq.s32 s10, $0x1;
	s10 =	sld [smem:$0x3FB9];
	_ =	sdelay $0x3  }
0x37: {  	[smem:$0x3FB9] =	sst s10  }
0x38: {  	s10 =	sld [smem:$0x3FBA]  }
0x39: {  	_ = 	snop;
	(pc) =	sbr.ind lr, $3  }
0x3a: {  	_ = 	snop  }
0x3b: {  	_ = 	snop  }
0x3c: {  	p2 =	seq.s32 s10, $0x1;
	s10 =	sld [smem:$0x3FB9]  }
0x3d: {  	_ =	shalt  }
0x3e: {  	_ =	shalt  }
0x3f: {  	_ =	shalt  }
0x40: {  	_ =	shalt  }
0x41: {  	_ =	shalt  }
0x42: {  	_ =	shalt  }
0x43: {  	_ =	shalt  }
0x44: {  	_ =	shalt  }
0x45: {  	_ =	shalt  }
0x46: {  	_ =	shalt  }
0x47: {  	_ =	shalt  }
0x48: {  	_ =	shalt  }
0x49: {  	_ =	shalt  }
0x4a: {  	_ =	shalt  }
0x4b: {  	_ =	shalt  }
0x4c: {  	_ =	shalt  }
0x4d: {  	_ =	shalt  }
0x4e: {  	_ =	shalt  }
0x4f: {  	_ =	shalt  }
0x50: {  	_ =	shalt  }
0x51: {  	_ =	shalt  }
0x52: {  	_ =	shalt  }
0x53: {  	_ =	shalt  }
0x54: {  	_ =	shalt  }
0x55: {  	_ =	shalt  }
0x56: {  	_ =	shalt  }
0x57: {  	_ =	shalt  }
0x58: {  	_ =	shalt  }
0x59: {  	_ =	shalt  }
0x5a: {  	_ =	shalt  }
0x5b: {  	_ =	shalt  }
0x5c: {  	_ =	shalt  }
0x5d: {  	_ =	shalt  }
0x5e: {  	_ =	shalt  }
0x5f: {  	_ =	shalt  }
0x60: {  	_ =	shalt  }
0x61: {  	_ =	shalt  }
0x62: {  	_ =	shalt  }
0x63: {  	_ =	shalt  }
0x64: {  	_ =	shalt  }
0x65: {  	_ =	shalt  }
0x66: {  	_ =	shalt  }
0x67: {  	_ =	shalt  }
0x68: {  	_ =	shalt  }
0x69: {  	_ =	shalt  }
0x6a: {  	_ =	shalt  }
0x6b: {  	_ =	shalt  }
0x6c: {  	_ =	shalt  }
0x6d: {  	_ =	shalt  }
0x6e: {  	_ =	shalt  }
0x6f: {  	_ =	shalt  }
0x70: {  	_ =	shalt  }
0x71: {  	_ =	shalt  }
0x72: {  	_ =	shalt  }
0x73: {  	_ =	shalt  }
0x74: {  	_ =	shalt  }
0x75: {  	_ =	shalt  }
0x76: {  	_ =	shalt  }
0x77: {  	_ =	shalt  }
0x78: {  	_ =	shalt  }
0x79: {  	_ =	shalt  }
0x7a: {  	_ =	shalt  }
0x7b: {  	_ =	shalt  }
0x7c: {  	_ =	shalt  }
0x7d: {  	_ =	shalt  }
0x7e: {  	_ =	shalt  }
0x7f: {  	_ =	shalt  }
0x80: {  	_ =	shalt  }
0x81: {  	_ =	shalt  }
0x82: {  	_ =	shalt  }
0x83: {  	_ =	shalt  }
0x84: {  	_ =	shalt  }
0x85: {  	_ =	shalt  }
0x86: {  	_ =	shalt  }
0x87: {  	_ =	shalt  }
.Lfunc_end0:
.L_simem_size_0:
called_computation_lowered:
.L_overlay_start_0:
0x88: {  	s2 =	sld [smem:$0x3FD9]  }
0x89: {  	s3 =	sld [smem:$0x3FFE];
	_ =	sdelay $0x1  }
0x8a: {  	s1 =	srdreg.scid  }
0x8b: {  	s0 =	sand.u32 $0x1, s1  }
0x8c: {  	s17 =	sshll.u32 s0, $0xA;
	s2 =	sadd.s32 s3, s2  }
0x8d: {  	s2 =	sadd.s32 s2, s17  }
0x8e: {  	[smem:$0x3FC5] =	sst s2  }
0x8f: {  	_ = 	snop  }
0x90: {  	s2 =	sld [smem:$0x3FC9];
	(tm) =	ssettm $0x1  }
0x91: {  	s18 =	sld [smem:$0x3FFB];
	_ =	sdelay $0x3  }
0x92: {  	_ =	strace s18  }
0x93: {  	s3 =	sld [smem:$0x3FFC];
	_ =	sdelay $0x3  }
0x94: {  	_ =	strace s3  }
0x95: {  	s3 =	sld [smem:$0x3FFD];
	_ =	sdelay $0x3  }
0x96: {  	_ =	strace s3  }
0x97: {  	_ =	strace $0x8FFFFFFF  }
0x98: {  	s19 =	sld [smem:$0x3FDB];
	_ =	sdelay $0x1  }
0x99: {  	s4 =	simm.s32 $_scs_section_size  }
0x9a: {  	s5 =	simm.s32 $_size__tile_overlayer_lowered;
	s6 =	simm.s32 $_tile_overlayer_lowered  }
0x9b: {  	s22 =	simm.s32 $0x1BFF;
	s21 =	sshll.u32 s6, $0x1;
	s3 =	sadd.s32 s4, s19  }
0x9c: {  	s7 =	simm.s32 $0x0;
	s20 =	sshll.u32 s5, $0x1;
	s5 =	sadd.s32 s21, s3  }
0x9d: {  	[timem:s7], [sflag:s22] =	dma.local [hbm:s5], s20  }
0x9e: {  	_ =	swait.ge [sflag:s22], s20  }
0x9f: {  	s4 =	ssub.s32 $0x0, s20;
	[sflag:s22] =	ssyncset.done $0x0  }
0xa0: {  	[sflag:s22] =	ssyncadd.s32 s4;
	_ =	sdelay $0x1  }
0xa1: {  	s23 =	simm.s32 $0x1B8B  }
0xa2: {  	_ =	swait.ge [sflag:s23], $0x1  }
0xa3: {  	[sflag:s23] =	ssyncset.done $0x0  }
0xa4: {  	s25 =	simm.s32 $0x1B8E;
	s24 =	sld [smem:$0x3FFE];
	[sflag:s23] =	ssyncadd.s32 $0xFFFFFFFF  }
0xa5: {  	s26 =	simm.s32 $execute0_lowered;
	[smem:$0x3FD2] =	sst s25  }
0xa6: {  	s5 =	sshll.u32 s26, $0x1;
	_ =	strace $0x80000046;
	[dreg:$0x1] =	wrdreg $0xFFFFFFFF  }
0xa7: {  	s28 =	simm.s32 $_size_execute0_lowered;
	s3 =	sadd.s32 s3, s5;
	[dreg:$0x0] =	wrdreg $0x0  }
0xa8: {  	s5 =	sshll.u32 s28, $0x1;
	[dreg:$0x2] =	wrdreg s3  }
0xa9: {  	[dreg:$0x3] =	wrdreg s5  }
0xaa: {  	[dreg:$0x4] =	wrdreg $0xC0  }
0xab: {  	_ =	task [dreg:s7], $0x5FFFF  }
0xac: {  	[dreg:$0x1] =	wrdreg $0xFFFFFFFF  }
0xad: {  	[dreg:$0x0] =	wrdreg $0x60  }
0xae: {  	[dreg:$0x2] =	wrdreg s2  }
0xaf: {  	[dreg:$0x3] =	wrdreg s24  }
0xb0: {  	[dreg:$0x4] =	wrdreg $0x9  }
0xb1: {  	_ =	task.clear_ibuf [dreg:s7], $0x5FFFF;
	_ =	strace $0x90000046  }
0xb2: {  	s29 =	simm.s32 $0x9;
	_ =	strace $0x80000048  }
0xb3: {  	_ =	swait.ge [sflag:s29], $0x1  }
0xb4: {  	[sflag:s29] =	ssyncadd.s32 $0xFFFFFFFF  }
0xb5: {  	_ =	strace $0x90000048  }
0xb6: {  	_ =	sfence  }
0xb7: {  	s30 =	sld [smem:$0x0];
	_ =	sdelay $0x2  }
0xb8: {  	s31 =	sshll.u32 s1, $0xD;
	s1 =	sshrl.u32 s1, $0x2  }
0xb9: {  	s3 =	sand.u32 $0x4000, s31;
	s1 =	sadd.s32 s1, s30  }
0xba: {  	s0 =	sor.u32 s3, s0;
	s1 =	sshll.u32 s1, $0x11  }
0xbb: {  	s0 =	sor.u32 s1, s0  }
0xbc: {  	s0 =	sadd.s32 $0x8F2B, s0  }
0xbd: {  	[sflag:s0] =	ssyncadd.remote.s32 $0x1  }
0xbe: {  	_ =	sfence.sel $0xFFFF  }
0xbf: {  	[dreg:$0x0] =	wrdreg $0xFFFFFFFF;
	(pc) =	sbr.abs _section_cstart, $3  }
0xc0: {  	[dreg:$0x1] =	wrdreg $0xFFFFFFFF  }
0xc1: {  	_ =	task.clear_ibuf [dreg:s7], $0x2FFFF;
	_ =	strace $0x9FFFFFFF  }
0xc2: {  	(tm) =	ssettm $0x7FFFFFFF  }
0xc3: {  	_ =	shalt  }
tec
execute0_lowered:
.L_overlay_start_1:
0x0: {  	(tag) =	ssettag $0x1  }
0x1: {  	v0 =	vimm.s32 $0xFEDCBA98;
	v1 =	vimm.s32 $0x76543210  }
0x2: {  	v2 =	vimm.s32 $0xBA98FEDC;
	v3 =	vimm.s32 $0x32107654;
	v4 =	vimm.s32 $0xDCFE98BA  }
0x3: {  	v5 =	vimm.s32 $0x54761032;
	v6 =	vimm.s32 $0xEFCDAB89;
	v7 =	vimm.s32 $0x67452301  }
0x4: {  	vm0 =	vmmov $0x1;
	vm1 =	vcmask $0xB08;
	vm2 =	vcmask $0x1310  }
0x5: {  	s0 =	rddreg [dreg:$0x0];
	s1 =	srdreg.scid;
	vm3 =	vcmask $0x1B18;
	vm4 =	vcmask $0x2320;
	vm5 =	vcmask $0x2B28  }
0x6: {  	s3 =	stileid.u32;
	s2 =	rddreg [dreg:$0x1];
	s8 =	simm.s32 $0x4;
	vm6 =	vcmask $0x3330;
	vm7 =	vcmask $0x3B38;
	vm8 =	vmmov $0x3  }
0x7: {  	s10 =	simm.s32 $0x80;
	s11 =	simm.s32 $0x5400;
	s12 =	simm.s32 $0x60;
	vm9 =	vcmask $0x1710;
	vm10 =	vcmask $0x2720;
	vm11 =	vcmask $0x3730  }
0x8: {  	s13 =	simm.s32 $0x9400;
	s15 =	simm.s32 $0xC400;
	s16 =	simm.s32 $0x160;
	v0 =	vunpack.c.l.s4.s8 v0;
	v1 =	vunpack.c.l.s4.s8 v1;
	v2 =	vunpack.c.l.s4.s8 v2  }
0x9: {  	s17 =	simm.s32 $0x10400;
	s18 =	simm.s32 $0x13400;
	s19 =	simm.s32 $0x17400;
	v3 =	vunpack.c.l.s4.s8 v3;
	v4 =	vunpack.c.l.s4.s8 v4;
	v5 =	vunpack.c.l.s4.s8 v5  }
0xa: {  	s20 =	simm.s32 $0x1A400;
	s1 =	sand.u32 $0x1, s1;
	s4 =	sshll.u32 s3, $0x1;
	v6 =	vunpack.c.l.s4.s8 v6;
	v7 =	vunpack.c.l.s4.s8 v7;
	v0 =	vunpack.c.0.s8.s32 v0  }
0xb: {  	s21 =	simm.s32 $0x0;
	s3 =	simm.s32 $0x0;
	s4 =	sor.u32 s1, s4;
	v2 =	vunpack.c.0.s8.s32 v2;
	v3 =	vunpack.c.0.s8.s32 v3;
	v4 =	vunpack.c.0.s8.s32 v4  }
0xc: {  	[smem:$0x7FF] =	sst s3;
	s1 =	ssub.s32 $0x2, s1;
	s5 =	smul.u32 $0x1C0, s4;
	v5 =	vunpack.c.0.s8.s32 v5;
	v6 =	vunpack.c.0.s8.s32 v6;
	v7 =	vunpack.c.0.s8.s32 v7  }
0xd: {  	vm12 =	vmmov $0xf;
	_ =	strace $0x80000047;
	s6 =	smul.u32 $0x8C0, s4;
	v1 =	vunpack.c.0.s8.s32 v1;
	s7 =	sshrl.u32 s1, $0x1;
	v2 =	vcombine.low v3, v2  }
0xe: {  	s4 =	sshll.u32 s4, $0x7;
	s1 =	ssub.s32 s1, s7;
	v3 =	vcombine.low v5, v4;
	s5 =	sadd.s32 s5, s2;
	v4 =	vand.u32 $0xF, v0;
	v5 =	vcombine.low v7, v6  }
0xf: {  	vm13 =	vcmask $0x2F20;
	vm14 =	vmmov $0xff;
	s6 =	sadd.s32 s6, s2;
	s2 =	sadd.s32 s4, s2;
	s7 =	smax.u32 s1, $0x1;
	v1 =	vcombine.low v4, v1  }
0x10: {  	s4 =	sadd.s32 $0x200, s5;
	s5 =	sadd.s32 $0x140200, s6;
	s6 =	sadd.s32 $0x3A00, s2;
	v2 =	vand.u32 $0xF, v2;
	v3 =	vand.u32 $0xF, v3;
	v4 =	vand.u32 $0xF, v5  }
.LBB2_1:
0x11: {  	v0 =	vimm.f32 $0.0e+00  }
0x12: {  	[tilespmem:$0x1A400] =	vst v0  }
0x13: {  	[tilespmem:s3], [sflag:$0x4] =	stream.linear.gather [hbm4b:s4+s3], $0xE00, $0x38;
	[tilespmem:$0x1A800] =	vst v63  }
0x14: {  	_ =	swait.ge [sflag:s8], $0xE00  }
0x15: {  	[sflag:s8] =	ssyncset.done $0x0  }
0x16: {  	s1 =	simm.s32 $0xE00;
	[sflag:s8] =	ssyncadd.s32 $0xFFFFF200  }
0x17: {  	[tilespmem:s1], [sflag:$0x4] =	stream.linear.gather [hbm4b:s5+s3], $0x4600, $0x38;
	[tilespmem:$0x1A800] =	vst v63  }
0x18: {  	_ =	swait.ge [sflag:s8], $0x4600  }
0x19: {  	[sflag:s8] =	ssyncset.done $0x0  }
0x1a: {  	[sflag:s8] =	ssyncadd.s32 $0xFFFFBA00  }
0x1b: {  	[tilespmem:s11], [sflag:$0x1] =	stream.indirect.gather [hbm4b:s0+s10], $0x80, s3, s10, $0xb8;
	[tilespmem:$0x1A800] =	vst v63  }
0x1c: {  	_ = 	snop  }
0x1d: {  	[tilespmem:s13], [sflag:$0x1] =	stream.indirect.gather [hbm4b:s0+s12], $0x80, s10, s12, $0xb8;
	[tilespmem:$0x1A800] =	vst v63  }
0x1e: {  	s31 =	simm.s32 $0xE0  }
0x1f: {  	[tilespmem:s15], [sflag:$0x2] =	stream.indirect.gather [hbm4b:s0+s10], $0x80, s31, s10, $0xb8;
	[tilespmem:$0x1A800] =	vst v63  }
0x20: {  	s22 =	simm.s32 $0x0  }
0x21: {  	[tilespmem:s17], [sflag:$0x2] =	stream.indirect.gather [hbm4b:s0+s12], $0x80, s16, s12, $0xb8;
	[tilespmem:$0x1A800] =	vst v63  }
.LBB2_2:
0x22: {  	p0 =	sgt.u32 s22, $0x5D  }
.Ltmp0:
0x23: {  	_ = 	snop;
	(pc) =	sbr.rel @p0 .LBB2_6-.Ltmp0, $1  }
0x24: {  	_ =	sdelay $0x3  }
0x25: {  	s1 =	sadd.s32 $0x2, s22  }
0x26: {  	s2 =	smul.u32 $0xAB, s1;
	_ =	sdelay $0x1  }
0x27: {  	s2 =	sshrl.u32 s2, $0x9  }
0x28: {  	s2 =	sand.u32 $0x7F, s2  }
0x29: {  	s2 =	smul.u32 $0x3, s2;
	_ =	sdelay $0x1  }
0x2a: {  	s2 =	ssub.s32 s1, s2  }
0x2b: {  	s9 =	sand.u32 $0xFF, s2  }
0x2c: {  	p0 =	seq.s32 s9, $0x2  }
.Ltmp1:
0x2d: {  	_ = 	snop;
	(pc) =	sbr.rel @p0 .LBB2_5-.Ltmp1, $3  }
0x2e: {  	s1 =	smul.u32 $0x380, s1;
	_ =	sdelay $0x1  }
0x2f: {  	s2 =	sshra.s32 s1, $0x2  }
0x30: {  	s1 =	sadd.s32 $0x80, s2  }
0x31: {  	p0 =	seq.s32 s9, $0x1  }
0x32: {  	[tilespmem:s15], [sflag:$0x2] =	stream.indirect.gather @p0 [hbm4b:s0+s10], $0x80, s2, s10, $0xb8;
	[tilespmem:$0x1A800] =	vst v63  }
0x33: {  	_ = 	snop  }
0x34: {  	[tilespmem:s17], [sflag:$0x2] =	stream.indirect.gather @p0 [hbm4b:s0+s12], $0x80, s1, s12, $0xb8;
	[tilespmem:$0x1A800] =	vst v63  }
.Ltmp2:
0x35: {  	_ = 	snop;
	(pc) =	sbr.rel .LBB2_6-.Ltmp2, $4  }
0x36: {  	_ = 	snop  }
0x37: {  	[tilespmem:s11], [sflag:$0x1] =	stream.indirect.gather @!p0 [hbm4b:s0+s10], $0x80, s2, s10, $0xb8;
	[tilespmem:$0x1A800] =	vst v63  }
0x38: {  	_ = 	snop  }
0x39: {  	[tilespmem:s13], [sflag:$0x1] =	stream.indirect.gather @!p0 [hbm4b:s0+s12], $0x80, s1, s12, $0xb8;
	[tilespmem:$0x1A800] =	vst v63  }
.LBB2_5:
0x3a: {  	[tilespmem:s18], [sflag:$0x3] =	stream.indirect.gather [hbm4b:s0+s10], $0x80, s2, s10, $0xb8;
	[tilespmem:$0x1A800] =	vst v63  }
0x3b: {  	_ = 	snop  }
0x3c: {  	[tilespmem:s19], [sflag:$0x3] =	stream.indirect.gather [hbm4b:s0+s12], $0x80, s1, s12, $0xb8;
	[tilespmem:$0x1A800] =	vst v63  }
.LBB2_6:
0x3d: {  	s1 =	smul.u32 $0xAB, s22;
	_ =	sdelay $0x1  }
0x3e: {  	s1 =	sshrl.u32 s1, $0x9  }
0x3f: {  	s1 =	sand.u32 $0x7F, s1  }
0x40: {  	s1 =	smul.u32 $0x3, s1;
	_ =	sdelay $0x1  }
0x41: {  	s1 =	ssub.s32 s22, s1  }
0x42: {  	s1 =	sand.u32 $0xFF, s1  }
0x43: {  	p0 =	seq.s32 s1, $0x0  }
0x44: {  	p1 =	seq.s32 @!p0 s1, $0x2  }
0x45: {  	p1 =	por !p1, p0  }
0x46: {  	s2 =	simm.s32 @!p1 $0x3  }
0x47: {  	s23 =	smul.u32 $0xE0, s1;
	s2 =	simm.s32 @p1 $0x2  }
0x48: {  	s9 =	simm.f32 $-1.000000000e+00;
	s2 =	simm.s32 @p0 $0x1  }
0x49: {  	s1 =	simm.f32 $1.017252630e-05;
	s24 =	sor.u32 $0x7, s23;
	_ =	swait.ge [sflag:s2], $0x4000  }
0x4a: {  	s25 =	sor.u32 $0xE, s23;
	s26 =	sor.u32 $0x15, s23;
	[sflag:s2] =	ssyncset.done $0x0  }
0x4b: {  	s28 =	sor.u32 $0x1C, s23;
	s29 =	sadd.s32 $0x23, s23;
	[sflag:s2] =	ssyncadd.s32 $0xFFFFC000  }
0x4c: {  	s30 =	sadd.s32 $0x2A, s23;
	p0 =	slt.u32 s22, $0x10;
	_ =	swait.ge [sflag:s2], $0x3000  }
0x4d: {  	s9 =	simm.s32 @!p0 $0x3F800000;
	s1 =	simm.s32 @!p0 $0x36088889;
	[sflag:s2] =	ssyncset.done $0x0  }
0x4e: {  	s31 =	sadd.s32 $0x31, s23;
	v5 =	vmov s9;
	v6 =	vmov s1;
	[sflag:s2] =	ssyncadd.s32 $0xFFFFD000;
	s2 =	simm.s32 $0x0  }
.LBB2_7:
0x4f: {  	s1 =	smul.u32 $0x38, s2;
	_ =	sdelay $0x1  }
0x50: {  	s9 =	sadd.s32 s23, s1  }
0x51: {  	s9 =	sshll.u32 s9, $0x7  }
0x52: {  	s9 =	sand.u32 $0x3FFFFF80, s9  }
0x53: {  	v13 =	vld [tilespmem:s9+$0x5400]  }
0x54: {  	v17 =	vld [tilespmem:s9+$0x5410]  }
0x55: {  	v15 =	vld [tilespmem:s9+$0x5420]  }
0x56: {  	v10 =	vld [tilespmem:s9+$0x5430]  }
0x57: {  	v16 =	vld [tilespmem:s9+$0x5440]  }
0x58: {  	v14 =	vld [tilespmem:s9+$0x5450]  }
0x59: {  	v11 =	vld [tilespmem:s9+$0x5460]  }
0x5a: {  	v12 =	vld [tilespmem:s9+$0x5470]  }
0x5b: {  	v7 =	vld [tilespmem:s9+$0x5480]  }
0x5c: {  	v8 =	vld [tilespmem:s9+$0x5490]  }
0x5d: {  	v9 =	vld [tilespmem:s9+$0x54A0]  }
0x5e: {  	v18 =	vld [tilespmem:s9+$0x54B0]  }
0x5f: {  	v19 =	vld [tilespmem:s9+$0x54C0]  }
0x60: {  	v20 =	vld [tilespmem:s9+$0x54D0]  }
0x61: {  	v21 =	vld [tilespmem:s9+$0x54E0]  }
0x62: {  	v22 =	vld [tilespmem:s9+$0x54F0]  }
0x63: {  	v23 =	vld [tilespmem:s9+$0x5500]  }
0x64: {  	v24 =	vld [tilespmem:s9+$0x5510]  }
0x65: {  	v25 =	vld [tilespmem:s9+$0x5520]  }
0x66: {  	v26 =	vld [tilespmem:s9+$0x5530]  }
0x67: {  	v29 =	vld [tilespmem:s9+$0x5540]  }
0x68: {  	v33 =	vld [tilespmem:s9+$0x5550]  }
0x69: {  	v34 =	vld [tilespmem:s9+$0x5560]  }
0x6a: {  	v35 =	vld [tilespmem:s9+$0x5570]  }
0x6b: {  	v36 =	vld [tilespmem:s9+$0x5580]  }
0x6c: {  	v37 =	vld [tilespmem:s9+$0x5590]  }
0x6d: {  	v38 =	vld [tilespmem:s9+$0x55A0]  }
0x6e: {  	v39 =	vld [tilespmem:s9+$0x55B0]  }
0x6f: {  	v40 =	vld [tilespmem:s9+$0x55C0]  }
0x70: {  	v41 =	vld [tilespmem:s9+$0x55D0]  }
0x71: {  	v42 =	vld [tilespmem:s9+$0x55E0]  }
0x72: {  	v43 =	vld [tilespmem:s9+$0x55F0]  }
0x73: {  	v44 =	vld [tilespmem:s9+$0x5600]  }
0x74: {  	v45 =	vld [tilespmem:s9+$0x5610]  }
0x75: {  	v46 =	vld [tilespmem:s9+$0x5620]  }
0x76: {  	v47 =	vld [tilespmem:s9+$0x5630]  }
0x77: {  	v48 =	vld [tilespmem:s9+$0x5640]  }
0x78: {  	v49 =	vld [tilespmem:s9+$0x5650]  }
0x79: {  	v50 =	vld [tilespmem:s9+$0x5660]  }
0x7a: {  	v51 =	vld [tilespmem:s9+$0x5670]  }
0x7b: {  	v52 =	vld [tilespmem:s9+$0x5680]  }
0x7c: {  	v53 =	vld [tilespmem:s9+$0x5690]  }
0x7d: {  	v31 =	vld [tilespmem:s9+$0x56A0]  }
0x7e: {  	v32 =	vld [tilespmem:s9+$0x56B0]  }
0x7f: {  	v30 =	vld [tilespmem:s9+$0x56C0]  }
0x80: {  	v54 =	vld [tilespmem:s9+$0x56E0]  }
0x81: {  	v55 =	vld [tilespmem:s9+$0x56F0]  }
0x82: {  	v7 =	vmul.f32 v7, v13;
	v27 =	vmul.f32 v9, v15;
	v9 =	vld [tilespmem:s9+$0x56D0]  }
0x83: {  	v8 =	vmul.f32 v8, v17;
	v28 =	vmul.f32 v18, v10;
	v18 =	vld [tilespmem:s9+$0x5700]  }
0x84: {  	v19 =	vmul.f32 v19, v16;
	v56 =	vmul.f32 v29, v16;
	v29 =	vld [tilespmem:s9+$0x5730]  }
0x85: {  	v21 =	vmul.f32 v21, v11;
	v58 =	vmul.f32 v33, v14;
	v33 =	vld [tilespmem:s9+$0x5740]  }
0x86: {  	v22 =	vmul.f32 v22, v12;
	v57 =	vmul.f32 v34, v11;
	v34 =	vld [tilespmem:s9+$0x5750]  }
0x87: {  	v60 =	vmul.f32 v23, v13;
	v62 =	vmul.f32 v25, v15;
	v59 =	vadd.f32 v21, v27;
	v27 =	vld [tilespmem:s9+$0x5710]  }
0x88: {  	s14 =	sadd.s32 s1, s24;
	v20 =	vmul.f32 v20, v14;
	v7 =	vadd.f32 v19, v7;
	v22 =	vadd.f32 v22, v28;
	v28 =	vld [tilespmem:s9+$0x5720]  }
0x89: {  	s14 =	sshll.u32 s14, $0x7;
	v19 =	vadd.f32 v56, v60;
	v60 =	vadd.f32 v57, v62;
	v62 =	vmul.f32 v36, v13;
	v36 =	vld [tilespmem:s9+$0x5770]  }
0x8a: {  	v7 =	vadd.f32 v59, v7;
	v59 =	vmul.f32 v35, v12;
	v35 =	vld [tilespmem:s9+$0x5760];
	s9 =	sand.u32 $0x3FFFFF80, s14  }
0x8b: {  	v8 =	vadd.f32 v20, v8;
	v23 =	vadd.f32 v60, v19;
	v19 =	vld [tilespmem:s9+$0x5400]  }
0x8c: {  	v20 =	vld [tilespmem:s9+$0x5410]  }
0x8d: {  	v61 =	vmul.f32 v24, v17;
	v63 =	vmul.f32 v26, v10;
	v8 =	vadd.f32 v22, v8;
	v22 =	vld [tilespmem:s9+$0x5430]  }
0x8e: {  	v26 =	vmul.f32 v38, v15;
	v52 =	vmul.f32 v52, v13;
	v24 =	vld [tilespmem:s9+$0x5450]  }
0x8f: {  	v31 =	vmul.f32 v31, v15;
	v30 =	vmul.f32 v30, v16;
	v25 =	vld [tilespmem:s9+$0x5470]  }
0x90: {  	v54 =	vmul.f32 v54, v11;
	v60 =	vmul.f32 v44, v13;
	v44 =	vld [tilespmem:s9+$0x5500]  }
0x91: {  	v32 =	vmul.f32 v32, v10;
	v55 =	vmul.f32 v55, v12;
	v30 =	vadd.f32 v30, v52;
	v52 =	vld [tilespmem:s9+$0x55B0]  }
0x92: {  	v49 =	vmul.f32 v49, v14;
	v21 =	vadd.f32 v58, v61;
	v31 =	vadd.f32 v54, v31;
	v54 =	vld [tilespmem:s9+$0x55C0]  }
0x93: {  	v57 =	vmul.f32 v41, v14;
	v58 =	vmul.f32 v42, v11;
	v32 =	vadd.f32 v55, v32;
	v55 =	vld [tilespmem:s9+$0x55D0]  }
0x94: {  	v9 =	vmul.f32 v9, v14;
	v14 =	vmul.f32 v34, v14;
	v34 =	vld [tilespmem:s9+$0x5630]  }
0x95: {  	v56 =	vmul.f32 v39, v10;
	v30 =	vadd.f32 v31, v30;
	v31 =	vld [tilespmem:s9+$0x5680];
	v61 =	vadd.f32 v59, v63  }
0x96: {  	v7 =	vadd.f32 v8, v7;
	v8 =	vmul.f32 v40, v16;
	v40 =	vadd.f32 v58, v26;
	v26 =	vld [tilespmem:s9+$0x5460]  }
0x97: {  	v59 =	vmul.f32 v43, v12;
	v21 =	vadd.f32 v61, v21;
	v61 =	vmul.f32 v45, v17;
	v45 =	vld [tilespmem:s9+$0x5480]  }
0x98: {  	v63 =	vmul.f32 v37, v17;
	v8 =	vadd.f32 v8, v62;
	v62 =	vmul.f32 v46, v15;
	v46 =	vld [tilespmem:s9+$0x54D0]  }
0x99: {  	v48 =	vmul.f32 v48, v16;
	v37 =	vadd.f32 v59, v56;
	v56 =	vmul.f32 v50, v11;
	v50 =	vld [tilespmem:s9+$0x5510]  }
0x9a: {  	v53 =	vmul.f32 v53, v17;
	v38 =	vadd.f32 v57, v63;
	v63 =	vmul.f32 v47, v10;
	v47 =	vld [tilespmem:s9+$0x5530]  }
0x9b: {  	v18 =	vmul.f32 v18, v13;
	v57 =	vmul.f32 v51, v12;
	v51 =	vld [tilespmem:s9+$0x5540]  }
0x9c: {  	v16 =	vmul.f32 v33, v16;
	v17 =	vmul.f32 v27, v17;
	v27 =	vld [tilespmem:s9+$0x55E0]  }
0x9d: {  	v15 =	vmul.f32 v28, v15;
	v28 =	vld [tilespmem:s9+$0x55F0]  }
0x9e: {  	v42 =	vadd.f32 v48, v60;
	v10 =	vmul.f32 v29, v10;
	v29 =	vld [tilespmem:s9+$0x5600];
	v16 =	vadd.f32 v16, v18  }
0x9f: {  	v58 =	vperm.xlane v7, v1;
	v18 =	vld [tilespmem:s9+$0x5610];
	v39 =	vadd.f32 v21, v23;
	v43 =	vadd.f32 v49, v61  }
0xa0: {  	v12 =	vmul.f32 v36, v12;
	v36 =	vld [tilespmem:s9+$0x5640];
	v41 =	vadd.f32 v56, v62;
	v59 =	vadd.f32 v57, v63  }
0xa1: {  	v11 =	vmul.f32 v35, v11;
	v35 =	vld [tilespmem:s9+$0x5670];
	v8 =	vadd.f32 v40, v8;
	v37 =	vadd.f32 v37, v38  }
0xa2: {  	v21 =	vld [tilespmem:s9+$0x5420];
	v61 =	vadd.f32 v41, v42;
	v62 =	vadd.f32 v59, v43  }
0xa3: {  	v7 =	vadd.f32 v7, v58;
	v49 =	vld [tilespmem:s9+$0x54E0];
	v60 =	vperm.xlane v39, v1;
	v8 =	vadd.f32 v37, v8  }
0xa4: {  	v53 =	vadd.f32 v9, v53;
	v23 =	vld [tilespmem:s9+$0x5440];
	v63 =	vadd.f32 v62, v61  }
0xa5: {  	v42 =	vld [tilespmem:s9+$0x54A0];
	v56 =	vperm.xlane v7, v2;
	v39 =	vadd.f32 v39, v60;
	v58 =	vperm.xlane v8, v1  }
0xa6: {  	v14 =	vadd.f32 v14, v17;
	v10 =	vadd.f32 v12, v10;
	v43 =	vld [tilespmem:s9+$0x54B0];
	v59 =	vperm.xlane v63, v1  }
0xa7: {  	v38 =	vld [tilespmem:s9+$0x5490];
	v7 =	vadd.f32 v7, v56;
	v57 =	vperm.xlane v39, v2;
	v8 =	vadd.f32 v8, v58  }
0xa8: {  	v40 =	vld [tilespmem:s9+$0x54C0];
	v17 =	vmul.f32 v45, v19;
	v49 =	vmul.f32 v49, v26;
	v37 =	vadd.f32 v63, v59  }
0xa9: {  	v41 =	vld [tilespmem:s9+$0x54F0];
	v60 =	vperm.xlane v7, v3;
	v39 =	vadd.f32 v39, v57;
	v62 =	vperm.xlane v8, v2  }
0xaa: {  	v11 =	vadd.f32 v11, v15;
	v58 =	vld [tilespmem:s9+$0x5550];
	v42 =	vmul.f32 v42, v21;
	v56 =	vperm.xlane v37, v2  }
0xab: {  	v45 =	vmul.f32 v43, v22;
	v43 =	vld [tilespmem:s9+$0x56B0];
	v61 =	vperm.xlane v39, v3;
	v48 =	vadd.f32 v8, v62  }
0xac: {  	v55 =	vmul.f32 v55, v24;
	v57 =	vld [tilespmem:s9+$0x5520];
	v7 =	vadd.f32 v7, v60;
	v37 =	vadd.f32 v37, v56  }
0xad: {  	v15 =	vadd.f32 v49, v42;
	v42 =	vld [tilespmem:s9+$0x5740];
	v39 =	vadd.f32 v39, v61;
	v59 =	vperm.xlane v48, v3  }
0xae: {  	v10 =	vadd.f32 v10, v14;
	v18 =	vmul.f32 v18, v20;
	v62 =	vld [tilespmem:s9+$0x5570];
	v60 =	vperm.xlane v37, v3  }
0xaf: {  	v8 =	vperm.xlane v7, v4;
	v61 =	vld [tilespmem:s9+$0x5560];
	v56 =	vperm.xlane v39, v4;
	v48 =	vadd.f32 v48, v59  }
0xb0: {  	v35 =	vmul.f32 v35, v25;
	v54 =	vmul.f32 v54, v23;
	v59 =	vld [tilespmem:s9+$0x55A0];
	v37 =	vadd.f32 v37, v60  }
0xb1: {  	v7 =	vadd.f32 v7, v8;
	v8 =	vadd.f32 v39, v56;
	v39 =	vld [tilespmem:s9+$0x5580];
	v60 =	vperm.xlane v48, v4  }
0xb2: {  	v11 =	vadd.f32 v11, v16;
	v43 =	vmul.f32 v43, v22;
	v56 =	vld [tilespmem:s9+$0x5590];
	v63 =	vperm.xlane v37, v4  }
0xb3: {  	v9 =	vadd.f32 v48, v60;
	v60 =	vadd.f32 v32, v53;
	v32 =	vld [tilespmem:s9+$0x5620];
	v48 =	vmul.f32 v40, v23  }
0xb4: {  	v49 =	vmul.f32 v57, v21;
	v13 =	vadd.f32 v37, v63;
	v63 =	vmul.f32 v38, v20;
	v38 =	vld [tilespmem:s9+$0x5650]  }
0xb5: {  	v57 =	vmul.f32 v61, v26;
	v53 =	vmul.f32 v46, v24;
	v12 =	vadd.f32 v48, v17;
	v17 =	vld [tilespmem:s9+$0x5660]  }
0xb6: {  	v30 =	vadd.f32 v60, v30;
	v60 =	vmul.f32 v41, v25;
	v48 =	vmul.f32 v50, v20;
	v37 =	vld [tilespmem:s9+$0x5690]  }
0xb7: {  	v50 =	vmul.f32 v51, v23;
	v51 =	vmul.f32 v58, v24;
	v41 =	vld [tilespmem:s9+$0x56A0]  }
0xb8: {  	v40 =	vadd.f32 v10, v11;
	v58 =	vmul.f32 v62, v25;
	v61 =	vmul.f32 v39, v19;
	v39 =	vld [tilespmem:s9+$0x56D0]  }
0xb9: {  	v62 =	vmul.f32 v56, v20;
	v56 =	vmul.f32 v27, v26;
	v33 =	vadd.f32 v60, v45;
	v45 =	vld [tilespmem:s9+$0x56C0]  }
0xba: {  	v16 =	vadd.f32 v53, v63;
	v63 =	vmul.f32 v44, v19;
	v11 =	vadd.f32 v51, v48;
	v48 =	vld [tilespmem:s9+$0x56F0]  }
0xbb: {  	v12 =	vadd.f32 v15, v12;
	v53 =	vmul.f32 v47, v22;
	v60 =	vadd.f32 v57, v49;
	v49 =	vld [tilespmem:s9+$0x5700]  }
0xbc: {  	v57 =	vmul.f32 v28, v25;
	v46 =	vadd.f32 v33, v16;
	v10 =	vadd.f32 v50, v63;
	v50 =	vld [tilespmem:s9+$0x5710]  }
0xbd: {  	v63 =	vmul.f32 v59, v21;
	v59 =	vadd.f32 v55, v62;
	v33 =	vld [tilespmem:s9+$0x5720];
	v62 =	vmul.f32 v36, v23  }
0xbe: {  	v36 =	vld [tilespmem:s9+$0x5770];
	v17 =	vmul.f32 v17, v26;
	v37 =	vmul.f32 v37, v20;
	v15 =	vadd.f32 v46, v12  }
0xbf: {  	v12 =	vadd.f32 v58, v53;
	v53 =	vmul.f32 v52, v22;
	v46 =	vld [tilespmem:s9+$0x56E0];
	v14 =	vadd.f32 v60, v10  }
0xc0: {  	s14 =	sadd.s32 s1, s25;
	v10 =	vadd.f32 v54, v61;
	v61 =	vmul.f32 v34, v22;
	v34 =	vld [tilespmem:s9+$0x5750];
	v52 =	vperm.xlane v40, v1  }
0xc1: {  	s14 =	sshll.u32 s14, $0x7;
	v11 =	vadd.f32 v12, v11;
	v12 =	vadd.f32 v56, v63;
	v63 =	vmul.f32 v38, v24;
	v38 =	vld [tilespmem:s9+$0x5730]  }
0xc2: {  	v41 =	vmul.f32 v41, v21;
	v39 =	vmul.f32 v39, v24;
	v44 =	vadd.f32 v35, v61;
	v35 =	vld [tilespmem:s9+$0x5760];
	s9 =	sand.u32 $0x3FFFFF80, s14  }
0xc3: {  	v58 =	vmul.f32 v29, v19;
	v60 =	vmul.f32 v32, v21;
	v28 =	vadd.f32 v40, v52;
	v52 =	vld [tilespmem:s9+$0x5480]  }
0xc4: {  	v45 =	vmul.f32 v45, v23;
	v48 =	vmul.f32 v48, v25;
	v37 =	vadd.f32 v39, v37;
	v39 =	vld [tilespmem:s9+$0x5550]  }
0xc5: {  	v23 =	vmul.f32 v42, v23;
	v27 =	vadd.f32 v57, v53;
	v21 =	vmul.f32 v33, v21;
	v33 =	vld [tilespmem:s9+$0x5560]  }
0xc6: {  	v16 =	vadd.f32 v62, v58;
	v17 =	vadd.f32 v17, v60;
	v25 =	vmul.f32 v36, v25;
	v36 =	vld [tilespmem:s9+$0x55C0]  }
0xc7: {  	v54 =	vperm.xlane v15, v1;
	v42 =	vld [tilespmem:s9+$0x55E0];
	v18 =	vadd.f32 v63, v18;
	v12 =	vadd.f32 v12, v10  }
0xc8: {  	v51 =	vperm.xlane v30, v1;
	v27 =	vadd.f32 v27, v59;
	v16 =	vadd.f32 v17, v16;
	v10 =	vld [tilespmem:s9+$0x5400]  }
0xc9: {  	v20 =	vmul.f32 v50, v20;
	v53 =	vadd.f32 v11, v14;
	v11 =	vld [tilespmem:s9+$0x5410];
	v56 =	vadd.f32 v15, v54  }
0xca: {  	v14 =	vld [tilespmem:s9+$0x5430];
	v60 =	vperm.xlane v28, v2;
	v46 =	vmul.f32 v46, v26;
	v47 =	vadd.f32 v44, v18  }
0xcb: {  	v15 =	vld [tilespmem:s9+$0x5440];
	v24 =	vmul.f32 v34, v24;
	v27 =	vadd.f32 v27, v12;
	v18 =	vadd.f32 v30, v51  }
0xcc: {  	v34 =	vld [tilespmem:s9+$0x5580];
	v55 =	vperm.xlane v53, v1;
	v61 =	vperm.xlane v56, v2;
	v28 =	vadd.f32 v28, v60  }
0xcd: {  	v12 =	vld [tilespmem:s9+$0x5420];
	v41 =	vadd.f32 v46, v41;
	v22 =	vmul.f32 v38, v22;
	v26 =	vmul.f32 v35, v26  }
0xce: {  	v44 =	vld [tilespmem:s9+$0x5490];
	v20 =	vadd.f32 v24, v20;
	v17 =	vadd.f32 v47, v16;
	v57 =	vperm.xlane v27, v1  }
0xcf: {  	v24 =	vld [tilespmem:s9+$0x55A0];
	v59 =	vperm.xlane v18, v2;
	v29 =	vadd.f32 v53, v55;
	v30 =	vadd.f32 v56, v61  }
0xd0: {  	v16 =	vld [tilespmem:s9+$0x5450];
	v60 =	vperm.xlane v28, v3;
	v21 =	vadd.f32 v26, v21;
	v22 =	vadd.f32 v25, v22  }
0xd1: {  	v56 =	vld [tilespmem:s9+$0x54C0];
	v46 =	vmul.f32 v36, v15;
	v58 =	vperm.xlane v17, v1;
	v27 =	vadd.f32 v27, v57  }
0xd2: {  	v35 =	vld [tilespmem:s9+$0x5570];
	v62 =	vadd.f32 v18, v59;
	v63 =	vperm.xlane v29, v2;
	v61 =	vperm.xlane v30, v3  }
0xd3: {  	v18 =	vld [tilespmem:s9+$0x5470];
	v28 =	vadd.f32 v28, v60;
	v34 =	vmul.f32 v34, v10;
	v32 =	vadd.f32 v17, v58  }
0xd4: {  	v38 =	vld [tilespmem:s9+$0x55F0];
	v57 =	vperm.xlane v27, v2;
	v59 =	vperm.xlane v62, v3;
	v29 =	vadd.f32 v29, v63  }
0xd5: {  	v47 =	vld [tilespmem:s9+$0x54A0];
	v30 =	vadd.f32 v30, v61;
	v61 =	vperm.xlane v28, v4;
	v24 =	vmul.f32 v24, v12  }
0xd6: {  	v55 =	vld [tilespmem:s9+$0x54E0];
	v50 =	vmul.f32 v56, v15;
	v39 =	vmul.f32 v39, v16;
	v27 =	vadd.f32 v27, v57  }
0xd7: {  	v17 =	vld [tilespmem:s9+$0x5460];
	v58 =	vperm.xlane v32, v2;
	v40 =	vadd.f32 v62, v59;
	v62 =	vperm.xlane v29, v3  }
0xd8: {  	v53 =	vld [tilespmem:s9+$0x54B0];
	v28 =	vadd.f32 v28, v61;
	v35 =	vmul.f32 v35, v18;
	v54 =	vperm.xlane v27, v3  }
0xd9: {  	v59 =	vld [tilespmem:s9+$0x54D0];
	v32 =	vadd.f32 v32, v58;
	v60 =	vperm.xlane v40, v4;
	v51 =	vadd.f32 v29, v62  }
0xda: {  	v57 =	vld [tilespmem:s9+$0x54F0];
	v38 =	vmul.f32 v38, v18;
	v62 =	vperm.xlane v30, v4;
	v54 =	vadd.f32 v27, v54  }
0xdb: {  	v61 =	vld [tilespmem:s9+$0x5500];
	v63 =	vperm.xlane v32, v3;
	v27 =	vadd.f32 v40, v60;
	v40 =	vperm.xlane v51, v4  }
0xdc: {  	v56 =	vmul.f32 v55, v17;
	v55 =	vld [tilespmem:s9+$0x5610];
	v29 =	vadd.f32 v30, v62;
	v58 =	vperm.xlane v54, v4  }
0xdd: {  	v33 =	vmul.f32 v33, v17;
	v32 =	vadd.f32 v32, v63;
	v30 =	vadd.f32 v51, v40;
	v51 =	vld [tilespmem:s9+$0x5510]  }
0xde: {  	v63 =	vmul.f32 v31, v19;
	v19 =	vmul.f32 v49, v19;
	v31 =	vadd.f32 v54, v58;
	v54 =	vld [tilespmem:s9+$0x5520]  }
0xdf: {  	v20 =	vadd.f32 v22, v20;
	v49 =	vmul.f32 v47, v12;
	v60 =	vperm.xlane v32, v4;
	v58 =	vld [tilespmem:s9+$0x5530]  }
0xe0: {  	v40 =	vadd.f32 v45, v63;
	v45 =	vld [tilespmem:s9+$0x5540];
	v19 =	vadd.f32 v23, v19;
	v63 =	vmul.f32 v52, v10  }
0xe1: {  	v23 =	vld [tilespmem:s9+$0x5590];
	v52 =	vmul.f32 v59, v16;
	v32 =	vadd.f32 v32, v60;
	v60 =	vadd.f32 v48, v43  }
0xe2: {  	v59 =	vmul.f32 v53, v14;
	v40 =	vadd.f32 v41, v40;
	v19 =	vadd.f32 v21, v19;
	v21 =	vld [tilespmem:s9+$0x55B0]  }
0xe3: {  	v48 =	vmul.f32 v44, v11;
	v22 =	vadd.f32 v50, v63;
	v63 =	vmul.f32 v61, v10;
	v61 =	vld [tilespmem:s9+$0x5640]  }
0xe4: {  	v50 =	vld [tilespmem:s9+$0x5670];
	v53 =	vmul.f32 v51, v11;
	v51 =	vmul.f32 v42, v17;
	v62 =	vadd.f32 v60, v37  }
0xe5: {  	v19 =	vadd.f32 v20, v19;
	v60 =	vmul.f32 v57, v18;
	v20 =	vadd.f32 v52, v48;
	v52 =	vld [tilespmem:s9+$0x5600]  }
0xe6: {  	v57 =	vld [tilespmem:s9+$0x5620];
	v54 =	vmul.f32 v54, v12;
	v58 =	vmul.f32 v58, v14;
	v24 =	vadd.f32 v51, v24  }
0xe7: {  	v23 =	vmul.f32 v23, v11;
	v25 =	vadd.f32 v62, v40;
	v40 =	vld [tilespmem:s9+$0x55D0];
	v62 =	vadd.f32 v56, v49  }
0xe8: {  	v43 =	vadd.f32 v60, v59;
	v56 =	vmul.f32 v45, v15;
	v59 =	vld [tilespmem:s9+$0x5630];
	v60 =	vadd.f32 v39, v53  }
0xe9: {  	v53 =	vmul.f32 v55, v11;
	v35 =	vadd.f32 v35, v58;
	v22 =	vadd.f32 v62, v22;
	v62 =	vld [tilespmem:s9+$0x5650]  }
0xea: {  	v33 =	vadd.f32 v33, v54;
	v21 =	vmul.f32 v21, v14;
	v26 =	vadd.f32 v56, v63;
	v63 =	vld [tilespmem:s9+$0x5660]  }
0xeb: {  	v20 =	vadd.f32 v43, v20;
	v56 =	vmul.f32 v61, v15;
	v35 =	vadd.f32 v35, v60  }
0xec: {  	v52 =	vmul.f32 v52, v10;
	v54 =	vmul.f32 v57, v12;
	v21 =	vadd.f32 v38, v21  }
0xed: {  	v26 =	vadd.f32 v33, v26;
	v33 =	vadd.f32 v46, v34;
	v49 =	vmul.f32 v40, v16  }
0xee: {  	v20 =	vadd.f32 v20, v22;
	v55 =	vmul.f32 v59, v14;
	v40 =	vmul.f32 v50, v18  }
0xef: {  	v34 =	vadd.f32 v56, v52;
	v57 =	vmul.f32 v62, v16;
	v58 =	vmul.f32 v63, v17  }
0xf0: {  	v23 =	vadd.f32 v49, v23;
	v60 =	vadd.f32 v40, v55  }
0xf1: {  	v59 =	vadd.f32 v57, v53;
	v36 =	vadd.f32 v58, v54  }
0xf2: {  	v24 =	vadd.f32 v24, v33;
	v21 =	vadd.f32 v21, v23  }
0xf3: {  	v61 =	vadd.f32 v36, v34;
	v62 =	vadd.f32 v60, v59  }
0xf4: {  	v7 =	vsel vm0, v7, v8;
	v37 =	vperm.xlane v19, v1;
	v36 =	vadd.f32 v35, v26  }
0xf5: {  	v39 =	vperm.xlane v20, v1;
	v21 =	vadd.f32 v21, v24;
	v23 =	vadd.f32 v62, v61  }
0xf6: {  	v19 =	vadd.f32 v19, v37;
	v63 =	vperm.xlane v25, v1;
	v40 =	vperm.xlane v36, v1  }
0xf7: {  	v20 =	vadd.f32 v20, v39;
	v41 =	vperm.xlane v21, v1;
	v42 =	vperm.xlane v23, v1  }
0xf8: {  	v44 =	vperm.xlane v19, v2;
	v38 =	vadd.f32 v25, v63;
	v22 =	vadd.f32 v36, v40  }
0xf9: {  	v45 =	vperm.xlane v20, v2;
	v21 =	vadd.f32 v21, v41;
	v23 =	vadd.f32 v23, v42  }
0xfa: {  	v19 =	vadd.f32 v19, v44;
	v43 =	vperm.xlane v38, v2;
	v33 =	vperm.xlane v22, v2  }
0xfb: {  	v20 =	vadd.f32 v20, v45;
	v46 =	vperm.xlane v21, v2;
	v34 =	vperm.xlane v23, v2  }
0xfc: {  	v47 =	vperm.xlane v19, v3;
	v24 =	vadd.f32 v38, v43;
	v22 =	vadd.f32 v22, v33  }
0xfd: {  	v48 =	vperm.xlane v20, v3;
	v21 =	vadd.f32 v21, v46;
	v23 =	vadd.f32 v23, v34  }
0xfe: {  	v19 =	vadd.f32 v19, v47;
	v35 =	vperm.xlane v24, v3;
	v33 =	vperm.xlane v22, v3  }
0xff: {  	v20 =	vadd.f32 v20, v48;
	v49 =	vperm.xlane v21, v3;
	v34 =	vperm.xlane v23, v3  }
0x100: {  	v50 =	vperm.xlane v19, v4;
	v24 =	vadd.f32 v24, v35;
	v22 =	vadd.f32 v22, v33  }
0x101: {  	v51 =	vperm.xlane v20, v4;
	v21 =	vadd.f32 v21, v49;
	v23 =	vadd.f32 v23, v34  }
0x102: {  	v19 =	vadd.f32 v19, v50;
	v35 =	vperm.xlane v24, v4;
	v33 =	vperm.xlane v22, v4  }
0x103: {  	v20 =	vadd.f32 v20, v51;
	v52 =	vperm.xlane v21, v4;
	v34 =	vperm.xlane v23, v4  }
0x104: {  	v8 =	vsel vm1, v9, v13;
	v24 =	vadd.f32 v24, v35;
	v22 =	vadd.f32 v22, v33  }
0x105: {  	v7 =	vsel vm8, v7, v8;
	v21 =	vadd.f32 v21, v52;
	v23 =	vadd.f32 v23, v34  }
0x106: {  	v55 =	vsel vm4, v31, v32;
	v53 =	vsel vm2, v27, v28;
	v54 =	vsel vm3, v29, v30  }
0x107: {  	v19 =	vsel vm5, v24, v19;
	v20 =	vsel vm6, v20, v22;
	v21 =	vsel vm7, v21, v23  }
0x108: {  	v8 =	vsel vm9, v53, v54;
	v56 =	vsel vm10, v55, v19;
	v57 =	vsel vm11, v20, v21  }
0x109: {  	v7 =	vsel vm12, v7, v8;
	v8 =	vsel vm13, v56, v57  }
0x10a: {  	v7 =	vsel vm14, v7, v8  }
0x10b: {  	v8 =	vand.u32 $0x7FFFFFFF, v7  }
0x10c: {  	v8 =	vsub.f32 $0.0e+00, v8;
	_ =	sdelay $0x1  }
0x10d: {  	v8 =	vmul.f32 $1.442695020e+00, v8;
	_ =	sdelay $0x1  }
0x10e: {  	(erf) = vpow2.f32 v8;
	_ =	sdelay $0x8  }
0x10f: {  	v8 =	vpop (erf)  }
0x110: {  	v58 =	vmul.f32 $8.466410450e-03, v8  }
0x111: {  	v59 =	vmul.f32 v8, v8  }
0x112: {  	v60 =	vmul.f32 $2.445338960e-01, v8;
	v61 =	vmul.f32 $1.067993120e-01, v8;
	v9 =	vsub.f32 $4.365928840e-02, v58  }
0x113: {  	v62 =	vmul.f32 $4.999635520e-01, v8  }
0x114: {  	v19 =	vsub.f32 $3.326525690e-01, v60;
	v20 =	vsub.f32 $1.765986530e-01, v61;
	v9 =	vmul.f32 v9, v59  }
0x115: {  	v63 =	vmul.f32 v59, v59  }
0x116: {  	v21 =	vsub.f32 $9.999995230e-01, v62;
	v13 =	vmul.f32 v19, v59;
	v9 =	vadd.f32 v9, v20;
	_ =	sdelay $0x1  }
0x117: {  	v13 =	vadd.f32 v13, v21;
	v9 =	vmul.f32 v9, v63;
	_ =	sdelay $0x1  }
0x118: {  	v9 =	vadd.f32 v9, v13  }
0x119: {  	v7 =	vmul.f32 v7, v5  }
0x11a: {  	v8 =	vmul.f32 v9, v8  }
0x11b: {  	v24 =	vld [tilespmem:$0x1A400];
	v7 =	vmax.f32 v7, $0.0e+00  }
0x11c: {  	v7 =	vadd.f32 v8, v7;
	_ =	sdelay $0x1  }
0x11d: {  	v7 =	vmul.f32 v7, v6;
	_ =	sdelay $0x1  }
0x11e: {  	v7 =	vadd.f32 v7, v24;
	_ =	sdelay $0x1  }
0x11f: {  	[tilespmem:$0x1A400] =	vst v7  }
0x120: {  	v8 =	vld [tilespmem:s9+$0x5680]  }
0x121: {  	v9 =	vld [tilespmem:s9+$0x5690]  }
0x122: {  	v20 =	vld [tilespmem:s9+$0x56A0]  }
0x123: {  	v21 =	vld [tilespmem:s9+$0x56B0]  }
0x124: {  	v22 =	vld [tilespmem:s9+$0x56C0]  }
0x125: {  	v23 =	vld [tilespmem:s9+$0x56D0]  }
0x126: {  	v24 =	vld [tilespmem:s9+$0x56E0]  }
0x127: {  	v25 =	vld [tilespmem:s9+$0x56F0]  }
0x128: {  	v26 =	vld [tilespmem:s9+$0x5700]  }
0x129: {  	v27 =	vld [tilespmem:s9+$0x5710]  }
0x12a: {  	v39 =	vld [tilespmem:s9+$0x5720]  }
0x12b: {  	v40 =	vld [tilespmem:s9+$0x5730]  }
0x12c: {  	v41 =	vld [tilespmem:s9+$0x5740]  }
0x12d: {  	s14 =	sadd.s32 s1, s26;
	v42 =	vld [tilespmem:s9+$0x5750]  }
0x12e: {  	s14 =	sshll.u32 s14, $0x7;
	v43 =	vld [tilespmem:s9+$0x5760]  }
0x12f: {  	v44 =	vld [tilespmem:s9+$0x5770];
	s9 =	sand.u32 $0x3FFFFF80, s14  }
0x130: {  	v33 =	vld [tilespmem:s9+$0x5400]  }
0x131: {  	v31 =	vld [tilespmem:s9+$0x5410]  }
0x132: {  	v32 =	vld [tilespmem:s9+$0x5420]  }
0x133: {  	v13 =	vld [tilespmem:s9+$0x5430]  }
0x134: {  	v29 =	vld [tilespmem:s9+$0x5440]  }
0x135: {  	v30 =	vld [tilespmem:s9+$0x5450]  }
0x136: {  	v28 =	vld [tilespmem:s9+$0x5460]  }
0x137: {  	v19 =	vld [tilespmem:s9+$0x5470]  }
0x138: {  	v45 =	vld [tilespmem:s9+$0x5480]  }
0x139: {  	v46 =	vld [tilespmem:s9+$0x5490]  }
0x13a: {  	v47 =	vld [tilespmem:s9+$0x54A0]  }
0x13b: {  	v48 =	vld [tilespmem:s9+$0x54B0]  }
0x13c: {  	v49 =	vld [tilespmem:s9+$0x54C0]  }
0x13d: {  	v50 =	vld [tilespmem:s9+$0x54D0]  }
0x13e: {  	v51 =	vld [tilespmem:s9+$0x54E0]  }
0x13f: {  	v52 =	vld [tilespmem:s9+$0x54F0]  }
0x140: {  	v53 =	vld [tilespmem:s9+$0x5500]  }
0x141: {  	v54 =	vld [tilespmem:s9+$0x5510]  }
0x142: {  	v55 =	vld [tilespmem:s9+$0x5520]  }
0x143: {  	v56 =	vld [tilespmem:s9+$0x5530]  }
0x144: {  	v57 =	vld [tilespmem:s9+$0x5540]  }
0x145: {  	v58 =	vld [tilespmem:s9+$0x5550]  }
0x146: {  	v59 =	vld [tilespmem:s9+$0x5560]  }
0x147: {  	v60 =	vld [tilespmem:s9+$0x5570]  }
0x148: {  	v61 =	vld [tilespmem:s9+$0x5580]  }
0x149: {  	v62 =	vld [tilespmem:s9+$0x5590]  }
0x14a: {  	v37 =	vld [tilespmem:s9+$0x55A0]  }
0x14b: {  	v38 =	vld [tilespmem:s9+$0x55B0]  }
0x14c: {  	v36 =	vld [tilespmem:s9+$0x55C0]  }
0x14d: {  	v35 =	vld [tilespmem:s9+$0x55D0]  }
0x14e: {  	v63 =	vld [tilespmem:s9+$0x55E0]  }
0x14f: {  	v0 =	vld [tilespmem:s9+$0x55F0];
	v8 =	vmul.f32 v8, v10;
	v22 =	vmul.f32 v22, v15  }
0x150: {  	v34 =	vld [tilespmem:s9+$0x5600];
	v9 =	vmul.f32 v9, v11;
	v23 =	vmul.f32 v23, v16  }
0x151: {  	v20 =	vmul.f32 v20, v12;
	v15 =	vmul.f32 v41, v15;
	v41 =	vld [tilespmem:s9+$0x5670]  }
0x152: {  	v24 =	vmul.f32 v24, v17;
	v16 =	vmul.f32 v42, v16;
	v42 =	vld [tilespmem:s9+$0x5680]  }
0x153: {  	v21 =	vmul.f32 v21, v14;
	v17 =	vmul.f32 v43, v17;
	v43 =	vld [tilespmem:s9+$0x5690]  }
0x154: {  	v25 =	vmul.f32 v25, v18;
	v18 =	vmul.f32 v44, v18;
	v44 =	vld [tilespmem:s9+$0x56A0]  }
0x155: {  	v10 =	vmul.f32 v26, v10;
	v9 =	vadd.f32 v23, v9;
	v23 =	vmul.f32 v27, v11;
	v11 =	vld [tilespmem:s9+$0x5610]  }
0x156: {  	v8 =	vadd.f32 v22, v8;
	v20 =	vadd.f32 v24, v20;
	v22 =	vmul.f32 v39, v12;
	v12 =	vld [tilespmem:s9+$0x5620]  }
0x157: {  	v21 =	vadd.f32 v25, v21;
	v24 =	vmul.f32 v40, v14;
	v14 =	vld [tilespmem:s9+$0x5630];
	v27 =	vmul.f32 v45, v33  }
0x158: {  	v39 =	vld [tilespmem:s9+$0x5640];
	v10 =	vadd.f32 v15, v10;
	v15 =	vmul.f32 v53, v33;
	v53 =	vmul.f32 v57, v29  }
0x159: {  	v40 =	vld [tilespmem:s9+$0x5660];
	v8 =	vadd.f32 v20, v8;
	v9 =	vadd.f32 v21, v9;
	v20 =	vmul.f32 v46, v31  }
0x15a: {  	v45 =	vld [tilespmem:s9+$0x56B0];
	v26 =	vadd.f32 v17, v22;
	v21 =	vmul.f32 v48, v13;
	v48 =	vmul.f32 v49, v29  }
0x15b: {  	v17 =	vld [tilespmem:s9+$0x5650];
	v16 =	vadd.f32 v16, v23;
	v49 =	vmul.f32 v50, v30;
	v50 =	vmul.f32 v51, v28  }
0x15c: {  	v18 =	vadd.f32 v18, v24;
	v51 =	vmul.f32 v52, v19;
	v24 =	vmul.f32 v54, v31;
	v46 =	vld [tilespmem:s9+$0x56C0]  }
0x15d: {  	v22 =	vmul.f32 v55, v32;
	v52 =	vmul.f32 v56, v13;
	v15 =	vadd.f32 v53, v15;
	v53 =	vld [tilespmem:s9+$0x5730]  }
0x15e: {  	v54 =	vmul.f32 v58, v30;
	v16 =	vadd.f32 v18, v16;
	v18 =	vmul.f32 v47, v32;
	v47 =	vld [tilespmem:s9+$0x56D0]  }
0x15f: {  	v55 =	vmul.f32 v59, v28;
	v8 =	vadd.f32 v9, v8;
	v9 =	vadd.f32 v48, v27;
	v48 =	vld [tilespmem:s9+$0x56E0]  }
0x160: {  	v56 =	vmul.f32 v60, v19;
	v10 =	vadd.f32 v26, v10;
	v20 =	vadd.f32 v49, v20;
	v49 =	vld [tilespmem:s9+$0x56F0]  }
0x161: {  	v21 =	vadd.f32 v51, v21;
	v57 =	vadd.f32 v54, v24;
	v51 =	vld [tilespmem:s9+$0x5710]  }
0x162: {  	v41 =	vmul.f32 v41, v19;
	v22 =	vadd.f32 v55, v22;
	v59 =	vadd.f32 v56, v52;
	v52 =	vld [tilespmem:s9+$0x5720]  }
0x163: {  	v54 =	vld [tilespmem:s9+$0x5750];
	v12 =	vmul.f32 v12, v32;
	v10 =	vadd.f32 v16, v10;
	v16 =	vadd.f32 v50, v18  }
0x164: {  	v55 =	vld [tilespmem:s9+$0x5760];
	v14 =	vmul.f32 v14, v13;
	v15 =	vadd.f32 v22, v15;
	v18 =	vadd.f32 v59, v57  }
0x165: {  	s14 =	sadd.s32 s1, s28;
	v40 =	vmul.f32 v40, v28;
	v58 =	vperm.xlane v8, v1;
	v50 =	vld [tilespmem:s9+$0x5700];
	v21 =	vadd.f32 v21, v20  }
0x166: {  	s14 =	sshll.u32 s14, $0x7;
	v60 =	vperm.xlane v10, v1;
	v9 =	vadd.f32 v16, v9;
	v15 =	vadd.f32 v18, v15;
	v16 =	vld [tilespmem:s9+$0x5740]  }
0x167: {  	v12 =	vadd.f32 v40, v12;
	v40 =	vmul.f32 v44, v32;
	v8 =	vadd.f32 v8, v58;
	v18 =	vld [tilespmem:s9+$0x5770];
	s9 =	sand.u32 $0x3FFFFF80, s14  }
0x168: {  	v22 =	vld [tilespmem:s9+$0x5410];
	v10 =	vadd.f32 v10, v60;
	v9 =	vadd.f32 v21, v9;
	v27 =	vperm.xlane v15, v1  }
0x169: {  	v44 =	vmul.f32 v45, v13;
	v23 =	vld [tilespmem:s9+$0x5420];
	v24 =	vperm.xlane v8, v2  }
0x16a: {  	v20 =	vld [tilespmem:s9+$0x5430];
	v25 =	vperm.xlane v10, v2;
	v26 =	vperm.xlane v9, v1;
	v15 =	vadd.f32 v15, v27  }
0x16b: {  	v14 =	vadd.f32 v41, v14;
	v41 =	vmul.f32 v46, v29;
	v45 =	vld [tilespmem:s9+$0x5530];
	v8 =	vadd.f32 v8, v24  }
0x16c: {  	v46 =	vld [tilespmem:s9+$0x55E0];
	v10 =	vadd.f32 v10, v25;
	v9 =	vadd.f32 v9, v26;
	v60 =	vperm.xlane v15, v2  }
0x16d: {  	v21 =	vld [tilespmem:s9+$0x5400];
	v57 =	vperm.xlane v8, v3  }
0x16e: {  	v24 =	vld [tilespmem:s9+$0x5440];
	v58 =	vperm.xlane v10, v3;
	v59 =	vperm.xlane v9, v2;
	v15 =	vadd.f32 v15, v60  }
0x16f: {  	v27 =	vld [tilespmem:s9+$0x5470];
	v8 =	vadd.f32 v8, v57  }
0x170: {  	v26 =	vld [tilespmem:s9+$0x5450];
	v10 =	vadd.f32 v10, v58;
	v56 =	vadd.f32 v9, v59;
	v59 =	vperm.xlane v15, v3  }
0x171: {  	v35 =	vmul.f32 v35, v30;
	v25 =	vld [tilespmem:s9+$0x5460];
	v60 =	vperm.xlane v8, v4  }
0x172: {  	v57 =	vperm.xlane v10, v4;
	v58 =	vperm.xlane v56, v3;
	v15 =	vadd.f32 v15, v59;
	v59 =	vld [tilespmem:s9+$0x54A0]  }
0x173: {  	v8 =	vadd.f32 v8, v60;
	v60 =	vmul.f32 v61, v33;
	v61 =	vmul.f32 v62, v31;
	v62 =	vld [tilespmem:s9+$0x54B0]  }
0x174: {  	v9 =	vadd.f32 v10, v57;
	v10 =	vmul.f32 v37, v32;
	v37 =	vmul.f32 v38, v13;
	v38 =	vld [tilespmem:s9+$0x5480]  }
0x175: {  	v36 =	vmul.f32 v36, v29;
	v56 =	vadd.f32 v56, v58;
	v57 =	vmul.f32 v63, v28;
	v58 =	vld [tilespmem:s9+$0x5490]  }
0x176: {  	v0 =	vmul.f32 v0, v19;
	v35 =	vadd.f32 v35, v61;
	v61 =	vmul.f32 v39, v29;
	v39 =	vld [tilespmem:s9+$0x54F0]  }
0x177: {  	v36 =	vadd.f32 v36, v60;
	v63 =	vmul.f32 v48, v28;
	v48 =	vld [tilespmem:s9+$0x5540];
	v57 =	vadd.f32 v57, v10  }
0x178: {  	v34 =	vmul.f32 v34, v33;
	v60 =	vperm.xlane v56, v4;
	v0 =	vadd.f32 v0, v37;
	v37 =	vld [tilespmem:s9+$0x54C0]  }
0x179: {  	v17 =	vmul.f32 v17, v30;
	v32 =	vmul.f32 v52, v32;
	v36 =	vadd.f32 v57, v36;
	v57 =	vld [tilespmem:s9+$0x54D0]  }
0x17a: {  	v10 =	vadd.f32 v56, v60;
	v56 =	vperm.xlane v15, v4;
	v0 =	vadd.f32 v0, v35;
	v60 =	vld [tilespmem:s9+$0x54E0]  }
0x17b: {  	v52 =	vmul.f32 v58, v22;
	v58 =	vmul.f32 v39, v27;
	v39 =	vld [tilespmem:s9+$0x5600]  }
0x17c: {  	v18 =	vmul.f32 v18, v19;
	v35 =	vmul.f32 v11, v31;
	v0 =	vadd.f32 v0, v36;
	v36 =	vld [tilespmem:s9+$0x5500]  }
0x17d: {  	v13 =	vmul.f32 v53, v13;
	v11 =	vadd.f32 v15, v56;
	v15 =	vadd.f32 v61, v34;
	v34 =	vld [tilespmem:s9+$0x5510]  }
0x17e: {  	v17 =	vadd.f32 v17, v35;
	v35 =	vmul.f32 v42, v33;
	v42 =	vmul.f32 v43, v31;
	v43 =	vld [tilespmem:s9+$0x5520]  }
0x17f: {  	v28 =	vmul.f32 v55, v28;
	v61 =	vmul.f32 v49, v19;
	v49 =	vld [tilespmem:s9+$0x5550]  }
0x180: {  	v33 =	vmul.f32 v50, v33;
	v31 =	vmul.f32 v51, v31;
	v19 =	vld [tilespmem:s9+$0x55C0]  }
0x181: {  	v50 =	vmul.f32 v54, v30;
	v51 =	vmul.f32 v38, v21;
	v38 =	vld [tilespmem:s9+$0x55D0]  }
0x182: {  	v54 =	vmul.f32 v62, v20;
	v62 =	vmul.f32 v48, v24;
	v48 =	vld [tilespmem:s9+$0x5630]  }
0x183: {  	v40 =	vadd.f32 v63, v40;
	v56 =	vmul.f32 v47, v30;
	v47 =	vld [tilespmem:s9+$0x5680]  }
0x184: {  	v28 =	vadd.f32 v28, v32;
	v13 =	vadd.f32 v18, v13;
	v55 =	vmul.f32 v37, v24;
	v37 =	vld [tilespmem:s9+$0x55F0]  }
0x185: {  	v16 =	vmul.f32 v16, v29;
	v12 =	vadd.f32 v12, v15;
	v35 =	vadd.f32 v41, v35;
	v41 =	vld [tilespmem:s9+$0x5560]  }
0x186: {  	v53 =	vmul.f32 v59, v23;
	v15 =	vadd.f32 v56, v42;
	v63 =	vadd.f32 v61, v44;
	v44 =	vld [tilespmem:s9+$0x5570]  }
0x187: {  	v17 =	vadd.f32 v14, v17;
	v14 =	vld [tilespmem:s9+$0x5580];
	v16 =	vadd.f32 v16, v33;
	v61 =	vmul.f32 v45, v20  }
0x188: {  	v42 =	vld [tilespmem:s9+$0x55A0];
	v56 =	vmul.f32 v57, v26;
	v35 =	vadd.f32 v40, v35;
	v15 =	vadd.f32 v63, v15  }
0x189: {  	v45 =	vld [tilespmem:s9+$0x5620];
	v57 =	vmul.f32 v60, v25;
	v12 =	vadd.f32 v17, v12;
	v17 =	vadd.f32 v50, v31  }
0x18a: {  	v40 =	vld [tilespmem:s9+$0x5590];
	v16 =	vadd.f32 v28, v16;
	v28 =	vadd.f32 v55, v51;
	v55 =	vperm.xlane v0, v1  }
0x18b: {  	v31 =	vadd.f32 v58, v54;
	v59 =	vmul.f32 v36, v21;
	v34 =	vmul.f32 v34, v22;
	v36 =	vld [tilespmem:s9+$0x5610]  }
0x18c: {  	v30 =	vadd.f32 v56, v52;
	v60 =	vmul.f32 v43, v23;
	v43 =	vld [tilespmem:s9+$0x5670];
	v15 =	vadd.f32 v15, v35  }
0x18d: {  	v63 =	vmul.f32 v49, v26;
	v49 =	vld [tilespmem:s9+$0x5690];
	v13 =	vadd.f32 v13, v17;
	v17 =	vadd.f32 v57, v53  }
0x18e: {  	v35 =	vld [tilespmem:s9+$0x55B0];
	v0 =	vadd.f32 v0, v55;
	v50 =	vmul.f32 v41, v25;
	v18 =	vadd.f32 v62, v59  }
0x18f: {  	v55 =	vld [tilespmem:s9+$0x56F0];
	v51 =	vmul.f32 v44, v27;
	v52 =	vadd.f32 v63, v34;
	v54 =	vadd.f32 v31, v30  }
0x190: {  	v56 =	vperm.xlane v12, v1;
	v44 =	vld [tilespmem:s9+$0x5640];
	v17 =	vadd.f32 v17, v28;
	v13 =	vadd.f32 v13, v16  }
0x191: {  	v34 =	vld [tilespmem:s9+$0x5650];
	v32 =	vadd.f32 v50, v60;
	v53 =	vadd.f32 v51, v61  }
0x192: {  	v41 =	vld [tilespmem:s9+$0x5660];
	v57 =	vperm.xlane v15, v1;
	v12 =	vadd.f32 v12, v56;
	v17 =	vadd.f32 v54, v17  }
0x193: {  	v30 =	vperm.xlane v0, v2;
	v56 =	vld [tilespmem:s9+$0x5700];
	v18 =	vadd.f32 v32, v18;
	v29 =	vadd.f32 v53, v52  }
0x194: {  	v50 =	vld [tilespmem:s9+$0x56A0];
	v58 =	vperm.xlane v13, v1;
	v15 =	vadd.f32 v15, v57;
	v31 =	vperm.xlane v12, v2  }
0x195: {  	v51 =	vld [tilespmem:s9+$0x56B0];
	v0 =	vadd.f32 v0, v30;
	v59 =	vperm.xlane v17, v1;
	v18 =	vadd.f32 v29, v18  }
0x196: {  	v54 =	vld [tilespmem:s9+$0x56E0];
	v36 =	vmul.f32 v36, v22;
	v13 =	vadd.f32 v13, v58;
	v60 =	vperm.xlane v15, v2  }
0x197: {  	v57 =	vld [tilespmem:s9+$0x5710];
	v12 =	vadd.f32 v12, v31;
	v16 =	vadd.f32 v17, v59;
	v29 =	vperm.xlane v18, v1  }
0x198: {  	v52 =	vld [tilespmem:s9+$0x56C0];
	v30 =	vperm.xlane v0, v3;
	v62 =	vperm.xlane v13, v2;
	v15 =	vadd.f32 v15, v60  }
0x199: {  	v53 =	vld [tilespmem:s9+$0x56D0];
	v34 =	vmul.f32 v34, v26;
	v63 =	vperm.xlane v16, v2;
	v61 =	vadd.f32 v18, v29  }
0x19a: {  	v58 =	vld [tilespmem:s9+$0x5720];
	v31 =	vperm.xlane v12, v3;
	v13 =	vadd.f32 v13, v62;
	v32 =	vperm.xlane v15, v3  }
0x19b: {  	v0 =	vadd.f32 v0, v30;
	v59 =	vld [tilespmem:s9+$0x5730];
	v16 =	vadd.f32 v16, v63;
	v29 =	vperm.xlane v61, v2  }
0x19c: {  	v60 =	vld [tilespmem:s9+$0x5740];
	v34 =	vadd.f32 v34, v36;
	v33 =	vperm.xlane v13, v3;
	v15 =	vadd.f32 v15, v32  }
0x19d: {  	s14 =	sadd.s32 s1, s29;
	v12 =	vadd.f32 v12, v31;
	v62 =	vld [tilespmem:s9+$0x5760];
	v18 =	vperm.xlane v16, v3;
	v17 =	vadd.f32 v61, v29  }
0x19e: {  	s14 =	sshll.u32 s14, $0x7;
	v30 =	vperm.xlane v0, v4;
	v63 =	vld [tilespmem:s9+$0x5770];
	v13 =	vadd.f32 v13, v33;
	v32 =	vperm.xlane v15, v4  }
0x19f: {  	v31 =	vperm.xlane v12, v4;
	v61 =	vld [tilespmem:s9+$0x5750];
	s9 =	sand.u32 $0x3FFFFF80, s14;
	v16 =	vadd.f32 v16, v18;
	v29 =	vperm.xlane v17, v3  }
0x1a0: {  	v28 =	vadd.f32 v0, v30;
	v0 =	vperm.xlane v13, v4;
	v30 =	vadd.f32 v15, v32;
	v15 =	vld [tilespmem:s9+$0x5430]  }
0x1a1: {  	v36 =	vmul.f32 v47, v21;
	v47 =	vld [tilespmem:s9+$0x54E0];
	v33 =	vperm.xlane v16, v4;
	v17 =	vadd.f32 v17, v29  }
0x1a2: {  	v38 =	vmul.f32 v38, v26;
	v29 =	vadd.f32 v12, v31;
	v12 =	vld [tilespmem:s9+$0x5400];
	v31 =	vadd.f32 v13, v0  }
0x1a3: {  	v0 =	vmul.f32 v14, v21;
	v13 =	vld [tilespmem:s9+$0x5410];
	v32 =	vadd.f32 v16, v33;
	v16 =	vmul.f32 v19, v24  }
0x1a4: {  	v42 =	vmul.f32 v42, v23;
	v14 =	vld [tilespmem:s9+$0x5420];
	v18 =	vperm.xlane v17, v4  }
0x1a5: {  	v40 =	vmul.f32 v40, v22;
	v19 =	vmul.f32 v35, v20;
	v0 =	vadd.f32 v16, v0;
	v16 =	vld [tilespmem:s9+$0x5440]  }
0x1a6: {  	v33 =	vadd.f32 v17, v18;
	v18 =	vmul.f32 v46, v25;
	v46 =	vmul.f32 v37, v27;
	v17 =	vld [tilespmem:s9+$0x5450]  }
0x1a7: {  	v37 =	vadd.f32 v38, v40;
	v40 =	vmul.f32 v45, v23;
	v45 =	vmul.f32 v43, v27;
	v43 =	vld [tilespmem:s9+$0x5480]  }
0x1a8: {  	v41 =	vmul.f32 v41, v25;
	v38 =	vmul.f32 v39, v21;
	v39 =	vadd.f32 v18, v42;
	v18 =	vld [tilespmem:s9+$0x5460]  }
0x1a9: {  	v48 =	vmul.f32 v48, v20;
	v44 =	vmul.f32 v44, v24;
	v35 =	vadd.f32 v46, v19;
	v19 =	vld [tilespmem:s9+$0x5470]  }
0x1aa: {  	v55 =	vmul.f32 v55, v27;
	v21 =	vmul.f32 v56, v21;
	v40 =	vadd.f32 v41, v40;
	v41 =	vld [tilespmem:s9+$0x5490]  }
0x1ab: {  	v27 =	vmul.f32 v63, v27;
	v38 =	vadd.f32 v44, v38;
	v42 =	vld [tilespmem:s9+$0x54C0];
	v44 =	vmul.f32 v52, v24  }
0x1ac: {  	v46 =	vadd.f32 v45, v48;
	v45 =	vld [tilespmem:s9+$0x54D0];
	v52 =	vmul.f32 v53, v26;
	v53 =	vmul.f32 v54, v25  }
0x1ad: {  	v54 =	vmul.f32 v51, v20;
	v26 =	vmul.f32 v61, v26;
	v61 =	vld [tilespmem:s9+$0x5520]  }
0x1ae: {  	v24 =	vmul.f32 v60, v24;
	v25 =	vmul.f32 v62, v25;
	v62 =	vld [tilespmem:s9+$0x5530];
	v0 =	vadd.f32 v39, v0  }
0x1af: {  	v20 =	vmul.f32 v59, v20;
	v39 =	vld [tilespmem:s9+$0x54A0];
	v35 =	vadd.f32 v35, v37;
	v48 =	vadd.f32 v40, v38  }
0x1b0: {  	v38 =	vld [tilespmem:s9+$0x54B0];
	v34 =	vadd.f32 v46, v34;
	v40 =	vmul.f32 v49, v22;
	v36 =	vadd.f32 v44, v36  }
0x1b1: {  	v44 =	vld [tilespmem:s9+$0x54F0];
	v56 =	vadd.f32 v55, v54;
	v22 =	vmul.f32 v57, v22;
	v21 =	vadd.f32 v24, v21  }
0x1b2: {  	v49 =	vld [tilespmem:s9+$0x5540];
	v20 =	vadd.f32 v27, v20;
	v0 =	vadd.f32 v35, v0;
	v35 =	vmul.f32 v50, v23  }
0x1b3: {  	v54 =	vld [tilespmem:s9+$0x5560];
	v34 =	vadd.f32 v34, v48;
	v37 =	vadd.f32 v52, v40;
	v23 =	vmul.f32 v58, v23  }
0x1b4: {  	v57 =	vld [tilespmem:s9+$0x5570];
	v22 =	vadd.f32 v26, v22;
	v50 =	vmul.f32 v43, v12;
	v51 =	vmul.f32 v41, v13  }
0x1b5: {  	v40 =	vld [tilespmem:s9+$0x5500];
	v55 =	vmul.f32 v42, v16;
	v58 =	vmul.f32 v47, v18;
	v35 =	vadd.f32 v53, v35  }
0x1b6: {  	v48 =	vld [tilespmem:s9+$0x5510];
	v37 =	vadd.f32 v56, v37;
	v56 =	vmul.f32 v45, v17;
	v53 =	vmul.f32 v39, v14  }
0x1b7: {  	v52 =	vld [tilespmem:s9+$0x5550];
	v23 =	vadd.f32 v25, v23;
	v38 =	vmul.f32 v38, v15;
	v44 =	vmul.f32 v44, v19  }
0x1b8: {  	v20 =	vadd.f32 v20, v22;
	v24 =	vmul.f32 v49, v16;
	v39 =	vmul.f32 v54, v18  }
0x1b9: {  	v63 =	vmul.f32 v57, v19;
	v35 =	vadd.f32 v35, v36;
	v21 =	vadd.f32 v23, v21  }
0x1ba: {  	v23 =	vadd.f32 v55, v50;
	v36 =	vmul.f32 v61, v14;
	v61 =	vmul.f32 v62, v15  }
0x1bb: {  	v26 =	vadd.f32 v56, v51;
	v59 =	vmul.f32 v40, v12;
	v60 =	vmul.f32 v48, v13  }
0x1bc: {  	v22 =	vadd.f32 v58, v53;
	v62 =	vmul.f32 v52, v17;
	v38 =	vadd.f32 v44, v38  }
0x1bd: {  	v45 =	vadd.f32 v39, v36;
	v46 =	vadd.f32 v63, v61  }
0x1be: {  	v24 =	vadd.f32 v24, v59;
	v44 =	vadd.f32 v62, v60  }
0x1bf: {  	v22 =	vadd.f32 v22, v23;
	v47 =	vadd.f32 v38, v26  }
0x1c0: {  	v8 =	vsel vm0, v8, v9;
	v24 =	vadd.f32 v45, v24;
	v25 =	vadd.f32 v46, v44  }
0x1c1: {  	v50 =	vperm.xlane v34, v1;
	v49 =	vadd.f32 v37, v35;
	v20 =	vadd.f32 v20, v21  }
0x1c2: {  	v48 =	vperm.xlane v0, v1;
	v22 =	vadd.f32 v47, v22;
	v51 =	vadd.f32 v25, v24  }
0x1c3: {  	v21 =	vadd.f32 v34, v50;
	v52 =	vperm.xlane v49, v1;
	v53 =	vperm.xlane v20, v1  }
0x1c4: {  	v0 =	vadd.f32 v0, v48;
	v54 =	vperm.xlane v22, v1;
	v55 =	vperm.xlane v51, v1  }
0x1c5: {  	v57 =	vperm.xlane v21, v2;
	v20 =	vadd.f32 v20, v53;
	v24 =	vadd.f32 v49, v52  }
0x1c6: {  	v56 =	vperm.xlane v0, v2;
	v22 =	vadd.f32 v22, v54;
	v23 =	vadd.f32 v51, v55  }
0x1c7: {  	v21 =	vadd.f32 v21, v57;
	v59 =	vperm.xlane v20, v2;
	v58 =	vperm.xlane v24, v2  }
0x1c8: {  	v0 =	vadd.f32 v0, v56;
	v60 =	vperm.xlane v22, v2;
	v34 =	vperm.xlane v23, v2  }
0x1c9: {  	v61 =	vperm.xlane v21, v3;
	v20 =	vadd.f32 v20, v59;
	v24 =	vadd.f32 v24, v58  }
0x1ca: {  	v35 =	vperm.xlane v0, v3;
	v22 =	vadd.f32 v22, v60;
	v23 =	vadd.f32 v23, v34  }
0x1cb: {  	v21 =	vadd.f32 v21, v61;
	v27 =	vperm.xlane v20, v3;
	v62 =	vperm.xlane v24, v3  }
0x1cc: {  	v0 =	vadd.f32 v0, v35;
	v63 =	vperm.xlane v22, v3;
	v34 =	vperm.xlane v23, v3  }
0x1cd: {  	v36 =	vperm.xlane v21, v4;
	v20 =	vadd.f32 v20, v27;
	v24 =	vadd.f32 v24, v62  }
0x1ce: {  	v35 =	vperm.xlane v0, v4;
	v22 =	vadd.f32 v22, v63;
	v23 =	vadd.f32 v23, v34  }
0x1cf: {  	v21 =	vadd.f32 v21, v36;
	v27 =	vperm.xlane v20, v4;
	v37 =	vperm.xlane v24, v4  }
0x1d0: {  	v0 =	vadd.f32 v0, v35;
	v38 =	vperm.xlane v22, v4;
	v34 =	vperm.xlane v23, v4  }
0x1d1: {  	v41 =	vsel vm3, v30, v31;
	v20 =	vadd.f32 v20, v27;
	v24 =	vadd.f32 v24, v37  }
0x1d2: {  	v39 =	vsel vm1, v10, v11;
	v22 =	vadd.f32 v22, v38;
	v23 =	vadd.f32 v23, v34  }
0x1d3: {  	v42 =	vsel vm4, v32, v33;
	v40 =	vsel vm2, v28, v29;
	v8 =	vsel vm8, v8, v39  }
0x1d4: {  	v0 =	vsel vm5, v0, v21;
	v20 =	vsel vm6, v24, v20;
	v43 =	vsel vm7, v22, v23  }
0x1d5: {  	v44 =	vsel vm9, v40, v41;
	v0 =	vsel vm10, v42, v0;
	v45 =	vsel vm11, v20, v43  }
0x1d6: {  	v8 =	vsel vm12, v8, v44;
	v0 =	vsel vm13, v0, v45  }
0x1d7: {  	v0 =	vsel vm14, v8, v0  }
0x1d8: {  	v8 =	vand.u32 $0x7FFFFFFF, v0  }
0x1d9: {  	v8 =	vsub.f32 $0.0e+00, v8;
	_ =	sdelay $0x1  }
0x1da: {  	v8 =	vmul.f32 $1.442695020e+00, v8;
	_ =	sdelay $0x1  }
0x1db: {  	(erf) = vpow2.f32 v8;
	_ =	sdelay $0x8  }
0x1dc: {  	v8 =	vpop (erf)  }
0x1dd: {  	v46 =	vmul.f32 $8.466410450e-03, v8  }
0x1de: {  	v47 =	vmul.f32 v8, v8  }
0x1df: {  	v48 =	vmul.f32 $2.445338960e-01, v8;
	v49 =	vmul.f32 $1.067993120e-01, v8;
	v9 =	vsub.f32 $4.365928840e-02, v46  }
0x1e0: {  	v50 =	vmul.f32 $4.999635520e-01, v8  }
0x1e1: {  	v11 =	vsub.f32 $3.326525690e-01, v48;
	v20 =	vsub.f32 $1.765986530e-01, v49;
	v9 =	vmul.f32 v9, v47  }
0x1e2: {  	v51 =	vmul.f32 v47, v47  }
0x1e3: {  	v21 =	vsub.f32 $9.999995230e-01, v50;
	v10 =	vmul.f32 v11, v47;
	v9 =	vadd.f32 v9, v20;
	_ =	sdelay $0x1  }
0x1e4: {  	v10 =	vadd.f32 v10, v21;
	v9 =	vmul.f32 v9, v51;
	_ =	sdelay $0x1  }
0x1e5: {  	v9 =	vadd.f32 v9, v10  }
0x1e6: {  	v0 =	vmul.f32 v0, v5  }
0x1e7: {  	v8 =	vmul.f32 v9, v8  }
0x1e8: {  	v0 =	vmax.f32 v0, $0.0e+00  }
0x1e9: {  	v0 =	vadd.f32 v8, v0;
	_ =	sdelay $0x1  }
0x1ea: {  	v0 =	vmul.f32 v0, v6;
	_ =	sdelay $0x1  }
0x1eb: {  	v7 =	vadd.f32 v0, v7;
	_ =	sdelay $0x1  }
0x1ec: {  	[tilespmem:$0x1A400] =	vst v7  }
0x1ed: {  	v0 =	vld [tilespmem:s9+$0x5580]  }
0x1ee: {  	v8 =	vld [tilespmem:s9+$0x5590]  }
0x1ef: {  	v52 =	vld [tilespmem:s9+$0x55A0]  }
0x1f0: {  	v53 =	vld [tilespmem:s9+$0x55B0]  }
0x1f1: {  	v54 =	vld [tilespmem:s9+$0x55C0]  }
0x1f2: {  	v55 =	vld [tilespmem:s9+$0x55D0]  }
0x1f3: {  	v61 =	vld [tilespmem:s9+$0x55E0]  }
0x1f4: {  	v62 =	vld [tilespmem:s9+$0x55F0]  }
0x1f5: {  	v63 =	vld [tilespmem:s9+$0x5600]  }
0x1f6: {  	v28 =	vld [tilespmem:s9+$0x5610]  }
0x1f7: {  	v29 =	vld [tilespmem:s9+$0x5620]  }
0x1f8: {  	v30 =	vld [tilespmem:s9+$0x5630]  }
0x1f9: {  	v31 =	vld [tilespmem:s9+$0x5640]  }
0x1fa: {  	v32 =	vld [tilespmem:s9+$0x5650]  }
0x1fb: {  	v33 =	vld [tilespmem:s9+$0x5660]  }
0x1fc: {  	v34 =	vld [tilespmem:s9+$0x5670]  }
0x1fd: {  	v56 =	vld [tilespmem:s9+$0x5680]  }
0x1fe: {  	v57 =	vld [tilespmem:s9+$0x5690]  }
0x1ff: {  	v58 =	vld [tilespmem:s9+$0x56A0]  }
0x200: {  	v59 =	vld [tilespmem:s9+$0x56B0]  }
0x201: {  	v39 =	vld [tilespmem:s9+$0x56C0]  }
0x202: {  	v40 =	vld [tilespmem:s9+$0x56D0]  }
0x203: {  	v41 =	vld [tilespmem:s9+$0x56E0]  }
0x204: {  	v42 =	vld [tilespmem:s9+$0x56F0]  }
0x205: {  	v43 =	vld [tilespmem:s9+$0x5700]  }
0x206: {  	v44 =	vld [tilespmem:s9+$0x5710]  }
0x207: {  	v45 =	vld [tilespmem:s9+$0x5720]  }
0x208: {  	v46 =	vld [tilespmem:s9+$0x5730]  }
0x209: {  	v47 =	vld [tilespmem:s9+$0x5740]  }
0x20a: {  	s14 =	sadd.s32 s1, s30;
	v48 =	vld [tilespmem:s9+$0x5750]  }
0x20b: {  	s14 =	sshll.u32 s14, $0x7;
	v49 =	vld [tilespmem:s9+$0x5760]  }
0x20c: {  	s14 =	sand.u32 $0x3FFFFF80, s14;
	v50 =	vld [tilespmem:s9+$0x5770]  }
0x20d: {  	v20 =	vld [tilespmem:s14+$0x5400]  }
0x20e: {  	v21 =	vld [tilespmem:s14+$0x5410]  }
0x20f: {  	v22 =	vld [tilespmem:s14+$0x5420]  }
0x210: {  	v23 =	vld [tilespmem:s14+$0x5430]  }
0x211: {  	v24 =	vld [tilespmem:s14+$0x5440]  }
0x212: {  	v25 =	vld [tilespmem:s14+$0x5450]  }
0x213: {  	v26 =	vld [tilespmem:s14+$0x5460]  }
0x214: {  	v27 =	vld [tilespmem:s14+$0x5470]  }
0x215: {  	v35 =	vld [tilespmem:s14+$0x54C0];
	v0 =	vmul.f32 v0, v12  }
0x216: {  	v37 =	vld [tilespmem:s14+$0x54D0];
	v8 =	vmul.f32 v8, v13;
	v9 =	vmul.f32 v52, v14  }
0x217: {  	v38 =	vld [tilespmem:s14+$0x5510];
	v10 =	vmul.f32 v53, v15;
	v11 =	vmul.f32 v54, v16  }
0x218: {  	v60 =	vmul.f32 v61, v18;
	v51 =	vmul.f32 v28, v13;
	v28 =	vld [tilespmem:s14+$0x5480]  }
0x219: {  	v61 =	vmul.f32 v55, v17;
	v54 =	vmul.f32 v32, v17;
	v32 =	vld [tilespmem:s14+$0x5490]  }
0x21a: {  	v62 =	vmul.f32 v62, v19;
	v55 =	vmul.f32 v33, v18;
	v33 =	vld [tilespmem:s14+$0x54A0]  }
0x21b: {  	v63 =	vmul.f32 v63, v12;
	v52 =	vmul.f32 v29, v14;
	v29 =	vld [tilespmem:s14+$0x54B0]  }
0x21c: {  	v56 =	vmul.f32 v56, v12;
	v12 =	vmul.f32 v43, v12;
	v43 =	vld [tilespmem:s14+$0x55E0]  }
0x21d: {  	v58 =	vmul.f32 v58, v14;
	v14 =	vmul.f32 v45, v14;
	v45 =	vld [tilespmem:s14+$0x55F0]  }
0x21e: {  	v53 =	vmul.f32 v31, v16;
	v9 =	vadd.f32 v60, v9;
	v60 =	vmul.f32 v39, v16;
	v39 =	vld [tilespmem:s14+$0x54E0]  }
0x21f: {  	v57 =	vmul.f32 v57, v13;
	v10 =	vadd.f32 v62, v10;
	v62 =	vmul.f32 v41, v18;
	v41 =	vld [tilespmem:s14+$0x54F0]  }
0x220: {  	v8 =	vadd.f32 v61, v8;
	v61 =	vmul.f32 v40, v17;
	v16 =	vmul.f32 v47, v16;
	v40 =	vld [tilespmem:s14+$0x5530]  }
0x221: {  	v13 =	vmul.f32 v44, v13;
	v0 =	vadd.f32 v11, v0;
	v17 =	vmul.f32 v48, v17;
	v47 =	vld [tilespmem:s14+$0x5620]  }
0x222: {  	v18 =	vmul.f32 v49, v18;
	v12 =	vadd.f32 v16, v12;
	v16 =	vld [tilespmem:s14+$0x5540]  }
0x223: {  	v0 =	vadd.f32 v9, v0;
	v13 =	vadd.f32 v17, v13;
	v17 =	vld [tilespmem:s14+$0x5550]  }
0x224: {  	v8 =	vadd.f32 v10, v8;
	v14 =	vadd.f32 v18, v14;
	v18 =	vld [tilespmem:s14+$0x5560]  }
0x225: {  	v34 =	vmul.f32 v34, v19;
	v9 =	vadd.f32 v53, v63;
	v63 =	vmul.f32 v42, v19;
	v42 =	vld [tilespmem:s14+$0x5610]  }
0x226: {  	v59 =	vmul.f32 v59, v15;
	v0 =	vadd.f32 v8, v0;
	v8 =	vmul.f32 v30, v15;
	v30 =	vld [tilespmem:s14+$0x5500]  }
0x227: {  	v37 =	vmul.f32 v37, v25;
	v32 =	vmul.f32 v32, v21;
	v12 =	vadd.f32 v14, v12;
	v14 =	vld [tilespmem:s14+$0x5570]  }
0x228: {  	v11 =	vadd.f32 v55, v52;
	v10 =	vadd.f32 v54, v51;
	v15 =	vmul.f32 v46, v15;
	v46 =	vld [tilespmem:s14+$0x5600]  }
0x229: {  	v31 =	vadd.f32 v61, v57;
	v19 =	vmul.f32 v50, v19;
	v32 =	vadd.f32 v37, v32;
	v37 =	vld [tilespmem:s14+$0x5730]  }
0x22a: {  	v36 =	vadd.f32 v63, v59;
	v8 =	vadd.f32 v34, v8;
	v34 =	vld [tilespmem:s14+$0x5520]  }
0x22b: {  	v29 =	vmul.f32 v29, v23;
	v41 =	vmul.f32 v41, v27;
	v15 =	vadd.f32 v19, v15;
	v19 =	vld [tilespmem:s14+$0x55A0]  }
0x22c: {  	v9 =	vadd.f32 v11, v9;
	v48 =	vadd.f32 v36, v31;
	v36 =	vld [tilespmem:s14+$0x55B0]  }
0x22d: {  	v11 =	vadd.f32 v60, v56;
	v49 =	vperm.xlane v0, v1;
	v31 =	vld [tilespmem:s14+$0x55D0];
	v29 =	vadd.f32 v41, v29  }
0x22e: {  	v16 =	vmul.f32 v16, v24;
	v41 =	vld [tilespmem:s14+$0x56E0];
	v8 =	vadd.f32 v8, v10;
	v10 =	vadd.f32 v62, v58  }
0x22f: {  	v18 =	vmul.f32 v18, v26;
	v13 =	vadd.f32 v15, v13;
	v15 =	vld [tilespmem:s14+$0x5580];
	v0 =	vadd.f32 v0, v49  }
0x230: {  	v17 =	vmul.f32 v17, v25;
	v49 =	vld [tilespmem:s14+$0x5630];
	v10 =	vadd.f32 v10, v11;
	v8 =	vadd.f32 v8, v9  }
0x231: {  	v30 =	vmul.f32 v30, v20;
	v29 =	vadd.f32 v29, v32;
	v32 =	vld [tilespmem:s14+$0x5720];
	v50 =	vadd.f32 v13, v12  }
0x232: {  	v12 =	vld [tilespmem:s14+$0x5590];
	v54 =	vperm.xlane v0, v2;
	v10 =	vadd.f32 v48, v10;
	v51 =	vperm.xlane v8, v1  }
0x233: {  	v13 =	vld [tilespmem:s14+$0x55C0];
	v34 =	vmul.f32 v34, v22;
	v16 =	vadd.f32 v16, v30;
	v53 =	vperm.xlane v50, v1  }
0x234: {  	v30 =	vld [tilespmem:s14+$0x5700];
	v0 =	vadd.f32 v0, v54;
	v52 =	vperm.xlane v10, v1;
	v8 =	vadd.f32 v8, v51  }
0x235: {  	v14 =	vmul.f32 v14, v27;
	v54 =	vld [tilespmem:s14+$0x5670];
	v18 =	vadd.f32 v18, v34;
	v55 =	vadd.f32 v50, v53  }
0x236: {  	v34 =	vld [tilespmem:s14+$0x5710];
	v15 =	vmul.f32 v15, v20;
	v9 =	vadd.f32 v10, v52;
	v56 =	vperm.xlane v8, v2  }
0x237: {  	v59 =	vperm.xlane v0, v3;
	v50 =	vld [tilespmem:s14+$0x5640];
	v58 =	vperm.xlane v55, v2  }
0x238: {  	v51 =	vld [tilespmem:s14+$0x5650];
	v16 =	vadd.f32 v18, v16;
	v57 =	vperm.xlane v9, v2;
	v8 =	vadd.f32 v8, v56  }
0x239: {  	s1 =	sadd.s32 s1, s31;
	v12 =	vmul.f32 v12, v21;
	v13 =	vmul.f32 v13, v24;
	v52 =	vld [tilespmem:s14+$0x5660];
	v10 =	vadd.f32 v55, v58  }
0x23a: {  	s1 =	sshll.u32 s1, $0x7;
	v58 =	vmul.f32 v35, v24;
	v35 =	vld [tilespmem:s14+$0x5690];
	v9 =	vadd.f32 v9, v57;
	v60 =	vperm.xlane v8, v3  }
0x23b: {  	s1 =	sand.u32 $0x3FFFFF80, s1;
	v0 =	vadd.f32 v0, v59;
	v59 =	vmul.f32 v38, v21;
	v38 =	vld [tilespmem:s14+$0x56C0];
	v62 =	vperm.xlane v10, v3  }
0x23c: {  	v13 =	vadd.f32 v13, v15;
	v15 =	vld [tilespmem:s1+$0x5410];
	v61 =	vperm.xlane v9, v3;
	v44 =	vadd.f32 v8, v60  }
0x23d: {  	v56 =	vmul.f32 v42, v21;
	v42 =	vld [tilespmem:s1+$0x5580];
	v8 =	vperm.xlane v0, v4;
	v48 =	vadd.f32 v10, v62  }
0x23e: {  	v60 =	vmul.f32 v40, v23;
	v40 =	vld [tilespmem:s14+$0x56D0];
	v11 =	vadd.f32 v9, v61;
	v63 =	vperm.xlane v44, v4  }
0x23f: {  	v35 =	vmul.f32 v35, v21;
	v21 =	vmul.f32 v34, v21;
	v34 =	vld [tilespmem:s1+$0x5510];
	v8 =	vadd.f32 v0, v8  }
0x240: {  	v57 =	vperm.xlane v48, v4;
	v0 =	vperm.xlane v11, v4;
	v9 =	vadd.f32 v44, v63;
	v44 =	vld [tilespmem:s14+$0x5680]  }
0x241: {  	v17 =	vadd.f32 v17, v59;
	v14 =	vadd.f32 v14, v60;
	v63 =	vmul.f32 v36, v23;
	v36 =	vld [tilespmem:s14+$0x5750]  }
0x242: {  	v43 =	vmul.f32 v43, v26;
	v10 =	vadd.f32 v11, v0;
	v11 =	vadd.f32 v48, v57;
	v48 =	vld [tilespmem:s14+$0x56A0]  }
0x243: {  	v61 =	vmul.f32 v19, v22;
	v14 =	vadd.f32 v14, v17;
	v0 =	vmul.f32 v33, v22;
	v33 =	vld [tilespmem:s14+$0x56B0]  }
0x244: {  	v62 =	vmul.f32 v31, v25;
	v57 =	vld [tilespmem:s14+$0x5770]  }
0x245: {  	v55 =	vmul.f32 v46, v20;
	v53 =	vadd.f32 v43, v61;
	v31 =	vadd.f32 v14, v16;
	v14 =	vld [tilespmem:s1+$0x5400]  }
0x246: {  	v12 =	vadd.f32 v62, v12;
	v62 =	vmul.f32 v50, v24;
	v40 =	vmul.f32 v40, v25;
	v16 =	vld [tilespmem:s1+$0x5420]  }
0x247: {  	v28 =	vmul.f32 v28, v20;
	v45 =	vmul.f32 v45, v27;
	v61 =	vadd.f32 v53, v13;
	v13 =	vld [tilespmem:s1+$0x5440]  }
0x248: {  	v39 =	vmul.f32 v39, v26;
	v17 =	vadd.f32 v62, v55;
	v55 =	vadd.f32 v40, v35;
	v35 =	vld [tilespmem:s1+$0x5560]  }
0x249: {  	v54 =	vmul.f32 v54, v27;
	v28 =	vadd.f32 v58, v28;
	v58 =	vadd.f32 v45, v63;
	v40 =	vld [tilespmem:s1+$0x5570]  }
0x24a: {  	v59 =	vmul.f32 v47, v22;
	v60 =	vmul.f32 v49, v23;
	v0 =	vadd.f32 v39, v0;
	v39 =	vld [tilespmem:s14+$0x5760]  }
0x24b: {  	v63 =	vmul.f32 v52, v26;
	v53 =	vmul.f32 v51, v25;
	v52 =	vadd.f32 v58, v12;
	v12 =	vld [tilespmem:s1+$0x5430]  }
0x24c: {  	v43 =	vadd.f32 v54, v60;
	v44 =	vmul.f32 v44, v20;
	v20 =	vmul.f32 v30, v20;
	v30 =	vld [tilespmem:s1+$0x5490]  }
0x24d: {  	v19 =	vadd.f32 v63, v59;
	v18 =	vadd.f32 v53, v56;
	v25 =	vmul.f32 v36, v25;
	v36 =	vld [tilespmem:s1+$0x54D0]  }
0x24e: {  	v41 =	vmul.f32 v41, v26;
	v60 =	vperm.xlane v31, v1;
	v0 =	vadd.f32 v0, v28;
	v28 =	vld [tilespmem:s14+$0x56F0]  }
0x24f: {  	v38 =	vmul.f32 v38, v24;
	v46 =	vadd.f32 v19, v17;
	v17 =	vld [tilespmem:s1+$0x5450];
	v43 =	vadd.f32 v43, v18  }
0x250: {  	v18 =	vld [tilespmem:s1+$0x5460];
	v45 =	vadd.f32 v52, v61;
	v63 =	vadd.f32 v31, v60;
	v48 =	vmul.f32 v48, v22  }
0x251: {  	v19 =	vld [tilespmem:s1+$0x5470];
	v33 =	vmul.f32 v33, v23;
	v38 =	vadd.f32 v38, v44;
	v22 =	vmul.f32 v32, v22  }
0x252: {  	v31 =	vld [tilespmem:s1+$0x5530];
	v23 =	vmul.f32 v37, v23;
	v21 =	vadd.f32 v25, v21;
	v0 =	vadd.f32 v29, v0  }
0x253: {  	v32 =	vld [tilespmem:s1+$0x54A0];
	v43 =	vadd.f32 v43, v46;
	v61 =	vperm.xlane v45, v1;
	v50 =	vperm.xlane v63, v2  }
0x254: {  	v29 =	vld [tilespmem:s14+$0x5740];
	v56 =	vadd.f32 v41, v48;
	v26 =	vmul.f32 v39, v26;
	v59 =	vperm.xlane v0, v1  }
0x255: {  	v37 =	vld [tilespmem:s1+$0x5520];
	v62 =	vperm.xlane v43, v1;
	v45 =	vadd.f32 v45, v61;
	v30 =	vmul.f32 v30, v15  }
0x256: {  	v46 =	vld [tilespmem:s1+$0x5480];
	v28 =	vmul.f32 v28, v27;
	v27 =	vmul.f32 v57, v27;
	v22 =	vadd.f32 v26, v22  }
0x257: {  	v41 =	vld [tilespmem:s1+$0x5550];
	v57 =	vadd.f32 v56, v38;
	v36 =	vmul.f32 v36, v17;
	v31 =	vmul.f32 v31, v12  }
0x258: {  	v26 =	vld [tilespmem:s1+$0x54E0];
	v35 =	vmul.f32 v35, v18;
	v0 =	vadd.f32 v0, v59;
	v47 =	vadd.f32 v43, v62  }
0x259: {  	v51 =	vperm.xlane v45, v2;
	v24 =	vmul.f32 v29, v24;
	v29 =	vld [tilespmem:s1+$0x54B0];
	v28 =	vadd.f32 v28, v33  }
0x25a: {  	v33 =	vld [tilespmem:s1+$0x54C0];
	v23 =	vadd.f32 v27, v23;
	v30 =	vadd.f32 v36, v30;
	v49 =	vperm.xlane v0, v2  }
0x25b: {  	v27 =	vld [tilespmem:s1+$0x54F0];
	v52 =	vperm.xlane v47, v2;
	v20 =	vadd.f32 v24, v20;
	v58 =	vadd.f32 v28, v55  }
0x25c: {  	v40 =	vmul.f32 v40, v19;
	v36 =	vld [tilespmem:s1+$0x5640];
	v21 =	vadd.f32 v23, v21;
	v23 =	vadd.f32 v45, v51  }
0x25d: {  	v39 =	vld [tilespmem:s1+$0x5590];
	v32 =	vmul.f32 v32, v16;
	v0 =	vadd.f32 v0, v49;
	v54 =	vadd.f32 v47, v52  }
0x25e: {  	v28 =	vld [tilespmem:s1+$0x5500];
	v26 =	vmul.f32 v26, v18;
	v24 =	vadd.f32 v58, v57;
	v58 =	vperm.xlane v23, v3  }
0x25f: {  	v38 =	vld [tilespmem:s1+$0x5540];
	v56 =	vperm.xlane v0, v3;
	v59 =	vperm.xlane v54, v3  }
0x260: {  	v43 =	vld [tilespmem:s1+$0x55B0];
	v20 =	vadd.f32 v22, v20;
	v33 =	vmul.f32 v33, v13;
	v29 =	vmul.f32 v29, v12  }
0x261: {  	v47 =	vld [tilespmem:s1+$0x55F0];
	v27 =	vmul.f32 v27, v19;
	v26 =	vadd.f32 v26, v32;
	v36 =	vmul.f32 v36, v13  }
0x262: {  	v45 =	vld [tilespmem:s1+$0x55C0];
	v20 =	vadd.f32 v21, v20;
	v44 =	vperm.xlane v24, v1;
	v21 =	vadd.f32 v63, v50  }
0x263: {  	v32 =	vld [tilespmem:s1+$0x56A0];
	v23 =	vadd.f32 v23, v58;
	v0 =	vadd.f32 v0, v56;
	v28 =	vmul.f32 v28, v14  }
0x264: {  	v58 =	vld [tilespmem:s1+$0x55E0];
	v27 =	vadd.f32 v27, v29;
	v48 =	vperm.xlane v20, v1;
	v22 =	vadd.f32 v24, v44  }
0x265: {  	v51 =	vld [tilespmem:s1+$0x5600];
	v57 =	vperm.xlane v21, v3;
	v24 =	vadd.f32 v54, v59;
	v56 =	vperm.xlane v23, v4  }
0x266: {  	v29 =	vld [tilespmem:s1+$0x5690];
	v54 =	vmul.f32 v39, v15;
	v47 =	vmul.f32 v47, v19;
	v20 =	vadd.f32 v20, v48  }
0x267: {  	v31 =	vadd.f32 v40, v31;
	v39 =	vld [tilespmem:s1+$0x56B0];
	v62 =	vperm.xlane v0, v4;
	v53 =	vperm.xlane v22, v2  }
0x268: {  	v48 =	vld [tilespmem:s1+$0x55A0];
	v21 =	vadd.f32 v21, v57;
	v57 =	vperm.xlane v24, v4;
	v55 =	vperm.xlane v20, v2  }
0x269: {  	v52 =	vld [tilespmem:s1+$0x5720];
	v32 =	vmul.f32 v32, v16;
	v58 =	vmul.f32 v58, v18;
	v22 =	vadd.f32 v22, v53  }
0x26a: {  	v50 =	vld [tilespmem:s1+$0x55D0];
	v63 =	vperm.xlane v21, v4;
	v53 =	vmul.f32 v42, v14;
	v20 =	vadd.f32 v20, v55  }
0x26b: {  	v27 =	vadd.f32 v27, v30;
	v42 =	vld [tilespmem:s1+$0x56C0];
	v29 =	vmul.f32 v29, v15;
	v60 =	vperm.xlane v22, v3  }
0x26c: {  	v21 =	vadd.f32 v21, v63;
	v63 =	vmul.f32 v41, v17;
	v41 =	vld [tilespmem:s1+$0x5680];
	v61 =	vperm.xlane v20, v3  }
0x26d: {  	v39 =	vmul.f32 v39, v12;
	v55 =	vmul.f32 v48, v16;
	v48 =	vld [tilespmem:s1+$0x56E0];
	v25 =	vadd.f32 v22, v60  }
0x26e: {  	v22 =	vadd.f32 v23, v56;
	v60 =	vmul.f32 v34, v15;
	v34 =	vld [tilespmem:s1+$0x5650];
	v44 =	vadd.f32 v20, v61  }
0x26f: {  	v20 =	vadd.f32 v0, v62;
	v0 =	vperm.xlane v25, v4;
	v61 =	vmul.f32 v37, v16;
	v37 =	vld [tilespmem:s1+$0x5660]  }
0x270: {  	v23 =	vadd.f32 v24, v57;
	v62 =	vmul.f32 v38, v13;
	v38 =	vld [tilespmem:s1+$0x5670];
	v30 =	vadd.f32 v63, v60  }
0x271: {  	v60 =	vadd.f32 v58, v55;
	v58 =	vld [tilespmem:s1+$0x5770];
	v24 =	vadd.f32 v25, v0;
	v0 =	vmul.f32 v46, v14  }
0x272: {  	v56 =	vmul.f32 v43, v12;
	v59 =	vperm.xlane v44, v4;
	v49 =	vadd.f32 v35, v61;
	v61 =	vld [tilespmem:s1+$0x56F0]  }
0x273: {  	v57 =	vmul.f32 v45, v13;
	v41 =	vmul.f32 v41, v14;
	v46 =	vld [tilespmem:s1+$0x5610];
	v0 =	vadd.f32 v33, v0  }
0x274: {  	v63 =	vld [tilespmem:s1+$0x5700];
	v30 =	vadd.f32 v31, v30;
	v34 =	vmul.f32 v34, v17;
	v25 =	vadd.f32 v44, v59  }
0x275: {  	v44 =	vld [tilespmem:s1+$0x5620];
	v59 =	vmul.f32 v50, v17;
	v0 =	vadd.f32 v26, v0;
	v26 =	vadd.f32 v62, v28  }
0x276: {  	v33 =	vld [tilespmem:s1+$0x5630];
	v37 =	vmul.f32 v37, v18;
	v38 =	vmul.f32 v38, v19;
	v62 =	vadd.f32 v47, v56  }
0x277: {  	v50 =	vld [tilespmem:s1+$0x5710];
	v31 =	vmul.f32 v61, v19;
	v19 =	vmul.f32 v58, v19;
	v26 =	vadd.f32 v49, v26  }
0x278: {  	v45 =	vld [tilespmem:s1+$0x56D0];
	v0 =	vadd.f32 v27, v0;
	v49 =	vmul.f32 v51, v14;
	v51 =	vmul.f32 v46, v15  }
0x279: {  	v55 =	vld [tilespmem:s1+$0x5750];
	v27 =	vadd.f32 v57, v53;
	v14 =	vmul.f32 v63, v14;
	v57 =	vmul.f32 v42, v13  }
0x27a: {  	v56 =	vld [tilespmem:s1+$0x5760];
	v44 =	vmul.f32 v44, v16;
	v31 =	vadd.f32 v31, v39;
	v26 =	vadd.f32 v30, v26  }
0x27b: {  	v53 =	vld [tilespmem:s1+$0x5730];
	v33 =	vmul.f32 v33, v12;
	v30 =	vadd.f32 v59, v54;
	v27 =	vadd.f32 v60, v27  }
0x27c: {  	v15 =	vmul.f32 v50, v15;
	v28 =	vadd.f32 v36, v49;
	v34 =	vadd.f32 v34, v51;
	v54 =	vld [tilespmem:s1+$0x5740]  }
0x27d: {  	v59 =	vmul.f32 v45, v17;
	v60 =	vmul.f32 v48, v18;
	v37 =	vadd.f32 v37, v44  }
0x27e: {  	v17 =	vmul.f32 v55, v17;
	v33 =	vadd.f32 v38, v33;
	v30 =	vadd.f32 v62, v30  }
0x27f: {  	v16 =	vmul.f32 v52, v16;
	v29 =	vadd.f32 v59, v29;
	v32 =	vadd.f32 v60, v32  }
0x280: {  	v18 =	vmul.f32 v56, v18;
	v61 =	vadd.f32 v17, v15;
	v28 =	vadd.f32 v37, v28  }
0x281: {  	v33 =	vadd.f32 v33, v34;
	v12 =	vmul.f32 v53, v12;
	v13 =	vmul.f32 v54, v13  }
0x282: {  	v37 =	vadd.f32 v57, v41;
	v62 =	vadd.f32 v18, v16  }
0x283: {  	v12 =	vadd.f32 v19, v12;
	v13 =	vadd.f32 v13, v14  }
0x284: {  	v29 =	vadd.f32 v31, v29;
	v63 =	vadd.f32 v32, v37  }
0x285: {  	v8 =	vsel vm0, v8, v9;
	v12 =	vadd.f32 v12, v61;
	v13 =	vadd.f32 v62, v13  }
0x286: {  	v35 =	vperm.xlane v26, v1;
	v32 =	vadd.f32 v30, v27;
	v34 =	vadd.f32 v33, v28  }
0x287: {  	v31 =	vperm.xlane v0, v1;
	v16 =	vadd.f32 v29, v63;
	v12 =	vadd.f32 v12, v13  }
0x288: {  	v38 =	vadd.f32 v26, v35;
	v36 =	vperm.xlane v32, v1;
	v37 =	vperm.xlane v34, v1  }
0x289: {  	v0 =	vadd.f32 v0, v31;
	v39 =	vperm.xlane v16, v1;
	v40 =	vperm.xlane v12, v1  }
0x28a: {  	v42 =	vperm.xlane v38, v2;
	v14 =	vadd.f32 v34, v37;
	v13 =	vadd.f32 v32, v36  }
0x28b: {  	v41 =	vperm.xlane v0, v2;
	v16 =	vadd.f32 v16, v39;
	v12 =	vadd.f32 v12, v40  }
0x28c: {  	v15 =	vadd.f32 v38, v42;
	v44 =	vperm.xlane v14, v2;
	v43 =	vperm.xlane v13, v2  }
0x28d: {  	v0 =	vadd.f32 v0, v41;
	v45 =	vperm.xlane v16, v2;
	v26 =	vperm.xlane v12, v2  }
0x28e: {  	v46 =	vperm.xlane v15, v3;
	v14 =	vadd.f32 v14, v44;
	v13 =	vadd.f32 v13, v43  }
0x28f: {  	v27 =	vperm.xlane v0, v3;
	v16 =	vadd.f32 v16, v45;
	v12 =	vadd.f32 v12, v26  }
0x290: {  	v15 =	vadd.f32 v15, v46;
	v19 =	vperm.xlane v14, v3;
	v47 =	vperm.xlane v13, v3  }
0x291: {  	v0 =	vadd.f32 v0, v27;
	v48 =	vperm.xlane v16, v3;
	v26 =	vperm.xlane v12, v3  }
0x292: {  	v49 =	vperm.xlane v15, v4;
	v14 =	vadd.f32 v14, v19;
	v13 =	vadd.f32 v13, v47  }
0x293: {  	v27 =	vperm.xlane v0, v4;
	v16 =	vadd.f32 v16, v48;
	v12 =	vadd.f32 v12, v26  }
0x294: {  	v15 =	vadd.f32 v15, v49;
	v19 =	vperm.xlane v14, v4;
	v50 =	vperm.xlane v13, v4  }
0x295: {  	v0 =	vadd.f32 v0, v27;
	v51 =	vperm.xlane v16, v4;
	v26 =	vperm.xlane v12, v4  }
0x296: {  	v52 =	vsel vm1, v10, v11;
	v14 =	vadd.f32 v14, v19;
	v13 =	vadd.f32 v13, v50  }
0x297: {  	v55 =	vsel vm4, v24, v25;
	v16 =	vadd.f32 v16, v51;
	v12 =	vadd.f32 v12, v26  }
0x298: {  	v8 =	vsel vm8, v8, v52;
	v53 =	vsel vm2, v20, v21;
	v54 =	vsel vm3, v22, v23  }
0x299: {  	v0 =	vsel vm5, v0, v15;
	v13 =	vsel vm6, v13, v14;
	v12 =	vsel vm7, v16, v12  }
0x29a: {  	v56 =	vsel vm9, v53, v54;
	v0 =	vsel vm10, v55, v0;
	v57 =	vsel vm11, v13, v12  }
0x29b: {  	v8 =	vsel vm12, v8, v56;
	v0 =	vsel vm13, v0, v57  }
0x29c: {  	v0 =	vsel vm14, v8, v0  }
0x29d: {  	v8 =	vand.u32 $0x7FFFFFFF, v0  }
0x29e: {  	v8 =	vsub.f32 $0.0e+00, v8;
	_ =	sdelay $0x1  }
0x29f: {  	v8 =	vmul.f32 $1.442695020e+00, v8;
	_ =	sdelay $0x1  }
0x2a0: {  	(erf) = vpow2.f32 v8;
	_ =	sdelay $0x8  }
0x2a1: {  	v8 =	vpop (erf)  }
0x2a2: {  	v58 =	vmul.f32 $8.466410450e-03, v8  }
0x2a3: {  	v59 =	vmul.f32 v8, v8  }
0x2a4: {  	v60 =	vmul.f32 $2.445338960e-01, v8;
	v61 =	vmul.f32 $1.067993120e-01, v8;
	v9 =	vsub.f32 $4.365928840e-02, v58  }
0x2a5: {  	v62 =	vmul.f32 $4.999635520e-01, v8  }
0x2a6: {  	v11 =	vsub.f32 $3.326525690e-01, v60;
	v12 =	vsub.f32 $1.765986530e-01, v61;
	v9 =	vmul.f32 v9, v59  }
0x2a7: {  	v63 =	vmul.f32 v59, v59  }
0x2a8: {  	v13 =	vsub.f32 $9.999995230e-01, v62;
	v10 =	vmul.f32 v11, v59;
	v9 =	vadd.f32 v9, v12;
	_ =	sdelay $0x1  }
0x2a9: {  	v10 =	vadd.f32 v10, v13;
	v9 =	vmul.f32 v9, v63;
	_ =	sdelay $0x1  }
0x2aa: {  	v9 =	vadd.f32 v9, v10  }
0x2ab: {  	v0 =	vmul.f32 v0, v5  }
0x2ac: {  	v8 =	vmul.f32 v9, v8  }
0x2ad: {  	v0 =	vmax.f32 v0, $0.0e+00  }
0x2ae: {  	v0 =	vadd.f32 v8, v0  }
0x2af: {  	p0 =	sne.s32 s2, $0x3  }
.Ltmp3:
0x2b0: {  	v0 =	vmul.f32 v0, v6;
	(pc) =	sbr.rel @p0 .LBB2_7-.Ltmp3, $3  }
0x2b1: {  	_ = 	snop  }
0x2b2: {  	v0 =	vadd.f32 v0, v7;
	_ =	sdelay $0x1  }
0x2b3: {  	s2 =	sadd.s32 $0x1, s2;
	[tilespmem:$0x1A400] =	vst v0  }
0x2b4: {  	s22 =	sadd.s32 $0x1, s22  }
0x2b5: {  	p0 =	sne.s32 s22, $0x60  }
.Ltmp4:
0x2b6: {  	_ = 	snop;
	(pc) =	sbr.rel @p0 .LBB2_2-.Ltmp4, $1  }
0x2b7: {  	_ =	sdelay $0x3  }
0x2b8: {  	s21 =	sadd.s32 $0x1, s21  }
0x2b9: {  	p0 =	sne.s32 s21, s7  }
.Ltmp5:
0x2ba: {  	_ = 	snop;
	(pc) =	sbr.rel @p0 .LBB2_1-.Ltmp5, $4  }
0x2bb: {  	[hbm4b:s6+s3] =	stream.linear.scatter [tilespmem:s20], [sflag:$0x4], $0x400, $0x38;
	[tilespmem:$0x1A800] =	vst v63  }
0x2bc: {  	_ =	swait.ge [sflag:s8], $0x400  }
0x2bd: {  	[sflag:s8] =	ssyncset.done $0x0  }
0x2be: {  	[sflag:s8] =	ssyncadd.s32 $0xFFFFFC00  }
0x2bf: {  	_ =	sfence.sel $0x180000  }
0x2c0: {  	[bflag:$0x0] =	sbarrier.arrive $0xFFFF  }
0x2c1: {  	_ =	strace $0x90000047  }
0x2c2: {  	s0 =	stileid.u32;
	[bflag:$0x2] =	sbarrier.arrive $0xFFFF  }
0x2c3: {  	p0 =	sne.s32 s0, $0x0;
	s0 =	rddreg [dreg:$0x2]  }
0x2c4: {  	s0 =	sadd.s32 @!p0 $0x100000, s0  }
0x2c5: {  	[sflag:s0] =	ssyncadd.tile.s32 @!p0 $0x1;
	_ =	shalt  }
.Lfunc_end2:
_tile_overlayer_lowered:
.L_overlay_start_2:
0x2c6: {  	(tag) =	ssettag $0x2  }
0x2c7: {  	s0 =	rddreg [dreg:$0x0];
	s2 =	stileid.u32  }
0x2c8: {  	s1 =	rddreg [dreg:$0x1];
	p0 =	sne.s32 s2, $0x0  }
0x2c9: {  	s3 =	rddreg [dreg:$0x2];
	[bflag:$0x3] =	sbarrier.arrive $0xFFFF;
	s2 =	simm.s32 @!p0 $0x1C04  }
0x2ca: {  	[timem:s3], [sflag:s2] =	dma.local @!p0 [hbm:s0], s1  }
0x2cb: {  	s0 =	simm.s32 @!p0 $0x4  }
0x2cc: {  	_ =	swait.ge @!p0 [sflag:s0], s1  }
0x2cd: {  	s1 =	ssub.s32 @!p0 $0x0, s1;
	[sflag:s0] =	ssyncset.done @!p0 $0x0  }
0x2ce: {  	[sflag:s0] =	ssyncadd.s32 @!p0 s1  }
0x2cf: {  	[bflag:$0x3] =	sbarrier.arrive $0xFFFF  }
0x2d0: {  	_ =	shalt  }

</sc_bundles>
